<compile_context>
chip_gen: v7x
topology: tpu7x:2x2x1
jax: 0.10.2.dev20260603
libtpu: 0.0.44.dev20260713+nightly
codegen_flags: <defaults>
</compile_context>

<pallas_src>
import functools

import jax
import jax.numpy as jnp
from jax import lax
from jax.experimental import pallas as pl
from jax.experimental.pallas import tpu as pltpu
from jax.experimental.pallas import tpu_sc as plsc

_LANES = 16
_NB = 8


@functools.cache
def _build(B, D, n_rows):
    info = plsc.get_sparse_core_info()
    NC, NS = info.num_cores, info.num_subcores
    NW = NC * NS
    assert B % (NW * _NB) == 0 and D % _LANES == 0
    b_per_w = B // NW
    n_groups = b_per_w // _NB
    n_full_tc = n_rows // 128
    tail_start = n_full_tc * 128
    tail_n = n_rows - tail_start
    max_tc = n_full_tc - 1

    mesh = plsc.VectorSubcoreMesh(core_axis_name="c", subcore_axis_name="s")

    @functools.partial(
        pl.kernel,
        mesh=mesh,
        compiler_params=pltpu.CompilerParams(use_tc_tiling_on_sc=True,
                                             needs_layout_passes=False),
        out_type=jax.ShapeDtypeStruct((D, B), jnp.float32),
        scratch_types=[
            pltpu.VMEM((b_per_w,), jnp.int32),
            pltpu.VMEM((b_per_w,), jnp.int32),
            pltpu.VMEM((_NB, D, 128), jnp.float32),
            pltpu.VMEM((_NB, D, 128), jnp.float32),
            pltpu.VMEM((max(tail_n, 1), 128), jnp.float32),
            pltpu.VMEM((max(tail_n, 1), 128), jnp.float32),
            pltpu.VMEM((D, b_per_w), jnp.float32),
            pltpu.SemaphoreType.DMA((_NB,)),
            pltpu.SemaphoreType.DMA((_NB,)),
            pltpu.SemaphoreType.DMA,
        ],
    )
    def gmf(uid_hbm, iid_hbm, utt_hbm, itt_hbm, utail_hbm, itail_hbm, out_hbm,
            uids_v, iids_v, ublk, iblk, utailv, itailv, prod,
            usem, isem, sem):
        wid = lax.axis_index("s") * NC + lax.axis_index("c")
        base = wid * b_per_w
        pltpu.sync_copy(uid_hbm.at[pl.ds(base, b_per_w)], uids_v)
        pltpu.sync_copy(iid_hbm.at[pl.ds(base, b_per_w)], iids_v)
        if tail_n:
            pltpu.sync_copy(utail_hbm, utailv)
            pltpu.sync_copy(itail_hbm, itailv)

        iota = jax.lax.broadcasted_iota(jnp.int32, (_LANES,), 0)

        def extract(ids_v, k):
            vec = ids_v[pl.ds((k >> 4) * _LANES, _LANES)]
            return jnp.max(jnp.where(iota == (k & 15), vec, 0))

        def fire(slot, r, ri):
            tcu = jnp.minimum(r >> 7, max_tc)
            tci = jnp.minimum(ri >> 7, max_tc)
            pltpu.async_copy(utt_hbm.at[:, pl.ds(tcu * 128, 128)],
                             ublk.at[slot], usem.at[slot])
            pltpu.async_copy(itt_hbm.at[:, pl.ds(tci * 128, 128)],
                             iblk.at[slot], isem.at[slot])

        def drain(slot):
            pltpu.make_async_copy(utt_hbm.at[:, pl.ds(0, 128)],
                                  ublk.at[slot], usem.at[slot]).wait()
            pltpu.make_async_copy(utt_hbm.at[:, pl.ds(0, 128)],
                                  iblk.at[slot], isem.at[slot]).wait()

        def take(blk, slot, tailv, r):
            col = jnp.full((_LANES,), r & 127, jnp.int32)
            lo = plsc.load_gather(blk.at[slot], [iota, col])
            hi = plsc.load_gather(blk.at[slot], [iota + _LANES, col])
            if tail_n:
                rt = jnp.full((_LANES,), jnp.maximum(r - tail_start, 0),
                              jnp.int32)
                is_tail = r >= tail_start
                t_lo = plsc.load_gather(tailv, [rt, iota])
                t_hi = plsc.load_gather(tailv, [rt, iota + _LANES])
                lo = jnp.where(is_tail, t_lo, lo)
                hi = jnp.where(is_tail, t_hi, hi)
            return lo, hi

        carry0 = []
        for j in range(_NB):
            r = extract(uids_v, j)
            ri = extract(iids_v, j)
            fire(j, r, ri)
            carry0 += [r, ri]

        def group(g, carry):
            new = []
            for j in range(_NB):
                k = g * _NB + j
                r, ri = carry[2 * j], carry[2 * j + 1]
                drain(j)
                u_lo, u_hi = take(ublk, j, utailv, r)
                v_lo, v_hi = take(iblk, j, itailv, ri)
                colk = jnp.full((_LANES,), k, jnp.int32)
                plsc.store_scatter(prod, [iota, colk], u_lo * v_lo)
                plsc.store_scatter(prod, [iota + _LANES, colk], u_hi * v_hi)
                kn = jnp.minimum(k + _NB, b_per_w - 1)
                rn = extract(uids_v, kn)
                rin = extract(iids_v, kn)
                fire(j, rn, rin)
                new += [rn, rin]
            return tuple(new)

        lax.fori_loop(0, n_groups, group, tuple(carry0))
        for j in range(_NB):
            drain(j)

        pltpu.sync_copy(prod, out_hbm.at[:, pl.ds(base, b_per_w)])

    return gmf


def kernel(user_ids, item_ids, user_table, item_table):
    B, = user_ids.shape
    n_rows, D = user_table.shape
    tail_start = (n_rows // 128) * 128
    pad = ((0, 0), (0, 128 - D))
    gmf = _build(B, D, n_rows)
    out_t = gmf(user_ids.astype(jnp.int32), item_ids.astype(jnp.int32),
                user_table.T, item_table.T,
                jnp.pad(user_table[tail_start:], pad),
                jnp.pad(item_table[tail_start:], pad))
    return out_t.T

# --- scband reference (transcript-rebuilt; emitter-appended) ---
"""Pipeline reference for scband-gmf-30554397344468 (READ-ONLY COPY).

The authoritative reference and input builder live on the scoring server;
editing this copy changes nothing except your own understanding.
"""

import jax, jax.numpy as jnp
import numpy as np

NUM_USERS = 1000000
NUM_ITEMS = 1000000
EMB_DIM = 32
BATCH = 16384

def _xavier_uniform(key, shape):
    fan_in, fan_out = shape[1], shape[0]
    # match torch xavier_uniform_ on Embedding weight [num_embeddings, emb_dim]
    limit = float(np.sqrt(6.0 / (shape[0] + shape[1])))
    return jax.random.uniform(key, shape, dtype=jnp.float32, minval=-limit, maxval=limit)

def setup_inputs(seed: int = 0) -> dict:
    key = jax.random.key(seed)
    k1, k2, k3, k4 = jax.random.split(key, 4)
    user_ids = jax.random.randint(k1, (BATCH,), 0, NUM_USERS, dtype=jnp.int64 if jax.config.jax_enable_x64 else jnp.int32)
    item_ids = jax.random.randint(k2, (BATCH,), 0, NUM_ITEMS, dtype=jnp.int64 if jax.config.jax_enable_x64 else jnp.int32)
    user_table = _xavier_uniform(k3, (NUM_USERS, EMB_DIM))
    item_table = _xavier_uniform(k4, (NUM_ITEMS, EMB_DIM))
    return {"user_ids": user_ids, "item_ids": item_ids, "user_table": user_table, "item_table": item_table}

def reference(user_ids, item_ids, user_table, item_table):
    u_emb = jnp.take(user_table, user_ids, axis=0)
    i_emb = jnp.take(item_table, item_ids, axis=0)
    return u_emb * i_emb

if __name__ == "__main__":
    import jax
    _d = setup_inputs()
    print(jax.jit(kernel)(*tuple(_d.values())))

</pallas_src>

<mosaic_0001>
#map = affine_map<(d0, d1) -> (0)>
#map1 = affine_map<(d0, d1) -> (0, 0)>
module attributes {stable_mosaic.version = 14 : i64} {
  func.func @gmf(%arg0: i32, %arg1: i32, %arg2: memref<16384xi32, #tpu.memory_space<hbm>>, %arg3: memref<16384xi32, #tpu.memory_space<hbm>>, %arg4: memref<32x1000000xf32, #tpu.memory_space<hbm>>, %arg5: memref<32x1000000xf32, #tpu.memory_space<hbm>>, %arg6: memref<64x128xf32, #tpu.memory_space<hbm>>, %arg7: memref<64x128xf32, #tpu.memory_space<hbm>>, %arg8: memref<32x16384xf32, #tpu.memory_space<hbm>>, %arg9: memref<512xi32, #tpu.memory_space<vmem>>, %arg10: memref<512xi32, #tpu.memory_space<vmem>>, %arg11: memref<8x32x128xf32, #tpu.memory_space<vmem>>, %arg12: memref<8x32x128xf32, #tpu.memory_space<vmem>>, %arg13: memref<64x128xf32, #tpu.memory_space<vmem>>, %arg14: memref<64x128xf32, #tpu.memory_space<vmem>>, %arg15: memref<32x512xf32, #tpu.memory_space<vmem>>, %arg16: memref<8x!tpu.dma_semaphore, #tpu.memory_space<semaphore_mem>>, %arg17: memref<8x!tpu.dma_semaphore, #tpu.memory_space<semaphore_mem>>, %arg18: memref<!tpu.dma_semaphore, #tpu.memory_space<semaphore_mem>>) attributes {dimension_semantics = [#tpu.dimension_semantics<core_parallel>, #tpu.dimension_semantics<subcore_parallel>], iteration_bounds = array<i64: 2, 16>, scalar_prefetch = 0 : i64, scratch_operands = 10 : i64, tpu.core_type = #tpu.core_type<sc_vector_subcore>, window_params = [{transform_indices = #map}, {transform_indices = #map}, {transform_indices = #map1}, {transform_indices = #map1}, {transform_indices = #map1}, {transform_indices = #map1}, {transform_indices = #map1}]} {
    %mul3A = arith.constant 2 : i32
    %mul3A_0 = arith.muli %arg1, %mul3A : i32
    %add3A = arith.addi %mul3A_0, %arg0 : i32
    %mul3A_1 = arith.constant 512 : i32
    %mul3A_2 = arith.muli %add3A, %mul3A_1 : i32
    "tpu.region"() ({
      %run_scoped3A = tpu.sem_alloc : memref<!tpu.dma_semaphore, #tpu.memory_space<semaphore_mem>>
      %dma_start3A_894 = tpu.memref_slice %arg2[%mul3A_2] : memref<16384xi32, #tpu.memory_space<hbm>> -> memref<512xi32, #tpu.memory_space<hbm>>
      %dma_start3A_895 = tpu.memref_slice %arg2[%mul3A_2] : memref<16384xi32, #tpu.memory_space<hbm>> -> memref<512xi32, #tpu.memory_space<hbm>>
      tpu.enqueue_dma source(%dma_start3A_895 : memref<512xi32, #tpu.memory_space<hbm>>) target(%arg9 : memref<512xi32, #tpu.memory_space<vmem>>) target_semaphore(%run_scoped3A : memref<!tpu.dma_semaphore, #tpu.memory_space<semaphore_mem>>)
      %dma_wait3A_896 = tpu.memref_slice %arg2[%mul3A_2] : memref<16384xi32, #tpu.memory_space<hbm>> -> memref<512xi32, #tpu.memory_space<hbm>>
      %dma_wait3A_897 = tpu.memref_slice %arg2[%mul3A_2] : memref<16384xi32, #tpu.memory_space<hbm>> -> memref<512xi32, #tpu.memory_space<hbm>>
      tpu.wait_dma2 semaphore(%run_scoped3A : memref<!tpu.dma_semaphore, #tpu.memory_space<semaphore_mem>>) src(%dma_wait3A_897 : memref<512xi32, #tpu.memory_space<hbm>>) dst(%arg9 : memref<512xi32, #tpu.memory_space<vmem>>)
      tpu.yield
    }) : () -> ()
    "tpu.region"() ({
      %run_scoped3A = tpu.sem_alloc : memref<!tpu.dma_semaphore, #tpu.memory_space<semaphore_mem>>
      %dma_start3A_894 = tpu.memref_slice %arg3[%mul3A_2] : memref<16384xi32, #tpu.memory_space<hbm>> -> memref<512xi32, #tpu.memory_space<hbm>>
      %dma_start3A_895 = tpu.memref_slice %arg3[%mul3A_2] : memref<16384xi32, #tpu.memory_space<hbm>> -> memref<512xi32, #tpu.memory_space<hbm>>
      tpu.enqueue_dma source(%dma_start3A_895 : memref<512xi32, #tpu.memory_space<hbm>>) target(%arg10 : memref<512xi32, #tpu.memory_space<vmem>>) target_semaphore(%run_scoped3A : memref<!tpu.dma_semaphore, #tpu.memory_space<semaphore_mem>>)
      %dma_wait3A_896 = tpu.memref_slice %arg3[%mul3A_2] : memref<16384xi32, #tpu.memory_space<hbm>> -> memref<512xi32, #tpu.memory_space<hbm>>
      %dma_wait3A_897 = tpu.memref_slice %arg3[%mul3A_2] : memref<16384xi32, #tpu.memory_space<hbm>> -> memref<512xi32, #tpu.memory_space<hbm>>
      tpu.wait_dma2 semaphore(%run_scoped3A : memref<!tpu.dma_semaphore, #tpu.memory_space<semaphore_mem>>) src(%dma_wait3A_897 : memref<512xi32, #tpu.memory_space<hbm>>) dst(%arg10 : memref<512xi32, #tpu.memory_space<vmem>>)
      tpu.yield
    }) : () -> ()
    "tpu.region"() ({
      %run_scoped3A = tpu.sem_alloc : memref<!tpu.dma_semaphore, #tpu.memory_space<semaphore_mem>>
      tpu.enqueue_dma source(%arg6 : memref<64x128xf32, #tpu.memory_space<hbm>>) target(%arg13 : memref<64x128xf32, #tpu.memory_space<vmem>>) target_semaphore(%run_scoped3A : memref<!tpu.dma_semaphore, #tpu.memory_space<semaphore_mem>>)
      tpu.wait_dma2 semaphore(%run_scoped3A : memref<!tpu.dma_semaphore, #tpu.memory_space<semaphore_mem>>) src(%arg6 : memref<64x128xf32, #tpu.memory_space<hbm>>) dst(%arg13 : memref<64x128xf32, #tpu.memory_space<vmem>>)
      tpu.yield
    }) : () -> ()
    "tpu.region"() ({
      %run_scoped3A = tpu.sem_alloc : memref<!tpu.dma_semaphore, #tpu.memory_space<semaphore_mem>>
      tpu.enqueue_dma source(%arg7 : memref<64x128xf32, #tpu.memory_space<hbm>>) target(%arg14 : memref<64x128xf32, #tpu.memory_space<vmem>>) target_semaphore(%run_scoped3A : memref<!tpu.dma_semaphore, #tpu.memory_space<semaphore_mem>>)
      tpu.wait_dma2 semaphore(%run_scoped3A : memref<!tpu.dma_semaphore, #tpu.memory_space<semaphore_mem>>) src(%arg7 : memref<64x128xf32, #tpu.memory_space<hbm>>) dst(%arg14 : memref<64x128xf32, #tpu.memory_space<vmem>>)
      tpu.yield
    }) : () -> ()
    %iota3A = tpu.iota {dimensions = array<i32: 0>} : vector<16xi32>
    %get3A = arith.constant 0 : index
    %get3A_3 = tpu.vector_load %arg9[%get3A] {strides = array<i32>} : memref<512xi32, #tpu.memory_space<vmem>>, vector<16xi32>,
    %eq3A = arith.constant 0 : i32
    %eq3A_4 = vector.broadcast %eq3A : i32 to vector<16xi32>
    %eq3A_5 = arith.cmpi eq, %iota3A, %eq3A_4 : vector<16xi32>
    %jit3A = arith.constant 0 : i32
    %broadcast_in_dim3A = vector.broadcast %jit3A : i32 to vector<16xi32>
    %select_n3A = arith.select %eq3A_5, %get3A_3, %broadcast_in_dim3A : vector<16xi1>, vector<16xi32>
    %reduce_max3A = arith.constant true
    %reduce_max3A_6 = vector.broadcast %reduce_max3A : i1 to vector<16xi1>
    %reduce_max3A_7 = arith.constant -2147483648 : i32
    %reduce_max3A_8 = vector.broadcast %reduce_max3A_7 : i32 to vector<16xi32>
    %reduce_max3A_9 = arith.xori %select_n3A, %reduce_max3A_8 : vector<16xi32>
    %reduce_max3A_10 = tpu.scan <max>, %reduce_max3A_9 masked %reduce_max3A_6 : vector<16xi32>, vector<16xi1> -> vector<16xi32>
    %reduce_max3A_11 = arith.xori %reduce_max3A_10, %reduce_max3A_8 : vector<16xi32>
    %reduce_max3A_12 = vector.extract %reduce_max3A_11[15] : i32 from vector<16xi32>
    %get3A_13 = arith.constant 0 : index
    %get3A_14 = tpu.vector_load %arg10[%get3A_13] {strides = array<i32>} : memref<512xi32, #tpu.memory_space<vmem>>, vector<16xi32>,
    %eq3A_15 = arith.constant 0 : i32
    %eq3A_16 = vector.broadcast %eq3A_15 : i32 to vector<16xi32>
    %eq3A_17 = arith.cmpi eq, %iota3A, %eq3A_16 : vector<16xi32>
    %jit3A_18 = arith.constant 0 : i32
    %broadcast_in_dim3A_19 = vector.broadcast %jit3A_18 : i32 to vector<16xi32>
    %select_n3A_20 = arith.select %eq3A_17, %get3A_14, %broadcast_in_dim3A_19 : vector<16xi1>, vector<16xi32>
    %reduce_max3A_21 = arith.constant true
    %reduce_max3A_22 = vector.broadcast %reduce_max3A_21 : i1 to vector<16xi1>
    %reduce_max3A_23 = arith.constant -2147483648 : i32
    %reduce_max3A_24 = vector.broadcast %reduce_max3A_23 : i32 to vector<16xi32>
    %reduce_max3A_25 = arith.xori %select_n3A_20, %reduce_max3A_24 : vector<16xi32>
    %reduce_max3A_26 = tpu.scan <max>, %reduce_max3A_25 masked %reduce_max3A_22 : vector<16xi32>, vector<16xi1> -> vector<16xi32>
    %reduce_max3A_27 = arith.xori %reduce_max3A_26, %reduce_max3A_24 : vector<16xi32>
    %reduce_max3A_28 = vector.extract %reduce_max3A_27[15] : i32 from vector<16xi32>
    %shift_right_arithmetic3A = arith.constant 7 : i32
    %shift_right_arithmetic3A_29 = arith.shrsi %reduce_max3A_12, %shift_right_arithmetic3A : i32
    %min3A = arith.constant 7811 : i32
    %min3A_30 = arith.minsi %shift_right_arithmetic3A_29, %min3A : i32
    %shift_right_arithmetic3A_31 = arith.constant 7 : i32
    %shift_right_arithmetic3A_32 = arith.shrsi %reduce_max3A_28, %shift_right_arithmetic3A_31 : i32
    %min3A_33 = arith.constant 7811 : i32
    %min3A_34 = arith.minsi %shift_right_arithmetic3A_32, %min3A_33 : i32
    %mul3A_35 = arith.constant 128 : i32
    %mul3A_36 = arith.muli %min3A_30, %mul3A_35 : i32
    %dma_start3A = arith.constant 0 : i32
    %dma_start3A_37 = arith.constant 0 : i32
    %dma_start3A_38 = arith.constant 0 : i32
    %dma_start3A_39 = arith.constant 0 : i32
    %dma_start3A_40 = tpu.memref_slice %arg11[%dma_start3A, %dma_start3A_38, %dma_start3A_39] : memref<8x32x128xf32, #tpu.memory_space<vmem>> -> memref<1x32x128xf32, #tpu.memory_space<vmem>>
    %dma_start3A_41 = tpu.memref_squeeze %dma_start3A_40 : memref<1x32x128xf32, #tpu.memory_space<vmem>> -> memref<32x128xf32, #tpu.memory_space<vmem>>
    %dma_start3A_42 = arith.constant 0 : i32
    %dma_start3A_43 = tpu.memref_slice %arg4[%dma_start3A_42, %mul3A_36] : memref<32x1000000xf32, #tpu.memory_space<hbm>> -> memref<32x128xf32, #tpu.memory_space<hbm>>
    %dma_start3A_44 = tpu.memref_slice %arg16[%dma_start3A_37] : memref<8x!tpu.dma_semaphore, #tpu.memory_space<semaphore_mem>> -> memref<1x!tpu.dma_semaphore, #tpu.memory_space<semaphore_mem>>
    %dma_start3A_45 = tpu.memref_squeeze %dma_start3A_44 : memref<1x!tpu.dma_semaphore, #tpu.memory_space<semaphore_mem>> -> memref<!tpu.dma_semaphore, #tpu.memory_space<semaphore_mem>>
    %dma_start3A_46 = arith.constant 0 : i32
    %dma_start3A_47 = arith.constant 0 : i32
    %dma_start3A_48 = tpu.memref_slice %arg11[%dma_start3A, %dma_start3A_46, %dma_start3A_47] : memref<8x32x128xf32, #tpu.memory_space<vmem>> -> memref<1x32x128xf32, #tpu.memory_space<vmem>>
    %dma_start3A_49 = tpu.memref_squeeze %dma_start3A_48 : memref<1x32x128xf32, #tpu.memory_space<vmem>> -> memref<32x128xf32, #tpu.memory_space<vmem>>
    %dma_start3A_50 = arith.constant 0 : i32
    %dma_start3A_51 = tpu.memref_slice %arg4[%dma_start3A_50, %mul3A_36] : memref<32x1000000xf32, #tpu.memory_space<hbm>> -> memref<32x128xf32, #tpu.memory_space<hbm>>
    tpu.enqueue_dma source(%dma_start3A_51 : memref<32x128xf32, #tpu.memory_space<hbm>>) target(%dma_start3A_49 : memref<32x128xf32, #tpu.memory_space<vmem>>) target_semaphore(%dma_start3A_45 : memref<!tpu.dma_semaphore, #tpu.memory_space<semaphore_mem>>)
    %mul3A_52 = arith.constant 128 : i32
    %mul3A_53 = arith.muli %min3A_34, %mul3A_52 : i32
    %dma_start3A_54 = arith.constant 0 : i32
    %dma_start3A_55 = arith.constant 0 : i32
    %dma_start3A_56 = arith.constant 0 : i32
    %dma_start3A_57 = arith.constant 0 : i32
    %dma_start3A_58 = tpu.memref_slice %arg12[%dma_start3A_54, %dma_start3A_56, %dma_start3A_57] : memref<8x32x128xf32, #tpu.memory_space<vmem>> -> memref<1x32x128xf32, #tpu.memory_space<vmem>>
    %dma_start3A_59 = tpu.memref_squeeze %dma_start3A_58 : memref<1x32x128xf32, #tpu.memory_space<vmem>> -> memref<32x128xf32, #tpu.memory_space<vmem>>
    %dma_start3A_60 = arith.constant 0 : i32
    %dma_start3A_61 = tpu.memref_slice %arg5[%dma_start3A_60, %mul3A_53] : memref<32x1000000xf32, #tpu.memory_space<hbm>> -> memref<32x128xf32, #tpu.memory_space<hbm>>
    %dma_start3A_62 = tpu.memref_slice %arg17[%dma_start3A_55] : memref<8x!tpu.dma_semaphore, #tpu.memory_space<semaphore_mem>> -> memref<1x!tpu.dma_semaphore, #tpu.memory_space<semaphore_mem>>
    %dma_start3A_63 = tpu.memref_squeeze %dma_start3A_62 : memref<1x!tpu.dma_semaphore, #tpu.memory_space<semaphore_mem>> -> memref<!tpu.dma_semaphore, #tpu.memory_space<semaphore_mem>>
    %dma_start3A_64 = arith.constant 0 : i32
    %dma_start3A_65 = arith.constant 0 : i32
    %dma_start3A_66 = tpu.memref_slice %arg12[%dma_start3A_54, %dma_start3A_64, %dma_start3A_65] : memref<8x32x128xf32, #tpu.memory_space<vmem>> -> memref<1x32x128xf32, #tpu.memory_space<vmem>>
    %dma_start3A_67 = tpu.memref_squeeze %dma_start3A_66 : memref<1x32x128xf32, #tpu.memory_space<vmem>> -> memref<32x128xf32, #tpu.memory_space<vmem>>
    %dma_start3A_68 = arith.constant 0 : i32
    %dma_start3A_69 = tpu.memref_slice %arg5[%dma_start3A_68, %mul3A_53] : memref<32x1000000xf32, #tpu.memory_space<hbm>> -> memref<32x128xf32, #tpu.memory_space<hbm>>
    tpu.enqueue_dma source(%dma_start3A_69 : memref<32x128xf32, #tpu.memory_space<hbm>>) target(%dma_start3A_67 : memref<32x128xf32, #tpu.memory_space<vmem>>) target_semaphore(%dma_start3A_63 : memref<!tpu.dma_semaphore, #tpu.memory_space<semaphore_mem>>)
    %get3A_70 = arith.constant 0 : index
    %get3A_71 = tpu.vector_load %arg9[%get3A_70] {strides = array<i32>} : memref<512xi32, #tpu.memory_space<vmem>>, vector<16xi32>,
    %eq3A_72 = arith.constant 1 : i32
    %eq3A_73 = vector.broadcast %eq3A_72 : i32 to vector<16xi32>
    %eq3A_74 = arith.cmpi eq, %iota3A, %eq3A_73 : vector<16xi32>
    %jit3A_75 = arith.constant 0 : i32
    %broadcast_in_dim3A_76 = vector.broadcast %jit3A_75 : i32 to vector<16xi32>
    %select_n3A_77 = arith.select %eq3A_74, %get3A_71, %broadcast_in_dim3A_76 : vector<16xi1>, vector<16xi32>
    %reduce_max3A_78 = arith.constant true
    %reduce_max3A_79 = vector.broadcast %reduce_max3A_78 : i1 to vector<16xi1>
    %reduce_max3A_80 = arith.constant -2147483648 : i32
    %reduce_max3A_81 = vector.broadcast %reduce_max3A_80 : i32 to vector<16xi32>
    %reduce_max3A_82 = arith.xori %select_n3A_77, %reduce_max3A_81 : vector<16xi32>
    %reduce_max3A_83 = tpu.scan <max>, %reduce_max3A_82 masked %reduce_max3A_79 : vector<16xi32>, vector<16xi1> -> vector<16xi32>
    %reduce_max3A_84 = arith.xori %reduce_max3A_83, %reduce_max3A_81 : vector<16xi32>
    %reduce_max3A_85 = vector.extract %reduce_max3A_84[15] : i32 from vector<16xi32>
    %get3A_86 = arith.constant 0 : index
    %get3A_87 = tpu.vector_load %arg10[%get3A_86] {strides = array<i32>} : memref<512xi32, #tpu.memory_space<vmem>>, vector<16xi32>,
    %eq3A_88 = arith.constant 1 : i32
    %eq3A_89 = vector.broadcast %eq3A_88 : i32 to vector<16xi32>
    %eq3A_90 = arith.cmpi eq, %iota3A, %eq3A_89 : vector<16xi32>
    %jit3A_91 = arith.constant 0 : i32
    %broadcast_in_dim3A_92 = vector.broadcast %jit3A_91 : i32 to vector<16xi32>
    %select_n3A_93 = arith.select %eq3A_90, %get3A_87, %broadcast_in_dim3A_92 : vector<16xi1>, vector<16xi32>
    %reduce_max3A_94 = arith.constant true
    %reduce_max3A_95 = vector.broadcast %reduce_max3A_94 : i1 to vector<16xi1>
    %reduce_max3A_96 = arith.constant -2147483648 : i32
    %reduce_max3A_97 = vector.broadcast %reduce_max3A_96 : i32 to vector<16xi32>
    %reduce_max3A_98 = arith.xori %select_n3A_93, %reduce_max3A_97 : vector<16xi32>
    %reduce_max3A_99 = tpu.scan <max>, %reduce_max3A_98 masked %reduce_max3A_95 : vector<16xi32>, vector<16xi1> -> vector<16xi32>
    %reduce_max3A_100 = arith.xori %reduce_max3A_99, %reduce_max3A_97 : vector<16xi32>
    %reduce_max3A_101 = vector.extract %reduce_max3A_100[15] : i32 from vector<16xi32>
    %shift_right_arithmetic3A_102 = arith.constant 7 : i32
    %shift_right_arithmetic3A_103 = arith.shrsi %reduce_max3A_85, %shift_right_arithmetic3A_102 : i32
    %min3A_104 = arith.constant 7811 : i32
    %min3A_105 = arith.minsi %shift_right_arithmetic3A_103, %min3A_104 : i32
    %shift_right_arithmetic3A_106 = arith.constant 7 : i32
    %shift_right_arithmetic3A_107 = arith.shrsi %reduce_max3A_101, %shift_right_arithmetic3A_106 : i32
    %min3A_108 = arith.constant 7811 : i32
    %min3A_109 = arith.minsi %shift_right_arithmetic3A_107, %min3A_108 : i32
    %mul3A_110 = arith.constant 128 : i32
    %mul3A_111 = arith.muli %min3A_105, %mul3A_110 : i32
    %dma_start3A_112 = arith.constant 1 : i32
    %dma_start3A_113 = arith.constant 1 : i32
    %dma_start3A_114 = arith.constant 0 : i32
    %dma_start3A_115 = arith.constant 0 : i32
    %dma_start3A_116 = tpu.memref_slice %arg11[%dma_start3A_112, %dma_start3A_114, %dma_start3A_115] : memref<8x32x128xf32, #tpu.memory_space<vmem>> -> memref<1x32x128xf32, #tpu.memory_space<vmem>>
    %dma_start3A_117 = tpu.memref_squeeze %dma_start3A_116 : memref<1x32x128xf32, #tpu.memory_space<vmem>> -> memref<32x128xf32, #tpu.memory_space<vmem>>
    %dma_start3A_118 = arith.constant 0 : i32
    %dma_start3A_119 = tpu.memref_slice %arg4[%dma_start3A_118, %mul3A_111] : memref<32x1000000xf32, #tpu.memory_space<hbm>> -> memref<32x128xf32, #tpu.memory_space<hbm>>
    %dma_start3A_120 = tpu.memref_slice %arg16[%dma_start3A_113] : memref<8x!tpu.dma_semaphore, #tpu.memory_space<semaphore_mem>> -> memref<1x!tpu.dma_semaphore, #tpu.memory_space<semaphore_mem>>
    %dma_start3A_121 = tpu.memref_squeeze %dma_start3A_120 : memref<1x!tpu.dma_semaphore, #tpu.memory_space<semaphore_mem>> -> memref<!tpu.dma_semaphore, #tpu.memory_space<semaphore_mem>>
    %dma_start3A_122 = arith.constant 0 : i32
    %dma_start3A_123 = arith.constant 0 : i32
    %dma_start3A_124 = tpu.memref_slice %arg11[%dma_start3A_112, %dma_start3A_122, %dma_start3A_123] : memref<8x32x128xf32, #tpu.memory_space<vmem>> -> memref<1x32x128xf32, #tpu.memory_space<vmem>>
    %dma_start3A_125 = tpu.memref_squeeze %dma_start3A_124 : memref<1x32x128xf32, #tpu.memory_space<vmem>> -> memref<32x128xf32, #tpu.memory_space<vmem>>
    %dma_start3A_126 = arith.constant 0 : i32
    %dma_start3A_127 = tpu.memref_slice %arg4[%dma_start3A_126, %mul3A_111] : memref<32x1000000xf32, #tpu.memory_space<hbm>> -> memref<32x128xf32, #tpu.memory_space<hbm>>
    tpu.enqueue_dma source(%dma_start3A_127 : memref<32x128xf32, #tpu.memory_space<hbm>>) target(%dma_start3A_125 : memref<32x128xf32, #tpu.memory_space<vmem>>) target_semaphore(%dma_start3A_121 : memref<!tpu.dma_semaphore, #tpu.memory_space<semaphore_mem>>)
    %mul3A_128 = arith.constant 128 : i32
    %mul3A_129 = arith.muli %min3A_109, %mul3A_128 : i32
    %dma_start3A_130 = arith.constant 1 : i32
    %dma_start3A_131 = arith.constant 1 : i32
    %dma_start3A_132 = arith.constant 0 : i32
    %dma_start3A_133 = arith.constant 0 : i32
    %dma_start3A_134 = tpu.memref_slice %arg12[%dma_start3A_130, %dma_start3A_132, %dma_start3A_133] : memref<8x32x128xf32, #tpu.memory_space<vmem>> -> memref<1x32x128xf32, #tpu.memory_space<vmem>>
    %dma_start3A_135 = tpu.memref_squeeze %dma_start3A_134 : memref<1x32x128xf32, #tpu.memory_space<vmem>> -> memref<32x128xf32, #tpu.memory_space<vmem>>
    %dma_start3A_136 = arith.constant 0 : i32
    %dma_start3A_137 = tpu.memref_slice %arg5[%dma_start3A_136, %mul3A_129] : memref<32x1000000xf32, #tpu.memory_space<hbm>> -> memref<32x128xf32, #tpu.memory_space<hbm>>
    %dma_start3A_138 = tpu.memref_slice %arg17[%dma_start3A_131] : memref<8x!tpu.dma_semaphore, #tpu.memory_space<semaphore_mem>> -> memref<1x!tpu.dma_semaphore, #tpu.memory_space<semaphore_mem>>
    %dma_start3A_139 = tpu.memref_squeeze %dma_start3A_138 : memref<1x!tpu.dma_semaphore, #tpu.memory_space<semaphore_mem>> -> memref<!tpu.dma_semaphore, #tpu.memory_space<semaphore_mem>>
    %dma_start3A_140 = arith.constant 0 : i32
    %dma_start3A_141 = arith.constant 0 : i32
    %dma_start3A_142 = tpu.memref_slice %arg12[%dma_start3A_130, %dma_start3A_140, %dma_start3A_141] : memref<8x32x128xf32, #tpu.memory_space<vmem>> -> memref<1x32x128xf32, #tpu.memory_space<vmem>>
    %dma_start3A_143 = tpu.memref_squeeze %dma_start3A_142 : memref<1x32x128xf32, #tpu.memory_space<vmem>> -> memref<32x128xf32, #tpu.memory_space<vmem>>
    %dma_start3A_144 = arith.constant 0 : i32
    %dma_start3A_145 = tpu.memref_slice %arg5[%dma_start3A_144, %mul3A_129] : memref<32x1000000xf32, #tpu.memory_space<hbm>> -> memref<32x128xf32, #tpu.memory_space<hbm>>
    tpu.enqueue_dma source(%dma_start3A_145 : memref<32x128xf32, #tpu.memory_space<hbm>>) target(%dma_start3A_143 : memref<32x128xf32, #tpu.memory_space<vmem>>) target_semaphore(%dma_start3A_139 : memref<!tpu.dma_semaphore, #tpu.memory_space<semaphore_mem>>)
    %get3A_146 = arith.constant 0 : index
    %get3A_147 = tpu.vector_load %arg9[%get3A_146] {strides = array<i32>} : memref<512xi32, #tpu.memory_space<vmem>>, vector<16xi32>,
    %eq3A_148 = arith.constant 2 : i32
    %eq3A_149 = vector.broadcast %eq3A_148 : i32 to vector<16xi32>
    %eq3A_150 = arith.cmpi eq, %iota3A, %eq3A_149 : vector<16xi32>
    %jit3A_151 = arith.constant 0 : i32
    %broadcast_in_dim3A_152 = vector.broadcast %jit3A_151 : i32 to vector<16xi32>
    %select_n3A_153 = arith.select %eq3A_150, %get3A_147, %broadcast_in_dim3A_152 : vector<16xi1>, vector<16xi32>
    %reduce_max3A_154 = arith.constant true
    %reduce_max3A_155 = vector.broadcast %reduce_max3A_154 : i1 to vector<16xi1>
    %reduce_max3A_156 = arith.constant -2147483648 : i32
    %reduce_max3A_157 = vector.broadcast %reduce_max3A_156 : i32 to vector<16xi32>
    %reduce_max3A_158 = arith.xori %select_n3A_153, %reduce_max3A_157 : vector<16xi32>
    %reduce_max3A_159 = tpu.scan <max>, %reduce_max3A_158 masked %reduce_max3A_155 : vector<16xi32>, vector<16xi1> -> vector<16xi32>
    %reduce_max3A_160 = arith.xori %reduce_max3A_159, %reduce_max3A_157 : vector<16xi32>
    %reduce_max3A_161 = vector.extract %reduce_max3A_160[15] : i32 from vector<16xi32>
    %get3A_162 = arith.constant 0 : index
    %get3A_163 = tpu.vector_load %arg10[%get3A_162] {strides = array<i32>} : memref<512xi32, #tpu.memory_space<vmem>>, vector<16xi32>,
    %eq3A_164 = arith.constant 2 : i32
    %eq3A_165 = vector.broadcast %eq3A_164 : i32 to vector<16xi32>
    %eq3A_166 = arith.cmpi eq, %iota3A, %eq3A_165 : vector<16xi32>
    %jit3A_167 = arith.constant 0 : i32
    %broadcast_in_dim3A_168 = vector.broadcast %jit3A_167 : i32 to vector<16xi32>
    %select_n3A_169 = arith.select %eq3A_166, %get3A_163, %broadcast_in_dim3A_168 : vector<16xi1>, vector<16xi32>
    %reduce_max3A_170 = arith.constant true
    %reduce_max3A_171 = vector.broadcast %reduce_max3A_170 : i1 to vector<16xi1>
    %reduce_max3A_172 = arith.constant -2147483648 : i32
    %reduce_max3A_173 = vector.broadcast %reduce_max3A_172 : i32 to vector<16xi32>
    %reduce_max3A_174 = arith.xori %select_n3A_169, %reduce_max3A_173 : vector<16xi32>
    %reduce_max3A_175 = tpu.scan <max>, %reduce_max3A_174 masked %reduce_max3A_171 : vector<16xi32>, vector<16xi1> -> vector<16xi32>
    %reduce_max3A_176 = arith.xori %reduce_max3A_175, %reduce_max3A_173 : vector<16xi32>
    %reduce_max3A_177 = vector.extract %reduce_max3A_176[15] : i32 from vector<16xi32>
    %shift_right_arithmetic3A_178 = arith.constant 7 : i32
    %shift_right_arithmetic3A_179 = arith.shrsi %reduce_max3A_161, %shift_right_arithmetic3A_178 : i32
    %min3A_180 = arith.constant 7811 : i32
    %min3A_181 = arith.minsi %shift_right_arithmetic3A_179, %min3A_180 : i32
    %shift_right_arithmetic3A_182 = arith.constant 7 : i32
    %shift_right_arithmetic3A_183 = arith.shrsi %reduce_max3A_177, %shift_right_arithmetic3A_182 : i32
    %min3A_184 = arith.constant 7811 : i32
    %min3A_185 = arith.minsi %shift_right_arithmetic3A_183, %min3A_184 : i32
    %mul3A_186 = arith.constant 128 : i32
    %mul3A_187 = arith.muli %min3A_181, %mul3A_186 : i32
    %dma_start3A_188 = arith.constant 2 : i32
    %dma_start3A_189 = arith.constant 2 : i32
    %dma_start3A_190 = arith.constant 0 : i32
    %dma_start3A_191 = arith.constant 0 : i32
    %dma_start3A_192 = tpu.memref_slice %arg11[%dma_start3A_188, %dma_start3A_190, %dma_start3A_191] : memref<8x32x128xf32, #tpu.memory_space<vmem>> -> memref<1x32x128xf32, #tpu.memory_space<vmem>>
    %dma_start3A_193 = tpu.memref_squeeze %dma_start3A_192 : memref<1x32x128xf32, #tpu.memory_space<vmem>> -> memref<32x128xf32, #tpu.memory_space<vmem>>
    %dma_start3A_194 = arith.constant 0 : i32
    %dma_start3A_195 = tpu.memref_slice %arg4[%dma_start3A_194, %mul3A_187] : memref<32x1000000xf32, #tpu.memory_space<hbm>> -> memref<32x128xf32, #tpu.memory_space<hbm>>
    %dma_start3A_196 = tpu.memref_slice %arg16[%dma_start3A_189] : memref<8x!tpu.dma_semaphore, #tpu.memory_space<semaphore_mem>> -> memref<1x!tpu.dma_semaphore, #tpu.memory_space<semaphore_mem>>
    %dma_start3A_197 = tpu.memref_squeeze %dma_start3A_196 : memref<1x!tpu.dma_semaphore, #tpu.memory_space<semaphore_mem>> -> memref<!tpu.dma_semaphore, #tpu.memory_space<semaphore_mem>>
    %dma_start3A_198 = arith.constant 0 : i32
    %dma_start3A_199 = arith.constant 0 : i32
    %dma_start3A_200 = tpu.memref_slice %arg11[%dma_start3A_188, %dma_start3A_198, %dma_start3A_199] : memref<8x32x128xf32, #tpu.memory_space<vmem>> -> memref<1x32x128xf32, #tpu.memory_space<vmem>>
    %dma_start3A_201 = tpu.memref_squeeze %dma_start3A_200 : memref<1x32x128xf32, #tpu.memory_space<vmem>> -> memref<32x128xf32, #tpu.memory_space<vmem>>
    %dma_start3A_202 = arith.constant 0 : i32
    %dma_start3A_203 = tpu.memref_slice %arg4[%dma_start3A_202, %mul3A_187] : memref<32x1000000xf32, #tpu.memory_space<hbm>> -> memref<32x128xf32, #tpu.memory_space<hbm>>
    tpu.enqueue_dma source(%dma_start3A_203 : memref<32x128xf32, #tpu.memory_space<hbm>>) target(%dma_start3A_201 : memref<32x128xf32, #tpu.memory_space<vmem>>) target_semaphore(%dma_start3A_197 : memref<!tpu.dma_semaphore, #tpu.memory_space<semaphore_mem>>)
    %mul3A_204 = arith.constant 128 : i32
    %mul3A_205 = arith.muli %min3A_185, %mul3A_204 : i32
    %dma_start3A_206 = arith.constant 2 : i32
    %dma_start3A_207 = arith.constant 2 : i32
    %dma_start3A_208 = arith.constant 0 : i32
    %dma_start3A_209 = arith.constant 0 : i32
    %dma_start3A_210 = tpu.memref_slice %arg12[%dma_start3A_206, %dma_start3A_208, %dma_start3A_209] : memref<8x32x128xf32, #tpu.memory_space<vmem>> -> memref<1x32x128xf32, #tpu.memory_space<vmem>>
    %dma_start3A_211 = tpu.memref_squeeze %dma_start3A_210 : memref<1x32x128xf32, #tpu.memory_space<vmem>> -> memref<32x128xf32, #tpu.memory_space<vmem>>
    %dma_start3A_212 = arith.constant 0 : i32
    %dma_start3A_213 = tpu.memref_slice %arg5[%dma_start3A_212, %mul3A_205] : memref<32x1000000xf32, #tpu.memory_space<hbm>> -> memref<32x128xf32, #tpu.memory_space<hbm>>
    %dma_start3A_214 = tpu.memref_slice %arg17[%dma_start3A_207] : memref<8x!tpu.dma_semaphore, #tpu.memory_space<semaphore_mem>> -> memref<1x!tpu.dma_semaphore, #tpu.memory_space<semaphore_mem>>
    %dma_start3A_215 = tpu.memref_squeeze %dma_start3A_214 : memref<1x!tpu.dma_semaphore, #tpu.memory_space<semaphore_mem>> -> memref<!tpu.dma_semaphore, #tpu.memory_space<semaphore_mem>>
    %dma_start3A_216 = arith.constant 0 : i32
    %dma_start3A_217 = arith.constant 0 : i32
    %dma_start3A_218 = tpu.memref_slice %arg12[%dma_start3A_206, %dma_start3A_216, %dma_start3A_217] : memref<8x32x128xf32, #tpu.memory_space<vmem>> -> memref<1x32x128xf32, #tpu.memory_space<vmem>>
    %dma_start3A_219 = tpu.memref_squeeze %dma_start3A_218 : memref<1x32x128xf32, #tpu.memory_space<vmem>> -> memref<32x128xf32, #tpu.memory_space<vmem>>
    %dma_start3A_220 = arith.constant 0 : i32
    %dma_start3A_221 = tpu.memref_slice %arg5[%dma_start3A_220, %mul3A_205] : memref<32x1000000xf32, #tpu.memory_space<hbm>> -> memref<32x128xf32, #tpu.memory_space<hbm>>
    tpu.enqueue_dma source(%dma_start3A_221 : memref<32x128xf32, #tpu.memory_space<hbm>>) target(%dma_start3A_219 : memref<32x128xf32, #tpu.memory_space<vmem>>) target_semaphore(%dma_start3A_215 : memref<!tpu.dma_semaphore, #tpu.memory_space<semaphore_mem>>)
    %get3A_222 = arith.constant 0 : index
    %get3A_223 = tpu.vector_load %arg9[%get3A_222] {strides = array<i32>} : memref<512xi32, #tpu.memory_space<vmem>>, vector<16xi32>,
    %eq3A_224 = arith.constant 3 : i32
    %eq3A_225 = vector.broadcast %eq3A_224 : i32 to vector<16xi32>
    %eq3A_226 = arith.cmpi eq, %iota3A, %eq3A_225 : vector<16xi32>
    %jit3A_227 = arith.constant 0 : i32
    %broadcast_in_dim3A_228 = vector.broadcast %jit3A_227 : i32 to vector<16xi32>
    %select_n3A_229 = arith.select %eq3A_226, %get3A_223, %broadcast_in_dim3A_228 : vector<16xi1>, vector<16xi32>
    %reduce_max3A_230 = arith.constant true
    %reduce_max3A_231 = vector.broadcast %reduce_max3A_230 : i1 to vector<16xi1>
    %reduce_max3A_232 = arith.constant -2147483648 : i32
    %reduce_max3A_233 = vector.broadcast %reduce_max3A_232 : i32 to vector<16xi32>
    %reduce_max3A_234 = arith.xori %select_n3A_229, %reduce_max3A_233 : vector<16xi32>
    %reduce_max3A_235 = tpu.scan <max>, %reduce_max3A_234 masked %reduce_max3A_231 : vector<16xi32>, vector<16xi1> -> vector<16xi32>
    %reduce_max3A_236 = arith.xori %reduce_max3A_235, %reduce_max3A_233 : vector<16xi32>
    %reduce_max3A_237 = vector.extract %reduce_max3A_236[15] : i32 from vector<16xi32>
    %get3A_238 = arith.constant 0 : index
    %get3A_239 = tpu.vector_load %arg10[%get3A_238] {strides = array<i32>} : memref<512xi32, #tpu.memory_space<vmem>>, vector<16xi32>,
    %eq3A_240 = arith.constant 3 : i32
    %eq3A_241 = vector.broadcast %eq3A_240 : i32 to vector<16xi32>
    %eq3A_242 = arith.cmpi eq, %iota3A, %eq3A_241 : vector<16xi32>
    %jit3A_243 = arith.constant 0 : i32
    %broadcast_in_dim3A_244 = vector.broadcast %jit3A_243 : i32 to vector<16xi32>
    %select_n3A_245 = arith.select %eq3A_242, %get3A_239, %broadcast_in_dim3A_244 : vector<16xi1>, vector<16xi32>
    %reduce_max3A_246 = arith.constant true
    %reduce_max3A_247 = vector.broadcast %reduce_max3A_246 : i1 to vector<16xi1>
    %reduce_max3A_248 = arith.constant -2147483648 : i32
    %reduce_max3A_249 = vector.broadcast %reduce_max3A_248 : i32 to vector<16xi32>
    %reduce_max3A_250 = arith.xori %select_n3A_245, %reduce_max3A_249 : vector<16xi32>
    %reduce_max3A_251 = tpu.scan <max>, %reduce_max3A_250 masked %reduce_max3A_247 : vector<16xi32>, vector<16xi1> -> vector<16xi32>
    %reduce_max3A_252 = arith.xori %reduce_max3A_251, %reduce_max3A_249 : vector<16xi32>
    %reduce_max3A_253 = vector.extract %reduce_max3A_252[15] : i32 from vector<16xi32>
    %shift_right_arithmetic3A_254 = arith.constant 7 : i32
    %shift_right_arithmetic3A_255 = arith.shrsi %reduce_max3A_237, %shift_right_arithmetic3A_254 : i32
    %min3A_256 = arith.constant 7811 : i32
    %min3A_257 = arith.minsi %shift_right_arithmetic3A_255, %min3A_256 : i32
    %shift_right_arithmetic3A_258 = arith.constant 7 : i32
    %shift_right_arithmetic3A_259 = arith.shrsi %reduce_max3A_253, %shift_right_arithmetic3A_258 : i32
    %min3A_260 = arith.constant 7811 : i32
    %min3A_261 = arith.minsi %shift_right_arithmetic3A_259, %min3A_260 : i32
    %mul3A_262 = arith.constant 128 : i32
    %mul3A_263 = arith.muli %min3A_257, %mul3A_262 : i32
    %dma_start3A_264 = arith.constant 3 : i32
    %dma_start3A_265 = arith.constant 3 : i32
    %dma_start3A_266 = arith.constant 0 : i32
    %dma_start3A_267 = arith.constant 0 : i32
    %dma_start3A_268 = tpu.memref_slice %arg11[%dma_start3A_264, %dma_start3A_266, %dma_start3A_267] : memref<8x32x128xf32, #tpu.memory_space<vmem>> -> memref<1x32x128xf32, #tpu.memory_space<vmem>>
    %dma_start3A_269 = tpu.memref_squeeze %dma_start3A_268 : memref<1x32x128xf32, #tpu.memory_space<vmem>> -> memref<32x128xf32, #tpu.memory_space<vmem>>
    %dma_start3A_270 = arith.constant 0 : i32
    %dma_start3A_271 = tpu.memref_slice %arg4[%dma_start3A_270, %mul3A_263] : memref<32x1000000xf32, #tpu.memory_space<hbm>> -> memref<32x128xf32, #tpu.memory_space<hbm>>
    %dma_start3A_272 = tpu.memref_slice %arg16[%dma_start3A_265] : memref<8x!tpu.dma_semaphore, #tpu.memory_space<semaphore_mem>> -> memref<1x!tpu.dma_semaphore, #tpu.memory_space<semaphore_mem>>
    %dma_start3A_273 = tpu.memref_squeeze %dma_start3A_272 : memref<1x!tpu.dma_semaphore, #tpu.memory_space<semaphore_mem>> -> memref<!tpu.dma_semaphore, #tpu.memory_space<semaphore_mem>>
    %dma_start3A_274 = arith.constant 0 : i32
    %dma_start3A_275 = arith.constant 0 : i32
    %dma_start3A_276 = tpu.memref_slice %arg11[%dma_start3A_264, %dma_start3A_274, %dma_start3A_275] : memref<8x32x128xf32, #tpu.memory_space<vmem>> -> memref<1x32x128xf32, #tpu.memory_space<vmem>>
    %dma_start3A_277 = tpu.memref_squeeze %dma_start3A_276 : memref<1x32x128xf32, #tpu.memory_space<vmem>> -> memref<32x128xf32, #tpu.memory_space<vmem>>
    %dma_start3A_278 = arith.constant 0 : i32
    %dma_start3A_279 = tpu.memref_slice %arg4[%dma_start3A_278, %mul3A_263] : memref<32x1000000xf32, #tpu.memory_space<hbm>> -> memref<32x128xf32, #tpu.memory_space<hbm>>
    tpu.enqueue_dma source(%dma_start3A_279 : memref<32x128xf32, #tpu.memory_space<hbm>>) target(%dma_start3A_277 : memref<32x128xf32, #tpu.memory_space<vmem>>) target_semaphore(%dma_start3A_273 : memref<!tpu.dma_semaphore, #tpu.memory_space<semaphore_mem>>)
    %mul3A_280 = arith.constant 128 : i32
    %mul3A_281 = arith.muli %min3A_261, %mul3A_280 : i32
    %dma_start3A_282 = arith.constant 3 : i32
    %dma_start3A_283 = arith.constant 3 : i32
    %dma_start3A_284 = arith.constant 0 : i32
    %dma_start3A_285 = arith.constant 0 : i32
    %dma_start3A_286 = tpu.memref_slice %arg12[%dma_start3A_282, %dma_start3A_284, %dma_start3A_285] : memref<8x32x128xf32, #tpu.memory_space<vmem>> -> memref<1x32x128xf32, #tpu.memory_space<vmem>>
    %dma_start3A_287 = tpu.memref_squeeze %dma_start3A_286 : memref<1x32x128xf32, #tpu.memory_space<vmem>> -> memref<32x128xf32, #tpu.memory_space<vmem>>
    %dma_start3A_288 = arith.constant 0 : i32
    %dma_start3A_289 = tpu.memref_slice %arg5[%dma_start3A_288, %mul3A_281] : memref<32x1000000xf32, #tpu.memory_space<hbm>> -> memref<32x128xf32, #tpu.memory_space<hbm>>
    %dma_start3A_290 = tpu.memref_slice %arg17[%dma_start3A_283] : memref<8x!tpu.dma_semaphore, #tpu.memory_space<semaphore_mem>> -> memref<1x!tpu.dma_semaphore, #tpu.memory_space<semaphore_mem>>
    %dma_start3A_291 = tpu.memref_squeeze %dma_start3A_290 : memref<1x!tpu.dma_semaphore, #tpu.memory_space<semaphore_mem>> -> memref<!tpu.dma_semaphore, #tpu.memory_space<semaphore_mem>>
    %dma_start3A_292 = arith.constant 0 : i32
    %dma_start3A_293 = arith.constant 0 : i32
    %dma_start3A_294 = tpu.memref_slice %arg12[%dma_start3A_282, %dma_start3A_292, %dma_start3A_293] : memref<8x32x128xf32, #tpu.memory_space<vmem>> -> memref<1x32x128xf32, #tpu.memory_space<vmem>>
    %dma_start3A_295 = tpu.memref_squeeze %dma_start3A_294 : memref<1x32x128xf32, #tpu.memory_space<vmem>> -> memref<32x128xf32, #tpu.memory_space<vmem>>
    %dma_start3A_296 = arith.constant 0 : i32
    %dma_start3A_297 = tpu.memref_slice %arg5[%dma_start3A_296, %mul3A_281] : memref<32x1000000xf32, #tpu.memory_space<hbm>> -> memref<32x128xf32, #tpu.memory_space<hbm>>
    tpu.enqueue_dma source(%dma_start3A_297 : memref<32x128xf32, #tpu.memory_space<hbm>>) target(%dma_start3A_295 : memref<32x128xf32, #tpu.memory_space<vmem>>) target_semaphore(%dma_start3A_291 : memref<!tpu.dma_semaphore, #tpu.memory_space<semaphore_mem>>)
    %get3A_298 = arith.constant 0 : index
    %get3A_299 = tpu.vector_load %arg9[%get3A_298] {strides = array<i32>} : memref<512xi32, #tpu.memory_space<vmem>>, vector<16xi32>,
    %eq3A_300 = arith.constant 4 : i32
    %eq3A_301 = vector.broadcast %eq3A_300 : i32 to vector<16xi32>
    %eq3A_302 = arith.cmpi eq, %iota3A, %eq3A_301 : vector<16xi32>
    %jit3A_303 = arith.constant 0 : i32
    %broadcast_in_dim3A_304 = vector.broadcast %jit3A_303 : i32 to vector<16xi32>
    %select_n3A_305 = arith.select %eq3A_302, %get3A_299, %broadcast_in_dim3A_304 : vector<16xi1>, vector<16xi32>
    %reduce_max3A_306 = arith.constant true
    %reduce_max3A_307 = vector.broadcast %reduce_max3A_306 : i1 to vector<16xi1>
    %reduce_max3A_308 = arith.constant -2147483648 : i32
    %reduce_max3A_309 = vector.broadcast %reduce_max3A_308 : i32 to vector<16xi32>
    %reduce_max3A_310 = arith.xori %select_n3A_305, %reduce_max3A_309 : vector<16xi32>
    %reduce_max3A_311 = tpu.scan <max>, %reduce_max3A_310 masked %reduce_max3A_307 : vector<16xi32>, vector<16xi1> -> vector<16xi32>
    %reduce_max3A_312 = arith.xori %reduce_max3A_311, %reduce_max3A_309 : vector<16xi32>
    %reduce_max3A_313 = vector.extract %reduce_max3A_312[15] : i32 from vector<16xi32>
    %get3A_314 = arith.constant 0 : index
    %get3A_315 = tpu.vector_load %arg10[%get3A_314] {strides = array<i32>} : memref<512xi32, #tpu.memory_space<vmem>>, vector<16xi32>,
    %eq3A_316 = arith.constant 4 : i32
    %eq3A_317 = vector.broadcast %eq3A_316 : i32 to vector<16xi32>
    %eq3A_318 = arith.cmpi eq, %iota3A, %eq3A_317 : vector<16xi32>
    %jit3A_319 = arith.constant 0 : i32
    %broadcast_in_dim3A_320 = vector.broadcast %jit3A_319 : i32 to vector<16xi32>
    %select_n3A_321 = arith.select %eq3A_318, %get3A_315, %broadcast_in_dim3A_320 : vector<16xi1>, vector<16xi32>
    %reduce_max3A_322 = arith.constant true
    %reduce_max3A_323 = vector.broadcast %reduce_max3A_322 : i1 to vector<16xi1>
    %reduce_max3A_324 = arith.constant -2147483648 : i32
    %reduce_max3A_325 = vector.broadcast %reduce_max3A_324 : i32 to vector<16xi32>
    %reduce_max3A_326 = arith.xori %select_n3A_321, %reduce_max3A_325 : vector<16xi32>
    %reduce_max3A_327 = tpu.scan <max>, %reduce_max3A_326 masked %reduce_max3A_323 : vector<16xi32>, vector<16xi1> -> vector<16xi32>
    %reduce_max3A_328 = arith.xori %reduce_max3A_327, %reduce_max3A_325 : vector<16xi32>
    %reduce_max3A_329 = vector.extract %reduce_max3A_328[15] : i32 from vector<16xi32>
    %shift_right_arithmetic3A_330 = arith.constant 7 : i32
    %shift_right_arithmetic3A_331 = arith.shrsi %reduce_max3A_313, %shift_right_arithmetic3A_330 : i32
    %min3A_332 = arith.constant 7811 : i32
    %min3A_333 = arith.minsi %shift_right_arithmetic3A_331, %min3A_332 : i32
    %shift_right_arithmetic3A_334 = arith.constant 7 : i32
    %shift_right_arithmetic3A_335 = arith.shrsi %reduce_max3A_329, %shift_right_arithmetic3A_334 : i32
    %min3A_336 = arith.constant 7811 : i32
    %min3A_337 = arith.minsi %shift_right_arithmetic3A_335, %min3A_336 : i32
    %mul3A_338 = arith.constant 128 : i32
    %mul3A_339 = arith.muli %min3A_333, %mul3A_338 : i32
    %dma_start3A_340 = arith.constant 4 : i32
    %dma_start3A_341 = arith.constant 4 : i32
    %dma_start3A_342 = arith.constant 0 : i32
    %dma_start3A_343 = arith.constant 0 : i32
    %dma_start3A_344 = tpu.memref_slice %arg11[%dma_start3A_340, %dma_start3A_342, %dma_start3A_343] : memref<8x32x128xf32, #tpu.memory_space<vmem>> -> memref<1x32x128xf32, #tpu.memory_space<vmem>>
    %dma_start3A_345 = tpu.memref_squeeze %dma_start3A_344 : memref<1x32x128xf32, #tpu.memory_space<vmem>> -> memref<32x128xf32, #tpu.memory_space<vmem>>
    %dma_start3A_346 = arith.constant 0 : i32
    %dma_start3A_347 = tpu.memref_slice %arg4[%dma_start3A_346, %mul3A_339] : memref<32x1000000xf32, #tpu.memory_space<hbm>> -> memref<32x128xf32, #tpu.memory_space<hbm>>
    %dma_start3A_348 = tpu.memref_slice %arg16[%dma_start3A_341] : memref<8x!tpu.dma_semaphore, #tpu.memory_space<semaphore_mem>> -> memref<1x!tpu.dma_semaphore, #tpu.memory_space<semaphore_mem>>
    %dma_start3A_349 = tpu.memref_squeeze %dma_start3A_348 : memref<1x!tpu.dma_semaphore, #tpu.memory_space<semaphore_mem>> -> memref<!tpu.dma_semaphore, #tpu.memory_space<semaphore_mem>>
    %dma_start3A_350 = arith.constant 0 : i32
    %dma_start3A_351 = arith.constant 0 : i32
    %dma_start3A_352 = tpu.memref_slice %arg11[%dma_start3A_340, %dma_start3A_350, %dma_start3A_351] : memref<8x32x128xf32, #tpu.memory_space<vmem>> -> memref<1x32x128xf32, #tpu.memory_space<vmem>>
    %dma_start3A_353 = tpu.memref_squeeze %dma_start3A_352 : memref<1x32x128xf32, #tpu.memory_space<vmem>> -> memref<32x128xf32, #tpu.memory_space<vmem>>
    %dma_start3A_354 = arith.constant 0 : i32
    %dma_start3A_355 = tpu.memref_slice %arg4[%dma_start3A_354, %mul3A_339] : memref<32x1000000xf32, #tpu.memory_space<hbm>> -> memref<32x128xf32, #tpu.memory_space<hbm>>
    tpu.enqueue_dma source(%dma_start3A_355 : memref<32x128xf32, #tpu.memory_space<hbm>>) target(%dma_start3A_353 : memref<32x128xf32, #tpu.memory_space<vmem>>) target_semaphore(%dma_start3A_349 : memref<!tpu.dma_semaphore, #tpu.memory_space<semaphore_mem>>)
    %mul3A_356 = arith.constant 128 : i32
    %mul3A_357 = arith.muli %min3A_337, %mul3A_356 : i32
    %dma_start3A_358 = arith.constant 4 : i32
    %dma_start3A_359 = arith.constant 4 : i32
    %dma_start3A_360 = arith.constant 0 : i32
    %dma_start3A_361 = arith.constant 0 : i32
    %dma_start3A_362 = tpu.memref_slice %arg12[%dma_start3A_358, %dma_start3A_360, %dma_start3A_361] : memref<8x32x128xf32, #tpu.memory_space<vmem>> -> memref<1x32x128xf32, #tpu.memory_space<vmem>>
    %dma_start3A_363 = tpu.memref_squeeze %dma_start3A_362 : memref<1x32x128xf32, #tpu.memory_space<vmem>> -> memref<32x128xf32, #tpu.memory_space<vmem>>
    %dma_start3A_364 = arith.constant 0 : i32
    %dma_start3A_365 = tpu.memref_slice %arg5[%dma_start3A_364, %mul3A_357] : memref<32x1000000xf32, #tpu.memory_space<hbm>> -> memref<32x128xf32, #tpu.memory_space<hbm>>
    %dma_start3A_366 = tpu.memref_slice %arg17[%dma_start3A_359] : memref<8x!tpu.dma_semaphore, #tpu.memory_space<semaphore_mem>> -> memref<1x!tpu.dma_semaphore, #tpu.memory_space<semaphore_mem>>
    %dma_start3A_367 = tpu.memref_squeeze %dma_start3A_366 : memref<1x!tpu.dma_semaphore, #tpu.memory_space<semaphore_mem>> -> memref<!tpu.dma_semaphore, #tpu.memory_space<semaphore_mem>>
    %dma_start3A_368 = arith.constant 0 : i32
    %dma_start3A_369 = arith.constant 0 : i32
    %dma_start3A_370 = tpu.memref_slice %arg12[%dma_start3A_358, %dma_start3A_368, %dma_start3A_369] : memref<8x32x128xf32, #tpu.memory_space<vmem>> -> memref<1x32x128xf32, #tpu.memory_space<vmem>>
    %dma_start3A_371 = tpu.memref_squeeze %dma_start3A_370 : memref<1x32x128xf32, #tpu.memory_space<vmem>> -> memref<32x128xf32, #tpu.memory_space<vmem>>
    %dma_start3A_372 = arith.constant 0 : i32
    %dma_start3A_373 = tpu.memref_slice %arg5[%dma_start3A_372, %mul3A_357] : memref<32x1000000xf32, #tpu.memory_space<hbm>> -> memref<32x128xf32, #tpu.memory_space<hbm>>
    tpu.enqueue_dma source(%dma_start3A_373 : memref<32x128xf32, #tpu.memory_space<hbm>>) target(%dma_start3A_371 : memref<32x128xf32, #tpu.memory_space<vmem>>) target_semaphore(%dma_start3A_367 : memref<!tpu.dma_semaphore, #tpu.memory_space<semaphore_mem>>)
    %get3A_374 = arith.constant 0 : index
    %get3A_375 = tpu.vector_load %arg9[%get3A_374] {strides = array<i32>} : memref<512xi32, #tpu.memory_space<vmem>>, vector<16xi32>,
    %eq3A_376 = arith.constant 5 : i32
    %eq3A_377 = vector.broadcast %eq3A_376 : i32 to vector<16xi32>
    %eq3A_378 = arith.cmpi eq, %iota3A, %eq3A_377 : vector<16xi32>
    %jit3A_379 = arith.constant 0 : i32
    %broadcast_in_dim3A_380 = vector.broadcast %jit3A_379 : i32 to vector<16xi32>
    %select_n3A_381 = arith.select %eq3A_378, %get3A_375, %broadcast_in_dim3A_380 : vector<16xi1>, vector<16xi32>
    %reduce_max3A_382 = arith.constant true
    %reduce_max3A_383 = vector.broadcast %reduce_max3A_382 : i1 to vector<16xi1>
    %reduce_max3A_384 = arith.constant -2147483648 : i32
    %reduce_max3A_385 = vector.broadcast %reduce_max3A_384 : i32 to vector<16xi32>
    %reduce_max3A_386 = arith.xori %select_n3A_381, %reduce_max3A_385 : vector<16xi32>
    %reduce_max3A_387 = tpu.scan <max>, %reduce_max3A_386 masked %reduce_max3A_383 : vector<16xi32>, vector<16xi1> -> vector<16xi32>
    %reduce_max3A_388 = arith.xori %reduce_max3A_387, %reduce_max3A_385 : vector<16xi32>
    %reduce_max3A_389 = vector.extract %reduce_max3A_388[15] : i32 from vector<16xi32>
    %get3A_390 = arith.constant 0 : index
    %get3A_391 = tpu.vector_load %arg10[%get3A_390] {strides = array<i32>} : memref<512xi32, #tpu.memory_space<vmem>>, vector<16xi32>,
    %eq3A_392 = arith.constant 5 : i32
    %eq3A_393 = vector.broadcast %eq3A_392 : i32 to vector<16xi32>
    %eq3A_394 = arith.cmpi eq, %iota3A, %eq3A_393 : vector<16xi32>
    %jit3A_395 = arith.constant 0 : i32
    %broadcast_in_dim3A_396 = vector.broadcast %jit3A_395 : i32 to vector<16xi32>
    %select_n3A_397 = arith.select %eq3A_394, %get3A_391, %broadcast_in_dim3A_396 : vector<16xi1>, vector<16xi32>
    %reduce_max3A_398 = arith.constant true
    %reduce_max3A_399 = vector.broadcast %reduce_max3A_398 : i1 to vector<16xi1>
    %reduce_max3A_400 = arith.constant -2147483648 : i32
    %reduce_max3A_401 = vector.broadcast %reduce_max3A_400 : i32 to vector<16xi32>
    %reduce_max3A_402 = arith.xori %select_n3A_397, %reduce_max3A_401 : vector<16xi32>
    %reduce_max3A_403 = tpu.scan <max>, %reduce_max3A_402 masked %reduce_max3A_399 : vector<16xi32>, vector<16xi1> -> vector<16xi32>
    %reduce_max3A_404 = arith.xori %reduce_max3A_403, %reduce_max3A_401 : vector<16xi32>
    %reduce_max3A_405 = vector.extract %reduce_max3A_404[15] : i32 from vector<16xi32>
    %shift_right_arithmetic3A_406 = arith.constant 7 : i32
    %shift_right_arithmetic3A_407 = arith.shrsi %reduce_max3A_389, %shift_right_arithmetic3A_406 : i32
    %min3A_408 = arith.constant 7811 : i32
    %min3A_409 = arith.minsi %shift_right_arithmetic3A_407, %min3A_408 : i32
    %shift_right_arithmetic3A_410 = arith.constant 7 : i32
    %shift_right_arithmetic3A_411 = arith.shrsi %reduce_max3A_405, %shift_right_arithmetic3A_410 : i32
    %min3A_412 = arith.constant 7811 : i32
    %min3A_413 = arith.minsi %shift_right_arithmetic3A_411, %min3A_412 : i32
    %mul3A_414 = arith.constant 128 : i32
    %mul3A_415 = arith.muli %min3A_409, %mul3A_414 : i32
    %dma_start3A_416 = arith.constant 5 : i32
    %dma_start3A_417 = arith.constant 5 : i32
    %dma_start3A_418 = arith.constant 0 : i32
    %dma_start3A_419 = arith.constant 0 : i32
    %dma_start3A_420 = tpu.memref_slice %arg11[%dma_start3A_416, %dma_start3A_418, %dma_start3A_419] : memref<8x32x128xf32, #tpu.memory_space<vmem>> -> memref<1x32x128xf32, #tpu.memory_space<vmem>>
    %dma_start3A_421 = tpu.memref_squeeze %dma_start3A_420 : memref<1x32x128xf32, #tpu.memory_space<vmem>> -> memref<32x128xf32, #tpu.memory_space<vmem>>
    %dma_start3A_422 = arith.constant 0 : i32
    %dma_start3A_423 = tpu.memref_slice %arg4[%dma_start3A_422, %mul3A_415] : memref<32x1000000xf32, #tpu.memory_space<hbm>> -> memref<32x128xf32, #tpu.memory_space<hbm>>
    %dma_start3A_424 = tpu.memref_slice %arg16[%dma_start3A_417] : memref<8x!tpu.dma_semaphore, #tpu.memory_space<semaphore_mem>> -> memref<1x!tpu.dma_semaphore, #tpu.memory_space<semaphore_mem>>
    %dma_start3A_425 = tpu.memref_squeeze %dma_start3A_424 : memref<1x!tpu.dma_semaphore, #tpu.memory_space<semaphore_mem>> -> memref<!tpu.dma_semaphore, #tpu.memory_space<semaphore_mem>>
    %dma_start3A_426 = arith.constant 0 : i32
    %dma_start3A_427 = arith.constant 0 : i32
    %dma_start3A_428 = tpu.memref_slice %arg11[%dma_start3A_416, %dma_start3A_426, %dma_start3A_427] : memref<8x32x128xf32, #tpu.memory_space<vmem>> -> memref<1x32x128xf32, #tpu.memory_space<vmem>>
    %dma_start3A_429 = tpu.memref_squeeze %dma_start3A_428 : memref<1x32x128xf32, #tpu.memory_space<vmem>> -> memref<32x128xf32, #tpu.memory_space<vmem>>
    %dma_start3A_430 = arith.constant 0 : i32
    %dma_start3A_431 = tpu.memref_slice %arg4[%dma_start3A_430, %mul3A_415] : memref<32x1000000xf32, #tpu.memory_space<hbm>> -> memref<32x128xf32, #tpu.memory_space<hbm>>
    tpu.enqueue_dma source(%dma_start3A_431 : memref<32x128xf32, #tpu.memory_space<hbm>>) target(%dma_start3A_429 : memref<32x128xf32, #tpu.memory_space<vmem>>) target_semaphore(%dma_start3A_425 : memref<!tpu.dma_semaphore, #tpu.memory_space<semaphore_mem>>)
    %mul3A_432 = arith.constant 128 : i32
    %mul3A_433 = arith.muli %min3A_413, %mul3A_432 : i32
    %dma_start3A_434 = arith.constant 5 : i32
    %dma_start3A_435 = arith.constant 5 : i32
    %dma_start3A_436 = arith.constant 0 : i32
    %dma_start3A_437 = arith.constant 0 : i32
    %dma_start3A_438 = tpu.memref_slice %arg12[%dma_start3A_434, %dma_start3A_436, %dma_start3A_437] : memref<8x32x128xf32, #tpu.memory_space<vmem>> -> memref<1x32x128xf32, #tpu.memory_space<vmem>>
    %dma_start3A_439 = tpu.memref_squeeze %dma_start3A_438 : memref<1x32x128xf32, #tpu.memory_space<vmem>> -> memref<32x128xf32, #tpu.memory_space<vmem>>
    %dma_start3A_440 = arith.constant 0 : i32
    %dma_start3A_441 = tpu.memref_slice %arg5[%dma_start3A_440, %mul3A_433] : memref<32x1000000xf32, #tpu.memory_space<hbm>> -> memref<32x128xf32, #tpu.memory_space<hbm>>
    %dma_start3A_442 = tpu.memref_slice %arg17[%dma_start3A_435] : memref<8x!tpu.dma_semaphore, #tpu.memory_space<semaphore_mem>> -> memref<1x!tpu.dma_semaphore, #tpu.memory_space<semaphore_mem>>
    %dma_start3A_443 = tpu.memref_squeeze %dma_start3A_442 : memref<1x!tpu.dma_semaphore, #tpu.memory_space<semaphore_mem>> -> memref<!tpu.dma_semaphore, #tpu.memory_space<semaphore_mem>>
    %dma_start3A_444 = arith.constant 0 : i32
    %dma_start3A_445 = arith.constant 0 : i32
    %dma_start3A_446 = tpu.memref_slice %arg12[%dma_start3A_434, %dma_start3A_444, %dma_start3A_445] : memref<8x32x128xf32, #tpu.memory_space<vmem>> -> memref<1x32x128xf32, #tpu.memory_space<vmem>>
    %dma_start3A_447 = tpu.memref_squeeze %dma_start3A_446 : memref<1x32x128xf32, #tpu.memory_space<vmem>> -> memref<32x128xf32, #tpu.memory_space<vmem>>
    %dma_start3A_448 = arith.constant 0 : i32
    %dma_start3A_449 = tpu.memref_slice %arg5[%dma_start3A_448, %mul3A_433] : memref<32x1000000xf32, #tpu.memory_space<hbm>> -> memref<32x128xf32, #tpu.memory_space<hbm>>
    tpu.enqueue_dma source(%dma_start3A_449 : memref<32x128xf32, #tpu.memory_space<hbm>>) target(%dma_start3A_447 : memref<32x128xf32, #tpu.memory_space<vmem>>) target_semaphore(%dma_start3A_443 : memref<!tpu.dma_semaphore, #tpu.memory_space<semaphore_mem>>)
    %get3A_450 = arith.constant 0 : index
    %get3A_451 = tpu.vector_load %arg9[%get3A_450] {strides = array<i32>} : memref<512xi32, #tpu.memory_space<vmem>>, vector<16xi32>,
    %eq3A_452 = arith.constant 6 : i32
    %eq3A_453 = vector.broadcast %eq3A_452 : i32 to vector<16xi32>
    %eq3A_454 = arith.cmpi eq, %iota3A, %eq3A_453 : vector<16xi32>
    %jit3A_455 = arith.constant 0 : i32
    %broadcast_in_dim3A_456 = vector.broadcast %jit3A_455 : i32 to vector<16xi32>
    %select_n3A_457 = arith.select %eq3A_454, %get3A_451, %broadcast_in_dim3A_456 : vector<16xi1>, vector<16xi32>
    %reduce_max3A_458 = arith.constant true
    %reduce_max3A_459 = vector.broadcast %reduce_max3A_458 : i1 to vector<16xi1>
    %reduce_max3A_460 = arith.constant -2147483648 : i32
    %reduce_max3A_461 = vector.broadcast %reduce_max3A_460 : i32 to vector<16xi32>
    %reduce_max3A_462 = arith.xori %select_n3A_457, %reduce_max3A_461 : vector<16xi32>
    %reduce_max3A_463 = tpu.scan <max>, %reduce_max3A_462 masked %reduce_max3A_459 : vector<16xi32>, vector<16xi1> -> vector<16xi32>
    %reduce_max3A_464 = arith.xori %reduce_max3A_463, %reduce_max3A_461 : vector<16xi32>
    %reduce_max3A_465 = vector.extract %reduce_max3A_464[15] : i32 from vector<16xi32>
    %get3A_466 = arith.constant 0 : index
    %get3A_467 = tpu.vector_load %arg10[%get3A_466] {strides = array<i32>} : memref<512xi32, #tpu.memory_space<vmem>>, vector<16xi32>,
    %eq3A_468 = arith.constant 6 : i32
    %eq3A_469 = vector.broadcast %eq3A_468 : i32 to vector<16xi32>
    %eq3A_470 = arith.cmpi eq, %iota3A, %eq3A_469 : vector<16xi32>
    %jit3A_471 = arith.constant 0 : i32
    %broadcast_in_dim3A_472 = vector.broadcast %jit3A_471 : i32 to vector<16xi32>
    %select_n3A_473 = arith.select %eq3A_470, %get3A_467, %broadcast_in_dim3A_472 : vector<16xi1>, vector<16xi32>
    %reduce_max3A_474 = arith.constant true
    %reduce_max3A_475 = vector.broadcast %reduce_max3A_474 : i1 to vector<16xi1>
    %reduce_max3A_476 = arith.constant -2147483648 : i32
    %reduce_max3A_477 = vector.broadcast %reduce_max3A_476 : i32 to vector<16xi32>
    %reduce_max3A_478 = arith.xori %select_n3A_473, %reduce_max3A_477 : vector<16xi32>
    %reduce_max3A_479 = tpu.scan <max>, %reduce_max3A_478 masked %reduce_max3A_475 : vector<16xi32>, vector<16xi1> -> vector<16xi32>
    %reduce_max3A_480 = arith.xori %reduce_max3A_479, %reduce_max3A_477 : vector<16xi32>
    %reduce_max3A_481 = vector.extract %reduce_max3A_480[15] : i32 from vector<16xi32>
    %shift_right_arithmetic3A_482 = arith.constant 7 : i32
    %shift_right_arithmetic3A_483 = arith.shrsi %reduce_max3A_465, %shift_right_arithmetic3A_482 : i32
    %min3A_484 = arith.constant 7811 : i32
    %min3A_485 = arith.minsi %shift_right_arithmetic3A_483, %min3A_484 : i32
    %shift_right_arithmetic3A_486 = arith.constant 7 : i32
    %shift_right_arithmetic3A_487 = arith.shrsi %reduce_max3A_481, %shift_right_arithmetic3A_486 : i32
    %min3A_488 = arith.constant 7811 : i32
    %min3A_489 = arith.minsi %shift_right_arithmetic3A_487, %min3A_488 : i32
    %mul3A_490 = arith.constant 128 : i32
    %mul3A_491 = arith.muli %min3A_485, %mul3A_490 : i32
    %dma_start3A_492 = arith.constant 6 : i32
    %dma_start3A_493 = arith.constant 6 : i32
    %dma_start3A_494 = arith.constant 0 : i32
    %dma_start3A_495 = arith.constant 0 : i32
    %dma_start3A_496 = tpu.memref_slice %arg11[%dma_start3A_492, %dma_start3A_494, %dma_start3A_495] : memref<8x32x128xf32, #tpu.memory_space<vmem>> -> memref<1x32x128xf32, #tpu.memory_space<vmem>>
    %dma_start3A_497 = tpu.memref_squeeze %dma_start3A_496 : memref<1x32x128xf32, #tpu.memory_space<vmem>> -> memref<32x128xf32, #tpu.memory_space<vmem>>
    %dma_start3A_498 = arith.constant 0 : i32
    %dma_start3A_499 = tpu.memref_slice %arg4[%dma_start3A_498, %mul3A_491] : memref<32x1000000xf32, #tpu.memory_space<hbm>> -> memref<32x128xf32, #tpu.memory_space<hbm>>
    %dma_start3A_500 = tpu.memref_slice %arg16[%dma_start3A_493] : memref<8x!tpu.dma_semaphore, #tpu.memory_space<semaphore_mem>> -> memref<1x!tpu.dma_semaphore, #tpu.memory_space<semaphore_mem>>
    %dma_start3A_501 = tpu.memref_squeeze %dma_start3A_500 : memref<1x!tpu.dma_semaphore, #tpu.memory_space<semaphore_mem>> -> memref<!tpu.dma_semaphore, #tpu.memory_space<semaphore_mem>>
    %dma_start3A_502 = arith.constant 0 : i32
    %dma_start3A_503 = arith.constant 0 : i32
    %dma_start3A_504 = tpu.memref_slice %arg11[%dma_start3A_492, %dma_start3A_502, %dma_start3A_503] : memref<8x32x128xf32, #tpu.memory_space<vmem>> -> memref<1x32x128xf32, #tpu.memory_space<vmem>>
    %dma_start3A_505 = tpu.memref_squeeze %dma_start3A_504 : memref<1x32x128xf32, #tpu.memory_space<vmem>> -> memref<32x128xf32, #tpu.memory_space<vmem>>
    %dma_start3A_506 = arith.constant 0 : i32
    %dma_start3A_507 = tpu.memref_slice %arg4[%dma_start3A_506, %mul3A_491] : memref<32x1000000xf32, #tpu.memory_space<hbm>> -> memref<32x128xf32, #tpu.memory_space<hbm>>
    tpu.enqueue_dma source(%dma_start3A_507 : memref<32x128xf32, #tpu.memory_space<hbm>>) target(%dma_start3A_505 : memref<32x128xf32, #tpu.memory_space<vmem>>) target_semaphore(%dma_start3A_501 : memref<!tpu.dma_semaphore, #tpu.memory_space<semaphore_mem>>)
    %mul3A_508 = arith.constant 128 : i32
    %mul3A_509 = arith.muli %min3A_489, %mul3A_508 : i32
    %dma_start3A_510 = arith.constant 6 : i32
    %dma_start3A_511 = arith.constant 6 : i32
    %dma_start3A_512 = arith.constant 0 : i32
    %dma_start3A_513 = arith.constant 0 : i32
    %dma_start3A_514 = tpu.memref_slice %arg12[%dma_start3A_510, %dma_start3A_512, %dma_start3A_513] : memref<8x32x128xf32, #tpu.memory_space<vmem>> -> memref<1x32x128xf32, #tpu.memory_space<vmem>>
    %dma_start3A_515 = tpu.memref_squeeze %dma_start3A_514 : memref<1x32x128xf32, #tpu.memory_space<vmem>> -> memref<32x128xf32, #tpu.memory_space<vmem>>
    %dma_start3A_516 = arith.constant 0 : i32
    %dma_start3A_517 = tpu.memref_slice %arg5[%dma_start3A_516, %mul3A_509] : memref<32x1000000xf32, #tpu.memory_space<hbm>> -> memref<32x128xf32, #tpu.memory_space<hbm>>
    %dma_start3A_518 = tpu.memref_slice %arg17[%dma_start3A_511] : memref<8x!tpu.dma_semaphore, #tpu.memory_space<semaphore_mem>> -> memref<1x!tpu.dma_semaphore, #tpu.memory_space<semaphore_mem>>
    %dma_start3A_519 = tpu.memref_squeeze %dma_start3A_518 : memref<1x!tpu.dma_semaphore, #tpu.memory_space<semaphore_mem>> -> memref<!tpu.dma_semaphore, #tpu.memory_space<semaphore_mem>>
    %dma_start3A_520 = arith.constant 0 : i32
    %dma_start3A_521 = arith.constant 0 : i32
    %dma_start3A_522 = tpu.memref_slice %arg12[%dma_start3A_510, %dma_start3A_520, %dma_start3A_521] : memref<8x32x128xf32, #tpu.memory_space<vmem>> -> memref<1x32x128xf32, #tpu.memory_space<vmem>>
    %dma_start3A_523 = tpu.memref_squeeze %dma_start3A_522 : memref<1x32x128xf32, #tpu.memory_space<vmem>> -> memref<32x128xf32, #tpu.memory_space<vmem>>
    %dma_start3A_524 = arith.constant 0 : i32
    %dma_start3A_525 = tpu.memref_slice %arg5[%dma_start3A_524, %mul3A_509] : memref<32x1000000xf32, #tpu.memory_space<hbm>> -> memref<32x128xf32, #tpu.memory_space<hbm>>
    tpu.enqueue_dma source(%dma_start3A_525 : memref<32x128xf32, #tpu.memory_space<hbm>>) target(%dma_start3A_523 : memref<32x128xf32, #tpu.memory_space<vmem>>) target_semaphore(%dma_start3A_519 : memref<!tpu.dma_semaphore, #tpu.memory_space<semaphore_mem>>)
    %get3A_526 = arith.constant 0 : index
    %get3A_527 = tpu.vector_load %arg9[%get3A_526] {strides = array<i32>} : memref<512xi32, #tpu.memory_space<vmem>>, vector<16xi32>,
    %eq3A_528 = arith.constant 7 : i32
    %eq3A_529 = vector.broadcast %eq3A_528 : i32 to vector<16xi32>
    %eq3A_530 = arith.cmpi eq, %iota3A, %eq3A_529 : vector<16xi32>
    %jit3A_531 = arith.constant 0 : i32
    %broadcast_in_dim3A_532 = vector.broadcast %jit3A_531 : i32 to vector<16xi32>
    %select_n3A_533 = arith.select %eq3A_530, %get3A_527, %broadcast_in_dim3A_532 : vector<16xi1>, vector<16xi32>
    %reduce_max3A_534 = arith.constant true
    %reduce_max3A_535 = vector.broadcast %reduce_max3A_534 : i1 to vector<16xi1>
    %reduce_max3A_536 = arith.constant -2147483648 : i32
    %reduce_max3A_537 = vector.broadcast %reduce_max3A_536 : i32 to vector<16xi32>
    %reduce_max3A_538 = arith.xori %select_n3A_533, %reduce_max3A_537 : vector<16xi32>
    %reduce_max3A_539 = tpu.scan <max>, %reduce_max3A_538 masked %reduce_max3A_535 : vector<16xi32>, vector<16xi1> -> vector<16xi32>
    %reduce_max3A_540 = arith.xori %reduce_max3A_539, %reduce_max3A_537 : vector<16xi32>
    %reduce_max3A_541 = vector.extract %reduce_max3A_540[15] : i32 from vector<16xi32>
    %get3A_542 = arith.constant 0 : index
    %get3A_543 = tpu.vector_load %arg10[%get3A_542] {strides = array<i32>} : memref<512xi32, #tpu.memory_space<vmem>>, vector<16xi32>,
    %eq3A_544 = arith.constant 7 : i32
    %eq3A_545 = vector.broadcast %eq3A_544 : i32 to vector<16xi32>
    %eq3A_546 = arith.cmpi eq, %iota3A, %eq3A_545 : vector<16xi32>
    %jit3A_547 = arith.constant 0 : i32
    %broadcast_in_dim3A_548 = vector.broadcast %jit3A_547 : i32 to vector<16xi32>
    %select_n3A_549 = arith.select %eq3A_546, %get3A_543, %broadcast_in_dim3A_548 : vector<16xi1>, vector<16xi32>
    %reduce_max3A_550 = arith.constant true
    %reduce_max3A_551 = vector.broadcast %reduce_max3A_550 : i1 to vector<16xi1>
    %reduce_max3A_552 = arith.constant -2147483648 : i32
    %reduce_max3A_553 = vector.broadcast %reduce_max3A_552 : i32 to vector<16xi32>
    %reduce_max3A_554 = arith.xori %select_n3A_549, %reduce_max3A_553 : vector<16xi32>
    %reduce_max3A_555 = tpu.scan <max>, %reduce_max3A_554 masked %reduce_max3A_551 : vector<16xi32>, vector<16xi1> -> vector<16xi32>
    %reduce_max3A_556 = arith.xori %reduce_max3A_555, %reduce_max3A_553 : vector<16xi32>
    %reduce_max3A_557 = vector.extract %reduce_max3A_556[15] : i32 from vector<16xi32>
    %shift_right_arithmetic3A_558 = arith.constant 7 : i32
    %shift_right_arithmetic3A_559 = arith.shrsi %reduce_max3A_541, %shift_right_arithmetic3A_558 : i32
    %min3A_560 = arith.constant 7811 : i32
    %min3A_561 = arith.minsi %shift_right_arithmetic3A_559, %min3A_560 : i32
    %shift_right_arithmetic3A_562 = arith.constant 7 : i32
    %shift_right_arithmetic3A_563 = arith.shrsi %reduce_max3A_557, %shift_right_arithmetic3A_562 : i32
    %min3A_564 = arith.constant 7811 : i32
    %min3A_565 = arith.minsi %shift_right_arithmetic3A_563, %min3A_564 : i32
    %mul3A_566 = arith.constant 128 : i32
    %mul3A_567 = arith.muli %min3A_561, %mul3A_566 : i32
    %dma_start3A_568 = arith.constant 7 : i32
    %dma_start3A_569 = arith.constant 7 : i32
    %dma_start3A_570 = arith.constant 0 : i32
    %dma_start3A_571 = arith.constant 0 : i32
    %dma_start3A_572 = tpu.memref_slice %arg11[%dma_start3A_568, %dma_start3A_570, %dma_start3A_571] : memref<8x32x128xf32, #tpu.memory_space<vmem>> -> memref<1x32x128xf32, #tpu.memory_space<vmem>>
    %dma_start3A_573 = tpu.memref_squeeze %dma_start3A_572 : memref<1x32x128xf32, #tpu.memory_space<vmem>> -> memref<32x128xf32, #tpu.memory_space<vmem>>
    %dma_start3A_574 = arith.constant 0 : i32
    %dma_start3A_575 = tpu.memref_slice %arg4[%dma_start3A_574, %mul3A_567] : memref<32x1000000xf32, #tpu.memory_space<hbm>> -> memref<32x128xf32, #tpu.memory_space<hbm>>
    %dma_start3A_576 = tpu.memref_slice %arg16[%dma_start3A_569] : memref<8x!tpu.dma_semaphore, #tpu.memory_space<semaphore_mem>> -> memref<1x!tpu.dma_semaphore, #tpu.memory_space<semaphore_mem>>
    %dma_start3A_577 = tpu.memref_squeeze %dma_start3A_576 : memref<1x!tpu.dma_semaphore, #tpu.memory_space<semaphore_mem>> -> memref<!tpu.dma_semaphore, #tpu.memory_space<semaphore_mem>>
    %dma_start3A_578 = arith.constant 0 : i32
    %dma_start3A_579 = arith.constant 0 : i32
    %dma_start3A_580 = tpu.memref_slice %arg11[%dma_start3A_568, %dma_start3A_578, %dma_start3A_579] : memref<8x32x128xf32, #tpu.memory_space<vmem>> -> memref<1x32x128xf32, #tpu.memory_space<vmem>>
    %dma_start3A_581 = tpu.memref_squeeze %dma_start3A_580 : memref<1x32x128xf32, #tpu.memory_space<vmem>> -> memref<32x128xf32, #tpu.memory_space<vmem>>
    %dma_start3A_582 = arith.constant 0 : i32
    %dma_start3A_583 = tpu.memref_slice %arg4[%dma_start3A_582, %mul3A_567] : memref<32x1000000xf32, #tpu.memory_space<hbm>> -> memref<32x128xf32, #tpu.memory_space<hbm>>
    tpu.enqueue_dma source(%dma_start3A_583 : memref<32x128xf32, #tpu.memory_space<hbm>>) target(%dma_start3A_581 : memref<32x128xf32, #tpu.memory_space<vmem>>) target_semaphore(%dma_start3A_577 : memref<!tpu.dma_semaphore, #tpu.memory_space<semaphore_mem>>)
    %mul3A_584 = arith.constant 128 : i32
    %mul3A_585 = arith.muli %min3A_565, %mul3A_584 : i32
    %dma_start3A_586 = arith.constant 7 : i32
    %dma_start3A_587 = arith.constant 7 : i32
    %dma_start3A_588 = arith.constant 0 : i32
    %dma_start3A_589 = arith.constant 0 : i32
    %dma_start3A_590 = tpu.memref_slice %arg12[%dma_start3A_586, %dma_start3A_588, %dma_start3A_589] : memref<8x32x128xf32, #tpu.memory_space<vmem>> -> memref<1x32x128xf32, #tpu.memory_space<vmem>>
    %dma_start3A_591 = tpu.memref_squeeze %dma_start3A_590 : memref<1x32x128xf32, #tpu.memory_space<vmem>> -> memref<32x128xf32, #tpu.memory_space<vmem>>
    %dma_start3A_592 = arith.constant 0 : i32
    %dma_start3A_593 = tpu.memref_slice %arg5[%dma_start3A_592, %mul3A_585] : memref<32x1000000xf32, #tpu.memory_space<hbm>> -> memref<32x128xf32, #tpu.memory_space<hbm>>
    %dma_start3A_594 = tpu.memref_slice %arg17[%dma_start3A_587] : memref<8x!tpu.dma_semaphore, #tpu.memory_space<semaphore_mem>> -> memref<1x!tpu.dma_semaphore, #tpu.memory_space<semaphore_mem>>
    %dma_start3A_595 = tpu.memref_squeeze %dma_start3A_594 : memref<1x!tpu.dma_semaphore, #tpu.memory_space<semaphore_mem>> -> memref<!tpu.dma_semaphore, #tpu.memory_space<semaphore_mem>>
    %dma_start3A_596 = arith.constant 0 : i32
    %dma_start3A_597 = arith.constant 0 : i32
    %dma_start3A_598 = tpu.memref_slice %arg12[%dma_start3A_586, %dma_start3A_596, %dma_start3A_597] : memref<8x32x128xf32, #tpu.memory_space<vmem>> -> memref<1x32x128xf32, #tpu.memory_space<vmem>>
    %dma_start3A_599 = tpu.memref_squeeze %dma_start3A_598 : memref<1x32x128xf32, #tpu.memory_space<vmem>> -> memref<32x128xf32, #tpu.memory_space<vmem>>
    %dma_start3A_600 = arith.constant 0 : i32
    %dma_start3A_601 = tpu.memref_slice %arg5[%dma_start3A_600, %mul3A_585] : memref<32x1000000xf32, #tpu.memory_space<hbm>> -> memref<32x128xf32, #tpu.memory_space<hbm>>
    tpu.enqueue_dma source(%dma_start3A_601 : memref<32x128xf32, #tpu.memory_space<hbm>>) target(%dma_start3A_599 : memref<32x128xf32, #tpu.memory_space<vmem>>) target_semaphore(%dma_start3A_595 : memref<!tpu.dma_semaphore, #tpu.memory_space<semaphore_mem>>)
    %scan3A = arith.constant 0 : i32
    %scan3A_602 = arith.constant 64 : i32
    %scan3A_603 = arith.addi %scan3A, %scan3A_602 : i32
    %scan3A_604 = arith.constant 1 : i32
    %scan3A_605:16 = scf.for %scan3A_894 = %scan3A to %scan3A_603 step %scan3A_604 iter_args(%scan3A_895 = %reduce_max3A_12, %scan3A_896 = %reduce_max3A_28, %scan3A_897 = %reduce_max3A_85, %scan3A_898 = %reduce_max3A_101, %scan3A_899 = %reduce_max3A_161, %scan3A_900 = %reduce_max3A_177, %scan3A_901 = %reduce_max3A_237, %scan3A_902 = %reduce_max3A_253, %scan3A_903 = %reduce_max3A_313, %scan3A_904 = %reduce_max3A_329, %scan3A_905 = %reduce_max3A_389, %scan3A_906 = %reduce_max3A_405, %scan3A_907 = %reduce_max3A_465, %scan3A_908 = %reduce_max3A_481, %scan3A_909 = %reduce_max3A_541, %scan3A_910 = %reduce_max3A_557) -> (i32, i32, i32, i32, i32, i32, i32, i32, i32, i32, i32, i32, i32, i32, i32, i32)  : i32 {
      %mul3A_911 = arith.constant 8 : i32
      %mul3A_912 = arith.muli %scan3A_894, %mul3A_911 : i32
      %add3A_913 = arith.constant 0 : i32
      %add3A_914 = arith.addi %mul3A_912, %add3A_913 : i32
      %dma_wait3A_915 = arith.constant 0 : i32
      %dma_wait3A_916 = arith.constant 0 : i32
      %dma_wait3A_917 = arith.constant 0 : i32
      %dma_wait3A_918 = arith.constant 0 : i32
      %dma_wait3A_919 = tpu.memref_slice %arg11[%dma_wait3A_915, %dma_wait3A_917, %dma_wait3A_918] : memref<8x32x128xf32, #tpu.memory_space<vmem>> -> memref<1x32x128xf32, #tpu.memory_space<vmem>>
      %dma_wait3A_920 = tpu.memref_squeeze %dma_wait3A_919 : memref<1x32x128xf32, #tpu.memory_space<vmem>> -> memref<32x128xf32, #tpu.memory_space<vmem>>
      %dma_wait3A_921 = arith.constant 0 : i32
      %dma_wait3A_922 = arith.constant 0 : i32
      %dma_wait3A_923 = tpu.memref_slice %arg4[%dma_wait3A_921, %dma_wait3A_922] : memref<32x1000000xf32, #tpu.memory_space<hbm>> -> memref<32x128xf32, #tpu.memory_space<hbm>>
      %dma_wait3A_924 = tpu.memref_slice %arg16[%dma_wait3A_916] : memref<8x!tpu.dma_semaphore, #tpu.memory_space<semaphore_mem>> -> memref<1x!tpu.dma_semaphore, #tpu.memory_space<semaphore_mem>>
      %dma_wait3A_925 = tpu.memref_squeeze %dma_wait3A_924 : memref<1x!tpu.dma_semaphore, #tpu.memory_space<semaphore_mem>> -> memref<!tpu.dma_semaphore, #tpu.memory_space<semaphore_mem>>
      %dma_wait3A_926 = arith.constant 0 : i32
      %dma_wait3A_927 = arith.constant 0 : i32
      %dma_wait3A_928 = tpu.memref_slice %arg11[%dma_wait3A_915, %dma_wait3A_926, %dma_wait3A_927] : memref<8x32x128xf32, #tpu.memory_space<vmem>> -> memref<1x32x128xf32, #tpu.memory_space<vmem>>
      %dma_wait3A_929 = tpu.memref_squeeze %dma_wait3A_928 : memref<1x32x128xf32, #tpu.memory_space<vmem>> -> memref<32x128xf32, #tpu.memory_space<vmem>>
      %dma_wait3A_930 = arith.constant 0 : i32
      %dma_wait3A_931 = arith.constant 0 : i32
      %dma_wait3A_932 = tpu.memref_slice %arg4[%dma_wait3A_930, %dma_wait3A_931] : memref<32x1000000xf32, #tpu.memory_space<hbm>> -> memref<32x128xf32, #tpu.memory_space<hbm>>
      tpu.wait_dma2 semaphore(%dma_wait3A_925 : memref<!tpu.dma_semaphore, #tpu.memory_space<semaphore_mem>>) src(%dma_wait3A_932 : memref<32x128xf32, #tpu.memory_space<hbm>>) dst(%dma_wait3A_929 : memref<32x128xf32, #tpu.memory_space<vmem>>)
      %dma_wait3A_933 = arith.constant 0 : i32
      %dma_wait3A_934 = arith.constant 0 : i32
      %dma_wait3A_935 = arith.constant 0 : i32
      %dma_wait3A_936 = arith.constant 0 : i32
      %dma_wait3A_937 = tpu.memref_slice %arg12[%dma_wait3A_933, %dma_wait3A_935, %dma_wait3A_936] : memref<8x32x128xf32, #tpu.memory_space<vmem>> -> memref<1x32x128xf32, #tpu.memory_space<vmem>>
      %dma_wait3A_938 = tpu.memref_squeeze %dma_wait3A_937 : memref<1x32x128xf32, #tpu.memory_space<vmem>> -> memref<32x128xf32, #tpu.memory_space<vmem>>
      %dma_wait3A_939 = arith.constant 0 : i32
      %dma_wait3A_940 = arith.constant 0 : i32
      %dma_wait3A_941 = tpu.memref_slice %arg4[%dma_wait3A_939, %dma_wait3A_940] : memref<32x1000000xf32, #tpu.memory_space<hbm>> -> memref<32x128xf32, #tpu.memory_space<hbm>>
      %dma_wait3A_942 = tpu.memref_slice %arg17[%dma_wait3A_934] : memref<8x!tpu.dma_semaphore, #tpu.memory_space<semaphore_mem>> -> memref<1x!tpu.dma_semaphore, #tpu.memory_space<semaphore_mem>>
      %dma_wait3A_943 = tpu.memref_squeeze %dma_wait3A_942 : memref<1x!tpu.dma_semaphore, #tpu.memory_space<semaphore_mem>> -> memref<!tpu.dma_semaphore, #tpu.memory_space<semaphore_mem>>
      %dma_wait3A_944 = arith.constant 0 : i32
      %dma_wait3A_945 = arith.constant 0 : i32
      %dma_wait3A_946 = tpu.memref_slice %arg12[%dma_wait3A_933, %dma_wait3A_944, %dma_wait3A_945] : memref<8x32x128xf32, #tpu.memory_space<vmem>> -> memref<1x32x128xf32, #tpu.memory_space<vmem>>
      %dma_wait3A_947 = tpu.memref_squeeze %dma_wait3A_946 : memref<1x32x128xf32, #tpu.memory_space<vmem>> -> memref<32x128xf32, #tpu.memory_space<vmem>>
      %dma_wait3A_948 = arith.constant 0 : i32
      %dma_wait3A_949 = arith.constant 0 : i32
      %dma_wait3A_950 = tpu.memref_slice %arg4[%dma_wait3A_948, %dma_wait3A_949] : memref<32x1000000xf32, #tpu.memory_space<hbm>> -> memref<32x128xf32, #tpu.memory_space<hbm>>
      tpu.wait_dma2 semaphore(%dma_wait3A_943 : memref<!tpu.dma_semaphore, #tpu.memory_space<semaphore_mem>>) src(%dma_wait3A_950 : memref<32x128xf32, #tpu.memory_space<hbm>>) dst(%dma_wait3A_947 : memref<32x128xf32, #tpu.memory_space<vmem>>)
      %and3A = arith.constant 127 : i32
      %and3A_951 = arith.andi %scan3A_895, %and3A : i32
      %broadcast_in_dim3A_952 = vector.broadcast %and3A_951 : i32 to vector<16xi32>
      %gather3A = arith.constant 0 : i32
      %gather3A_953 = arith.constant 0 : i32
      %gather3A_954 = arith.constant 0 : i32
      %gather3A_955 = tpu.memref_slice %arg11[%gather3A, %gather3A_953, %gather3A_954] : memref<8x32x128xf32, #tpu.memory_space<vmem>> -> memref<1x32x128xf32, #tpu.memory_space<vmem>>
      %gather3A_956 = tpu.memref_squeeze %gather3A_955 : memref<1x32x128xf32, #tpu.memory_space<vmem>> -> memref<32x128xf32, #tpu.memory_space<vmem>>
      %gather3A_957 = tpu.vector_load_idx %gather3A_956[%iota3A, %broadcast_in_dim3A_952] : memref<32x128xf32, #tpu.memory_space<vmem>>[vector<16xi32>, vector<16xi32>], vector<16xf32>,
      %add3A_958 = arith.constant 16 : i32
      %add3A_959 = vector.broadcast %add3A_958 : i32 to vector<16xi32>
      %add3A_960 = arith.addi %iota3A, %add3A_959 : vector<16xi32>
      %gather3A_961 = arith.constant 0 : i32
      %gather3A_962 = arith.constant 0 : i32
      %gather3A_963 = arith.constant 0 : i32
      %gather3A_964 = tpu.memref_slice %arg11[%gather3A_961, %gather3A_962, %gather3A_963] : memref<8x32x128xf32, #tpu.memory_space<vmem>> -> memref<1x32x128xf32, #tpu.memory_space<vmem>>
      %gather3A_965 = tpu.memref_squeeze %gather3A_964 : memref<1x32x128xf32, #tpu.memory_space<vmem>> -> memref<32x128xf32, #tpu.memory_space<vmem>>
      %gather3A_966 = tpu.vector_load_idx %gather3A_965[%add3A_960, %broadcast_in_dim3A_952] : memref<32x128xf32, #tpu.memory_space<vmem>>[vector<16xi32>, vector<16xi32>], vector<16xf32>,
      %sub3A = arith.constant 999936 : i32
      %sub3A_967 = arith.subi %scan3A_895, %sub3A : i32
      %max3A = arith.constant 0 : i32
      %max3A_968 = arith.maxsi %sub3A_967, %max3A : i32
      %broadcast_in_dim3A_969 = vector.broadcast %max3A_968 : i32 to vector<16xi32>
      %ge3A = arith.constant 999936 : i32
      %ge3A_970 = arith.cmpi sge, %scan3A_895, %ge3A : i32
      %gather3A_971 = tpu.vector_load_idx %arg13[%broadcast_in_dim3A_969, %iota3A] : memref<64x128xf32, #tpu.memory_space<vmem>>[vector<16xi32>, vector<16xi32>], vector<16xf32>,
      %add3A_972 = arith.constant 16 : i32
      %add3A_973 = vector.broadcast %add3A_972 : i32 to vector<16xi32>
      %add3A_974 = arith.addi %iota3A, %add3A_973 : vector<16xi32>
      %gather3A_975 = tpu.vector_load_idx %arg13[%broadcast_in_dim3A_969, %add3A_974] : memref<64x128xf32, #tpu.memory_space<vmem>>[vector<16xi32>, vector<16xi32>], vector<16xf32>,
      %select_n3A_976 = arith.select %ge3A_970, %gather3A_971, %gather3A_957 : vector<16xf32>
      %select_n3A_977 = arith.select %ge3A_970, %gather3A_975, %gather3A_966 : vector<16xf32>
      %and3A_978 = arith.constant 127 : i32
      %and3A_979 = arith.andi %scan3A_896, %and3A_978 : i32
      %broadcast_in_dim3A_980 = vector.broadcast %and3A_979 : i32 to vector<16xi32>
      %gather3A_981 = arith.constant 0 : i32
      %gather3A_982 = arith.constant 0 : i32
      %gather3A_983 = arith.constant 0 : i32
      %gather3A_984 = tpu.memref_slice %arg12[%gather3A_981, %gather3A_982, %gather3A_983] : memref<8x32x128xf32, #tpu.memory_space<vmem>> -> memref<1x32x128xf32, #tpu.memory_space<vmem>>
      %gather3A_985 = tpu.memref_squeeze %gather3A_984 : memref<1x32x128xf32, #tpu.memory_space<vmem>> -> memref<32x128xf32, #tpu.memory_space<vmem>>
      %gather3A_986 = tpu.vector_load_idx %gather3A_985[%iota3A, %broadcast_in_dim3A_980] : memref<32x128xf32, #tpu.memory_space<vmem>>[vector<16xi32>, vector<16xi32>], vector<16xf32>,
      %add3A_987 = arith.constant 16 : i32
      %add3A_988 = vector.broadcast %add3A_987 : i32 to vector<16xi32>
      %add3A_989 = arith.addi %iota3A, %add3A_988 : vector<16xi32>
      %gather3A_990 = arith.constant 0 : i32
      %gather3A_991 = arith.constant 0 : i32
      %gather3A_992 = arith.constant 0 : i32
      %gather3A_993 = tpu.memref_slice %arg12[%gather3A_990, %gather3A_991, %gather3A_992] : memref<8x32x128xf32, #tpu.memory_space<vmem>> -> memref<1x32x128xf32, #tpu.memory_space<vmem>>
      %gather3A_994 = tpu.memref_squeeze %gather3A_993 : memref<1x32x128xf32, #tpu.memory_space<vmem>> -> memref<32x128xf32, #tpu.memory_space<vmem>>
      %gather3A_995 = tpu.vector_load_idx %gather3A_994[%add3A_989, %broadcast_in_dim3A_980] : memref<32x128xf32, #tpu.memory_space<vmem>>[vector<16xi32>, vector<16xi32>], vector<16xf32>,
      %sub3A_996 = arith.constant 999936 : i32
      %sub3A_997 = arith.subi %scan3A_896, %sub3A_996 : i32
      %max3A_998 = arith.constant 0 : i32
      %max3A_999 = arith.maxsi %sub3A_997, %max3A_998 : i32
      %broadcast_in_dim3A_1000 = vector.broadcast %max3A_999 : i32 to vector<16xi32>
      %ge3A_1001 = arith.constant 999936 : i32
      %ge3A_1002 = arith.cmpi sge, %scan3A_896, %ge3A_1001 : i32
      %gather3A_1003 = tpu.vector_load_idx %arg14[%broadcast_in_dim3A_1000, %iota3A] : memref<64x128xf32, #tpu.memory_space<vmem>>[vector<16xi32>, vector<16xi32>], vector<16xf32>,
      %add3A_1004 = arith.constant 16 : i32
      %add3A_1005 = vector.broadcast %add3A_1004 : i32 to vector<16xi32>
      %add3A_1006 = arith.addi %iota3A, %add3A_1005 : vector<16xi32>
      %gather3A_1007 = tpu.vector_load_idx %arg14[%broadcast_in_dim3A_1000, %add3A_1006] : memref<64x128xf32, #tpu.memory_space<vmem>>[vector<16xi32>, vector<16xi32>], vector<16xf32>,
      %select_n3A_1008 = arith.select %ge3A_1002, %gather3A_1003, %gather3A_986 : vector<16xf32>
      %select_n3A_1009 = arith.select %ge3A_1002, %gather3A_1007, %gather3A_995 : vector<16xf32>
      %broadcast_in_dim3A_1010 = vector.broadcast %add3A_914 : i32 to vector<16xi32>
      %mul3A_1011 = arith.mulf %select_n3A_976, %select_n3A_1008 : vector<16xf32>
      tpu.vector_store_idx %arg15[%iota3A, %broadcast_in_dim3A_1010], %mul3A_1011 : memref<32x512xf32, #tpu.memory_space<vmem>>[vector<16xi32>, vector<16xi32>], vector<16xf32>,
      %add3A_1012 = arith.constant 16 : i32
      %add3A_1013 = vector.broadcast %add3A_1012 : i32 to vector<16xi32>
      %add3A_1014 = arith.addi %iota3A, %add3A_1013 : vector<16xi32>
      %mul3A_1015 = arith.mulf %select_n3A_977, %select_n3A_1009 : vector<16xf32>
      tpu.vector_store_idx %arg15[%add3A_1014, %broadcast_in_dim3A_1010], %mul3A_1015 : memref<32x512xf32, #tpu.memory_space<vmem>>[vector<16xi32>, vector<16xi32>], vector<16xf32>,
      %add3A_1016 = arith.constant 8 : i32
      %add3A_1017 = arith.addi %add3A_914, %add3A_1016 : i32
      %min3A_1018 = arith.constant 511 : i32
      %min3A_1019 = arith.minsi %add3A_1017, %min3A_1018 : i32
      %shift_right_arithmetic3A_1020 = arith.constant 4 : i32
      %shift_right_arithmetic3A_1021 = arith.shrsi %min3A_1019, %shift_right_arithmetic3A_1020 : i32
      %mul3A_1022 = arith.constant 16 : i32
      %mul3A_1023 = arith.muli %shift_right_arithmetic3A_1021, %mul3A_1022 : i32
      %get3A_1024 = arith.index_cast %mul3A_1023 : i32 to index
      %get3A_1025 = tpu.vector_load %arg9[%get3A_1024] {strides = array<i32>} : memref<512xi32, #tpu.memory_space<vmem>>, vector<16xi32>,
      %and3A_1026 = arith.constant 15 : i32
      %and3A_1027 = arith.andi %min3A_1019, %and3A_1026 : i32
      %eq3A_1028 = vector.broadcast %and3A_1027 : i32 to vector<16xi32>
      %eq3A_1029 = arith.cmpi eq, %iota3A, %eq3A_1028 : vector<16xi32>
      %jit3A_1030 = arith.constant 0 : i32
      %broadcast_in_dim3A_1031 = vector.broadcast %jit3A_1030 : i32 to vector<16xi32>
      %select_n3A_1032 = arith.select %eq3A_1029, %get3A_1025, %broadcast_in_dim3A_1031 : vector<16xi1>, vector<16xi32>
      %reduce_max3A_1033 = arith.constant true
      %reduce_max3A_1034 = vector.broadcast %reduce_max3A_1033 : i1 to vector<16xi1>
      %reduce_max3A_1035 = arith.constant -2147483648 : i32
      %reduce_max3A_1036 = vector.broadcast %reduce_max3A_1035 : i32 to vector<16xi32>
      %reduce_max3A_1037 = arith.xori %select_n3A_1032, %reduce_max3A_1036 : vector<16xi32>
      %reduce_max3A_1038 = tpu.scan <max>, %reduce_max3A_1037 masked %reduce_max3A_1034 : vector<16xi32>, vector<16xi1> -> vector<16xi32>
      %reduce_max3A_1039 = arith.xori %reduce_max3A_1038, %reduce_max3A_1036 : vector<16xi32>
      %reduce_max3A_1040 = vector.extract %reduce_max3A_1039[15] : i32 from vector<16xi32>
      %shift_right_arithmetic3A_1041 = arith.constant 4 : i32
      %shift_right_arithmetic3A_1042 = arith.shrsi %min3A_1019, %shift_right_arithmetic3A_1041 : i32
      %mul3A_1043 = arith.constant 16 : i32
      %mul3A_1044 = arith.muli %shift_right_arithmetic3A_1042, %mul3A_1043 : i32
      %get3A_1045 = arith.index_cast %mul3A_1044 : i32 to index
      %get3A_1046 = tpu.vector_load %arg10[%get3A_1045] {strides = array<i32>} : memref<512xi32, #tpu.memory_space<vmem>>, vector<16xi32>,
      %and3A_1047 = arith.constant 15 : i32
      %and3A_1048 = arith.andi %min3A_1019, %and3A_1047 : i32
      %eq3A_1049 = vector.broadcast %and3A_1048 : i32 to vector<16xi32>
      %eq3A_1050 = arith.cmpi eq, %iota3A, %eq3A_1049 : vector<16xi32>
      %jit3A_1051 = arith.constant 0 : i32
      %broadcast_in_dim3A_1052 = vector.broadcast %jit3A_1051 : i32 to vector<16xi32>
      %select_n3A_1053 = arith.select %eq3A_1050, %get3A_1046, %broadcast_in_dim3A_1052 : vector<16xi1>, vector<16xi32>
      %reduce_max3A_1054 = arith.constant true
      %reduce_max3A_1055 = vector.broadcast %reduce_max3A_1054 : i1 to vector<16xi1>
      %reduce_max3A_1056 = arith.constant -2147483648 : i32
      %reduce_max3A_1057 = vector.broadcast %reduce_max3A_1056 : i32 to vector<16xi32>
      %reduce_max3A_1058 = arith.xori %select_n3A_1053, %reduce_max3A_1057 : vector<16xi32>
      %reduce_max3A_1059 = tpu.scan <max>, %reduce_max3A_1058 masked %reduce_max3A_1055 : vector<16xi32>, vector<16xi1> -> vector<16xi32>
      %reduce_max3A_1060 = arith.xori %reduce_max3A_1059, %reduce_max3A_1057 : vector<16xi32>
      %reduce_max3A_1061 = vector.extract %reduce_max3A_1060[15] : i32 from vector<16xi32>
      %shift_right_arithmetic3A_1062 = arith.constant 7 : i32
      %shift_right_arithmetic3A_1063 = arith.shrsi %reduce_max3A_1040, %shift_right_arithmetic3A_1062 : i32
      %min3A_1064 = arith.constant 7811 : i32
      %min3A_1065 = arith.minsi %shift_right_arithmetic3A_1063, %min3A_1064 : i32
      %shift_right_arithmetic3A_1066 = arith.constant 7 : i32
      %shift_right_arithmetic3A_1067 = arith.shrsi %reduce_max3A_1061, %shift_right_arithmetic3A_1066 : i32
      %min3A_1068 = arith.constant 7811 : i32
      %min3A_1069 = arith.minsi %shift_right_arithmetic3A_1067, %min3A_1068 : i32
      %mul3A_1070 = arith.constant 128 : i32
      %mul3A_1071 = arith.muli %min3A_1065, %mul3A_1070 : i32
      %dma_start3A_1072 = arith.constant 0 : i32
      %dma_start3A_1073 = arith.constant 0 : i32
      %dma_start3A_1074 = arith.constant 0 : i32
      %dma_start3A_1075 = arith.constant 0 : i32
      %dma_start3A_1076 = tpu.memref_slice %arg11[%dma_start3A_1072, %dma_start3A_1074, %dma_start3A_1075] : memref<8x32x128xf32, #tpu.memory_space<vmem>> -> memref<1x32x128xf32, #tpu.memory_space<vmem>>
      %dma_start3A_1077 = tpu.memref_squeeze %dma_start3A_1076 : memref<1x32x128xf32, #tpu.memory_space<vmem>> -> memref<32x128xf32, #tpu.memory_space<vmem>>
      %dma_start3A_1078 = arith.constant 0 : i32
      %dma_start3A_1079 = tpu.memref_slice %arg4[%dma_start3A_1078, %mul3A_1071] : memref<32x1000000xf32, #tpu.memory_space<hbm>> -> memref<32x128xf32, #tpu.memory_space<hbm>>
      %dma_start3A_1080 = tpu.memref_slice %arg16[%dma_start3A_1073] : memref<8x!tpu.dma_semaphore, #tpu.memory_space<semaphore_mem>> -> memref<1x!tpu.dma_semaphore, #tpu.memory_space<semaphore_mem>>
      %dma_start3A_1081 = tpu.memref_squeeze %dma_start3A_1080 : memref<1x!tpu.dma_semaphore, #tpu.memory_space<semaphore_mem>> -> memref<!tpu.dma_semaphore, #tpu.memory_space<semaphore_mem>>
      %dma_start3A_1082 = arith.constant 0 : i32
      %dma_start3A_1083 = arith.constant 0 : i32
      %dma_start3A_1084 = tpu.memref_slice %arg11[%dma_start3A_1072, %dma_start3A_1082, %dma_start3A_1083] : memref<8x32x128xf32, #tpu.memory_space<vmem>> -> memref<1x32x128xf32, #tpu.memory_space<vmem>>
      %dma_start3A_1085 = tpu.memref_squeeze %dma_start3A_1084 : memref<1x32x128xf32, #tpu.memory_space<vmem>> -> memref<32x128xf32, #tpu.memory_space<vmem>>
      %dma_start3A_1086 = arith.constant 0 : i32
      %dma_start3A_1087 = tpu.memref_slice %arg4[%dma_start3A_1086, %mul3A_1071] : memref<32x1000000xf32, #tpu.memory_space<hbm>> -> memref<32x128xf32, #tpu.memory_space<hbm>>
      tpu.enqueue_dma source(%dma_start3A_1087 : memref<32x128xf32, #tpu.memory_space<hbm>>) target(%dma_start3A_1085 : memref<32x128xf32, #tpu.memory_space<vmem>>) target_semaphore(%dma_start3A_1081 : memref<!tpu.dma_semaphore, #tpu.memory_space<semaphore_mem>>)
      %mul3A_1088 = arith.constant 128 : i32
      %mul3A_1089 = arith.muli %min3A_1069, %mul3A_1088 : i32
      %dma_start3A_1090 = arith.constant 0 : i32
      %dma_start3A_1091 = arith.constant 0 : i32
      %dma_start3A_1092 = arith.constant 0 : i32
      %dma_start3A_1093 = arith.constant 0 : i32
      %dma_start3A_1094 = tpu.memref_slice %arg12[%dma_start3A_1090, %dma_start3A_1092, %dma_start3A_1093] : memref<8x32x128xf32, #tpu.memory_space<vmem>> -> memref<1x32x128xf32, #tpu.memory_space<vmem>>
      %dma_start3A_1095 = tpu.memref_squeeze %dma_start3A_1094 : memref<1x32x128xf32, #tpu.memory_space<vmem>> -> memref<32x128xf32, #tpu.memory_space<vmem>>
      %dma_start3A_1096 = arith.constant 0 : i32
      %dma_start3A_1097 = tpu.memref_slice %arg5[%dma_start3A_1096, %mul3A_1089] : memref<32x1000000xf32, #tpu.memory_space<hbm>> -> memref<32x128xf32, #tpu.memory_space<hbm>>
      %dma_start3A_1098 = tpu.memref_slice %arg17[%dma_start3A_1091] : memref<8x!tpu.dma_semaphore, #tpu.memory_space<semaphore_mem>> -> memref<1x!tpu.dma_semaphore, #tpu.memory_space<semaphore_mem>>
      %dma_start3A_1099 = tpu.memref_squeeze %dma_start3A_1098 : memref<1x!tpu.dma_semaphore, #tpu.memory_space<semaphore_mem>> -> memref<!tpu.dma_semaphore, #tpu.memory_space<semaphore_mem>>
      %dma_start3A_1100 = arith.constant 0 : i32
      %dma_start3A_1101 = arith.constant 0 : i32
      %dma_start3A_1102 = tpu.memref_slice %arg12[%dma_start3A_1090, %dma_start3A_1100, %dma_start3A_1101] : memref<8x32x128xf32, #tpu.memory_space<vmem>> -> memref<1x32x128xf32, #tpu.memory_space<vmem>>
      %dma_start3A_1103 = tpu.memref_squeeze %dma_start3A_1102 : memref<1x32x128xf32, #tpu.memory_space<vmem>> -> memref<32x128xf32, #tpu.memory_space<vmem>>
      %dma_start3A_1104 = arith.constant 0 : i32
      %dma_start3A_1105 = tpu.memref_slice %arg5[%dma_start3A_1104, %mul3A_1089] : memref<32x1000000xf32, #tpu.memory_space<hbm>> -> memref<32x128xf32, #tpu.memory_space<hbm>>
      tpu.enqueue_dma source(%dma_start3A_1105 : memref<32x128xf32, #tpu.memory_space<hbm>>) target(%dma_start3A_1103 : memref<32x128xf32, #tpu.memory_space<vmem>>) target_semaphore(%dma_start3A_1099 : memref<!tpu.dma_semaphore, #tpu.memory_space<semaphore_mem>>)
      %mul3A_1106 = arith.constant 8 : i32
      %mul3A_1107 = arith.muli %scan3A_894, %mul3A_1106 : i32
      %add3A_1108 = arith.constant 1 : i32
      %add3A_1109 = arith.addi %mul3A_1107, %add3A_1108 : i32
      %dma_wait3A_1110 = arith.constant 1 : i32
      %dma_wait3A_1111 = arith.constant 1 : i32
      %dma_wait3A_1112 = arith.constant 0 : i32
      %dma_wait3A_1113 = arith.constant 0 : i32
      %dma_wait3A_1114 = tpu.memref_slice %arg11[%dma_wait3A_1110, %dma_wait3A_1112, %dma_wait3A_1113] : memref<8x32x128xf32, #tpu.memory_space<vmem>> -> memref<1x32x128xf32, #tpu.memory_space<vmem>>
      %dma_wait3A_1115 = tpu.memref_squeeze %dma_wait3A_1114 : memref<1x32x128xf32, #tpu.memory_space<vmem>> -> memref<32x128xf32, #tpu.memory_space<vmem>>
      %dma_wait3A_1116 = arith.constant 0 : i32
      %dma_wait3A_1117 = arith.constant 0 : i32
      %dma_wait3A_1118 = tpu.memref_slice %arg4[%dma_wait3A_1116, %dma_wait3A_1117] : memref<32x1000000xf32, #tpu.memory_space<hbm>> -> memref<32x128xf32, #tpu.memory_space<hbm>>
      %dma_wait3A_1119 = tpu.memref_slice %arg16[%dma_wait3A_1111] : memref<8x!tpu.dma_semaphore, #tpu.memory_space<semaphore_mem>> -> memref<1x!tpu.dma_semaphore, #tpu.memory_space<semaphore_mem>>
      %dma_wait3A_1120 = tpu.memref_squeeze %dma_wait3A_1119 : memref<1x!tpu.dma_semaphore, #tpu.memory_space<semaphore_mem>> -> memref<!tpu.dma_semaphore, #tpu.memory_space<semaphore_mem>>
      %dma_wait3A_1121 = arith.constant 0 : i32
      %dma_wait3A_1122 = arith.constant 0 : i32
      %dma_wait3A_1123 = tpu.memref_slice %arg11[%dma_wait3A_1110, %dma_wait3A_1121, %dma_wait3A_1122] : memref<8x32x128xf32, #tpu.memory_space<vmem>> -> memref<1x32x128xf32, #tpu.memory_space<vmem>>
      %dma_wait3A_1124 = tpu.memref_squeeze %dma_wait3A_1123 : memref<1x32x128xf32, #tpu.memory_space<vmem>> -> memref<32x128xf32, #tpu.memory_space<vmem>>
      %dma_wait3A_1125 = arith.constant 0 : i32
      %dma_wait3A_1126 = arith.constant 0 : i32
      %dma_wait3A_1127 = tpu.memref_slice %arg4[%dma_wait3A_1125, %dma_wait3A_1126] : memref<32x1000000xf32, #tpu.memory_space<hbm>> -> memref<32x128xf32, #tpu.memory_space<hbm>>
      tpu.wait_dma2 semaphore(%dma_wait3A_1120 : memref<!tpu.dma_semaphore, #tpu.memory_space<semaphore_mem>>) src(%dma_wait3A_1127 : memref<32x128xf32, #tpu.memory_space<hbm>>) dst(%dma_wait3A_1124 : memref<32x128xf32, #tpu.memory_space<vmem>>)
      %dma_wait3A_1128 = arith.constant 1 : i32
      %dma_wait3A_1129 = arith.constant 1 : i32
      %dma_wait3A_1130 = arith.constant 0 : i32
      %dma_wait3A_1131 = arith.constant 0 : i32
      %dma_wait3A_1132 = tpu.memref_slice %arg12[%dma_wait3A_1128, %dma_wait3A_1130, %dma_wait3A_1131] : memref<8x32x128xf32, #tpu.memory_space<vmem>> -> memref<1x32x128xf32, #tpu.memory_space<vmem>>
      %dma_wait3A_1133 = tpu.memref_squeeze %dma_wait3A_1132 : memref<1x32x128xf32, #tpu.memory_space<vmem>> -> memref<32x128xf32, #tpu.memory_space<vmem>>
      %dma_wait3A_1134 = arith.constant 0 : i32
      %dma_wait3A_1135 = arith.constant 0 : i32
      %dma_wait3A_1136 = tpu.memref_slice %arg4[%dma_wait3A_1134, %dma_wait3A_1135] : memref<32x1000000xf32, #tpu.memory_space<hbm>> -> memref<32x128xf32, #tpu.memory_space<hbm>>
      %dma_wait3A_1137 = tpu.memref_slice %arg17[%dma_wait3A_1129] : memref<8x!tpu.dma_semaphore, #tpu.memory_space<semaphore_mem>> -> memref<1x!tpu.dma_semaphore, #tpu.memory_space<semaphore_mem>>
      %dma_wait3A_1138 = tpu.memref_squeeze %dma_wait3A_1137 : memref<1x!tpu.dma_semaphore, #tpu.memory_space<semaphore_mem>> -> memref<!tpu.dma_semaphore, #tpu.memory_space<semaphore_mem>>
      %dma_wait3A_1139 = arith.constant 0 : i32
      %dma_wait3A_1140 = arith.constant 0 : i32
      %dma_wait3A_1141 = tpu.memref_slice %arg12[%dma_wait3A_1128, %dma_wait3A_1139, %dma_wait3A_1140] : memref<8x32x128xf32, #tpu.memory_space<vmem>> -> memref<1x32x128xf32, #tpu.memory_space<vmem>>
      %dma_wait3A_1142 = tpu.memref_squeeze %dma_wait3A_1141 : memref<1x32x128xf32, #tpu.memory_space<vmem>> -> memref<32x128xf32, #tpu.memory_space<vmem>>
      %dma_wait3A_1143 = arith.constant 0 : i32
      %dma_wait3A_1144 = arith.constant 0 : i32
      %dma_wait3A_1145 = tpu.memref_slice %arg4[%dma_wait3A_1143, %dma_wait3A_1144] : memref<32x1000000xf32, #tpu.memory_space<hbm>> -> memref<32x128xf32, #tpu.memory_space<hbm>>
      tpu.wait_dma2 semaphore(%dma_wait3A_1138 : memref<!tpu.dma_semaphore, #tpu.memory_space<semaphore_mem>>) src(%dma_wait3A_1145 : memref<32x128xf32, #tpu.memory_space<hbm>>) dst(%dma_wait3A_1142 : memref<32x128xf32, #tpu.memory_space<vmem>>)
      %and3A_1146 = arith.constant 127 : i32
      %and3A_1147 = arith.andi %scan3A_897, %and3A_1146 : i32
      %broadcast_in_dim3A_1148 = vector.broadcast %and3A_1147 : i32 to vector<16xi32>
      %gather3A_1149 = arith.constant 1 : i32
      %gather3A_1150 = arith.constant 0 : i32
      %gather3A_1151 = arith.constant 0 : i32
      %gather3A_1152 = tpu.memref_slice %arg11[%gather3A_1149, %gather3A_1150, %gather3A_1151] : memref<8x32x128xf32, #tpu.memory_space<vmem>> -> memref<1x32x128xf32, #tpu.memory_space<vmem>>
      %gather3A_1153 = tpu.memref_squeeze %gather3A_1152 : memref<1x32x128xf32, #tpu.memory_space<vmem>> -> memref<32x128xf32, #tpu.memory_space<vmem>>
      %gather3A_1154 = tpu.vector_load_idx %gather3A_1153[%iota3A, %broadcast_in_dim3A_1148] : memref<32x128xf32, #tpu.memory_space<vmem>>[vector<16xi32>, vector<16xi32>], vector<16xf32>,
      %add3A_1155 = arith.constant 16 : i32
      %add3A_1156 = vector.broadcast %add3A_1155 : i32 to vector<16xi32>
      %add3A_1157 = arith.addi %iota3A, %add3A_1156 : vector<16xi32>
      %gather3A_1158 = arith.constant 1 : i32
      %gather3A_1159 = arith.constant 0 : i32
      %gather3A_1160 = arith.constant 0 : i32
      %gather3A_1161 = tpu.memref_slice %arg11[%gather3A_1158, %gather3A_1159, %gather3A_1160] : memref<8x32x128xf32, #tpu.memory_space<vmem>> -> memref<1x32x128xf32, #tpu.memory_space<vmem>>
      %gather3A_1162 = tpu.memref_squeeze %gather3A_1161 : memref<1x32x128xf32, #tpu.memory_space<vmem>> -> memref<32x128xf32, #tpu.memory_space<vmem>>
      %gather3A_1163 = tpu.vector_load_idx %gather3A_1162[%add3A_1157, %broadcast_in_dim3A_1148] : memref<32x128xf32, #tpu.memory_space<vmem>>[vector<16xi32>, vector<16xi32>], vector<16xf32>,
      %sub3A_1164 = arith.constant 999936 : i32
      %sub3A_1165 = arith.subi %scan3A_897, %sub3A_1164 : i32
      %max3A_1166 = arith.constant 0 : i32
      %max3A_1167 = arith.maxsi %sub3A_1165, %max3A_1166 : i32
      %broadcast_in_dim3A_1168 = vector.broadcast %max3A_1167 : i32 to vector<16xi32>
      %ge3A_1169 = arith.constant 999936 : i32
      %ge3A_1170 = arith.cmpi sge, %scan3A_897, %ge3A_1169 : i32
      %gather3A_1171 = tpu.vector_load_idx %arg13[%broadcast_in_dim3A_1168, %iota3A] : memref<64x128xf32, #tpu.memory_space<vmem>>[vector<16xi32>, vector<16xi32>], vector<16xf32>,
      %add3A_1172 = arith.constant 16 : i32
      %add3A_1173 = vector.broadcast %add3A_1172 : i32 to vector<16xi32>
      %add3A_1174 = arith.addi %iota3A, %add3A_1173 : vector<16xi32>
      %gather3A_1175 = tpu.vector_load_idx %arg13[%broadcast_in_dim3A_1168, %add3A_1174] : memref<64x128xf32, #tpu.memory_space<vmem>>[vector<16xi32>, vector<16xi32>], vector<16xf32>,
      %select_n3A_1176 = arith.select %ge3A_1170, %gather3A_1171, %gather3A_1154 : vector<16xf32>
      %select_n3A_1177 = arith.select %ge3A_1170, %gather3A_1175, %gather3A_1163 : vector<16xf32>
      %and3A_1178 = arith.constant 127 : i32
      %and3A_1179 = arith.andi %scan3A_898, %and3A_1178 : i32
      %broadcast_in_dim3A_1180 = vector.broadcast %and3A_1179 : i32 to vector<16xi32>
      %gather3A_1181 = arith.constant 1 : i32
      %gather3A_1182 = arith.constant 0 : i32
      %gather3A_1183 = arith.constant 0 : i32
      %gather3A_1184 = tpu.memref_slice %arg12[%gather3A_1181, %gather3A_1182, %gather3A_1183] : memref<8x32x128xf32, #tpu.memory_space<vmem>> -> memref<1x32x128xf32, #tpu.memory_space<vmem>>
      %gather3A_1185 = tpu.memref_squeeze %gather3A_1184 : memref<1x32x128xf32, #tpu.memory_space<vmem>> -> memref<32x128xf32, #tpu.memory_space<vmem>>
      %gather3A_1186 = tpu.vector_load_idx %gather3A_1185[%iota3A, %broadcast_in_dim3A_1180] : memref<32x128xf32, #tpu.memory_space<vmem>>[vector<16xi32>, vector<16xi32>], vector<16xf32>,
      %add3A_1187 = arith.constant 16 : i32
      %add3A_1188 = vector.broadcast %add3A_1187 : i32 to vector<16xi32>
      %add3A_1189 = arith.addi %iota3A, %add3A_1188 : vector<16xi32>
      %gather3A_1190 = arith.constant 1 : i32
      %gather3A_1191 = arith.constant 0 : i32
      %gather3A_1192 = arith.constant 0 : i32
      %gather3A_1193 = tpu.memref_slice %arg12[%gather3A_1190, %gather3A_1191, %gather3A_1192] : memref<8x32x128xf32, #tpu.memory_space<vmem>> -> memref<1x32x128xf32, #tpu.memory_space<vmem>>
      %gather3A_1194 = tpu.memref_squeeze %gather3A_1193 : memref<1x32x128xf32, #tpu.memory_space<vmem>> -> memref<32x128xf32, #tpu.memory_space<vmem>>
      %gather3A_1195 = tpu.vector_load_idx %gather3A_1194[%add3A_1189, %broadcast_in_dim3A_1180] : memref<32x128xf32, #tpu.memory_space<vmem>>[vector<16xi32>, vector<16xi32>], vector<16xf32>,
      %sub3A_1196 = arith.constant 999936 : i32
      %sub3A_1197 = arith.subi %scan3A_898, %sub3A_1196 : i32
      %max3A_1198 = arith.constant 0 : i32
      %max3A_1199 = arith.maxsi %sub3A_1197, %max3A_1198 : i32
      %broadcast_in_dim3A_1200 = vector.broadcast %max3A_1199 : i32 to vector<16xi32>
      %ge3A_1201 = arith.constant 999936 : i32
      %ge3A_1202 = arith.cmpi sge, %scan3A_898, %ge3A_1201 : i32
      %gather3A_1203 = tpu.vector_load_idx %arg14[%broadcast_in_dim3A_1200, %iota3A] : memref<64x128xf32, #tpu.memory_space<vmem>>[vector<16xi32>, vector<16xi32>], vector<16xf32>,
      %add3A_1204 = arith.constant 16 : i32
      %add3A_1205 = vector.broadcast %add3A_1204 : i32 to vector<16xi32>
      %add3A_1206 = arith.addi %iota3A, %add3A_1205 : vector<16xi32>
      %gather3A_1207 = tpu.vector_load_idx %arg14[%broadcast_in_dim3A_1200, %add3A_1206] : memref<64x128xf32, #tpu.memory_space<vmem>>[vector<16xi32>, vector<16xi32>], vector<16xf32>,
      %select_n3A_1208 = arith.select %ge3A_1202, %gather3A_1203, %gather3A_1186 : vector<16xf32>
      %select_n3A_1209 = arith.select %ge3A_1202, %gather3A_1207, %gather3A_1195 : vector<16xf32>
      %broadcast_in_dim3A_1210 = vector.broadcast %add3A_1109 : i32 to vector<16xi32>
      %mul3A_1211 = arith.mulf %select_n3A_1176, %select_n3A_1208 : vector<16xf32>
      tpu.vector_store_idx %arg15[%iota3A, %broadcast_in_dim3A_1210], %mul3A_1211 : memref<32x512xf32, #tpu.memory_space<vmem>>[vector<16xi32>, vector<16xi32>], vector<16xf32>,
      %add3A_1212 = arith.constant 16 : i32
      %add3A_1213 = vector.broadcast %add3A_1212 : i32 to vector<16xi32>
      %add3A_1214 = arith.addi %iota3A, %add3A_1213 : vector<16xi32>
      %mul3A_1215 = arith.mulf %select_n3A_1177, %select_n3A_1209 : vector<16xf32>
      tpu.vector_store_idx %arg15[%add3A_1214, %broadcast_in_dim3A_1210], %mul3A_1215 : memref<32x512xf32, #tpu.memory_space<vmem>>[vector<16xi32>, vector<16xi32>], vector<16xf32>,
      %add3A_1216 = arith.constant 8 : i32
      %add3A_1217 = arith.addi %add3A_1109, %add3A_1216 : i32
      %min3A_1218 = arith.constant 511 : i32
      %min3A_1219 = arith.minsi %add3A_1217, %min3A_1218 : i32
      %shift_right_arithmetic3A_1220 = arith.constant 4 : i32
      %shift_right_arithmetic3A_1221 = arith.shrsi %min3A_1219, %shift_right_arithmetic3A_1220 : i32
      %mul3A_1222 = arith.constant 16 : i32
      %mul3A_1223 = arith.muli %shift_right_arithmetic3A_1221, %mul3A_1222 : i32
      %get3A_1224 = arith.index_cast %mul3A_1223 : i32 to index
      %get3A_1225 = tpu.vector_load %arg9[%get3A_1224] {strides = array<i32>} : memref<512xi32, #tpu.memory_space<vmem>>, vector<16xi32>,
      %and3A_1226 = arith.constant 15 : i32
      %and3A_1227 = arith.andi %min3A_1219, %and3A_1226 : i32
      %eq3A_1228 = vector.broadcast %and3A_1227 : i32 to vector<16xi32>
      %eq3A_1229 = arith.cmpi eq, %iota3A, %eq3A_1228 : vector<16xi32>
      %jit3A_1230 = arith.constant 0 : i32
      %broadcast_in_dim3A_1231 = vector.broadcast %jit3A_1230 : i32 to vector<16xi32>
      %select_n3A_1232 = arith.select %eq3A_1229, %get3A_1225, %broadcast_in_dim3A_1231 : vector<16xi1>, vector<16xi32>
      %reduce_max3A_1233 = arith.constant true
      %reduce_max3A_1234 = vector.broadcast %reduce_max3A_1233 : i1 to vector<16xi1>
      %reduce_max3A_1235 = arith.constant -2147483648 : i32
      %reduce_max3A_1236 = vector.broadcast %reduce_max3A_1235 : i32 to vector<16xi32>
      %reduce_max3A_1237 = arith.xori %select_n3A_1232, %reduce_max3A_1236 : vector<16xi32>
      %reduce_max3A_1238 = tpu.scan <max>, %reduce_max3A_1237 masked %reduce_max3A_1234 : vector<16xi32>, vector<16xi1> -> vector<16xi32>
      %reduce_max3A_1239 = arith.xori %reduce_max3A_1238, %reduce_max3A_1236 : vector<16xi32>
      %reduce_max3A_1240 = vector.extract %reduce_max3A_1239[15] : i32 from vector<16xi32>
      %shift_right_arithmetic3A_1241 = arith.constant 4 : i32
      %shift_right_arithmetic3A_1242 = arith.shrsi %min3A_1219, %shift_right_arithmetic3A_1241 : i32
      %mul3A_1243 = arith.constant 16 : i32
      %mul3A_1244 = arith.muli %shift_right_arithmetic3A_1242, %mul3A_1243 : i32
      %get3A_1245 = arith.index_cast %mul3A_1244 : i32 to index
      %get3A_1246 = tpu.vector_load %arg10[%get3A_1245] {strides = array<i32>} : memref<512xi32, #tpu.memory_space<vmem>>, vector<16xi32>,
      %and3A_1247 = arith.constant 15 : i32
      %and3A_1248 = arith.andi %min3A_1219, %and3A_1247 : i32
      %eq3A_1249 = vector.broadcast %and3A_1248 : i32 to vector<16xi32>
      %eq3A_1250 = arith.cmpi eq, %iota3A, %eq3A_1249 : vector<16xi32>
      %jit3A_1251 = arith.constant 0 : i32
      %broadcast_in_dim3A_1252 = vector.broadcast %jit3A_1251 : i32 to vector<16xi32>
      %select_n3A_1253 = arith.select %eq3A_1250, %get3A_1246, %broadcast_in_dim3A_1252 : vector<16xi1>, vector<16xi32>
      %reduce_max3A_1254 = arith.constant true
      %reduce_max3A_1255 = vector.broadcast %reduce_max3A_1254 : i1 to vector<16xi1>
      %reduce_max3A_1256 = arith.constant -2147483648 : i32
      %reduce_max3A_1257 = vector.broadcast %reduce_max3A_1256 : i32 to vector<16xi32>
      %reduce_max3A_1258 = arith.xori %select_n3A_1253, %reduce_max3A_1257 : vector<16xi32>
      %reduce_max3A_1259 = tpu.scan <max>, %reduce_max3A_1258 masked %reduce_max3A_1255 : vector<16xi32>, vector<16xi1> -> vector<16xi32>
      %reduce_max3A_1260 = arith.xori %reduce_max3A_1259, %reduce_max3A_1257 : vector<16xi32>
      %reduce_max3A_1261 = vector.extract %reduce_max3A_1260[15] : i32 from vector<16xi32>
      %shift_right_arithmetic3A_1262 = arith.constant 7 : i32
      %shift_right_arithmetic3A_1263 = arith.shrsi %reduce_max3A_1240, %shift_right_arithmetic3A_1262 : i32
      %min3A_1264 = arith.constant 7811 : i32
      %min3A_1265 = arith.minsi %shift_right_arithmetic3A_1263, %min3A_1264 : i32
      %shift_right_arithmetic3A_1266 = arith.constant 7 : i32
      %shift_right_arithmetic3A_1267 = arith.shrsi %reduce_max3A_1261, %shift_right_arithmetic3A_1266 : i32
      %min3A_1268 = arith.constant 7811 : i32
      %min3A_1269 = arith.minsi %shift_right_arithmetic3A_1267, %min3A_1268 : i32
      %mul3A_1270 = arith.constant 128 : i32
      %mul3A_1271 = arith.muli %min3A_1265, %mul3A_1270 : i32
      %dma_start3A_1272 = arith.constant 1 : i32
      %dma_start3A_1273 = arith.constant 1 : i32
      %dma_start3A_1274 = arith.constant 0 : i32
      %dma_start3A_1275 = arith.constant 0 : i32
      %dma_start3A_1276 = tpu.memref_slice %arg11[%dma_start3A_1272, %dma_start3A_1274, %dma_start3A_1275] : memref<8x32x128xf32, #tpu.memory_space<vmem>> -> memref<1x32x128xf32, #tpu.memory_space<vmem>>
      %dma_start3A_1277 = tpu.memref_squeeze %dma_start3A_1276 : memref<1x32x128xf32, #tpu.memory_space<vmem>> -> memref<32x128xf32, #tpu.memory_space<vmem>>
      %dma_start3A_1278 = arith.constant 0 : i32
      %dma_start3A_1279 = tpu.memref_slice %arg4[%dma_start3A_1278, %mul3A_1271] : memref<32x1000000xf32, #tpu.memory_space<hbm>> -> memref<32x128xf32, #tpu.memory_space<hbm>>
      %dma_start3A_1280 = tpu.memref_slice %arg16[%dma_start3A_1273] : memref<8x!tpu.dma_semaphore, #tpu.memory_space<semaphore_mem>> -> memref<1x!tpu.dma_semaphore, #tpu.memory_space<semaphore_mem>>
      %dma_start3A_1281 = tpu.memref_squeeze %dma_start3A_1280 : memref<1x!tpu.dma_semaphore, #tpu.memory_space<semaphore_mem>> -> memref<!tpu.dma_semaphore, #tpu.memory_space<semaphore_mem>>
      %dma_start3A_1282 = arith.constant 0 : i32
      %dma_start3A_1283 = arith.constant 0 : i32
      %dma_start3A_1284 = tpu.memref_slice %arg11[%dma_start3A_1272, %dma_start3A_1282, %dma_start3A_1283] : memref<8x32x128xf32, #tpu.memory_space<vmem>> -> memref<1x32x128xf32, #tpu.memory_space<vmem>>
      %dma_start3A_1285 = tpu.memref_squeeze %dma_start3A_1284 : memref<1x32x128xf32, #tpu.memory_space<vmem>> -> memref<32x128xf32, #tpu.memory_space<vmem>>
      %dma_start3A_1286 = arith.constant 0 : i32
      %dma_start3A_1287 = tpu.memref_slice %arg4[%dma_start3A_1286, %mul3A_1271] : memref<32x1000000xf32, #tpu.memory_space<hbm>> -> memref<32x128xf32, #tpu.memory_space<hbm>>
      tpu.enqueue_dma source(%dma_start3A_1287 : memref<32x128xf32, #tpu.memory_space<hbm>>) target(%dma_start3A_1285 : memref<32x128xf32, #tpu.memory_space<vmem>>) target_semaphore(%dma_start3A_1281 : memref<!tpu.dma_semaphore, #tpu.memory_space<semaphore_mem>>)
      %mul3A_1288 = arith.constant 128 : i32
      %mul3A_1289 = arith.muli %min3A_1269, %mul3A_1288 : i32
      %dma_start3A_1290 = arith.constant 1 : i32
      %dma_start3A_1291 = arith.constant 1 : i32
      %dma_start3A_1292 = arith.constant 0 : i32
      %dma_start3A_1293 = arith.constant 0 : i32
      %dma_start3A_1294 = tpu.memref_slice %arg12[%dma_start3A_1290, %dma_start3A_1292, %dma_start3A_1293] : memref<8x32x128xf32, #tpu.memory_space<vmem>> -> memref<1x32x128xf32, #tpu.memory_space<vmem>>
      %dma_start3A_1295 = tpu.memref_squeeze %dma_start3A_1294 : memref<1x32x128xf32, #tpu.memory_space<vmem>> -> memref<32x128xf32, #tpu.memory_space<vmem>>
      %dma_start3A_1296 = arith.constant 0 : i32
      %dma_start3A_1297 = tpu.memref_slice %arg5[%dma_start3A_1296, %mul3A_1289] : memref<32x1000000xf32, #tpu.memory_space<hbm>> -> memref<32x128xf32, #tpu.memory_space<hbm>>
      %dma_start3A_1298 = tpu.memref_slice %arg17[%dma_start3A_1291] : memref<8x!tpu.dma_semaphore, #tpu.memory_space<semaphore_mem>> -> memref<1x!tpu.dma_semaphore, #tpu.memory_space<semaphore_mem>>
      %dma_start3A_1299 = tpu.memref_squeeze %dma_start3A_1298 : memref<1x!tpu.dma_semaphore, #tpu.memory_space<semaphore_mem>> -> memref<!tpu.dma_semaphore, #tpu.memory_space<semaphore_mem>>
      %dma_start3A_1300 = arith.constant 0 : i32
      %dma_start3A_1301 = arith.constant 0 : i32
      %dma_start3A_1302 = tpu.memref_slice %arg12[%dma_start3A_1290, %dma_start3A_1300, %dma_start3A_1301] : memref<8x32x128xf32, #tpu.memory_space<vmem>> -> memref<1x32x128xf32, #tpu.memory_space<vmem>>
      %dma_start3A_1303 = tpu.memref_squeeze %dma_start3A_1302 : memref<1x32x128xf32, #tpu.memory_space<vmem>> -> memref<32x128xf32, #tpu.memory_space<vmem>>
      %dma_start3A_1304 = arith.constant 0 : i32
      %dma_start3A_1305 = tpu.memref_slice %arg5[%dma_start3A_1304, %mul3A_1289] : memref<32x1000000xf32, #tpu.memory_space<hbm>> -> memref<32x128xf32, #tpu.memory_space<hbm>>
      tpu.enqueue_dma source(%dma_start3A_1305 : memref<32x128xf32, #tpu.memory_space<hbm>>) target(%dma_start3A_1303 : memref<32x128xf32, #tpu.memory_space<vmem>>) target_semaphore(%dma_start3A_1299 : memref<!tpu.dma_semaphore, #tpu.memory_space<semaphore_mem>>)
      %mul3A_1306 = arith.constant 8 : i32
      %mul3A_1307 = arith.muli %scan3A_894, %mul3A_1306 : i32
      %add3A_1308 = arith.constant 2 : i32
      %add3A_1309 = arith.addi %mul3A_1307, %add3A_1308 : i32
      %dma_wait3A_1310 = arith.constant 2 : i32
      %dma_wait3A_1311 = arith.constant 2 : i32
      %dma_wait3A_1312 = arith.constant 0 : i32
      %dma_wait3A_1313 = arith.constant 0 : i32
      %dma_wait3A_1314 = tpu.memref_slice %arg11[%dma_wait3A_1310, %dma_wait3A_1312, %dma_wait3A_1313] : memref<8x32x128xf32, #tpu.memory_space<vmem>> -> memref<1x32x128xf32, #tpu.memory_space<vmem>>
      %dma_wait3A_1315 = tpu.memref_squeeze %dma_wait3A_1314 : memref<1x32x128xf32, #tpu.memory_space<vmem>> -> memref<32x128xf32, #tpu.memory_space<vmem>>
      %dma_wait3A_1316 = arith.constant 0 : i32
      %dma_wait3A_1317 = arith.constant 0 : i32
      %dma_wait3A_1318 = tpu.memref_slice %arg4[%dma_wait3A_1316, %dma_wait3A_1317] : memref<32x1000000xf32, #tpu.memory_space<hbm>> -> memref<32x128xf32, #tpu.memory_space<hbm>>
      %dma_wait3A_1319 = tpu.memref_slice %arg16[%dma_wait3A_1311] : memref<8x!tpu.dma_semaphore, #tpu.memory_space<semaphore_mem>> -> memref<1x!tpu.dma_semaphore, #tpu.memory_space<semaphore_mem>>
      %dma_wait3A_1320 = tpu.memref_squeeze %dma_wait3A_1319 : memref<1x!tpu.dma_semaphore, #tpu.memory_space<semaphore_mem>> -> memref<!tpu.dma_semaphore, #tpu.memory_space<semaphore_mem>>
      %dma_wait3A_1321 = arith.constant 0 : i32
      %dma_wait3A_1322 = arith.constant 0 : i32
      %dma_wait3A_1323 = tpu.memref_slice %arg11[%dma_wait3A_1310, %dma_wait3A_1321, %dma_wait3A_1322] : memref<8x32x128xf32, #tpu.memory_space<vmem>> -> memref<1x32x128xf32, #tpu.memory_space<vmem>>
      %dma_wait3A_1324 = tpu.memref_squeeze %dma_wait3A_1323 : memref<1x32x128xf32, #tpu.memory_space<vmem>> -> memref<32x128xf32, #tpu.memory_space<vmem>>
      %dma_wait3A_1325 = arith.constant 0 : i32
      %dma_wait3A_1326 = arith.constant 0 : i32
      %dma_wait3A_1327 = tpu.memref_slice %arg4[%dma_wait3A_1325, %dma_wait3A_1326] : memref<32x1000000xf32, #tpu.memory_space<hbm>> -> memref<32x128xf32, #tpu.memory_space<hbm>>
      tpu.wait_dma2 semaphore(%dma_wait3A_1320 : memref<!tpu.dma_semaphore, #tpu.memory_space<semaphore_mem>>) src(%dma_wait3A_1327 : memref<32x128xf32, #tpu.memory_space<hbm>>) dst(%dma_wait3A_1324 : memref<32x128xf32, #tpu.memory_space<vmem>>)
      %dma_wait3A_1328 = arith.constant 2 : i32
      %dma_wait3A_1329 = arith.constant 2 : i32
      %dma_wait3A_1330 = arith.constant 0 : i32
      %dma_wait3A_1331 = arith.constant 0 : i32
      %dma_wait3A_1332 = tpu.memref_slice %arg12[%dma_wait3A_1328, %dma_wait3A_1330, %dma_wait3A_1331] : memref<8x32x128xf32, #tpu.memory_space<vmem>> -> memref<1x32x128xf32, #tpu.memory_space<vmem>>
      %dma_wait3A_1333 = tpu.memref_squeeze %dma_wait3A_1332 : memref<1x32x128xf32, #tpu.memory_space<vmem>> -> memref<32x128xf32, #tpu.memory_space<vmem>>
      %dma_wait3A_1334 = arith.constant 0 : i32
      %dma_wait3A_1335 = arith.constant 0 : i32
      %dma_wait3A_1336 = tpu.memref_slice %arg4[%dma_wait3A_1334, %dma_wait3A_1335] : memref<32x1000000xf32, #tpu.memory_space<hbm>> -> memref<32x128xf32, #tpu.memory_space<hbm>>
      %dma_wait3A_1337 = tpu.memref_slice %arg17[%dma_wait3A_1329] : memref<8x!tpu.dma_semaphore, #tpu.memory_space<semaphore_mem>> -> memref<1x!tpu.dma_semaphore, #tpu.memory_space<semaphore_mem>>
      %dma_wait3A_1338 = tpu.memref_squeeze %dma_wait3A_1337 : memref<1x!tpu.dma_semaphore, #tpu.memory_space<semaphore_mem>> -> memref<!tpu.dma_semaphore, #tpu.memory_space<semaphore_mem>>
      %dma_wait3A_1339 = arith.constant 0 : i32
      %dma_wait3A_1340 = arith.constant 0 : i32
      %dma_wait3A_1341 = tpu.memref_slice %arg12[%dma_wait3A_1328, %dma_wait3A_1339, %dma_wait3A_1340] : memref<8x32x128xf32, #tpu.memory_space<vmem>> -> memref<1x32x128xf32, #tpu.memory_space<vmem>>
      %dma_wait3A_1342 = tpu.memref_squeeze %dma_wait3A_1341 : memref<1x32x128xf32, #tpu.memory_space<vmem>> -> memref<32x128xf32, #tpu.memory_space<vmem>>
      %dma_wait3A_1343 = arith.constant 0 : i32
      %dma_wait3A_1344 = arith.constant 0 : i32
      %dma_wait3A_1345 = tpu.memref_slice %arg4[%dma_wait3A_1343, %dma_wait3A_1344] : memref<32x1000000xf32, #tpu.memory_space<hbm>> -> memref<32x128xf32, #tpu.memory_space<hbm>>
      tpu.wait_dma2 semaphore(%dma_wait3A_1338 : memref<!tpu.dma_semaphore, #tpu.memory_space<semaphore_mem>>) src(%dma_wait3A_1345 : memref<32x128xf32, #tpu.memory_space<hbm>>) dst(%dma_wait3A_1342 : memref<32x128xf32, #tpu.memory_space<vmem>>)
      %and3A_1346 = arith.constant 127 : i32
      %and3A_1347 = arith.andi %scan3A_899, %and3A_1346 : i32
      %broadcast_in_dim3A_1348 = vector.broadcast %and3A_1347 : i32 to vector<16xi32>
      %gather3A_1349 = arith.constant 2 : i32
      %gather3A_1350 = arith.constant 0 : i32
      %gather3A_1351 = arith.constant 0 : i32
      %gather3A_1352 = tpu.memref_slice %arg11[%gather3A_1349, %gather3A_1350, %gather3A_1351] : memref<8x32x128xf32, #tpu.memory_space<vmem>> -> memref<1x32x128xf32, #tpu.memory_space<vmem>>
      %gather3A_1353 = tpu.memref_squeeze %gather3A_1352 : memref<1x32x128xf32, #tpu.memory_space<vmem>> -> memref<32x128xf32, #tpu.memory_space<vmem>>
      %gather3A_1354 = tpu.vector_load_idx %gather3A_1353[%iota3A, %broadcast_in_dim3A_1348] : memref<32x128xf32, #tpu.memory_space<vmem>>[vector<16xi32>, vector<16xi32>], vector<16xf32>,
      %add3A_1355 = arith.constant 16 : i32
      %add3A_1356 = vector.broadcast %add3A_1355 : i32 to vector<16xi32>
      %add3A_1357 = arith.addi %iota3A, %add3A_1356 : vector<16xi32>
      %gather3A_1358 = arith.constant 2 : i32
      %gather3A_1359 = arith.constant 0 : i32
      %gather3A_1360 = arith.constant 0 : i32
      %gather3A_1361 = tpu.memref_slice %arg11[%gather3A_1358, %gather3A_1359, %gather3A_1360] : memref<8x32x128xf32, #tpu.memory_space<vmem>> -> memref<1x32x128xf32, #tpu.memory_space<vmem>>
      %gather3A_1362 = tpu.memref_squeeze %gather3A_1361 : memref<1x32x128xf32, #tpu.memory_space<vmem>> -> memref<32x128xf32, #tpu.memory_space<vmem>>
      %gather3A_1363 = tpu.vector_load_idx %gather3A_1362[%add3A_1357, %broadcast_in_dim3A_1348] : memref<32x128xf32, #tpu.memory_space<vmem>>[vector<16xi32>, vector<16xi32>], vector<16xf32>,
      %sub3A_1364 = arith.constant 999936 : i32
      %sub3A_1365 = arith.subi %scan3A_899, %sub3A_1364 : i32
      %max3A_1366 = arith.constant 0 : i32
      %max3A_1367 = arith.maxsi %sub3A_1365, %max3A_1366 : i32
      %broadcast_in_dim3A_1368 = vector.broadcast %max3A_1367 : i32 to vector<16xi32>
      %ge3A_1369 = arith.constant 999936 : i32
      %ge3A_1370 = arith.cmpi sge, %scan3A_899, %ge3A_1369 : i32
      %gather3A_1371 = tpu.vector_load_idx %arg13[%broadcast_in_dim3A_1368, %iota3A] : memref<64x128xf32, #tpu.memory_space<vmem>>[vector<16xi32>, vector<16xi32>], vector<16xf32>,
      %add3A_1372 = arith.constant 16 : i32
      %add3A_1373 = vector.broadcast %add3A_1372 : i32 to vector<16xi32>
      %add3A_1374 = arith.addi %iota3A, %add3A_1373 : vector<16xi32>
      %gather3A_1375 = tpu.vector_load_idx %arg13[%broadcast_in_dim3A_1368, %add3A_1374] : memref<64x128xf32, #tpu.memory_space<vmem>>[vector<16xi32>, vector<16xi32>], vector<16xf32>,
      %select_n3A_1376 = arith.select %ge3A_1370, %gather3A_1371, %gather3A_1354 : vector<16xf32>
      %select_n3A_1377 = arith.select %ge3A_1370, %gather3A_1375, %gather3A_1363 : vector<16xf32>
      %and3A_1378 = arith.constant 127 : i32
      %and3A_1379 = arith.andi %scan3A_900, %and3A_1378 : i32
      %broadcast_in_dim3A_1380 = vector.broadcast %and3A_1379 : i32 to vector<16xi32>
      %gather3A_1381 = arith.constant 2 : i32
      %gather3A_1382 = arith.constant 0 : i32
      %gather3A_1383 = arith.constant 0 : i32
      %gather3A_1384 = tpu.memref_slice %arg12[%gather3A_1381, %gather3A_1382, %gather3A_1383] : memref<8x32x128xf32, #tpu.memory_space<vmem>> -> memref<1x32x128xf32, #tpu.memory_space<vmem>>
      %gather3A_1385 = tpu.memref_squeeze %gather3A_1384 : memref<1x32x128xf32, #tpu.memory_space<vmem>> -> memref<32x128xf32, #tpu.memory_space<vmem>>
      %gather3A_1386 = tpu.vector_load_idx %gather3A_1385[%iota3A, %broadcast_in_dim3A_1380] : memref<32x128xf32, #tpu.memory_space<vmem>>[vector<16xi32>, vector<16xi32>], vector<16xf32>,
      %add3A_1387 = arith.constant 16 : i32
      %add3A_1388 = vector.broadcast %add3A_1387 : i32 to vector<16xi32>
      %add3A_1389 = arith.addi %iota3A, %add3A_1388 : vector<16xi32>
      %gather3A_1390 = arith.constant 2 : i32
      %gather3A_1391 = arith.constant 0 : i32
      %gather3A_1392 = arith.constant 0 : i32
      %gather3A_1393 = tpu.memref_slice %arg12[%gather3A_1390, %gather3A_1391, %gather3A_1392] : memref<8x32x128xf32, #tpu.memory_space<vmem>> -> memref<1x32x128xf32, #tpu.memory_space<vmem>>
      %gather3A_1394 = tpu.memref_squeeze %gather3A_1393 : memref<1x32x128xf32, #tpu.memory_space<vmem>> -> memref<32x128xf32, #tpu.memory_space<vmem>>
      %gather3A_1395 = tpu.vector_load_idx %gather3A_1394[%add3A_1389, %broadcast_in_dim3A_1380] : memref<32x128xf32, #tpu.memory_space<vmem>>[vector<16xi32>, vector<16xi32>], vector<16xf32>,
      %sub3A_1396 = arith.constant 999936 : i32
      %sub3A_1397 = arith.subi %scan3A_900, %sub3A_1396 : i32
      %max3A_1398 = arith.constant 0 : i32
      %max3A_1399 = arith.maxsi %sub3A_1397, %max3A_1398 : i32
      %broadcast_in_dim3A_1400 = vector.broadcast %max3A_1399 : i32 to vector<16xi32>
      %ge3A_1401 = arith.constant 999936 : i32
      %ge3A_1402 = arith.cmpi sge, %scan3A_900, %ge3A_1401 : i32
      %gather3A_1403 = tpu.vector_load_idx %arg14[%broadcast_in_dim3A_1400, %iota3A] : memref<64x128xf32, #tpu.memory_space<vmem>>[vector<16xi32>, vector<16xi32>], vector<16xf32>,
      %add3A_1404 = arith.constant 16 : i32
      %add3A_1405 = vector.broadcast %add3A_1404 : i32 to vector<16xi32>
      %add3A_1406 = arith.addi %iota3A, %add3A_1405 : vector<16xi32>
      %gather3A_1407 = tpu.vector_load_idx %arg14[%broadcast_in_dim3A_1400, %add3A_1406] : memref<64x128xf32, #tpu.memory_space<vmem>>[vector<16xi32>, vector<16xi32>], vector<16xf32>,
      %select_n3A_1408 = arith.select %ge3A_1402, %gather3A_1403, %gather3A_1386 : vector<16xf32>
      %select_n3A_1409 = arith.select %ge3A_1402, %gather3A_1407, %gather3A_1395 : vector<16xf32>
      %broadcast_in_dim3A_1410 = vector.broadcast %add3A_1309 : i32 to vector<16xi32>
      %mul3A_1411 = arith.mulf %select_n3A_1376, %select_n3A_1408 : vector<16xf32>
      tpu.vector_store_idx %arg15[%iota3A, %broadcast_in_dim3A_1410], %mul3A_1411 : memref<32x512xf32, #tpu.memory_space<vmem>>[vector<16xi32>, vector<16xi32>], vector<16xf32>,
      %add3A_1412 = arith.constant 16 : i32
      %add3A_1413 = vector.broadcast %add3A_1412 : i32 to vector<16xi32>
      %add3A_1414 = arith.addi %iota3A, %add3A_1413 : vector<16xi32>
      %mul3A_1415 = arith.mulf %select_n3A_1377, %select_n3A_1409 : vector<16xf32>
      tpu.vector_store_idx %arg15[%add3A_1414, %broadcast_in_dim3A_1410], %mul3A_1415 : memref<32x512xf32, #tpu.memory_space<vmem>>[vector<16xi32>, vector<16xi32>], vector<16xf32>,
      %add3A_1416 = arith.constant 8 : i32
      %add3A_1417 = arith.addi %add3A_1309, %add3A_1416 : i32
      %min3A_1418 = arith.constant 511 : i32
      %min3A_1419 = arith.minsi %add3A_1417, %min3A_1418 : i32
      %shift_right_arithmetic3A_1420 = arith.constant 4 : i32
      %shift_right_arithmetic3A_1421 = arith.shrsi %min3A_1419, %shift_right_arithmetic3A_1420 : i32
      %mul3A_1422 = arith.constant 16 : i32
      %mul3A_1423 = arith.muli %shift_right_arithmetic3A_1421, %mul3A_1422 : i32
      %get3A_1424 = arith.index_cast %mul3A_1423 : i32 to index
      %get3A_1425 = tpu.vector_load %arg9[%get3A_1424] {strides = array<i32>} : memref<512xi32, #tpu.memory_space<vmem>>, vector<16xi32>,
      %and3A_1426 = arith.constant 15 : i32
      %and3A_1427 = arith.andi %min3A_1419, %and3A_1426 : i32
      %eq3A_1428 = vector.broadcast %and3A_1427 : i32 to vector<16xi32>
      %eq3A_1429 = arith.cmpi eq, %iota3A, %eq3A_1428 : vector<16xi32>
      %jit3A_1430 = arith.constant 0 : i32
      %broadcast_in_dim3A_1431 = vector.broadcast %jit3A_1430 : i32 to vector<16xi32>
      %select_n3A_1432 = arith.select %eq3A_1429, %get3A_1425, %broadcast_in_dim3A_1431 : vector<16xi1>, vector<16xi32>
      %reduce_max3A_1433 = arith.constant true
      %reduce_max3A_1434 = vector.broadcast %reduce_max3A_1433 : i1 to vector<16xi1>
      %reduce_max3A_1435 = arith.constant -2147483648 : i32
      %reduce_max3A_1436 = vector.broadcast %reduce_max3A_1435 : i32 to vector<16xi32>
      %reduce_max3A_1437 = arith.xori %select_n3A_1432, %reduce_max3A_1436 : vector<16xi32>
      %reduce_max3A_1438 = tpu.scan <max>, %reduce_max3A_1437 masked %reduce_max3A_1434 : vector<16xi32>, vector<16xi1> -> vector<16xi32>
      %reduce_max3A_1439 = arith.xori %reduce_max3A_1438, %reduce_max3A_1436 : vector<16xi32>
      %reduce_max3A_1440 = vector.extract %reduce_max3A_1439[15] : i32 from vector<16xi32>
      %shift_right_arithmetic3A_1441 = arith.constant 4 : i32
      %shift_right_arithmetic3A_1442 = arith.shrsi %min3A_1419, %shift_right_arithmetic3A_1441 : i32
      %mul3A_1443 = arith.constant 16 : i32
      %mul3A_1444 = arith.muli %shift_right_arithmetic3A_1442, %mul3A_1443 : i32
      %get3A_1445 = arith.index_cast %mul3A_1444 : i32 to index
      %get3A_1446 = tpu.vector_load %arg10[%get3A_1445] {strides = array<i32>} : memref<512xi32, #tpu.memory_space<vmem>>, vector<16xi32>,
      %and3A_1447 = arith.constant 15 : i32
      %and3A_1448 = arith.andi %min3A_1419, %and3A_1447 : i32
      %eq3A_1449 = vector.broadcast %and3A_1448 : i32 to vector<16xi32>
      %eq3A_1450 = arith.cmpi eq, %iota3A, %eq3A_1449 : vector<16xi32>
      %jit3A_1451 = arith.constant 0 : i32
      %broadcast_in_dim3A_1452 = vector.broadcast %jit3A_1451 : i32 to vector<16xi32>
      %select_n3A_1453 = arith.select %eq3A_1450, %get3A_1446, %broadcast_in_dim3A_1452 : vector<16xi1>, vector<16xi32>
      %reduce_max3A_1454 = arith.constant true
      %reduce_max3A_1455 = vector.broadcast %reduce_max3A_1454 : i1 to vector<16xi1>
      %reduce_max3A_1456 = arith.constant -2147483648 : i32
      %reduce_max3A_1457 = vector.broadcast %reduce_max3A_1456 : i32 to vector<16xi32>
      %reduce_max3A_1458 = arith.xori %select_n3A_1453, %reduce_max3A_1457 : vector<16xi32>
      %reduce_max3A_1459 = tpu.scan <max>, %reduce_max3A_1458 masked %reduce_max3A_1455 : vector<16xi32>, vector<16xi1> -> vector<16xi32>
      %reduce_max3A_1460 = arith.xori %reduce_max3A_1459, %reduce_max3A_1457 : vector<16xi32>
      %reduce_max3A_1461 = vector.extract %reduce_max3A_1460[15] : i32 from vector<16xi32>
      %shift_right_arithmetic3A_1462 = arith.constant 7 : i32
      %shift_right_arithmetic3A_1463 = arith.shrsi %reduce_max3A_1440, %shift_right_arithmetic3A_1462 : i32
      %min3A_1464 = arith.constant 7811 : i32
      %min3A_1465 = arith.minsi %shift_right_arithmetic3A_1463, %min3A_1464 : i32
      %shift_right_arithmetic3A_1466 = arith.constant 7 : i32
      %shift_right_arithmetic3A_1467 = arith.shrsi %reduce_max3A_1461, %shift_right_arithmetic3A_1466 : i32
      %min3A_1468 = arith.constant 7811 : i32
      %min3A_1469 = arith.minsi %shift_right_arithmetic3A_1467, %min3A_1468 : i32
      %mul3A_1470 = arith.constant 128 : i32
      %mul3A_1471 = arith.muli %min3A_1465, %mul3A_1470 : i32
      %dma_start3A_1472 = arith.constant 2 : i32
      %dma_start3A_1473 = arith.constant 2 : i32
      %dma_start3A_1474 = arith.constant 0 : i32
      %dma_start3A_1475 = arith.constant 0 : i32
      %dma_start3A_1476 = tpu.memref_slice %arg11[%dma_start3A_1472, %dma_start3A_1474, %dma_start3A_1475] : memref<8x32x128xf32, #tpu.memory_space<vmem>> -> memref<1x32x128xf32, #tpu.memory_space<vmem>>
      %dma_start3A_1477 = tpu.memref_squeeze %dma_start3A_1476 : memref<1x32x128xf32, #tpu.memory_space<vmem>> -> memref<32x128xf32, #tpu.memory_space<vmem>>
      %dma_start3A_1478 = arith.constant 0 : i32
      %dma_start3A_1479 = tpu.memref_slice %arg4[%dma_start3A_1478, %mul3A_1471] : memref<32x1000000xf32, #tpu.memory_space<hbm>> -> memref<32x128xf32, #tpu.memory_space<hbm>>
      %dma_start3A_1480 = tpu.memref_slice %arg16[%dma_start3A_1473] : memref<8x!tpu.dma_semaphore, #tpu.memory_space<semaphore_mem>> -> memref<1x!tpu.dma_semaphore, #tpu.memory_space<semaphore_mem>>
      %dma_start3A_1481 = tpu.memref_squeeze %dma_start3A_1480 : memref<1x!tpu.dma_semaphore, #tpu.memory_space<semaphore_mem>> -> memref<!tpu.dma_semaphore, #tpu.memory_space<semaphore_mem>>
      %dma_start3A_1482 = arith.constant 0 : i32
      %dma_start3A_1483 = arith.constant 0 : i32
      %dma_start3A_1484 = tpu.memref_slice %arg11[%dma_start3A_1472, %dma_start3A_1482, %dma_start3A_1483] : memref<8x32x128xf32, #tpu.memory_space<vmem>> -> memref<1x32x128xf32, #tpu.memory_space<vmem>>
      %dma_start3A_1485 = tpu.memref_squeeze %dma_start3A_1484 : memref<1x32x128xf32, #tpu.memory_space<vmem>> -> memref<32x128xf32, #tpu.memory_space<vmem>>
      %dma_start3A_1486 = arith.constant 0 : i32
      %dma_start3A_1487 = tpu.memref_slice %arg4[%dma_start3A_1486, %mul3A_1471] : memref<32x1000000xf32, #tpu.memory_space<hbm>> -> memref<32x128xf32, #tpu.memory_space<hbm>>
      tpu.enqueue_dma source(%dma_start3A_1487 : memref<32x128xf32, #tpu.memory_space<hbm>>) target(%dma_start3A_1485 : memref<32x128xf32, #tpu.memory_space<vmem>>) target_semaphore(%dma_start3A_1481 : memref<!tpu.dma_semaphore, #tpu.memory_space<semaphore_mem>>)
      %mul3A_1488 = arith.constant 128 : i32
      %mul3A_1489 = arith.muli %min3A_1469, %mul3A_1488 : i32
      %dma_start3A_1490 = arith.constant 2 : i32
      %dma_start3A_1491 = arith.constant 2 : i32
      %dma_start3A_1492 = arith.constant 0 : i32
      %dma_start3A_1493 = arith.constant 0 : i32
      %dma_start3A_1494 = tpu.memref_slice %arg12[%dma_start3A_1490, %dma_start3A_1492, %dma_start3A_1493] : memref<8x32x128xf32, #tpu.memory_space<vmem>> -> memref<1x32x128xf32, #tpu.memory_space<vmem>>
      %dma_start3A_1495 = tpu.memref_squeeze %dma_start3A_1494 : memref<1x32x128xf32, #tpu.memory_space<vmem>> -> memref<32x128xf32, #tpu.memory_space<vmem>>
      %dma_start3A_1496 = arith.constant 0 : i32
      %dma_start3A_1497 = tpu.memref_slice %arg5[%dma_start3A_1496, %mul3A_1489] : memref<32x1000000xf32, #tpu.memory_space<hbm>> -> memref<32x128xf32, #tpu.memory_space<hbm>>
      %dma_start3A_1498 = tpu.memref_slice %arg17[%dma_start3A_1491] : memref<8x!tpu.dma_semaphore, #tpu.memory_space<semaphore_mem>> -> memref<1x!tpu.dma_semaphore, #tpu.memory_space<semaphore_mem>>
      %dma_start3A_1499 = tpu.memref_squeeze %dma_start3A_1498 : memref<1x!tpu.dma_semaphore, #tpu.memory_space<semaphore_mem>> -> memref<!tpu.dma_semaphore, #tpu.memory_space<semaphore_mem>>
      %dma_start3A_1500 = arith.constant 0 : i32
      %dma_start3A_1501 = arith.constant 0 : i32
      %dma_start3A_1502 = tpu.memref_slice %arg12[%dma_start3A_1490, %dma_start3A_1500, %dma_start3A_1501] : memref<8x32x128xf32, #tpu.memory_space<vmem>> -> memref<1x32x128xf32, #tpu.memory_space<vmem>>
      %dma_start3A_1503 = tpu.memref_squeeze %dma_start3A_1502 : memref<1x32x128xf32, #tpu.memory_space<vmem>> -> memref<32x128xf32, #tpu.memory_space<vmem>>
      %dma_start3A_1504 = arith.constant 0 : i32
      %dma_start3A_1505 = tpu.memref_slice %arg5[%dma_start3A_1504, %mul3A_1489] : memref<32x1000000xf32, #tpu.memory_space<hbm>> -> memref<32x128xf32, #tpu.memory_space<hbm>>
      tpu.enqueue_dma source(%dma_start3A_1505 : memref<32x128xf32, #tpu.memory_space<hbm>>) target(%dma_start3A_1503 : memref<32x128xf32, #tpu.memory_space<vmem>>) target_semaphore(%dma_start3A_1499 : memref<!tpu.dma_semaphore, #tpu.memory_space<semaphore_mem>>)
      %mul3A_1506 = arith.constant 8 : i32
      %mul3A_1507 = arith.muli %scan3A_894, %mul3A_1506 : i32
      %add3A_1508 = arith.constant 3 : i32
      %add3A_1509 = arith.addi %mul3A_1507, %add3A_1508 : i32
      %dma_wait3A_1510 = arith.constant 3 : i32
      %dma_wait3A_1511 = arith.constant 3 : i32
      %dma_wait3A_1512 = arith.constant 0 : i32
      %dma_wait3A_1513 = arith.constant 0 : i32
      %dma_wait3A_1514 = tpu.memref_slice %arg11[%dma_wait3A_1510, %dma_wait3A_1512, %dma_wait3A_1513] : memref<8x32x128xf32, #tpu.memory_space<vmem>> -> memref<1x32x128xf32, #tpu.memory_space<vmem>>
      %dma_wait3A_1515 = tpu.memref_squeeze %dma_wait3A_1514 : memref<1x32x128xf32, #tpu.memory_space<vmem>> -> memref<32x128xf32, #tpu.memory_space<vmem>>
      %dma_wait3A_1516 = arith.constant 0 : i32
      %dma_wait3A_1517 = arith.constant 0 : i32
      %dma_wait3A_1518 = tpu.memref_slice %arg4[%dma_wait3A_1516, %dma_wait3A_1517] : memref<32x1000000xf32, #tpu.memory_space<hbm>> -> memref<32x128xf32, #tpu.memory_space<hbm>>
      %dma_wait3A_1519 = tpu.memref_slice %arg16[%dma_wait3A_1511] : memref<8x!tpu.dma_semaphore, #tpu.memory_space<semaphore_mem>> -> memref<1x!tpu.dma_semaphore, #tpu.memory_space<semaphore_mem>>
      %dma_wait3A_1520 = tpu.memref_squeeze %dma_wait3A_1519 : memref<1x!tpu.dma_semaphore, #tpu.memory_space<semaphore_mem>> -> memref<!tpu.dma_semaphore, #tpu.memory_space<semaphore_mem>>
      %dma_wait3A_1521 = arith.constant 0 : i32
      %dma_wait3A_1522 = arith.constant 0 : i32
      %dma_wait3A_1523 = tpu.memref_slice %arg11[%dma_wait3A_1510, %dma_wait3A_1521, %dma_wait3A_1522] : memref<8x32x128xf32, #tpu.memory_space<vmem>> -> memref<1x32x128xf32, #tpu.memory_space<vmem>>
      %dma_wait3A_1524 = tpu.memref_squeeze %dma_wait3A_1523 : memref<1x32x128xf32, #tpu.memory_space<vmem>> -> memref<32x128xf32, #tpu.memory_space<vmem>>
      %dma_wait3A_1525 = arith.constant 0 : i32
      %dma_wait3A_1526 = arith.constant 0 : i32
      %dma_wait3A_1527 = tpu.memref_slice %arg4[%dma_wait3A_1525, %dma_wait3A_1526] : memref<32x1000000xf32, #tpu.memory_space<hbm>> -> memref<32x128xf32, #tpu.memory_space<hbm>>
      tpu.wait_dma2 semaphore(%dma_wait3A_1520 : memref<!tpu.dma_semaphore, #tpu.memory_space<semaphore_mem>>) src(%dma_wait3A_1527 : memref<32x128xf32, #tpu.memory_space<hbm>>) dst(%dma_wait3A_1524 : memref<32x128xf32, #tpu.memory_space<vmem>>)
      %dma_wait3A_1528 = arith.constant 3 : i32
      %dma_wait3A_1529 = arith.constant 3 : i32
      %dma_wait3A_1530 = arith.constant 0 : i32
      %dma_wait3A_1531 = arith.constant 0 : i32
      %dma_wait3A_1532 = tpu.memref_slice %arg12[%dma_wait3A_1528, %dma_wait3A_1530, %dma_wait3A_1531] : memref<8x32x128xf32, #tpu.memory_space<vmem>> -> memref<1x32x128xf32, #tpu.memory_space<vmem>>
      %dma_wait3A_1533 = tpu.memref_squeeze %dma_wait3A_1532 : memref<1x32x128xf32, #tpu.memory_space<vmem>> -> memref<32x128xf32, #tpu.memory_space<vmem>>
      %dma_wait3A_1534 = arith.constant 0 : i32
      %dma_wait3A_1535 = arith.constant 0 : i32
      %dma_wait3A_1536 = tpu.memref_slice %arg4[%dma_wait3A_1534, %dma_wait3A_1535] : memref<32x1000000xf32, #tpu.memory_space<hbm>> -> memref<32x128xf32, #tpu.memory_space<hbm>>
      %dma_wait3A_1537 = tpu.memref_slice %arg17[%dma_wait3A_1529] : memref<8x!tpu.dma_semaphore, #tpu.memory_space<semaphore_mem>> -> memref<1x!tpu.dma_semaphore, #tpu.memory_space<semaphore_mem>>
      %dma_wait3A_1538 = tpu.memref_squeeze %dma_wait3A_1537 : memref<1x!tpu.dma_semaphore, #tpu.memory_space<semaphore_mem>> -> memref<!tpu.dma_semaphore, #tpu.memory_space<semaphore_mem>>
      %dma_wait3A_1539 = arith.constant 0 : i32
      %dma_wait3A_1540 = arith.constant 0 : i32
      %dma_wait3A_1541 = tpu.memref_slice %arg12[%dma_wait3A_1528, %dma_wait3A_1539, %dma_wait3A_1540] : memref<8x32x128xf32, #tpu.memory_space<vmem>> -> memref<1x32x128xf32, #tpu.memory_space<vmem>>
      %dma_wait3A_1542 = tpu.memref_squeeze %dma_wait3A_1541 : memref<1x32x128xf32, #tpu.memory_space<vmem>> -> memref<32x128xf32, #tpu.memory_space<vmem>>
      %dma_wait3A_1543 = arith.constant 0 : i32
      %dma_wait3A_1544 = arith.constant 0 : i32
      %dma_wait3A_1545 = tpu.memref_slice %arg4[%dma_wait3A_1543, %dma_wait3A_1544] : memref<32x1000000xf32, #tpu.memory_space<hbm>> -> memref<32x128xf32, #tpu.memory_space<hbm>>
      tpu.wait_dma2 semaphore(%dma_wait3A_1538 : memref<!tpu.dma_semaphore, #tpu.memory_space<semaphore_mem>>) src(%dma_wait3A_1545 : memref<32x128xf32, #tpu.memory_space<hbm>>) dst(%dma_wait3A_1542 : memref<32x128xf32, #tpu.memory_space<vmem>>)
      %and3A_1546 = arith.constant 127 : i32
      %and3A_1547 = arith.andi %scan3A_901, %and3A_1546 : i32
      %broadcast_in_dim3A_1548 = vector.broadcast %and3A_1547 : i32 to vector<16xi32>
      %gather3A_1549 = arith.constant 3 : i32
      %gather3A_1550 = arith.constant 0 : i32
      %gather3A_1551 = arith.constant 0 : i32
      %gather3A_1552 = tpu.memref_slice %arg11[%gather3A_1549, %gather3A_1550, %gather3A_1551] : memref<8x32x128xf32, #tpu.memory_space<vmem>> -> memref<1x32x128xf32, #tpu.memory_space<vmem>>
      %gather3A_1553 = tpu.memref_squeeze %gather3A_1552 : memref<1x32x128xf32, #tpu.memory_space<vmem>> -> memref<32x128xf32, #tpu.memory_space<vmem>>
      %gather3A_1554 = tpu.vector_load_idx %gather3A_1553[%iota3A, %broadcast_in_dim3A_1548] : memref<32x128xf32, #tpu.memory_space<vmem>>[vector<16xi32>, vector<16xi32>], vector<16xf32>,
      %add3A_1555 = arith.constant 16 : i32
      %add3A_1556 = vector.broadcast %add3A_1555 : i32 to vector<16xi32>
      %add3A_1557 = arith.addi %iota3A, %add3A_1556 : vector<16xi32>
      %gather3A_1558 = arith.constant 3 : i32
      %gather3A_1559 = arith.constant 0 : i32
      %gather3A_1560 = arith.constant 0 : i32
      %gather3A_1561 = tpu.memref_slice %arg11[%gather3A_1558, %gather3A_1559, %gather3A_1560] : memref<8x32x128xf32, #tpu.memory_space<vmem>> -> memref<1x32x128xf32, #tpu.memory_space<vmem>>
      %gather3A_1562 = tpu.memref_squeeze %gather3A_1561 : memref<1x32x128xf32, #tpu.memory_space<vmem>> -> memref<32x128xf32, #tpu.memory_space<vmem>>
      %gather3A_1563 = tpu.vector_load_idx %gather3A_1562[%add3A_1557, %broadcast_in_dim3A_1548] : memref<32x128xf32, #tpu.memory_space<vmem>>[vector<16xi32>, vector<16xi32>], vector<16xf32>,
      %sub3A_1564 = arith.constant 999936 : i32
      %sub3A_1565 = arith.subi %scan3A_901, %sub3A_1564 : i32
      %max3A_1566 = arith.constant 0 : i32
      %max3A_1567 = arith.maxsi %sub3A_1565, %max3A_1566 : i32
      %broadcast_in_dim3A_1568 = vector.broadcast %max3A_1567 : i32 to vector<16xi32>
      %ge3A_1569 = arith.constant 999936 : i32
      %ge3A_1570 = arith.cmpi sge, %scan3A_901, %ge3A_1569 : i32
      %gather3A_1571 = tpu.vector_load_idx %arg13[%broadcast_in_dim3A_1568, %iota3A] : memref<64x128xf32, #tpu.memory_space<vmem>>[vector<16xi32>, vector<16xi32>], vector<16xf32>,
      %add3A_1572 = arith.constant 16 : i32
      %add3A_1573 = vector.broadcast %add3A_1572 : i32 to vector<16xi32>
      %add3A_1574 = arith.addi %iota3A, %add3A_1573 : vector<16xi32>
      %gather3A_1575 = tpu.vector_load_idx %arg13[%broadcast_in_dim3A_1568, %add3A_1574] : memref<64x128xf32, #tpu.memory_space<vmem>>[vector<16xi32>, vector<16xi32>], vector<16xf32>,
      %select_n3A_1576 = arith.select %ge3A_1570, %gather3A_1571, %gather3A_1554 : vector<16xf32>
      %select_n3A_1577 = arith.select %ge3A_1570, %gather3A_1575, %gather3A_1563 : vector<16xf32>
      %and3A_1578 = arith.constant 127 : i32
      %and3A_1579 = arith.andi %scan3A_902, %and3A_1578 : i32
      %broadcast_in_dim3A_1580 = vector.broadcast %and3A_1579 : i32 to vector<16xi32>
      %gather3A_1581 = arith.constant 3 : i32
      %gather3A_1582 = arith.constant 0 : i32
      %gather3A_1583 = arith.constant 0 : i32
      %gather3A_1584 = tpu.memref_slice %arg12[%gather3A_1581, %gather3A_1582, %gather3A_1583] : memref<8x32x128xf32, #tpu.memory_space<vmem>> -> memref<1x32x128xf32, #tpu.memory_space<vmem>>
      %gather3A_1585 = tpu.memref_squeeze %gather3A_1584 : memref<1x32x128xf32, #tpu.memory_space<vmem>> -> memref<32x128xf32, #tpu.memory_space<vmem>>
      %gather3A_1586 = tpu.vector_load_idx %gather3A_1585[%iota3A, %broadcast_in_dim3A_1580] : memref<32x128xf32, #tpu.memory_space<vmem>>[vector<16xi32>, vector<16xi32>], vector<16xf32>,
      %add3A_1587 = arith.constant 16 : i32
      %add3A_1588 = vector.broadcast %add3A_1587 : i32 to vector<16xi32>
      %add3A_1589 = arith.addi %iota3A, %add3A_1588 : vector<16xi32>
      %gather3A_1590 = arith.constant 3 : i32
      %gather3A_1591 = arith.constant 0 : i32
      %gather3A_1592 = arith.constant 0 : i32
      %gather3A_1593 = tpu.memref_slice %arg12[%gather3A_1590, %gather3A_1591, %gather3A_1592] : memref<8x32x128xf32, #tpu.memory_space<vmem>> -> memref<1x32x128xf32, #tpu.memory_space<vmem>>
      %gather3A_1594 = tpu.memref_squeeze %gather3A_1593 : memref<1x32x128xf32, #tpu.memory_space<vmem>> -> memref<32x128xf32, #tpu.memory_space<vmem>>
      %gather3A_1595 = tpu.vector_load_idx %gather3A_1594[%add3A_1589, %broadcast_in_dim3A_1580] : memref<32x128xf32, #tpu.memory_space<vmem>>[vector<16xi32>, vector<16xi32>], vector<16xf32>,
      %sub3A_1596 = arith.constant 999936 : i32
      %sub3A_1597 = arith.subi %scan3A_902, %sub3A_1596 : i32
      %max3A_1598 = arith.constant 0 : i32
      %max3A_1599 = arith.maxsi %sub3A_1597, %max3A_1598 : i32
      %broadcast_in_dim3A_1600 = vector.broadcast %max3A_1599 : i32 to vector<16xi32>
      %ge3A_1601 = arith.constant 999936 : i32
      %ge3A_1602 = arith.cmpi sge, %scan3A_902, %ge3A_1601 : i32
      %gather3A_1603 = tpu.vector_load_idx %arg14[%broadcast_in_dim3A_1600, %iota3A] : memref<64x128xf32, #tpu.memory_space<vmem>>[vector<16xi32>, vector<16xi32>], vector<16xf32>,
      %add3A_1604 = arith.constant 16 : i32
      %add3A_1605 = vector.broadcast %add3A_1604 : i32 to vector<16xi32>
      %add3A_1606 = arith.addi %iota3A, %add3A_1605 : vector<16xi32>
      %gather3A_1607 = tpu.vector_load_idx %arg14[%broadcast_in_dim3A_1600, %add3A_1606] : memref<64x128xf32, #tpu.memory_space<vmem>>[vector<16xi32>, vector<16xi32>], vector<16xf32>,
      %select_n3A_1608 = arith.select %ge3A_1602, %gather3A_1603, %gather3A_1586 : vector<16xf32>
      %select_n3A_1609 = arith.select %ge3A_1602, %gather3A_1607, %gather3A_1595 : vector<16xf32>
      %broadcast_in_dim3A_1610 = vector.broadcast %add3A_1509 : i32 to vector<16xi32>
      %mul3A_1611 = arith.mulf %select_n3A_1576, %select_n3A_1608 : vector<16xf32>
      tpu.vector_store_idx %arg15[%iota3A, %broadcast_in_dim3A_1610], %mul3A_1611 : memref<32x512xf32, #tpu.memory_space<vmem>>[vector<16xi32>, vector<16xi32>], vector<16xf32>,
      %add3A_1612 = arith.constant 16 : i32
      %add3A_1613 = vector.broadcast %add3A_1612 : i32 to vector<16xi32>
      %add3A_1614 = arith.addi %iota3A, %add3A_1613 : vector<16xi32>
      %mul3A_1615 = arith.mulf %select_n3A_1577, %select_n3A_1609 : vector<16xf32>
      tpu.vector_store_idx %arg15[%add3A_1614, %broadcast_in_dim3A_1610], %mul3A_1615 : memref<32x512xf32, #tpu.memory_space<vmem>>[vector<16xi32>, vector<16xi32>], vector<16xf32>,
      %add3A_1616 = arith.constant 8 : i32
      %add3A_1617 = arith.addi %add3A_1509, %add3A_1616 : i32
      %min3A_1618 = arith.constant 511 : i32
      %min3A_1619 = arith.minsi %add3A_1617, %min3A_1618 : i32
      %shift_right_arithmetic3A_1620 = arith.constant 4 : i32
      %shift_right_arithmetic3A_1621 = arith.shrsi %min3A_1619, %shift_right_arithmetic3A_1620 : i32
      %mul3A_1622 = arith.constant 16 : i32
      %mul3A_1623 = arith.muli %shift_right_arithmetic3A_1621, %mul3A_1622 : i32
      %get3A_1624 = arith.index_cast %mul3A_1623 : i32 to index
      %get3A_1625 = tpu.vector_load %arg9[%get3A_1624] {strides = array<i32>} : memref<512xi32, #tpu.memory_space<vmem>>, vector<16xi32>,
      %and3A_1626 = arith.constant 15 : i32
      %and3A_1627 = arith.andi %min3A_1619, %and3A_1626 : i32
      %eq3A_1628 = vector.broadcast %and3A_1627 : i32 to vector<16xi32>
      %eq3A_1629 = arith.cmpi eq, %iota3A, %eq3A_1628 : vector<16xi32>
      %jit3A_1630 = arith.constant 0 : i32
      %broadcast_in_dim3A_1631 = vector.broadcast %jit3A_1630 : i32 to vector<16xi32>
      %select_n3A_1632 = arith.select %eq3A_1629, %get3A_1625, %broadcast_in_dim3A_1631 : vector<16xi1>, vector<16xi32>
      %reduce_max3A_1633 = arith.constant true
      %reduce_max3A_1634 = vector.broadcast %reduce_max3A_1633 : i1 to vector<16xi1>
      %reduce_max3A_1635 = arith.constant -2147483648 : i32
      %reduce_max3A_1636 = vector.broadcast %reduce_max3A_1635 : i32 to vector<16xi32>
      %reduce_max3A_1637 = arith.xori %select_n3A_1632, %reduce_max3A_1636 : vector<16xi32>
      %reduce_max3A_1638 = tpu.scan <max>, %reduce_max3A_1637 masked %reduce_max3A_1634 : vector<16xi32>, vector<16xi1> -> vector<16xi32>
      %reduce_max3A_1639 = arith.xori %reduce_max3A_1638, %reduce_max3A_1636 : vector<16xi32>
      %reduce_max3A_1640 = vector.extract %reduce_max3A_1639[15] : i32 from vector<16xi32>
      %shift_right_arithmetic3A_1641 = arith.constant 4 : i32
      %shift_right_arithmetic3A_1642 = arith.shrsi %min3A_1619, %shift_right_arithmetic3A_1641 : i32
      %mul3A_1643 = arith.constant 16 : i32
      %mul3A_1644 = arith.muli %shift_right_arithmetic3A_1642, %mul3A_1643 : i32
      %get3A_1645 = arith.index_cast %mul3A_1644 : i32 to index
      %get3A_1646 = tpu.vector_load %arg10[%get3A_1645] {strides = array<i32>} : memref<512xi32, #tpu.memory_space<vmem>>, vector<16xi32>,
      %and3A_1647 = arith.constant 15 : i32
      %and3A_1648 = arith.andi %min3A_1619, %and3A_1647 : i32
      %eq3A_1649 = vector.broadcast %and3A_1648 : i32 to vector<16xi32>
      %eq3A_1650 = arith.cmpi eq, %iota3A, %eq3A_1649 : vector<16xi32>
      %jit3A_1651 = arith.constant 0 : i32
      %broadcast_in_dim3A_1652 = vector.broadcast %jit3A_1651 : i32 to vector<16xi32>
      %select_n3A_1653 = arith.select %eq3A_1650, %get3A_1646, %broadcast_in_dim3A_1652 : vector<16xi1>, vector<16xi32>
      %reduce_max3A_1654 = arith.constant true
      %reduce_max3A_1655 = vector.broadcast %reduce_max3A_1654 : i1 to vector<16xi1>
      %reduce_max3A_1656 = arith.constant -2147483648 : i32
      %reduce_max3A_1657 = vector.broadcast %reduce_max3A_1656 : i32 to vector<16xi32>
      %reduce_max3A_1658 = arith.xori %select_n3A_1653, %reduce_max3A_1657 : vector<16xi32>
      %reduce_max3A_1659 = tpu.scan <max>, %reduce_max3A_1658 masked %reduce_max3A_1655 : vector<16xi32>, vector<16xi1> -> vector<16xi32>
      %reduce_max3A_1660 = arith.xori %reduce_max3A_1659, %reduce_max3A_1657 : vector<16xi32>
      %reduce_max3A_1661 = vector.extract %reduce_max3A_1660[15] : i32 from vector<16xi32>
      %shift_right_arithmetic3A_1662 = arith.constant 7 : i32
      %shift_right_arithmetic3A_1663 = arith.shrsi %reduce_max3A_1640, %shift_right_arithmetic3A_1662 : i32
      %min3A_1664 = arith.constant 7811 : i32
      %min3A_1665 = arith.minsi %shift_right_arithmetic3A_1663, %min3A_1664 : i32
      %shift_right_arithmetic3A_1666 = arith.constant 7 : i32
      %shift_right_arithmetic3A_1667 = arith.shrsi %reduce_max3A_1661, %shift_right_arithmetic3A_1666 : i32
      %min3A_1668 = arith.constant 7811 : i32
      %min3A_1669 = arith.minsi %shift_right_arithmetic3A_1667, %min3A_1668 : i32
      %mul3A_1670 = arith.constant 128 : i32
      %mul3A_1671 = arith.muli %min3A_1665, %mul3A_1670 : i32
      %dma_start3A_1672 = arith.constant 3 : i32
      %dma_start3A_1673 = arith.constant 3 : i32
      %dma_start3A_1674 = arith.constant 0 : i32
      %dma_start3A_1675 = arith.constant 0 : i32
      %dma_start3A_1676 = tpu.memref_slice %arg11[%dma_start3A_1672, %dma_start3A_1674, %dma_start3A_1675] : memref<8x32x128xf32, #tpu.memory_space<vmem>> -> memref<1x32x128xf32, #tpu.memory_space<vmem>>
      %dma_start3A_1677 = tpu.memref_squeeze %dma_start3A_1676 : memref<1x32x128xf32, #tpu.memory_space<vmem>> -> memref<32x128xf32, #tpu.memory_space<vmem>>
      %dma_start3A_1678 = arith.constant 0 : i32
      %dma_start3A_1679 = tpu.memref_slice %arg4[%dma_start3A_1678, %mul3A_1671] : memref<32x1000000xf32, #tpu.memory_space<hbm>> -> memref<32x128xf32, #tpu.memory_space<hbm>>
      %dma_start3A_1680 = tpu.memref_slice %arg16[%dma_start3A_1673] : memref<8x!tpu.dma_semaphore, #tpu.memory_space<semaphore_mem>> -> memref<1x!tpu.dma_semaphore, #tpu.memory_space<semaphore_mem>>
      %dma_start3A_1681 = tpu.memref_squeeze %dma_start3A_1680 : memref<1x!tpu.dma_semaphore, #tpu.memory_space<semaphore_mem>> -> memref<!tpu.dma_semaphore, #tpu.memory_space<semaphore_mem>>
      %dma_start3A_1682 = arith.constant 0 : i32
      %dma_start3A_1683 = arith.constant 0 : i32
      %dma_start3A_1684 = tpu.memref_slice %arg11[%dma_start3A_1672, %dma_start3A_1682, %dma_start3A_1683] : memref<8x32x128xf32, #tpu.memory_space<vmem>> -> memref<1x32x128xf32, #tpu.memory_space<vmem>>
      %dma_start3A_1685 = tpu.memref_squeeze %dma_start3A_1684 : memref<1x32x128xf32, #tpu.memory_space<vmem>> -> memref<32x128xf32, #tpu.memory_space<vmem>>
      %dma_start3A_1686 = arith.constant 0 : i32
      %dma_start3A_1687 = tpu.memref_slice %arg4[%dma_start3A_1686, %mul3A_1671] : memref<32x1000000xf32, #tpu.memory_space<hbm>> -> memref<32x128xf32, #tpu.memory_space<hbm>>
      tpu.enqueue_dma source(%dma_start3A_1687 : memref<32x128xf32, #tpu.memory_space<hbm>>) target(%dma_start3A_1685 : memref<32x128xf32, #tpu.memory_space<vmem>>) target_semaphore(%dma_start3A_1681 : memref<!tpu.dma_semaphore, #tpu.memory_space<semaphore_mem>>)
      %mul3A_1688 = arith.constant 128 : i32
      %mul3A_1689 = arith.muli %min3A_1669, %mul3A_1688 : i32
      %dma_start3A_1690 = arith.constant 3 : i32
      %dma_start3A_1691 = arith.constant 3 : i32
      %dma_start3A_1692 = arith.constant 0 : i32
      %dma_start3A_1693 = arith.constant 0 : i32
      %dma_start3A_1694 = tpu.memref_slice %arg12[%dma_start3A_1690, %dma_start3A_1692, %dma_start3A_1693] : memref<8x32x128xf32, #tpu.memory_space<vmem>> -> memref<1x32x128xf32, #tpu.memory_space<vmem>>
      %dma_start3A_1695 = tpu.memref_squeeze %dma_start3A_1694 : memref<1x32x128xf32, #tpu.memory_space<vmem>> -> memref<32x128xf32, #tpu.memory_space<vmem>>
      %dma_start3A_1696 = arith.constant 0 : i32
      %dma_start3A_1697 = tpu.memref_slice %arg5[%dma_start3A_1696, %mul3A_1689] : memref<32x1000000xf32, #tpu.memory_space<hbm>> -> memref<32x128xf32, #tpu.memory_space<hbm>>
      %dma_start3A_1698 = tpu.memref_slice %arg17[%dma_start3A_1691] : memref<8x!tpu.dma_semaphore, #tpu.memory_space<semaphore_mem>> -> memref<1x!tpu.dma_semaphore, #tpu.memory_space<semaphore_mem>>
      %dma_start3A_1699 = tpu.memref_squeeze %dma_start3A_1698 : memref<1x!tpu.dma_semaphore, #tpu.memory_space<semaphore_mem>> -> memref<!tpu.dma_semaphore, #tpu.memory_space<semaphore_mem>>
      %dma_start3A_1700 = arith.constant 0 : i32
      %dma_start3A_1701 = arith.constant 0 : i32
      %dma_start3A_1702 = tpu.memref_slice %arg12[%dma_start3A_1690, %dma_start3A_1700, %dma_start3A_1701] : memref<8x32x128xf32, #tpu.memory_space<vmem>> -> memref<1x32x128xf32, #tpu.memory_space<vmem>>
      %dma_start3A_1703 = tpu.memref_squeeze %dma_start3A_1702 : memref<1x32x128xf32, #tpu.memory_space<vmem>> -> memref<32x128xf32, #tpu.memory_space<vmem>>
      %dma_start3A_1704 = arith.constant 0 : i32
      %dma_start3A_1705 = tpu.memref_slice %arg5[%dma_start3A_1704, %mul3A_1689] : memref<32x1000000xf32, #tpu.memory_space<hbm>> -> memref<32x128xf32, #tpu.memory_space<hbm>>
      tpu.enqueue_dma source(%dma_start3A_1705 : memref<32x128xf32, #tpu.memory_space<hbm>>) target(%dma_start3A_1703 : memref<32x128xf32, #tpu.memory_space<vmem>>) target_semaphore(%dma_start3A_1699 : memref<!tpu.dma_semaphore, #tpu.memory_space<semaphore_mem>>)
      %mul3A_1706 = arith.constant 8 : i32
      %mul3A_1707 = arith.muli %scan3A_894, %mul3A_1706 : i32
      %add3A_1708 = arith.constant 4 : i32
      %add3A_1709 = arith.addi %mul3A_1707, %add3A_1708 : i32
      %dma_wait3A_1710 = arith.constant 4 : i32
      %dma_wait3A_1711 = arith.constant 4 : i32
      %dma_wait3A_1712 = arith.constant 0 : i32
      %dma_wait3A_1713 = arith.constant 0 : i32
      %dma_wait3A_1714 = tpu.memref_slice %arg11[%dma_wait3A_1710, %dma_wait3A_1712, %dma_wait3A_1713] : memref<8x32x128xf32, #tpu.memory_space<vmem>> -> memref<1x32x128xf32, #tpu.memory_space<vmem>>
      %dma_wait3A_1715 = tpu.memref_squeeze %dma_wait3A_1714 : memref<1x32x128xf32, #tpu.memory_space<vmem>> -> memref<32x128xf32, #tpu.memory_space<vmem>>
      %dma_wait3A_1716 = arith.constant 0 : i32
      %dma_wait3A_1717 = arith.constant 0 : i32
      %dma_wait3A_1718 = tpu.memref_slice %arg4[%dma_wait3A_1716, %dma_wait3A_1717] : memref<32x1000000xf32, #tpu.memory_space<hbm>> -> memref<32x128xf32, #tpu.memory_space<hbm>>
      %dma_wait3A_1719 = tpu.memref_slice %arg16[%dma_wait3A_1711] : memref<8x!tpu.dma_semaphore, #tpu.memory_space<semaphore_mem>> -> memref<1x!tpu.dma_semaphore, #tpu.memory_space<semaphore_mem>>
      %dma_wait3A_1720 = tpu.memref_squeeze %dma_wait3A_1719 : memref<1x!tpu.dma_semaphore, #tpu.memory_space<semaphore_mem>> -> memref<!tpu.dma_semaphore, #tpu.memory_space<semaphore_mem>>
      %dma_wait3A_1721 = arith.constant 0 : i32
      %dma_wait3A_1722 = arith.constant 0 : i32
      %dma_wait3A_1723 = tpu.memref_slice %arg11[%dma_wait3A_1710, %dma_wait3A_1721, %dma_wait3A_1722] : memref<8x32x128xf32, #tpu.memory_space<vmem>> -> memref<1x32x128xf32, #tpu.memory_space<vmem>>
      %dma_wait3A_1724 = tpu.memref_squeeze %dma_wait3A_1723 : memref<1x32x128xf32, #tpu.memory_space<vmem>> -> memref<32x128xf32, #tpu.memory_space<vmem>>
      %dma_wait3A_1725 = arith.constant 0 : i32
      %dma_wait3A_1726 = arith.constant 0 : i32
      %dma_wait3A_1727 = tpu.memref_slice %arg4[%dma_wait3A_1725, %dma_wait3A_1726] : memref<32x1000000xf32, #tpu.memory_space<hbm>> -> memref<32x128xf32, #tpu.memory_space<hbm>>
      tpu.wait_dma2 semaphore(%dma_wait3A_1720 : memref<!tpu.dma_semaphore, #tpu.memory_space<semaphore_mem>>) src(%dma_wait3A_1727 : memref<32x128xf32, #tpu.memory_space<hbm>>) dst(%dma_wait3A_1724 : memref<32x128xf32, #tpu.memory_space<vmem>>)
      %dma_wait3A_1728 = arith.constant 4 : i32
      %dma_wait3A_1729 = arith.constant 4 : i32
      %dma_wait3A_1730 = arith.constant 0 : i32
      %dma_wait3A_1731 = arith.constant 0 : i32
      %dma_wait3A_1732 = tpu.memref_slice %arg12[%dma_wait3A_1728, %dma_wait3A_1730, %dma_wait3A_1731] : memref<8x32x128xf32, #tpu.memory_space<vmem>> -> memref<1x32x128xf32, #tpu.memory_space<vmem>>
      %dma_wait3A_1733 = tpu.memref_squeeze %dma_wait3A_1732 : memref<1x32x128xf32, #tpu.memory_space<vmem>> -> memref<32x128xf32, #tpu.memory_space<vmem>>
      %dma_wait3A_1734 = arith.constant 0 : i32
      %dma_wait3A_1735 = arith.constant 0 : i32
      %dma_wait3A_1736 = tpu.memref_slice %arg4[%dma_wait3A_1734, %dma_wait3A_1735] : memref<32x1000000xf32, #tpu.memory_space<hbm>> -> memref<32x128xf32, #tpu.memory_space<hbm>>
      %dma_wait3A_1737 = tpu.memref_slice %arg17[%dma_wait3A_1729] : memref<8x!tpu.dma_semaphore, #tpu.memory_space<semaphore_mem>> -> memref<1x!tpu.dma_semaphore, #tpu.memory_space<semaphore_mem>>
      %dma_wait3A_1738 = tpu.memref_squeeze %dma_wait3A_1737 : memref<1x!tpu.dma_semaphore, #tpu.memory_space<semaphore_mem>> -> memref<!tpu.dma_semaphore, #tpu.memory_space<semaphore_mem>>
      %dma_wait3A_1739 = arith.constant 0 : i32
      %dma_wait3A_1740 = arith.constant 0 : i32
      %dma_wait3A_1741 = tpu.memref_slice %arg12[%dma_wait3A_1728, %dma_wait3A_1739, %dma_wait3A_1740] : memref<8x32x128xf32, #tpu.memory_space<vmem>> -> memref<1x32x128xf32, #tpu.memory_space<vmem>>
      %dma_wait3A_1742 = tpu.memref_squeeze %dma_wait3A_1741 : memref<1x32x128xf32, #tpu.memory_space<vmem>> -> memref<32x128xf32, #tpu.memory_space<vmem>>
      %dma_wait3A_1743 = arith.constant 0 : i32
      %dma_wait3A_1744 = arith.constant 0 : i32
      %dma_wait3A_1745 = tpu.memref_slice %arg4[%dma_wait3A_1743, %dma_wait3A_1744] : memref<32x1000000xf32, #tpu.memory_space<hbm>> -> memref<32x128xf32, #tpu.memory_space<hbm>>
      tpu.wait_dma2 semaphore(%dma_wait3A_1738 : memref<!tpu.dma_semaphore, #tpu.memory_space<semaphore_mem>>) src(%dma_wait3A_1745 : memref<32x128xf32, #tpu.memory_space<hbm>>) dst(%dma_wait3A_1742 : memref<32x128xf32, #tpu.memory_space<vmem>>)
      %and3A_1746 = arith.constant 127 : i32
      %and3A_1747 = arith.andi %scan3A_903, %and3A_1746 : i32
      %broadcast_in_dim3A_1748 = vector.broadcast %and3A_1747 : i32 to vector<16xi32>
      %gather3A_1749 = arith.constant 4 : i32
      %gather3A_1750 = arith.constant 0 : i32
      %gather3A_1751 = arith.constant 0 : i32
      %gather3A_1752 = tpu.memref_slice %arg11[%gather3A_1749, %gather3A_1750, %gather3A_1751] : memref<8x32x128xf32, #tpu.memory_space<vmem>> -> memref<1x32x128xf32, #tpu.memory_space<vmem>>
      %gather3A_1753 = tpu.memref_squeeze %gather3A_1752 : memref<1x32x128xf32, #tpu.memory_space<vmem>> -> memref<32x128xf32, #tpu.memory_space<vmem>>
      %gather3A_1754 = tpu.vector_load_idx %gather3A_1753[%iota3A, %broadcast_in_dim3A_1748] : memref<32x128xf32, #tpu.memory_space<vmem>>[vector<16xi32>, vector<16xi32>], vector<16xf32>,
      %add3A_1755 = arith.constant 16 : i32
      %add3A_1756 = vector.broadcast %add3A_1755 : i32 to vector<16xi32>
      %add3A_1757 = arith.addi %iota3A, %add3A_1756 : vector<16xi32>
      %gather3A_1758 = arith.constant 4 : i32
      %gather3A_1759 = arith.constant 0 : i32
      %gather3A_1760 = arith.constant 0 : i32
      %gather3A_1761 = tpu.memref_slice %arg11[%gather3A_1758, %gather3A_1759, %gather3A_1760] : memref<8x32x128xf32, #tpu.memory_space<vmem>> -> memref<1x32x128xf32, #tpu.memory_space<vmem>>
      %gather3A_1762 = tpu.memref_squeeze %gather3A_1761 : memref<1x32x128xf32, #tpu.memory_space<vmem>> -> memref<32x128xf32, #tpu.memory_space<vmem>>
      %gather3A_1763 = tpu.vector_load_idx %gather3A_1762[%add3A_1757, %broadcast_in_dim3A_1748] : memref<32x128xf32, #tpu.memory_space<vmem>>[vector<16xi32>, vector<16xi32>], vector<16xf32>,
      %sub3A_1764 = arith.constant 999936 : i32
      %sub3A_1765 = arith.subi %scan3A_903, %sub3A_1764 : i32
      %max3A_1766 = arith.constant 0 : i32
      %max3A_1767 = arith.maxsi %sub3A_1765, %max3A_1766 : i32
      %broadcast_in_dim3A_1768 = vector.broadcast %max3A_1767 : i32 to vector<16xi32>
      %ge3A_1769 = arith.constant 999936 : i32
      %ge3A_1770 = arith.cmpi sge, %scan3A_903, %ge3A_1769 : i32
      %gather3A_1771 = tpu.vector_load_idx %arg13[%broadcast_in_dim3A_1768, %iota3A] : memref<64x128xf32, #tpu.memory_space<vmem>>[vector<16xi32>, vector<16xi32>], vector<16xf32>,
      %add3A_1772 = arith.constant 16 : i32
      %add3A_1773 = vector.broadcast %add3A_1772 : i32 to vector<16xi32>
      %add3A_1774 = arith.addi %iota3A, %add3A_1773 : vector<16xi32>
      %gather3A_1775 = tpu.vector_load_idx %arg13[%broadcast_in_dim3A_1768, %add3A_1774] : memref<64x128xf32, #tpu.memory_space<vmem>>[vector<16xi32>, vector<16xi32>], vector<16xf32>,
      %select_n3A_1776 = arith.select %ge3A_1770, %gather3A_1771, %gather3A_1754 : vector<16xf32>
      %select_n3A_1777 = arith.select %ge3A_1770, %gather3A_1775, %gather3A_1763 : vector<16xf32>
      %and3A_1778 = arith.constant 127 : i32
      %and3A_1779 = arith.andi %scan3A_904, %and3A_1778 : i32
      %broadcast_in_dim3A_1780 = vector.broadcast %and3A_1779 : i32 to vector<16xi32>
      %gather3A_1781 = arith.constant 4 : i32
      %gather3A_1782 = arith.constant 0 : i32
      %gather3A_1783 = arith.constant 0 : i32
      %gather3A_1784 = tpu.memref_slice %arg12[%gather3A_1781, %gather3A_1782, %gather3A_1783] : memref<8x32x128xf32, #tpu.memory_space<vmem>> -> memref<1x32x128xf32, #tpu.memory_space<vmem>>
      %gather3A_1785 = tpu.memref_squeeze %gather3A_1784 : memref<1x32x128xf32, #tpu.memory_space<vmem>> -> memref<32x128xf32, #tpu.memory_space<vmem>>
      %gather3A_1786 = tpu.vector_load_idx %gather3A_1785[%iota3A, %broadcast_in_dim3A_1780] : memref<32x128xf32, #tpu.memory_space<vmem>>[vector<16xi32>, vector<16xi32>], vector<16xf32>,
      %add3A_1787 = arith.constant 16 : i32
      %add3A_1788 = vector.broadcast %add3A_1787 : i32 to vector<16xi32>
      %add3A_1789 = arith.addi %iota3A, %add3A_1788 : vector<16xi32>
      %gather3A_1790 = arith.constant 4 : i32
      %gather3A_1791 = arith.constant 0 : i32
      %gather3A_1792 = arith.constant 0 : i32
      %gather3A_1793 = tpu.memref_slice %arg12[%gather3A_1790, %gather3A_1791, %gather3A_1792] : memref<8x32x128xf32, #tpu.memory_space<vmem>> -> memref<1x32x128xf32, #tpu.memory_space<vmem>>
      %gather3A_1794 = tpu.memref_squeeze %gather3A_1793 : memref<1x32x128xf32, #tpu.memory_space<vmem>> -> memref<32x128xf32, #tpu.memory_space<vmem>>
      %gather3A_1795 = tpu.vector_load_idx %gather3A_1794[%add3A_1789, %broadcast_in_dim3A_1780] : memref<32x128xf32, #tpu.memory_space<vmem>>[vector<16xi32>, vector<16xi32>], vector<16xf32>,
      %sub3A_1796 = arith.constant 999936 : i32
      %sub3A_1797 = arith.subi %scan3A_904, %sub3A_1796 : i32
      %max3A_1798 = arith.constant 0 : i32
      %max3A_1799 = arith.maxsi %sub3A_1797, %max3A_1798 : i32
      %broadcast_in_dim3A_1800 = vector.broadcast %max3A_1799 : i32 to vector<16xi32>
      %ge3A_1801 = arith.constant 999936 : i32
      %ge3A_1802 = arith.cmpi sge, %scan3A_904, %ge3A_1801 : i32
      %gather3A_1803 = tpu.vector_load_idx %arg14[%broadcast_in_dim3A_1800, %iota3A] : memref<64x128xf32, #tpu.memory_space<vmem>>[vector<16xi32>, vector<16xi32>], vector<16xf32>,
      %add3A_1804 = arith.constant 16 : i32
      %add3A_1805 = vector.broadcast %add3A_1804 : i32 to vector<16xi32>
      %add3A_1806 = arith.addi %iota3A, %add3A_1805 : vector<16xi32>
      %gather3A_1807 = tpu.vector_load_idx %arg14[%broadcast_in_dim3A_1800, %add3A_1806] : memref<64x128xf32, #tpu.memory_space<vmem>>[vector<16xi32>, vector<16xi32>], vector<16xf32>,
      %select_n3A_1808 = arith.select %ge3A_1802, %gather3A_1803, %gather3A_1786 : vector<16xf32>
      %select_n3A_1809 = arith.select %ge3A_1802, %gather3A_1807, %gather3A_1795 : vector<16xf32>
      %broadcast_in_dim3A_1810 = vector.broadcast %add3A_1709 : i32 to vector<16xi32>
      %mul3A_1811 = arith.mulf %select_n3A_1776, %select_n3A_1808 : vector<16xf32>
      tpu.vector_store_idx %arg15[%iota3A, %broadcast_in_dim3A_1810], %mul3A_1811 : memref<32x512xf32, #tpu.memory_space<vmem>>[vector<16xi32>, vector<16xi32>], vector<16xf32>,
      %add3A_1812 = arith.constant 16 : i32
      %add3A_1813 = vector.broadcast %add3A_1812 : i32 to vector<16xi32>
      %add3A_1814 = arith.addi %iota3A, %add3A_1813 : vector<16xi32>
      %mul3A_1815 = arith.mulf %select_n3A_1777, %select_n3A_1809 : vector<16xf32>
      tpu.vector_store_idx %arg15[%add3A_1814, %broadcast_in_dim3A_1810], %mul3A_1815 : memref<32x512xf32, #tpu.memory_space<vmem>>[vector<16xi32>, vector<16xi32>], vector<16xf32>,
      %add3A_1816 = arith.constant 8 : i32
      %add3A_1817 = arith.addi %add3A_1709, %add3A_1816 : i32
      %min3A_1818 = arith.constant 511 : i32
      %min3A_1819 = arith.minsi %add3A_1817, %min3A_1818 : i32
      %shift_right_arithmetic3A_1820 = arith.constant 4 : i32
      %shift_right_arithmetic3A_1821 = arith.shrsi %min3A_1819, %shift_right_arithmetic3A_1820 : i32
      %mul3A_1822 = arith.constant 16 : i32
      %mul3A_1823 = arith.muli %shift_right_arithmetic3A_1821, %mul3A_1822 : i32
      %get3A_1824 = arith.index_cast %mul3A_1823 : i32 to index
      %get3A_1825 = tpu.vector_load %arg9[%get3A_1824] {strides = array<i32>} : memref<512xi32, #tpu.memory_space<vmem>>, vector<16xi32>,
      %and3A_1826 = arith.constant 15 : i32
      %and3A_1827 = arith.andi %min3A_1819, %and3A_1826 : i32
      %eq3A_1828 = vector.broadcast %and3A_1827 : i32 to vector<16xi32>
      %eq3A_1829 = arith.cmpi eq, %iota3A, %eq3A_1828 : vector<16xi32>
      %jit3A_1830 = arith.constant 0 : i32
      %broadcast_in_dim3A_1831 = vector.broadcast %jit3A_1830 : i32 to vector<16xi32>
      %select_n3A_1832 = arith.select %eq3A_1829, %get3A_1825, %broadcast_in_dim3A_1831 : vector<16xi1>, vector<16xi32>
      %reduce_max3A_1833 = arith.constant true
      %reduce_max3A_1834 = vector.broadcast %reduce_max3A_1833 : i1 to vector<16xi1>
      %reduce_max3A_1835 = arith.constant -2147483648 : i32
      %reduce_max3A_1836 = vector.broadcast %reduce_max3A_1835 : i32 to vector<16xi32>
      %reduce_max3A_1837 = arith.xori %select_n3A_1832, %reduce_max3A_1836 : vector<16xi32>
      %reduce_max3A_1838 = tpu.scan <max>, %reduce_max3A_1837 masked %reduce_max3A_1834 : vector<16xi32>, vector<16xi1> -> vector<16xi32>
      %reduce_max3A_1839 = arith.xori %reduce_max3A_1838, %reduce_max3A_1836 : vector<16xi32>
      %reduce_max3A_1840 = vector.extract %reduce_max3A_1839[15] : i32 from vector<16xi32>
      %shift_right_arithmetic3A_1841 = arith.constant 4 : i32
      %shift_right_arithmetic3A_1842 = arith.shrsi %min3A_1819, %shift_right_arithmetic3A_1841 : i32
      %mul3A_1843 = arith.constant 16 : i32
      %mul3A_1844 = arith.muli %shift_right_arithmetic3A_1842, %mul3A_1843 : i32
      %get3A_1845 = arith.index_cast %mul3A_1844 : i32 to index
      %get3A_1846 = tpu.vector_load %arg10[%get3A_1845] {strides = array<i32>} : memref<512xi32, #tpu.memory_space<vmem>>, vector<16xi32>,
      %and3A_1847 = arith.constant 15 : i32
      %and3A_1848 = arith.andi %min3A_1819, %and3A_1847 : i32
      %eq3A_1849 = vector.broadcast %and3A_1848 : i32 to vector<16xi32>
      %eq3A_1850 = arith.cmpi eq, %iota3A, %eq3A_1849 : vector<16xi32>
      %jit3A_1851 = arith.constant 0 : i32
      %broadcast_in_dim3A_1852 = vector.broadcast %jit3A_1851 : i32 to vector<16xi32>
      %select_n3A_1853 = arith.select %eq3A_1850, %get3A_1846, %broadcast_in_dim3A_1852 : vector<16xi1>, vector<16xi32>
      %reduce_max3A_1854 = arith.constant true
      %reduce_max3A_1855 = vector.broadcast %reduce_max3A_1854 : i1 to vector<16xi1>
      %reduce_max3A_1856 = arith.constant -2147483648 : i32
      %reduce_max3A_1857 = vector.broadcast %reduce_max3A_1856 : i32 to vector<16xi32>
      %reduce_max3A_1858 = arith.xori %select_n3A_1853, %reduce_max3A_1857 : vector<16xi32>
      %reduce_max3A_1859 = tpu.scan <max>, %reduce_max3A_1858 masked %reduce_max3A_1855 : vector<16xi32>, vector<16xi1> -> vector<16xi32>
      %reduce_max3A_1860 = arith.xori %reduce_max3A_1859, %reduce_max3A_1857 : vector<16xi32>
      %reduce_max3A_1861 = vector.extract %reduce_max3A_1860[15] : i32 from vector<16xi32>
      %shift_right_arithmetic3A_1862 = arith.constant 7 : i32
      %shift_right_arithmetic3A_1863 = arith.shrsi %reduce_max3A_1840, %shift_right_arithmetic3A_1862 : i32
      %min3A_1864 = arith.constant 7811 : i32
      %min3A_1865 = arith.minsi %shift_right_arithmetic3A_1863, %min3A_1864 : i32
      %shift_right_arithmetic3A_1866 = arith.constant 7 : i32
      %shift_right_arithmetic3A_1867 = arith.shrsi %reduce_max3A_1861, %shift_right_arithmetic3A_1866 : i32
      %min3A_1868 = arith.constant 7811 : i32
      %min3A_1869 = arith.minsi %shift_right_arithmetic3A_1867, %min3A_1868 : i32
      %mul3A_1870 = arith.constant 128 : i32
      %mul3A_1871 = arith.muli %min3A_1865, %mul3A_1870 : i32
      %dma_start3A_1872 = arith.constant 4 : i32
      %dma_start3A_1873 = arith.constant 4 : i32
      %dma_start3A_1874 = arith.constant 0 : i32
      %dma_start3A_1875 = arith.constant 0 : i32
      %dma_start3A_1876 = tpu.memref_slice %arg11[%dma_start3A_1872, %dma_start3A_1874, %dma_start3A_1875] : memref<8x32x128xf32, #tpu.memory_space<vmem>> -> memref<1x32x128xf32, #tpu.memory_space<vmem>>
      %dma_start3A_1877 = tpu.memref_squeeze %dma_start3A_1876 : memref<1x32x128xf32, #tpu.memory_space<vmem>> -> memref<32x128xf32, #tpu.memory_space<vmem>>
      %dma_start3A_1878 = arith.constant 0 : i32
      %dma_start3A_1879 = tpu.memref_slice %arg4[%dma_start3A_1878, %mul3A_1871] : memref<32x1000000xf32, #tpu.memory_space<hbm>> -> memref<32x128xf32, #tpu.memory_space<hbm>>
      %dma_start3A_1880 = tpu.memref_slice %arg16[%dma_start3A_1873] : memref<8x!tpu.dma_semaphore, #tpu.memory_space<semaphore_mem>> -> memref<1x!tpu.dma_semaphore, #tpu.memory_space<semaphore_mem>>
      %dma_start3A_1881 = tpu.memref_squeeze %dma_start3A_1880 : memref<1x!tpu.dma_semaphore, #tpu.memory_space<semaphore_mem>> -> memref<!tpu.dma_semaphore, #tpu.memory_space<semaphore_mem>>
      %dma_start3A_1882 = arith.constant 0 : i32
      %dma_start3A_1883 = arith.constant 0 : i32
      %dma_start3A_1884 = tpu.memref_slice %arg11[%dma_start3A_1872, %dma_start3A_1882, %dma_start3A_1883] : memref<8x32x128xf32, #tpu.memory_space<vmem>> -> memref<1x32x128xf32, #tpu.memory_space<vmem>>
      %dma_start3A_1885 = tpu.memref_squeeze %dma_start3A_1884 : memref<1x32x128xf32, #tpu.memory_space<vmem>> -> memref<32x128xf32, #tpu.memory_space<vmem>>
      %dma_start3A_1886 = arith.constant 0 : i32
      %dma_start3A_1887 = tpu.memref_slice %arg4[%dma_start3A_1886, %mul3A_1871] : memref<32x1000000xf32, #tpu.memory_space<hbm>> -> memref<32x128xf32, #tpu.memory_space<hbm>>
      tpu.enqueue_dma source(%dma_start3A_1887 : memref<32x128xf32, #tpu.memory_space<hbm>>) target(%dma_start3A_1885 : memref<32x128xf32, #tpu.memory_space<vmem>>) target_semaphore(%dma_start3A_1881 : memref<!tpu.dma_semaphore, #tpu.memory_space<semaphore_mem>>)
      %mul3A_1888 = arith.constant 128 : i32
      %mul3A_1889 = arith.muli %min3A_1869, %mul3A_1888 : i32
      %dma_start3A_1890 = arith.constant 4 : i32
      %dma_start3A_1891 = arith.constant 4 : i32
      %dma_start3A_1892 = arith.constant 0 : i32
      %dma_start3A_1893 = arith.constant 0 : i32
      %dma_start3A_1894 = tpu.memref_slice %arg12[%dma_start3A_1890, %dma_start3A_1892, %dma_start3A_1893] : memref<8x32x128xf32, #tpu.memory_space<vmem>> -> memref<1x32x128xf32, #tpu.memory_space<vmem>>
      %dma_start3A_1895 = tpu.memref_squeeze %dma_start3A_1894 : memref<1x32x128xf32, #tpu.memory_space<vmem>> -> memref<32x128xf32, #tpu.memory_space<vmem>>
      %dma_start3A_1896 = arith.constant 0 : i32
      %dma_start3A_1897 = tpu.memref_slice %arg5[%dma_start3A_1896, %mul3A_1889] : memref<32x1000000xf32, #tpu.memory_space<hbm>> -> memref<32x128xf32, #tpu.memory_space<hbm>>
      %dma_start3A_1898 = tpu.memref_slice %arg17[%dma_start3A_1891] : memref<8x!tpu.dma_semaphore, #tpu.memory_space<semaphore_mem>> -> memref<1x!tpu.dma_semaphore, #tpu.memory_space<semaphore_mem>>
      %dma_start3A_1899 = tpu.memref_squeeze %dma_start3A_1898 : memref<1x!tpu.dma_semaphore, #tpu.memory_space<semaphore_mem>> -> memref<!tpu.dma_semaphore, #tpu.memory_space<semaphore_mem>>
      %dma_start3A_1900 = arith.constant 0 : i32
      %dma_start3A_1901 = arith.constant 0 : i32
      %dma_start3A_1902 = tpu.memref_slice %arg12[%dma_start3A_1890, %dma_start3A_1900, %dma_start3A_1901] : memref<8x32x128xf32, #tpu.memory_space<vmem>> -> memref<1x32x128xf32, #tpu.memory_space<vmem>>
      %dma_start3A_1903 = tpu.memref_squeeze %dma_start3A_1902 : memref<1x32x128xf32, #tpu.memory_space<vmem>> -> memref<32x128xf32, #tpu.memory_space<vmem>>
      %dma_start3A_1904 = arith.constant 0 : i32
      %dma_start3A_1905 = tpu.memref_slice %arg5[%dma_start3A_1904, %mul3A_1889] : memref<32x1000000xf32, #tpu.memory_space<hbm>> -> memref<32x128xf32, #tpu.memory_space<hbm>>
      tpu.enqueue_dma source(%dma_start3A_1905 : memref<32x128xf32, #tpu.memory_space<hbm>>) target(%dma_start3A_1903 : memref<32x128xf32, #tpu.memory_space<vmem>>) target_semaphore(%dma_start3A_1899 : memref<!tpu.dma_semaphore, #tpu.memory_space<semaphore_mem>>)
      %mul3A_1906 = arith.constant 8 : i32
      %mul3A_1907 = arith.muli %scan3A_894, %mul3A_1906 : i32
      %add3A_1908 = arith.constant 5 : i32
      %add3A_1909 = arith.addi %mul3A_1907, %add3A_1908 : i32
      %dma_wait3A_1910 = arith.constant 5 : i32
      %dma_wait3A_1911 = arith.constant 5 : i32
      %dma_wait3A_1912 = arith.constant 0 : i32
      %dma_wait3A_1913 = arith.constant 0 : i32
      %dma_wait3A_1914 = tpu.memref_slice %arg11[%dma_wait3A_1910, %dma_wait3A_1912, %dma_wait3A_1913] : memref<8x32x128xf32, #tpu.memory_space<vmem>> -> memref<1x32x128xf32, #tpu.memory_space<vmem>>
      %dma_wait3A_1915 = tpu.memref_squeeze %dma_wait3A_1914 : memref<1x32x128xf32, #tpu.memory_space<vmem>> -> memref<32x128xf32, #tpu.memory_space<vmem>>
      %dma_wait3A_1916 = arith.constant 0 : i32
      %dma_wait3A_1917 = arith.constant 0 : i32
      %dma_wait3A_1918 = tpu.memref_slice %arg4[%dma_wait3A_1916, %dma_wait3A_1917] : memref<32x1000000xf32, #tpu.memory_space<hbm>> -> memref<32x128xf32, #tpu.memory_space<hbm>>
      %dma_wait3A_1919 = tpu.memref_slice %arg16[%dma_wait3A_1911] : memref<8x!tpu.dma_semaphore, #tpu.memory_space<semaphore_mem>> -> memref<1x!tpu.dma_semaphore, #tpu.memory_space<semaphore_mem>>
      %dma_wait3A_1920 = tpu.memref_squeeze %dma_wait3A_1919 : memref<1x!tpu.dma_semaphore, #tpu.memory_space<semaphore_mem>> -> memref<!tpu.dma_semaphore, #tpu.memory_space<semaphore_mem>>
      %dma_wait3A_1921 = arith.constant 0 : i32
      %dma_wait3A_1922 = arith.constant 0 : i32
      %dma_wait3A_1923 = tpu.memref_slice %arg11[%dma_wait3A_1910, %dma_wait3A_1921, %dma_wait3A_1922] : memref<8x32x128xf32, #tpu.memory_space<vmem>> -> memref<1x32x128xf32, #tpu.memory_space<vmem>>
      %dma_wait3A_1924 = tpu.memref_squeeze %dma_wait3A_1923 : memref<1x32x128xf32, #tpu.memory_space<vmem>> -> memref<32x128xf32, #tpu.memory_space<vmem>>
      %dma_wait3A_1925 = arith.constant 0 : i32
      %dma_wait3A_1926 = arith.constant 0 : i32
      %dma_wait3A_1927 = tpu.memref_slice %arg4[%dma_wait3A_1925, %dma_wait3A_1926] : memref<32x1000000xf32, #tpu.memory_space<hbm>> -> memref<32x128xf32, #tpu.memory_space<hbm>>
      tpu.wait_dma2 semaphore(%dma_wait3A_1920 : memref<!tpu.dma_semaphore, #tpu.memory_space<semaphore_mem>>) src(%dma_wait3A_1927 : memref<32x128xf32, #tpu.memory_space<hbm>>) dst(%dma_wait3A_1924 : memref<32x128xf32, #tpu.memory_space<vmem>>)
      %dma_wait3A_1928 = arith.constant 5 : i32
      %dma_wait3A_1929 = arith.constant 5 : i32
      %dma_wait3A_1930 = arith.constant 0 : i32
      %dma_wait3A_1931 = arith.constant 0 : i32
      %dma_wait3A_1932 = tpu.memref_slice %arg12[%dma_wait3A_1928, %dma_wait3A_1930, %dma_wait3A_1931] : memref<8x32x128xf32, #tpu.memory_space<vmem>> -> memref<1x32x128xf32, #tpu.memory_space<vmem>>
      %dma_wait3A_1933 = tpu.memref_squeeze %dma_wait3A_1932 : memref<1x32x128xf32, #tpu.memory_space<vmem>> -> memref<32x128xf32, #tpu.memory_space<vmem>>
      %dma_wait3A_1934 = arith.constant 0 : i32
      %dma_wait3A_1935 = arith.constant 0 : i32
      %dma_wait3A_1936 = tpu.memref_slice %arg4[%dma_wait3A_1934, %dma_wait3A_1935] : memref<32x1000000xf32, #tpu.memory_space<hbm>> -> memref<32x128xf32, #tpu.memory_space<hbm>>
      %dma_wait3A_1937 = tpu.memref_slice %arg17[%dma_wait3A_1929] : memref<8x!tpu.dma_semaphore, #tpu.memory_space<semaphore_mem>> -> memref<1x!tpu.dma_semaphore, #tpu.memory_space<semaphore_mem>>
      %dma_wait3A_1938 = tpu.memref_squeeze %dma_wait3A_1937 : memref<1x!tpu.dma_semaphore, #tpu.memory_space<semaphore_mem>> -> memref<!tpu.dma_semaphore, #tpu.memory_space<semaphore_mem>>
      %dma_wait3A_1939 = arith.constant 0 : i32
      %dma_wait3A_1940 = arith.constant 0 : i32
      %dma_wait3A_1941 = tpu.memref_slice %arg12[%dma_wait3A_1928, %dma_wait3A_1939, %dma_wait3A_1940] : memref<8x32x128xf32, #tpu.memory_space<vmem>> -> memref<1x32x128xf32, #tpu.memory_space<vmem>>
      %dma_wait3A_1942 = tpu.memref_squeeze %dma_wait3A_1941 : memref<1x32x128xf32, #tpu.memory_space<vmem>> -> memref<32x128xf32, #tpu.memory_space<vmem>>
      %dma_wait3A_1943 = arith.constant 0 : i32
      %dma_wait3A_1944 = arith.constant 0 : i32
      %dma_wait3A_1945 = tpu.memref_slice %arg4[%dma_wait3A_1943, %dma_wait3A_1944] : memref<32x1000000xf32, #tpu.memory_space<hbm>> -> memref<32x128xf32, #tpu.memory_space<hbm>>
      tpu.wait_dma2 semaphore(%dma_wait3A_1938 : memref<!tpu.dma_semaphore, #tpu.memory_space<semaphore_mem>>) src(%dma_wait3A_1945 : memref<32x128xf32, #tpu.memory_space<hbm>>) dst(%dma_wait3A_1942 : memref<32x128xf32, #tpu.memory_space<vmem>>)
      %and3A_1946 = arith.constant 127 : i32
      %and3A_1947 = arith.andi %scan3A_905, %and3A_1946 : i32
      %broadcast_in_dim3A_1948 = vector.broadcast %and3A_1947 : i32 to vector<16xi32>
      %gather3A_1949 = arith.constant 5 : i32
      %gather3A_1950 = arith.constant 0 : i32
      %gather3A_1951 = arith.constant 0 : i32
      %gather3A_1952 = tpu.memref_slice %arg11[%gather3A_1949, %gather3A_1950, %gather3A_1951] : memref<8x32x128xf32, #tpu.memory_space<vmem>> -> memref<1x32x128xf32, #tpu.memory_space<vmem>>
      %gather3A_1953 = tpu.memref_squeeze %gather3A_1952 : memref<1x32x128xf32, #tpu.memory_space<vmem>> -> memref<32x128xf32, #tpu.memory_space<vmem>>
      %gather3A_1954 = tpu.vector_load_idx %gather3A_1953[%iota3A, %broadcast_in_dim3A_1948] : memref<32x128xf32, #tpu.memory_space<vmem>>[vector<16xi32>, vector<16xi32>], vector<16xf32>,
      %add3A_1955 = arith.constant 16 : i32
      %add3A_1956 = vector.broadcast %add3A_1955 : i32 to vector<16xi32>
      %add3A_1957 = arith.addi %iota3A, %add3A_1956 : vector<16xi32>
      %gather3A_1958 = arith.constant 5 : i32
      %gather3A_1959 = arith.constant 0 : i32
      %gather3A_1960 = arith.constant 0 : i32
      %gather3A_1961 = tpu.memref_slice %arg11[%gather3A_1958, %gather3A_1959, %gather3A_1960] : memref<8x32x128xf32, #tpu.memory_space<vmem>> -> memref<1x32x128xf32, #tpu.memory_space<vmem>>
      %gather3A_1962 = tpu.memref_squeeze %gather3A_1961 : memref<1x32x128xf32, #tpu.memory_space<vmem>> -> memref<32x128xf32, #tpu.memory_space<vmem>>
      %gather3A_1963 = tpu.vector_load_idx %gather3A_1962[%add3A_1957, %broadcast_in_dim3A_1948] : memref<32x128xf32, #tpu.memory_space<vmem>>[vector<16xi32>, vector<16xi32>], vector<16xf32>,
      %sub3A_1964 = arith.constant 999936 : i32
      %sub3A_1965 = arith.subi %scan3A_905, %sub3A_1964 : i32
      %max3A_1966 = arith.constant 0 : i32
      %max3A_1967 = arith.maxsi %sub3A_1965, %max3A_1966 : i32
      %broadcast_in_dim3A_1968 = vector.broadcast %max3A_1967 : i32 to vector<16xi32>
      %ge3A_1969 = arith.constant 999936 : i32
      %ge3A_1970 = arith.cmpi sge, %scan3A_905, %ge3A_1969 : i32
      %gather3A_1971 = tpu.vector_load_idx %arg13[%broadcast_in_dim3A_1968, %iota3A] : memref<64x128xf32, #tpu.memory_space<vmem>>[vector<16xi32>, vector<16xi32>], vector<16xf32>,
      %add3A_1972 = arith.constant 16 : i32
      %add3A_1973 = vector.broadcast %add3A_1972 : i32 to vector<16xi32>
      %add3A_1974 = arith.addi %iota3A, %add3A_1973 : vector<16xi32>
      %gather3A_1975 = tpu.vector_load_idx %arg13[%broadcast_in_dim3A_1968, %add3A_1974] : memref<64x128xf32, #tpu.memory_space<vmem>>[vector<16xi32>, vector<16xi32>], vector<16xf32>,
      %select_n3A_1976 = arith.select %ge3A_1970, %gather3A_1971, %gather3A_1954 : vector<16xf32>
      %select_n3A_1977 = arith.select %ge3A_1970, %gather3A_1975, %gather3A_1963 : vector<16xf32>
      %and3A_1978 = arith.constant 127 : i32
      %and3A_1979 = arith.andi %scan3A_906, %and3A_1978 : i32
      %broadcast_in_dim3A_1980 = vector.broadcast %and3A_1979 : i32 to vector<16xi32>
      %gather3A_1981 = arith.constant 5 : i32
      %gather3A_1982 = arith.constant 0 : i32
      %gather3A_1983 = arith.constant 0 : i32
      %gather3A_1984 = tpu.memref_slice %arg12[%gather3A_1981, %gather3A_1982, %gather3A_1983] : memref<8x32x128xf32, #tpu.memory_space<vmem>> -> memref<1x32x128xf32, #tpu.memory_space<vmem>>
      %gather3A_1985 = tpu.memref_squeeze %gather3A_1984 : memref<1x32x128xf32, #tpu.memory_space<vmem>> -> memref<32x128xf32, #tpu.memory_space<vmem>>
      %gather3A_1986 = tpu.vector_load_idx %gather3A_1985[%iota3A, %broadcast_in_dim3A_1980] : memref<32x128xf32, #tpu.memory_space<vmem>>[vector<16xi32>, vector<16xi32>], vector<16xf32>,
      %add3A_1987 = arith.constant 16 : i32
      %add3A_1988 = vector.broadcast %add3A_1987 : i32 to vector<16xi32>
      %add3A_1989 = arith.addi %iota3A, %add3A_1988 : vector<16xi32>
      %gather3A_1990 = arith.constant 5 : i32
      %gather3A_1991 = arith.constant 0 : i32
      %gather3A_1992 = arith.constant 0 : i32
      %gather3A_1993 = tpu.memref_slice %arg12[%gather3A_1990, %gather3A_1991, %gather3A_1992] : memref<8x32x128xf32, #tpu.memory_space<vmem>> -> memref<1x32x128xf32, #tpu.memory_space<vmem>>
      %gather3A_1994 = tpu.memref_squeeze %gather3A_1993 : memref<1x32x128xf32, #tpu.memory_space<vmem>> -> memref<32x128xf32, #tpu.memory_space<vmem>>
      %gather3A_1995 = tpu.vector_load_idx %gather3A_1994[%add3A_1989, %broadcast_in_dim3A_1980] : memref<32x128xf32, #tpu.memory_space<vmem>>[vector<16xi32>, vector<16xi32>], vector<16xf32>,
      %sub3A_1996 = arith.constant 999936 : i32
      %sub3A_1997 = arith.subi %scan3A_906, %sub3A_1996 : i32
      %max3A_1998 = arith.constant 0 : i32
      %max3A_1999 = arith.maxsi %sub3A_1997, %max3A_1998 : i32
      %broadcast_in_dim3A_2000 = vector.broadcast %max3A_1999 : i32 to vector<16xi32>
      %ge3A_2001 = arith.constant 999936 : i32
      %ge3A_2002 = arith.cmpi sge, %scan3A_906, %ge3A_2001 : i32
      %gather3A_2003 = tpu.vector_load_idx %arg14[%broadcast_in_dim3A_2000, %iota3A] : memref<64x128xf32, #tpu.memory_space<vmem>>[vector<16xi32>, vector<16xi32>], vector<16xf32>,
      %add3A_2004 = arith.constant 16 : i32
      %add3A_2005 = vector.broadcast %add3A_2004 : i32 to vector<16xi32>
      %add3A_2006 = arith.addi %iota3A, %add3A_2005 : vector<16xi32>
      %gather3A_2007 = tpu.vector_load_idx %arg14[%broadcast_in_dim3A_2000, %add3A_2006] : memref<64x128xf32, #tpu.memory_space<vmem>>[vector<16xi32>, vector<16xi32>], vector<16xf32>,
      %select_n3A_2008 = arith.select %ge3A_2002, %gather3A_2003, %gather3A_1986 : vector<16xf32>
      %select_n3A_2009 = arith.select %ge3A_2002, %gather3A_2007, %gather3A_1995 : vector<16xf32>
      %broadcast_in_dim3A_2010 = vector.broadcast %add3A_1909 : i32 to vector<16xi32>
      %mul3A_2011 = arith.mulf %select_n3A_1976, %select_n3A_2008 : vector<16xf32>
      tpu.vector_store_idx %arg15[%iota3A, %broadcast_in_dim3A_2010], %mul3A_2011 : memref<32x512xf32, #tpu.memory_space<vmem>>[vector<16xi32>, vector<16xi32>], vector<16xf32>,
      %add3A_2012 = arith.constant 16 : i32
      %add3A_2013 = vector.broadcast %add3A_2012 : i32 to vector<16xi32>
      %add3A_2014 = arith.addi %iota3A, %add3A_2013 : vector<16xi32>
      %mul3A_2015 = arith.mulf %select_n3A_1977, %select_n3A_2009 : vector<16xf32>
      tpu.vector_store_idx %arg15[%add3A_2014, %broadcast_in_dim3A_2010], %mul3A_2015 : memref<32x512xf32, #tpu.memory_space<vmem>>[vector<16xi32>, vector<16xi32>], vector<16xf32>,
      %add3A_2016 = arith.constant 8 : i32
      %add3A_2017 = arith.addi %add3A_1909, %add3A_2016 : i32
      %min3A_2018 = arith.constant 511 : i32
      %min3A_2019 = arith.minsi %add3A_2017, %min3A_2018 : i32
      %shift_right_arithmetic3A_2020 = arith.constant 4 : i32
      %shift_right_arithmetic3A_2021 = arith.shrsi %min3A_2019, %shift_right_arithmetic3A_2020 : i32
      %mul3A_2022 = arith.constant 16 : i32
      %mul3A_2023 = arith.muli %shift_right_arithmetic3A_2021, %mul3A_2022 : i32
      %get3A_2024 = arith.index_cast %mul3A_2023 : i32 to index
      %get3A_2025 = tpu.vector_load %arg9[%get3A_2024] {strides = array<i32>} : memref<512xi32, #tpu.memory_space<vmem>>, vector<16xi32>,
      %and3A_2026 = arith.constant 15 : i32
      %and3A_2027 = arith.andi %min3A_2019, %and3A_2026 : i32
      %eq3A_2028 = vector.broadcast %and3A_2027 : i32 to vector<16xi32>
      %eq3A_2029 = arith.cmpi eq, %iota3A, %eq3A_2028 : vector<16xi32>
      %jit3A_2030 = arith.constant 0 : i32
      %broadcast_in_dim3A_2031 = vector.broadcast %jit3A_2030 : i32 to vector<16xi32>
      %select_n3A_2032 = arith.select %eq3A_2029, %get3A_2025, %broadcast_in_dim3A_2031 : vector<16xi1>, vector<16xi32>
      %reduce_max3A_2033 = arith.constant true
      %reduce_max3A_2034 = vector.broadcast %reduce_max3A_2033 : i1 to vector<16xi1>
      %reduce_max3A_2035 = arith.constant -2147483648 : i32
      %reduce_max3A_2036 = vector.broadcast %reduce_max3A_2035 : i32 to vector<16xi32>
      %reduce_max3A_2037 = arith.xori %select_n3A_2032, %reduce_max3A_2036 : vector<16xi32>
      %reduce_max3A_2038 = tpu.scan <max>, %reduce_max3A_2037 masked %reduce_max3A_2034 : vector<16xi32>, vector<16xi1> -> vector<16xi32>
      %reduce_max3A_2039 = arith.xori %reduce_max3A_2038, %reduce_max3A_2036 : vector<16xi32>
      %reduce_max3A_2040 = vector.extract %reduce_max3A_2039[15] : i32 from vector<16xi32>
      %shift_right_arithmetic3A_2041 = arith.constant 4 : i32
      %shift_right_arithmetic3A_2042 = arith.shrsi %min3A_2019, %shift_right_arithmetic3A_2041 : i32
      %mul3A_2043 = arith.constant 16 : i32
      %mul3A_2044 = arith.muli %shift_right_arithmetic3A_2042, %mul3A_2043 : i32
      %get3A_2045 = arith.index_cast %mul3A_2044 : i32 to index
      %get3A_2046 = tpu.vector_load %arg10[%get3A_2045] {strides = array<i32>} : memref<512xi32, #tpu.memory_space<vmem>>, vector<16xi32>,
      %and3A_2047 = arith.constant 15 : i32
      %and3A_2048 = arith.andi %min3A_2019, %and3A_2047 : i32
      %eq3A_2049 = vector.broadcast %and3A_2048 : i32 to vector<16xi32>
      %eq3A_2050 = arith.cmpi eq, %iota3A, %eq3A_2049 : vector<16xi32>
      %jit3A_2051 = arith.constant 0 : i32
      %broadcast_in_dim3A_2052 = vector.broadcast %jit3A_2051 : i32 to vector<16xi32>
      %select_n3A_2053 = arith.select %eq3A_2050, %get3A_2046, %broadcast_in_dim3A_2052 : vector<16xi1>, vector<16xi32>
      %reduce_max3A_2054 = arith.constant true
      %reduce_max3A_2055 = vector.broadcast %reduce_max3A_2054 : i1 to vector<16xi1>
      %reduce_max3A_2056 = arith.constant -2147483648 : i32
      %reduce_max3A_2057 = vector.broadcast %reduce_max3A_2056 : i32 to vector<16xi32>
      %reduce_max3A_2058 = arith.xori %select_n3A_2053, %reduce_max3A_2057 : vector<16xi32>
      %reduce_max3A_2059 = tpu.scan <max>, %reduce_max3A_2058 masked %reduce_max3A_2055 : vector<16xi32>, vector<16xi1> -> vector<16xi32>
      %reduce_max3A_2060 = arith.xori %reduce_max3A_2059, %reduce_max3A_2057 : vector<16xi32>
      %reduce_max3A_2061 = vector.extract %reduce_max3A_2060[15] : i32 from vector<16xi32>
      %shift_right_arithmetic3A_2062 = arith.constant 7 : i32
      %shift_right_arithmetic3A_2063 = arith.shrsi %reduce_max3A_2040, %shift_right_arithmetic3A_2062 : i32
      %min3A_2064 = arith.constant 7811 : i32
      %min3A_2065 = arith.minsi %shift_right_arithmetic3A_2063, %min3A_2064 : i32
      %shift_right_arithmetic3A_2066 = arith.constant 7 : i32
      %shift_right_arithmetic3A_2067 = arith.shrsi %reduce_max3A_2061, %shift_right_arithmetic3A_2066 : i32
      %min3A_2068 = arith.constant 7811 : i32
      %min3A_2069 = arith.minsi %shift_right_arithmetic3A_2067, %min3A_2068 : i32
      %mul3A_2070 = arith.constant 128 : i32
      %mul3A_2071 = arith.muli %min3A_2065, %mul3A_2070 : i32
      %dma_start3A_2072 = arith.constant 5 : i32
      %dma_start3A_2073 = arith.constant 5 : i32
      %dma_start3A_2074 = arith.constant 0 : i32
      %dma_start3A_2075 = arith.constant 0 : i32
      %dma_start3A_2076 = tpu.memref_slice %arg11[%dma_start3A_2072, %dma_start3A_2074, %dma_start3A_2075] : memref<8x32x128xf32, #tpu.memory_space<vmem>> -> memref<1x32x128xf32, #tpu.memory_space<vmem>>
      %dma_start3A_2077 = tpu.memref_squeeze %dma_start3A_2076 : memref<1x32x128xf32, #tpu.memory_space<vmem>> -> memref<32x128xf32, #tpu.memory_space<vmem>>
      %dma_start3A_2078 = arith.constant 0 : i32
      %dma_start3A_2079 = tpu.memref_slice %arg4[%dma_start3A_2078, %mul3A_2071] : memref<32x1000000xf32, #tpu.memory_space<hbm>> -> memref<32x128xf32, #tpu.memory_space<hbm>>
      %dma_start3A_2080 = tpu.memref_slice %arg16[%dma_start3A_2073] : memref<8x!tpu.dma_semaphore, #tpu.memory_space<semaphore_mem>> -> memref<1x!tpu.dma_semaphore, #tpu.memory_space<semaphore_mem>>
      %dma_start3A_2081 = tpu.memref_squeeze %dma_start3A_2080 : memref<1x!tpu.dma_semaphore, #tpu.memory_space<semaphore_mem>> -> memref<!tpu.dma_semaphore, #tpu.memory_space<semaphore_mem>>
      %dma_start3A_2082 = arith.constant 0 : i32
      %dma_start3A_2083 = arith.constant 0 : i32
      %dma_start3A_2084 = tpu.memref_slice %arg11[%dma_start3A_2072, %dma_start3A_2082, %dma_start3A_2083] : memref<8x32x128xf32, #tpu.memory_space<vmem>> -> memref<1x32x128xf32, #tpu.memory_space<vmem>>
      %dma_start3A_2085 = tpu.memref_squeeze %dma_start3A_2084 : memref<1x32x128xf32, #tpu.memory_space<vmem>> -> memref<32x128xf32, #tpu.memory_space<vmem>>
      %dma_start3A_2086 = arith.constant 0 : i32
      %dma_start3A_2087 = tpu.memref_slice %arg4[%dma_start3A_2086, %mul3A_2071] : memref<32x1000000xf32, #tpu.memory_space<hbm>> -> memref<32x128xf32, #tpu.memory_space<hbm>>
      tpu.enqueue_dma source(%dma_start3A_2087 : memref<32x128xf32, #tpu.memory_space<hbm>>) target(%dma_start3A_2085 : memref<32x128xf32, #tpu.memory_space<vmem>>) target_semaphore(%dma_start3A_2081 : memref<!tpu.dma_semaphore, #tpu.memory_space<semaphore_mem>>)
      %mul3A_2088 = arith.constant 128 : i32
      %mul3A_2089 = arith.muli %min3A_2069, %mul3A_2088 : i32
      %dma_start3A_2090 = arith.constant 5 : i32
      %dma_start3A_2091 = arith.constant 5 : i32
      %dma_start3A_2092 = arith.constant 0 : i32
      %dma_start3A_2093 = arith.constant 0 : i32
      %dma_start3A_2094 = tpu.memref_slice %arg12[%dma_start3A_2090, %dma_start3A_2092, %dma_start3A_2093] : memref<8x32x128xf32, #tpu.memory_space<vmem>> -> memref<1x32x128xf32, #tpu.memory_space<vmem>>
      %dma_start3A_2095 = tpu.memref_squeeze %dma_start3A_2094 : memref<1x32x128xf32, #tpu.memory_space<vmem>> -> memref<32x128xf32, #tpu.memory_space<vmem>>
      %dma_start3A_2096 = arith.constant 0 : i32
      %dma_start3A_2097 = tpu.memref_slice %arg5[%dma_start3A_2096, %mul3A_2089] : memref<32x1000000xf32, #tpu.memory_space<hbm>> -> memref<32x128xf32, #tpu.memory_space<hbm>>
      %dma_start3A_2098 = tpu.memref_slice %arg17[%dma_start3A_2091] : memref<8x!tpu.dma_semaphore, #tpu.memory_space<semaphore_mem>> -> memref<1x!tpu.dma_semaphore, #tpu.memory_space<semaphore_mem>>
      %dma_start3A_2099 = tpu.memref_squeeze %dma_start3A_2098 : memref<1x!tpu.dma_semaphore, #tpu.memory_space<semaphore_mem>> -> memref<!tpu.dma_semaphore, #tpu.memory_space<semaphore_mem>>
      %dma_start3A_2100 = arith.constant 0 : i32
      %dma_start3A_2101 = arith.constant 0 : i32
      %dma_start3A_2102 = tpu.memref_slice %arg12[%dma_start3A_2090, %dma_start3A_2100, %dma_start3A_2101] : memref<8x32x128xf32, #tpu.memory_space<vmem>> -> memref<1x32x128xf32, #tpu.memory_space<vmem>>
      %dma_start3A_2103 = tpu.memref_squeeze %dma_start3A_2102 : memref<1x32x128xf32, #tpu.memory_space<vmem>> -> memref<32x128xf32, #tpu.memory_space<vmem>>
      %dma_start3A_2104 = arith.constant 0 : i32
      %dma_start3A_2105 = tpu.memref_slice %arg5[%dma_start3A_2104, %mul3A_2089] : memref<32x1000000xf32, #tpu.memory_space<hbm>> -> memref<32x128xf32, #tpu.memory_space<hbm>>
      tpu.enqueue_dma source(%dma_start3A_2105 : memref<32x128xf32, #tpu.memory_space<hbm>>) target(%dma_start3A_2103 : memref<32x128xf32, #tpu.memory_space<vmem>>) target_semaphore(%dma_start3A_2099 : memref<!tpu.dma_semaphore, #tpu.memory_space<semaphore_mem>>)
      %mul3A_2106 = arith.constant 8 : i32
      %mul3A_2107 = arith.muli %scan3A_894, %mul3A_2106 : i32
      %add3A_2108 = arith.constant 6 : i32
      %add3A_2109 = arith.addi %mul3A_2107, %add3A_2108 : i32
      %dma_wait3A_2110 = arith.constant 6 : i32
      %dma_wait3A_2111 = arith.constant 6 : i32
      %dma_wait3A_2112 = arith.constant 0 : i32
      %dma_wait3A_2113 = arith.constant 0 : i32
      %dma_wait3A_2114 = tpu.memref_slice %arg11[%dma_wait3A_2110, %dma_wait3A_2112, %dma_wait3A_2113] : memref<8x32x128xf32, #tpu.memory_space<vmem>> -> memref<1x32x128xf32, #tpu.memory_space<vmem>>
      %dma_wait3A_2115 = tpu.memref_squeeze %dma_wait3A_2114 : memref<1x32x128xf32, #tpu.memory_space<vmem>> -> memref<32x128xf32, #tpu.memory_space<vmem>>
      %dma_wait3A_2116 = arith.constant 0 : i32
      %dma_wait3A_2117 = arith.constant 0 : i32
      %dma_wait3A_2118 = tpu.memref_slice %arg4[%dma_wait3A_2116, %dma_wait3A_2117] : memref<32x1000000xf32, #tpu.memory_space<hbm>> -> memref<32x128xf32, #tpu.memory_space<hbm>>
      %dma_wait3A_2119 = tpu.memref_slice %arg16[%dma_wait3A_2111] : memref<8x!tpu.dma_semaphore, #tpu.memory_space<semaphore_mem>> -> memref<1x!tpu.dma_semaphore, #tpu.memory_space<semaphore_mem>>
      %dma_wait3A_2120 = tpu.memref_squeeze %dma_wait3A_2119 : memref<1x!tpu.dma_semaphore, #tpu.memory_space<semaphore_mem>> -> memref<!tpu.dma_semaphore, #tpu.memory_space<semaphore_mem>>
      %dma_wait3A_2121 = arith.constant 0 : i32
      %dma_wait3A_2122 = arith.constant 0 : i32
      %dma_wait3A_2123 = tpu.memref_slice %arg11[%dma_wait3A_2110, %dma_wait3A_2121, %dma_wait3A_2122] : memref<8x32x128xf32, #tpu.memory_space<vmem>> -> memref<1x32x128xf32, #tpu.memory_space<vmem>>
      %dma_wait3A_2124 = tpu.memref_squeeze %dma_wait3A_2123 : memref<1x32x128xf32, #tpu.memory_space<vmem>> -> memref<32x128xf32, #tpu.memory_space<vmem>>
      %dma_wait3A_2125 = arith.constant 0 : i32
      %dma_wait3A_2126 = arith.constant 0 : i32
      %dma_wait3A_2127 = tpu.memref_slice %arg4[%dma_wait3A_2125, %dma_wait3A_2126] : memref<32x1000000xf32, #tpu.memory_space<hbm>> -> memref<32x128xf32, #tpu.memory_space<hbm>>
      tpu.wait_dma2 semaphore(%dma_wait3A_2120 : memref<!tpu.dma_semaphore, #tpu.memory_space<semaphore_mem>>) src(%dma_wait3A_2127 : memref<32x128xf32, #tpu.memory_space<hbm>>) dst(%dma_wait3A_2124 : memref<32x128xf32, #tpu.memory_space<vmem>>)
      %dma_wait3A_2128 = arith.constant 6 : i32
      %dma_wait3A_2129 = arith.constant 6 : i32
      %dma_wait3A_2130 = arith.constant 0 : i32
      %dma_wait3A_2131 = arith.constant 0 : i32
      %dma_wait3A_2132 = tpu.memref_slice %arg12[%dma_wait3A_2128, %dma_wait3A_2130, %dma_wait3A_2131] : memref<8x32x128xf32, #tpu.memory_space<vmem>> -> memref<1x32x128xf32, #tpu.memory_space<vmem>>
      %dma_wait3A_2133 = tpu.memref_squeeze %dma_wait3A_2132 : memref<1x32x128xf32, #tpu.memory_space<vmem>> -> memref<32x128xf32, #tpu.memory_space<vmem>>
      %dma_wait3A_2134 = arith.constant 0 : i32
      %dma_wait3A_2135 = arith.constant 0 : i32
      %dma_wait3A_2136 = tpu.memref_slice %arg4[%dma_wait3A_2134, %dma_wait3A_2135] : memref<32x1000000xf32, #tpu.memory_space<hbm>> -> memref<32x128xf32, #tpu.memory_space<hbm>>
      %dma_wait3A_2137 = tpu.memref_slice %arg17[%dma_wait3A_2129] : memref<8x!tpu.dma_semaphore, #tpu.memory_space<semaphore_mem>> -> memref<1x!tpu.dma_semaphore, #tpu.memory_space<semaphore_mem>>
      %dma_wait3A_2138 = tpu.memref_squeeze %dma_wait3A_2137 : memref<1x!tpu.dma_semaphore, #tpu.memory_space<semaphore_mem>> -> memref<!tpu.dma_semaphore, #tpu.memory_space<semaphore_mem>>
      %dma_wait3A_2139 = arith.constant 0 : i32
      %dma_wait3A_2140 = arith.constant 0 : i32
      %dma_wait3A_2141 = tpu.memref_slice %arg12[%dma_wait3A_2128, %dma_wait3A_2139, %dma_wait3A_2140] : memref<8x32x128xf32, #tpu.memory_space<vmem>> -> memref<1x32x128xf32, #tpu.memory_space<vmem>>
      %dma_wait3A_2142 = tpu.memref_squeeze %dma_wait3A_2141 : memref<1x32x128xf32, #tpu.memory_space<vmem>> -> memref<32x128xf32, #tpu.memory_space<vmem>>
      %dma_wait3A_2143 = arith.constant 0 : i32
      %dma_wait3A_2144 = arith.constant 0 : i32
      %dma_wait3A_2145 = tpu.memref_slice %arg4[%dma_wait3A_2143, %dma_wait3A_2144] : memref<32x1000000xf32, #tpu.memory_space<hbm>> -> memref<32x128xf32, #tpu.memory_space<hbm>>
      tpu.wait_dma2 semaphore(%dma_wait3A_2138 : memref<!tpu.dma_semaphore, #tpu.memory_space<semaphore_mem>>) src(%dma_wait3A_2145 : memref<32x128xf32, #tpu.memory_space<hbm>>) dst(%dma_wait3A_2142 : memref<32x128xf32, #tpu.memory_space<vmem>>)
      %and3A_2146 = arith.constant 127 : i32
      %and3A_2147 = arith.andi %scan3A_907, %and3A_2146 : i32
      %broadcast_in_dim3A_2148 = vector.broadcast %and3A_2147 : i32 to vector<16xi32>
      %gather3A_2149 = arith.constant 6 : i32
      %gather3A_2150 = arith.constant 0 : i32
      %gather3A_2151 = arith.constant 0 : i32
      %gather3A_2152 = tpu.memref_slice %arg11[%gather3A_2149, %gather3A_2150, %gather3A_2151] : memref<8x32x128xf32, #tpu.memory_space<vmem>> -> memref<1x32x128xf32, #tpu.memory_space<vmem>>
      %gather3A_2153 = tpu.memref_squeeze %gather3A_2152 : memref<1x32x128xf32, #tpu.memory_space<vmem>> -> memref<32x128xf32, #tpu.memory_space<vmem>>
      %gather3A_2154 = tpu.vector_load_idx %gather3A_2153[%iota3A, %broadcast_in_dim3A_2148] : memref<32x128xf32, #tpu.memory_space<vmem>>[vector<16xi32>, vector<16xi32>], vector<16xf32>,
      %add3A_2155 = arith.constant 16 : i32
      %add3A_2156 = vector.broadcast %add3A_2155 : i32 to vector<16xi32>
      %add3A_2157 = arith.addi %iota3A, %add3A_2156 : vector<16xi32>
      %gather3A_2158 = arith.constant 6 : i32
      %gather3A_2159 = arith.constant 0 : i32
      %gather3A_2160 = arith.constant 0 : i32
      %gather3A_2161 = tpu.memref_slice %arg11[%gather3A_2158, %gather3A_2159, %gather3A_2160] : memref<8x32x128xf32, #tpu.memory_space<vmem>> -> memref<1x32x128xf32, #tpu.memory_space<vmem>>
      %gather3A_2162 = tpu.memref_squeeze %gather3A_2161 : memref<1x32x128xf32, #tpu.memory_space<vmem>> -> memref<32x128xf32, #tpu.memory_space<vmem>>
      %gather3A_2163 = tpu.vector_load_idx %gather3A_2162[%add3A_2157, %broadcast_in_dim3A_2148] : memref<32x128xf32, #tpu.memory_space<vmem>>[vector<16xi32>, vector<16xi32>], vector<16xf32>,
      %sub3A_2164 = arith.constant 999936 : i32
      %sub3A_2165 = arith.subi %scan3A_907, %sub3A_2164 : i32
      %max3A_2166 = arith.constant 0 : i32
      %max3A_2167 = arith.maxsi %sub3A_2165, %max3A_2166 : i32
      %broadcast_in_dim3A_2168 = vector.broadcast %max3A_2167 : i32 to vector<16xi32>
      %ge3A_2169 = arith.constant 999936 : i32
      %ge3A_2170 = arith.cmpi sge, %scan3A_907, %ge3A_2169 : i32
      %gather3A_2171 = tpu.vector_load_idx %arg13[%broadcast_in_dim3A_2168, %iota3A] : memref<64x128xf32, #tpu.memory_space<vmem>>[vector<16xi32>, vector<16xi32>], vector<16xf32>,
      %add3A_2172 = arith.constant 16 : i32
      %add3A_2173 = vector.broadcast %add3A_2172 : i32 to vector<16xi32>
      %add3A_2174 = arith.addi %iota3A, %add3A_2173 : vector<16xi32>
      %gather3A_2175 = tpu.vector_load_idx %arg13[%broadcast_in_dim3A_2168, %add3A_2174] : memref<64x128xf32, #tpu.memory_space<vmem>>[vector<16xi32>, vector<16xi32>], vector<16xf32>,
      %select_n3A_2176 = arith.select %ge3A_2170, %gather3A_2171, %gather3A_2154 : vector<16xf32>
      %select_n3A_2177 = arith.select %ge3A_2170, %gather3A_2175, %gather3A_2163 : vector<16xf32>
      %and3A_2178 = arith.constant 127 : i32
      %and3A_2179 = arith.andi %scan3A_908, %and3A_2178 : i32
      %broadcast_in_dim3A_2180 = vector.broadcast %and3A_2179 : i32 to vector<16xi32>
      %gather3A_2181 = arith.constant 6 : i32
      %gather3A_2182 = arith.constant 0 : i32
      %gather3A_2183 = arith.constant 0 : i32
      %gather3A_2184 = tpu.memref_slice %arg12[%gather3A_2181, %gather3A_2182, %gather3A_2183] : memref<8x32x128xf32, #tpu.memory_space<vmem>> -> memref<1x32x128xf32, #tpu.memory_space<vmem>>
      %gather3A_2185 = tpu.memref_squeeze %gather3A_2184 : memref<1x32x128xf32, #tpu.memory_space<vmem>> -> memref<32x128xf32, #tpu.memory_space<vmem>>
      %gather3A_2186 = tpu.vector_load_idx %gather3A_2185[%iota3A, %broadcast_in_dim3A_2180] : memref<32x128xf32, #tpu.memory_space<vmem>>[vector<16xi32>, vector<16xi32>], vector<16xf32>,
      %add3A_2187 = arith.constant 16 : i32
      %add3A_2188 = vector.broadcast %add3A_2187 : i32 to vector<16xi32>
      %add3A_2189 = arith.addi %iota3A, %add3A_2188 : vector<16xi32>
      %gather3A_2190 = arith.constant 6 : i32
      %gather3A_2191 = arith.constant 0 : i32
      %gather3A_2192 = arith.constant 0 : i32
      %gather3A_2193 = tpu.memref_slice %arg12[%gather3A_2190, %gather3A_2191, %gather3A_2192] : memref<8x32x128xf32, #tpu.memory_space<vmem>> -> memref<1x32x128xf32, #tpu.memory_space<vmem>>
      %gather3A_2194 = tpu.memref_squeeze %gather3A_2193 : memref<1x32x128xf32, #tpu.memory_space<vmem>> -> memref<32x128xf32, #tpu.memory_space<vmem>>
      %gather3A_2195 = tpu.vector_load_idx %gather3A_2194[%add3A_2189, %broadcast_in_dim3A_2180] : memref<32x128xf32, #tpu.memory_space<vmem>>[vector<16xi32>, vector<16xi32>], vector<16xf32>,
      %sub3A_2196 = arith.constant 999936 : i32
      %sub3A_2197 = arith.subi %scan3A_908, %sub3A_2196 : i32
      %max3A_2198 = arith.constant 0 : i32
      %max3A_2199 = arith.maxsi %sub3A_2197, %max3A_2198 : i32
      %broadcast_in_dim3A_2200 = vector.broadcast %max3A_2199 : i32 to vector<16xi32>
      %ge3A_2201 = arith.constant 999936 : i32
      %ge3A_2202 = arith.cmpi sge, %scan3A_908, %ge3A_2201 : i32
      %gather3A_2203 = tpu.vector_load_idx %arg14[%broadcast_in_dim3A_2200, %iota3A] : memref<64x128xf32, #tpu.memory_space<vmem>>[vector<16xi32>, vector<16xi32>], vector<16xf32>,
      %add3A_2204 = arith.constant 16 : i32
      %add3A_2205 = vector.broadcast %add3A_2204 : i32 to vector<16xi32>
      %add3A_2206 = arith.addi %iota3A, %add3A_2205 : vector<16xi32>
      %gather3A_2207 = tpu.vector_load_idx %arg14[%broadcast_in_dim3A_2200, %add3A_2206] : memref<64x128xf32, #tpu.memory_space<vmem>>[vector<16xi32>, vector<16xi32>], vector<16xf32>,
      %select_n3A_2208 = arith.select %ge3A_2202, %gather3A_2203, %gather3A_2186 : vector<16xf32>
      %select_n3A_2209 = arith.select %ge3A_2202, %gather3A_2207, %gather3A_2195 : vector<16xf32>
      %broadcast_in_dim3A_2210 = vector.broadcast %add3A_2109 : i32 to vector<16xi32>
      %mul3A_2211 = arith.mulf %select_n3A_2176, %select_n3A_2208 : vector<16xf32>
      tpu.vector_store_idx %arg15[%iota3A, %broadcast_in_dim3A_2210], %mul3A_2211 : memref<32x512xf32, #tpu.memory_space<vmem>>[vector<16xi32>, vector<16xi32>], vector<16xf32>,
      %add3A_2212 = arith.constant 16 : i32
      %add3A_2213 = vector.broadcast %add3A_2212 : i32 to vector<16xi32>
      %add3A_2214 = arith.addi %iota3A, %add3A_2213 : vector<16xi32>
      %mul3A_2215 = arith.mulf %select_n3A_2177, %select_n3A_2209 : vector<16xf32>
      tpu.vector_store_idx %arg15[%add3A_2214, %broadcast_in_dim3A_2210], %mul3A_2215 : memref<32x512xf32, #tpu.memory_space<vmem>>[vector<16xi32>, vector<16xi32>], vector<16xf32>,
      %add3A_2216 = arith.constant 8 : i32
      %add3A_2217 = arith.addi %add3A_2109, %add3A_2216 : i32
      %min3A_2218 = arith.constant 511 : i32
      %min3A_2219 = arith.minsi %add3A_2217, %min3A_2218 : i32
      %shift_right_arithmetic3A_2220 = arith.constant 4 : i32
      %shift_right_arithmetic3A_2221 = arith.shrsi %min3A_2219, %shift_right_arithmetic3A_2220 : i32
      %mul3A_2222 = arith.constant 16 : i32
      %mul3A_2223 = arith.muli %shift_right_arithmetic3A_2221, %mul3A_2222 : i32
      %get3A_2224 = arith.index_cast %mul3A_2223 : i32 to index
      %get3A_2225 = tpu.vector_load %arg9[%get3A_2224] {strides = array<i32>} : memref<512xi32, #tpu.memory_space<vmem>>, vector<16xi32>,
      %and3A_2226 = arith.constant 15 : i32
      %and3A_2227 = arith.andi %min3A_2219, %and3A_2226 : i32
      %eq3A_2228 = vector.broadcast %and3A_2227 : i32 to vector<16xi32>
      %eq3A_2229 = arith.cmpi eq, %iota3A, %eq3A_2228 : vector<16xi32>
      %jit3A_2230 = arith.constant 0 : i32
      %broadcast_in_dim3A_2231 = vector.broadcast %jit3A_2230 : i32 to vector<16xi32>
      %select_n3A_2232 = arith.select %eq3A_2229, %get3A_2225, %broadcast_in_dim3A_2231 : vector<16xi1>, vector<16xi32>
      %reduce_max3A_2233 = arith.constant true
      %reduce_max3A_2234 = vector.broadcast %reduce_max3A_2233 : i1 to vector<16xi1>
      %reduce_max3A_2235 = arith.constant -2147483648 : i32
      %reduce_max3A_2236 = vector.broadcast %reduce_max3A_2235 : i32 to vector<16xi32>
      %reduce_max3A_2237 = arith.xori %select_n3A_2232, %reduce_max3A_2236 : vector<16xi32>
      %reduce_max3A_2238 = tpu.scan <max>, %reduce_max3A_2237 masked %reduce_max3A_2234 : vector<16xi32>, vector<16xi1> -> vector<16xi32>
      %reduce_max3A_2239 = arith.xori %reduce_max3A_2238, %reduce_max3A_2236 : vector<16xi32>
      %reduce_max3A_2240 = vector.extract %reduce_max3A_2239[15] : i32 from vector<16xi32>
      %shift_right_arithmetic3A_2241 = arith.constant 4 : i32
      %shift_right_arithmetic3A_2242 = arith.shrsi %min3A_2219, %shift_right_arithmetic3A_2241 : i32
      %mul3A_2243 = arith.constant 16 : i32
      %mul3A_2244 = arith.muli %shift_right_arithmetic3A_2242, %mul3A_2243 : i32
      %get3A_2245 = arith.index_cast %mul3A_2244 : i32 to index
      %get3A_2246 = tpu.vector_load %arg10[%get3A_2245] {strides = array<i32>} : memref<512xi32, #tpu.memory_space<vmem>>, vector<16xi32>,
      %and3A_2247 = arith.constant 15 : i32
      %and3A_2248 = arith.andi %min3A_2219, %and3A_2247 : i32
      %eq3A_2249 = vector.broadcast %and3A_2248 : i32 to vector<16xi32>
      %eq3A_2250 = arith.cmpi eq, %iota3A, %eq3A_2249 : vector<16xi32>
      %jit3A_2251 = arith.constant 0 : i32
      %broadcast_in_dim3A_2252 = vector.broadcast %jit3A_2251 : i32 to vector<16xi32>
      %select_n3A_2253 = arith.select %eq3A_2250, %get3A_2246, %broadcast_in_dim3A_2252 : vector<16xi1>, vector<16xi32>
      %reduce_max3A_2254 = arith.constant true
      %reduce_max3A_2255 = vector.broadcast %reduce_max3A_2254 : i1 to vector<16xi1>
      %reduce_max3A_2256 = arith.constant -2147483648 : i32
      %reduce_max3A_2257 = vector.broadcast %reduce_max3A_2256 : i32 to vector<16xi32>
      %reduce_max3A_2258 = arith.xori %select_n3A_2253, %reduce_max3A_2257 : vector<16xi32>
      %reduce_max3A_2259 = tpu.scan <max>, %reduce_max3A_2258 masked %reduce_max3A_2255 : vector<16xi32>, vector<16xi1> -> vector<16xi32>
      %reduce_max3A_2260 = arith.xori %reduce_max3A_2259, %reduce_max3A_2257 : vector<16xi32>
      %reduce_max3A_2261 = vector.extract %reduce_max3A_2260[15] : i32 from vector<16xi32>
      %shift_right_arithmetic3A_2262 = arith.constant 7 : i32
      %shift_right_arithmetic3A_2263 = arith.shrsi %reduce_max3A_2240, %shift_right_arithmetic3A_2262 : i32
      %min3A_2264 = arith.constant 7811 : i32
      %min3A_2265 = arith.minsi %shift_right_arithmetic3A_2263, %min3A_2264 : i32
      %shift_right_arithmetic3A_2266 = arith.constant 7 : i32
      %shift_right_arithmetic3A_2267 = arith.shrsi %reduce_max3A_2261, %shift_right_arithmetic3A_2266 : i32
      %min3A_2268 = arith.constant 7811 : i32
      %min3A_2269 = arith.minsi %shift_right_arithmetic3A_2267, %min3A_2268 : i32
      %mul3A_2270 = arith.constant 128 : i32
      %mul3A_2271 = arith.muli %min3A_2265, %mul3A_2270 : i32
      %dma_start3A_2272 = arith.constant 6 : i32
      %dma_start3A_2273 = arith.constant 6 : i32
      %dma_start3A_2274 = arith.constant 0 : i32
      %dma_start3A_2275 = arith.constant 0 : i32
      %dma_start3A_2276 = tpu.memref_slice %arg11[%dma_start3A_2272, %dma_start3A_2274, %dma_start3A_2275] : memref<8x32x128xf32, #tpu.memory_space<vmem>> -> memref<1x32x128xf32, #tpu.memory_space<vmem>>
      %dma_start3A_2277 = tpu.memref_squeeze %dma_start3A_2276 : memref<1x32x128xf32, #tpu.memory_space<vmem>> -> memref<32x128xf32, #tpu.memory_space<vmem>>
      %dma_start3A_2278 = arith.constant 0 : i32
      %dma_start3A_2279 = tpu.memref_slice %arg4[%dma_start3A_2278, %mul3A_2271] : memref<32x1000000xf32, #tpu.memory_space<hbm>> -> memref<32x128xf32, #tpu.memory_space<hbm>>
      %dma_start3A_2280 = tpu.memref_slice %arg16[%dma_start3A_2273] : memref<8x!tpu.dma_semaphore, #tpu.memory_space<semaphore_mem>> -> memref<1x!tpu.dma_semaphore, #tpu.memory_space<semaphore_mem>>
      %dma_start3A_2281 = tpu.memref_squeeze %dma_start3A_2280 : memref<1x!tpu.dma_semaphore, #tpu.memory_space<semaphore_mem>> -> memref<!tpu.dma_semaphore, #tpu.memory_space<semaphore_mem>>
      %dma_start3A_2282 = arith.constant 0 : i32
      %dma_start3A_2283 = arith.constant 0 : i32
      %dma_start3A_2284 = tpu.memref_slice %arg11[%dma_start3A_2272, %dma_start3A_2282, %dma_start3A_2283] : memref<8x32x128xf32, #tpu.memory_space<vmem>> -> memref<1x32x128xf32, #tpu.memory_space<vmem>>
      %dma_start3A_2285 = tpu.memref_squeeze %dma_start3A_2284 : memref<1x32x128xf32, #tpu.memory_space<vmem>> -> memref<32x128xf32, #tpu.memory_space<vmem>>
      %dma_start3A_2286 = arith.constant 0 : i32
      %dma_start3A_2287 = tpu.memref_slice %arg4[%dma_start3A_2286, %mul3A_2271] : memref<32x1000000xf32, #tpu.memory_space<hbm>> -> memref<32x128xf32, #tpu.memory_space<hbm>>
      tpu.enqueue_dma source(%dma_start3A_2287 : memref<32x128xf32, #tpu.memory_space<hbm>>) target(%dma_start3A_2285 : memref<32x128xf32, #tpu.memory_space<vmem>>) target_semaphore(%dma_start3A_2281 : memref<!tpu.dma_semaphore, #tpu.memory_space<semaphore_mem>>)
      %mul3A_2288 = arith.constant 128 : i32
      %mul3A_2289 = arith.muli %min3A_2269, %mul3A_2288 : i32
      %dma_start3A_2290 = arith.constant 6 : i32
      %dma_start3A_2291 = arith.constant 6 : i32
      %dma_start3A_2292 = arith.constant 0 : i32
      %dma_start3A_2293 = arith.constant 0 : i32
      %dma_start3A_2294 = tpu.memref_slice %arg12[%dma_start3A_2290, %dma_start3A_2292, %dma_start3A_2293] : memref<8x32x128xf32, #tpu.memory_space<vmem>> -> memref<1x32x128xf32, #tpu.memory_space<vmem>>
      %dma_start3A_2295 = tpu.memref_squeeze %dma_start3A_2294 : memref<1x32x128xf32, #tpu.memory_space<vmem>> -> memref<32x128xf32, #tpu.memory_space<vmem>>
      %dma_start3A_2296 = arith.constant 0 : i32
      %dma_start3A_2297 = tpu.memref_slice %arg5[%dma_start3A_2296, %mul3A_2289] : memref<32x1000000xf32, #tpu.memory_space<hbm>> -> memref<32x128xf32, #tpu.memory_space<hbm>>
      %dma_start3A_2298 = tpu.memref_slice %arg17[%dma_start3A_2291] : memref<8x!tpu.dma_semaphore, #tpu.memory_space<semaphore_mem>> -> memref<1x!tpu.dma_semaphore, #tpu.memory_space<semaphore_mem>>
      %dma_start3A_2299 = tpu.memref_squeeze %dma_start3A_2298 : memref<1x!tpu.dma_semaphore, #tpu.memory_space<semaphore_mem>> -> memref<!tpu.dma_semaphore, #tpu.memory_space<semaphore_mem>>
      %dma_start3A_2300 = arith.constant 0 : i32
      %dma_start3A_2301 = arith.constant 0 : i32
      %dma_start3A_2302 = tpu.memref_slice %arg12[%dma_start3A_2290, %dma_start3A_2300, %dma_start3A_2301] : memref<8x32x128xf32, #tpu.memory_space<vmem>> -> memref<1x32x128xf32, #tpu.memory_space<vmem>>
      %dma_start3A_2303 = tpu.memref_squeeze %dma_start3A_2302 : memref<1x32x128xf32, #tpu.memory_space<vmem>> -> memref<32x128xf32, #tpu.memory_space<vmem>>
      %dma_start3A_2304 = arith.constant 0 : i32
      %dma_start3A_2305 = tpu.memref_slice %arg5[%dma_start3A_2304, %mul3A_2289] : memref<32x1000000xf32, #tpu.memory_space<hbm>> -> memref<32x128xf32, #tpu.memory_space<hbm>>
      tpu.enqueue_dma source(%dma_start3A_2305 : memref<32x128xf32, #tpu.memory_space<hbm>>) target(%dma_start3A_2303 : memref<32x128xf32, #tpu.memory_space<vmem>>) target_semaphore(%dma_start3A_2299 : memref<!tpu.dma_semaphore, #tpu.memory_space<semaphore_mem>>)
      %mul3A_2306 = arith.constant 8 : i32
      %mul3A_2307 = arith.muli %scan3A_894, %mul3A_2306 : i32
      %add3A_2308 = arith.constant 7 : i32
      %add3A_2309 = arith.addi %mul3A_2307, %add3A_2308 : i32
      %dma_wait3A_2310 = arith.constant 7 : i32
      %dma_wait3A_2311 = arith.constant 7 : i32
      %dma_wait3A_2312 = arith.constant 0 : i32
      %dma_wait3A_2313 = arith.constant 0 : i32
      %dma_wait3A_2314 = tpu.memref_slice %arg11[%dma_wait3A_2310, %dma_wait3A_2312, %dma_wait3A_2313] : memref<8x32x128xf32, #tpu.memory_space<vmem>> -> memref<1x32x128xf32, #tpu.memory_space<vmem>>
      %dma_wait3A_2315 = tpu.memref_squeeze %dma_wait3A_2314 : memref<1x32x128xf32, #tpu.memory_space<vmem>> -> memref<32x128xf32, #tpu.memory_space<vmem>>
      %dma_wait3A_2316 = arith.constant 0 : i32
      %dma_wait3A_2317 = arith.constant 0 : i32
      %dma_wait3A_2318 = tpu.memref_slice %arg4[%dma_wait3A_2316, %dma_wait3A_2317] : memref<32x1000000xf32, #tpu.memory_space<hbm>> -> memref<32x128xf32, #tpu.memory_space<hbm>>
      %dma_wait3A_2319 = tpu.memref_slice %arg16[%dma_wait3A_2311] : memref<8x!tpu.dma_semaphore, #tpu.memory_space<semaphore_mem>> -> memref<1x!tpu.dma_semaphore, #tpu.memory_space<semaphore_mem>>
      %dma_wait3A_2320 = tpu.memref_squeeze %dma_wait3A_2319 : memref<1x!tpu.dma_semaphore, #tpu.memory_space<semaphore_mem>> -> memref<!tpu.dma_semaphore, #tpu.memory_space<semaphore_mem>>
      %dma_wait3A_2321 = arith.constant 0 : i32
      %dma_wait3A_2322 = arith.constant 0 : i32
      %dma_wait3A_2323 = tpu.memref_slice %arg11[%dma_wait3A_2310, %dma_wait3A_2321, %dma_wait3A_2322] : memref<8x32x128xf32, #tpu.memory_space<vmem>> -> memref<1x32x128xf32, #tpu.memory_space<vmem>>
      %dma_wait3A_2324 = tpu.memref_squeeze %dma_wait3A_2323 : memref<1x32x128xf32, #tpu.memory_space<vmem>> -> memref<32x128xf32, #tpu.memory_space<vmem>>
      %dma_wait3A_2325 = arith.constant 0 : i32
      %dma_wait3A_2326 = arith.constant 0 : i32
      %dma_wait3A_2327 = tpu.memref_slice %arg4[%dma_wait3A_2325, %dma_wait3A_2326] : memref<32x1000000xf32, #tpu.memory_space<hbm>> -> memref<32x128xf32, #tpu.memory_space<hbm>>
      tpu.wait_dma2 semaphore(%dma_wait3A_2320 : memref<!tpu.dma_semaphore, #tpu.memory_space<semaphore_mem>>) src(%dma_wait3A_2327 : memref<32x128xf32, #tpu.memory_space<hbm>>) dst(%dma_wait3A_2324 : memref<32x128xf32, #tpu.memory_space<vmem>>)
      %dma_wait3A_2328 = arith.constant 7 : i32
      %dma_wait3A_2329 = arith.constant 7 : i32
      %dma_wait3A_2330 = arith.constant 0 : i32
      %dma_wait3A_2331 = arith.constant 0 : i32
      %dma_wait3A_2332 = tpu.memref_slice %arg12[%dma_wait3A_2328, %dma_wait3A_2330, %dma_wait3A_2331] : memref<8x32x128xf32, #tpu.memory_space<vmem>> -> memref<1x32x128xf32, #tpu.memory_space<vmem>>
      %dma_wait3A_2333 = tpu.memref_squeeze %dma_wait3A_2332 : memref<1x32x128xf32, #tpu.memory_space<vmem>> -> memref<32x128xf32, #tpu.memory_space<vmem>>
      %dma_wait3A_2334 = arith.constant 0 : i32
      %dma_wait3A_2335 = arith.constant 0 : i32
      %dma_wait3A_2336 = tpu.memref_slice %arg4[%dma_wait3A_2334, %dma_wait3A_2335] : memref<32x1000000xf32, #tpu.memory_space<hbm>> -> memref<32x128xf32, #tpu.memory_space<hbm>>
      %dma_wait3A_2337 = tpu.memref_slice %arg17[%dma_wait3A_2329] : memref<8x!tpu.dma_semaphore, #tpu.memory_space<semaphore_mem>> -> memref<1x!tpu.dma_semaphore, #tpu.memory_space<semaphore_mem>>
      %dma_wait3A_2338 = tpu.memref_squeeze %dma_wait3A_2337 : memref<1x!tpu.dma_semaphore, #tpu.memory_space<semaphore_mem>> -> memref<!tpu.dma_semaphore, #tpu.memory_space<semaphore_mem>>
      %dma_wait3A_2339 = arith.constant 0 : i32
      %dma_wait3A_2340 = arith.constant 0 : i32
      %dma_wait3A_2341 = tpu.memref_slice %arg12[%dma_wait3A_2328, %dma_wait3A_2339, %dma_wait3A_2340] : memref<8x32x128xf32, #tpu.memory_space<vmem>> -> memref<1x32x128xf32, #tpu.memory_space<vmem>>
      %dma_wait3A_2342 = tpu.memref_squeeze %dma_wait3A_2341 : memref<1x32x128xf32, #tpu.memory_space<vmem>> -> memref<32x128xf32, #tpu.memory_space<vmem>>
      %dma_wait3A_2343 = arith.constant 0 : i32
      %dma_wait3A_2344 = arith.constant 0 : i32
      %dma_wait3A_2345 = tpu.memref_slice %arg4[%dma_wait3A_2343, %dma_wait3A_2344] : memref<32x1000000xf32, #tpu.memory_space<hbm>> -> memref<32x128xf32, #tpu.memory_space<hbm>>
      tpu.wait_dma2 semaphore(%dma_wait3A_2338 : memref<!tpu.dma_semaphore, #tpu.memory_space<semaphore_mem>>) src(%dma_wait3A_2345 : memref<32x128xf32, #tpu.memory_space<hbm>>) dst(%dma_wait3A_2342 : memref<32x128xf32, #tpu.memory_space<vmem>>)
      %and3A_2346 = arith.constant 127 : i32
      %and3A_2347 = arith.andi %scan3A_909, %and3A_2346 : i32
      %broadcast_in_dim3A_2348 = vector.broadcast %and3A_2347 : i32 to vector<16xi32>
      %gather3A_2349 = arith.constant 7 : i32
      %gather3A_2350 = arith.constant 0 : i32
      %gather3A_2351 = arith.constant 0 : i32
      %gather3A_2352 = tpu.memref_slice %arg11[%gather3A_2349, %gather3A_2350, %gather3A_2351] : memref<8x32x128xf32, #tpu.memory_space<vmem>> -> memref<1x32x128xf32, #tpu.memory_space<vmem>>
      %gather3A_2353 = tpu.memref_squeeze %gather3A_2352 : memref<1x32x128xf32, #tpu.memory_space<vmem>> -> memref<32x128xf32, #tpu.memory_space<vmem>>
      %gather3A_2354 = tpu.vector_load_idx %gather3A_2353[%iota3A, %broadcast_in_dim3A_2348] : memref<32x128xf32, #tpu.memory_space<vmem>>[vector<16xi32>, vector<16xi32>], vector<16xf32>,
      %add3A_2355 = arith.constant 16 : i32
      %add3A_2356 = vector.broadcast %add3A_2355 : i32 to vector<16xi32>
      %add3A_2357 = arith.addi %iota3A, %add3A_2356 : vector<16xi32>
      %gather3A_2358 = arith.constant 7 : i32
      %gather3A_2359 = arith.constant 0 : i32
      %gather3A_2360 = arith.constant 0 : i32
      %gather3A_2361 = tpu.memref_slice %arg11[%gather3A_2358, %gather3A_2359, %gather3A_2360] : memref<8x32x128xf32, #tpu.memory_space<vmem>> -> memref<1x32x128xf32, #tpu.memory_space<vmem>>
      %gather3A_2362 = tpu.memref_squeeze %gather3A_2361 : memref<1x32x128xf32, #tpu.memory_space<vmem>> -> memref<32x128xf32, #tpu.memory_space<vmem>>
      %gather3A_2363 = tpu.vector_load_idx %gather3A_2362[%add3A_2357, %broadcast_in_dim3A_2348] : memref<32x128xf32, #tpu.memory_space<vmem>>[vector<16xi32>, vector<16xi32>], vector<16xf32>,
      %sub3A_2364 = arith.constant 999936 : i32
      %sub3A_2365 = arith.subi %scan3A_909, %sub3A_2364 : i32
      %max3A_2366 = arith.constant 0 : i32
      %max3A_2367 = arith.maxsi %sub3A_2365, %max3A_2366 : i32
      %broadcast_in_dim3A_2368 = vector.broadcast %max3A_2367 : i32 to vector<16xi32>
      %ge3A_2369 = arith.constant 999936 : i32
      %ge3A_2370 = arith.cmpi sge, %scan3A_909, %ge3A_2369 : i32
      %gather3A_2371 = tpu.vector_load_idx %arg13[%broadcast_in_dim3A_2368, %iota3A] : memref<64x128xf32, #tpu.memory_space<vmem>>[vector<16xi32>, vector<16xi32>], vector<16xf32>,
      %add3A_2372 = arith.constant 16 : i32
      %add3A_2373 = vector.broadcast %add3A_2372 : i32 to vector<16xi32>
      %add3A_2374 = arith.addi %iota3A, %add3A_2373 : vector<16xi32>
      %gather3A_2375 = tpu.vector_load_idx %arg13[%broadcast_in_dim3A_2368, %add3A_2374] : memref<64x128xf32, #tpu.memory_space<vmem>>[vector<16xi32>, vector<16xi32>], vector<16xf32>,
      %select_n3A_2376 = arith.select %ge3A_2370, %gather3A_2371, %gather3A_2354 : vector<16xf32>
      %select_n3A_2377 = arith.select %ge3A_2370, %gather3A_2375, %gather3A_2363 : vector<16xf32>
      %and3A_2378 = arith.constant 127 : i32
      %and3A_2379 = arith.andi %scan3A_910, %and3A_2378 : i32
      %broadcast_in_dim3A_2380 = vector.broadcast %and3A_2379 : i32 to vector<16xi32>
      %gather3A_2381 = arith.constant 7 : i32
      %gather3A_2382 = arith.constant 0 : i32
      %gather3A_2383 = arith.constant 0 : i32
      %gather3A_2384 = tpu.memref_slice %arg12[%gather3A_2381, %gather3A_2382, %gather3A_2383] : memref<8x32x128xf32, #tpu.memory_space<vmem>> -> memref<1x32x128xf32, #tpu.memory_space<vmem>>
      %gather3A_2385 = tpu.memref_squeeze %gather3A_2384 : memref<1x32x128xf32, #tpu.memory_space<vmem>> -> memref<32x128xf32, #tpu.memory_space<vmem>>
      %gather3A_2386 = tpu.vector_load_idx %gather3A_2385[%iota3A, %broadcast_in_dim3A_2380] : memref<32x128xf32, #tpu.memory_space<vmem>>[vector<16xi32>, vector<16xi32>], vector<16xf32>,
      %add3A_2387 = arith.constant 16 : i32
      %add3A_2388 = vector.broadcast %add3A_2387 : i32 to vector<16xi32>
      %add3A_2389 = arith.addi %iota3A, %add3A_2388 : vector<16xi32>
      %gather3A_2390 = arith.constant 7 : i32
      %gather3A_2391 = arith.constant 0 : i32
      %gather3A_2392 = arith.constant 0 : i32
      %gather3A_2393 = tpu.memref_slice %arg12[%gather3A_2390, %gather3A_2391, %gather3A_2392] : memref<8x32x128xf32, #tpu.memory_space<vmem>> -> memref<1x32x128xf32, #tpu.memory_space<vmem>>
      %gather3A_2394 = tpu.memref_squeeze %gather3A_2393 : memref<1x32x128xf32, #tpu.memory_space<vmem>> -> memref<32x128xf32, #tpu.memory_space<vmem>>
      %gather3A_2395 = tpu.vector_load_idx %gather3A_2394[%add3A_2389, %broadcast_in_dim3A_2380] : memref<32x128xf32, #tpu.memory_space<vmem>>[vector<16xi32>, vector<16xi32>], vector<16xf32>,
      %sub3A_2396 = arith.constant 999936 : i32
      %sub3A_2397 = arith.subi %scan3A_910, %sub3A_2396 : i32
      %max3A_2398 = arith.constant 0 : i32
      %max3A_2399 = arith.maxsi %sub3A_2397, %max3A_2398 : i32
      %broadcast_in_dim3A_2400 = vector.broadcast %max3A_2399 : i32 to vector<16xi32>
      %ge3A_2401 = arith.constant 999936 : i32
      %ge3A_2402 = arith.cmpi sge, %scan3A_910, %ge3A_2401 : i32
      %gather3A_2403 = tpu.vector_load_idx %arg14[%broadcast_in_dim3A_2400, %iota3A] : memref<64x128xf32, #tpu.memory_space<vmem>>[vector<16xi32>, vector<16xi32>], vector<16xf32>,
      %add3A_2404 = arith.constant 16 : i32
      %add3A_2405 = vector.broadcast %add3A_2404 : i32 to vector<16xi32>
      %add3A_2406 = arith.addi %iota3A, %add3A_2405 : vector<16xi32>
      %gather3A_2407 = tpu.vector_load_idx %arg14[%broadcast_in_dim3A_2400, %add3A_2406] : memref<64x128xf32, #tpu.memory_space<vmem>>[vector<16xi32>, vector<16xi32>], vector<16xf32>,
      %select_n3A_2408 = arith.select %ge3A_2402, %gather3A_2403, %gather3A_2386 : vector<16xf32>
      %select_n3A_2409 = arith.select %ge3A_2402, %gather3A_2407, %gather3A_2395 : vector<16xf32>
      %broadcast_in_dim3A_2410 = vector.broadcast %add3A_2309 : i32 to vector<16xi32>
      %mul3A_2411 = arith.mulf %select_n3A_2376, %select_n3A_2408 : vector<16xf32>
      tpu.vector_store_idx %arg15[%iota3A, %broadcast_in_dim3A_2410], %mul3A_2411 : memref<32x512xf32, #tpu.memory_space<vmem>>[vector<16xi32>, vector<16xi32>], vector<16xf32>,
      %add3A_2412 = arith.constant 16 : i32
      %add3A_2413 = vector.broadcast %add3A_2412 : i32 to vector<16xi32>
      %add3A_2414 = arith.addi %iota3A, %add3A_2413 : vector<16xi32>
      %mul3A_2415 = arith.mulf %select_n3A_2377, %select_n3A_2409 : vector<16xf32>
      tpu.vector_store_idx %arg15[%add3A_2414, %broadcast_in_dim3A_2410], %mul3A_2415 : memref<32x512xf32, #tpu.memory_space<vmem>>[vector<16xi32>, vector<16xi32>], vector<16xf32>,
      %add3A_2416 = arith.constant 8 : i32
      %add3A_2417 = arith.addi %add3A_2309, %add3A_2416 : i32
      %min3A_2418 = arith.constant 511 : i32
      %min3A_2419 = arith.minsi %add3A_2417, %min3A_2418 : i32
      %shift_right_arithmetic3A_2420 = arith.constant 4 : i32
      %shift_right_arithmetic3A_2421 = arith.shrsi %min3A_2419, %shift_right_arithmetic3A_2420 : i32
      %mul3A_2422 = arith.constant 16 : i32
      %mul3A_2423 = arith.muli %shift_right_arithmetic3A_2421, %mul3A_2422 : i32
      %get3A_2424 = arith.index_cast %mul3A_2423 : i32 to index
      %get3A_2425 = tpu.vector_load %arg9[%get3A_2424] {strides = array<i32>} : memref<512xi32, #tpu.memory_space<vmem>>, vector<16xi32>,
      %and3A_2426 = arith.constant 15 : i32
      %and3A_2427 = arith.andi %min3A_2419, %and3A_2426 : i32
      %eq3A_2428 = vector.broadcast %and3A_2427 : i32 to vector<16xi32>
      %eq3A_2429 = arith.cmpi eq, %iota3A, %eq3A_2428 : vector<16xi32>
      %jit3A_2430 = arith.constant 0 : i32
      %broadcast_in_dim3A_2431 = vector.broadcast %jit3A_2430 : i32 to vector<16xi32>
      %select_n3A_2432 = arith.select %eq3A_2429, %get3A_2425, %broadcast_in_dim3A_2431 : vector<16xi1>, vector<16xi32>
      %reduce_max3A_2433 = arith.constant true
      %reduce_max3A_2434 = vector.broadcast %reduce_max3A_2433 : i1 to vector<16xi1>
      %reduce_max3A_2435 = arith.constant -2147483648 : i32
      %reduce_max3A_2436 = vector.broadcast %reduce_max3A_2435 : i32 to vector<16xi32>
      %reduce_max3A_2437 = arith.xori %select_n3A_2432, %reduce_max3A_2436 : vector<16xi32>
      %reduce_max3A_2438 = tpu.scan <max>, %reduce_max3A_2437 masked %reduce_max3A_2434 : vector<16xi32>, vector<16xi1> -> vector<16xi32>
      %reduce_max3A_2439 = arith.xori %reduce_max3A_2438, %reduce_max3A_2436 : vector<16xi32>
      %reduce_max3A_2440 = vector.extract %reduce_max3A_2439[15] : i32 from vector<16xi32>
      %shift_right_arithmetic3A_2441 = arith.constant 4 : i32
      %shift_right_arithmetic3A_2442 = arith.shrsi %min3A_2419, %shift_right_arithmetic3A_2441 : i32
      %mul3A_2443 = arith.constant 16 : i32
      %mul3A_2444 = arith.muli %shift_right_arithmetic3A_2442, %mul3A_2443 : i32
      %get3A_2445 = arith.index_cast %mul3A_2444 : i32 to index
      %get3A_2446 = tpu.vector_load %arg10[%get3A_2445] {strides = array<i32>} : memref<512xi32, #tpu.memory_space<vmem>>, vector<16xi32>,
      %and3A_2447 = arith.constant 15 : i32
      %and3A_2448 = arith.andi %min3A_2419, %and3A_2447 : i32
      %eq3A_2449 = vector.broadcast %and3A_2448 : i32 to vector<16xi32>
      %eq3A_2450 = arith.cmpi eq, %iota3A, %eq3A_2449 : vector<16xi32>
      %jit3A_2451 = arith.constant 0 : i32
      %broadcast_in_dim3A_2452 = vector.broadcast %jit3A_2451 : i32 to vector<16xi32>
      %select_n3A_2453 = arith.select %eq3A_2450, %get3A_2446, %broadcast_in_dim3A_2452 : vector<16xi1>, vector<16xi32>
      %reduce_max3A_2454 = arith.constant true
      %reduce_max3A_2455 = vector.broadcast %reduce_max3A_2454 : i1 to vector<16xi1>
      %reduce_max3A_2456 = arith.constant -2147483648 : i32
      %reduce_max3A_2457 = vector.broadcast %reduce_max3A_2456 : i32 to vector<16xi32>
      %reduce_max3A_2458 = arith.xori %select_n3A_2453, %reduce_max3A_2457 : vector<16xi32>
      %reduce_max3A_2459 = tpu.scan <max>, %reduce_max3A_2458 masked %reduce_max3A_2455 : vector<16xi32>, vector<16xi1> -> vector<16xi32>
      %reduce_max3A_2460 = arith.xori %reduce_max3A_2459, %reduce_max3A_2457 : vector<16xi32>
      %reduce_max3A_2461 = vector.extract %reduce_max3A_2460[15] : i32 from vector<16xi32>
      %shift_right_arithmetic3A_2462 = arith.constant 7 : i32
      %shift_right_arithmetic3A_2463 = arith.shrsi %reduce_max3A_2440, %shift_right_arithmetic3A_2462 : i32
      %min3A_2464 = arith.constant 7811 : i32
      %min3A_2465 = arith.minsi %shift_right_arithmetic3A_2463, %min3A_2464 : i32
      %shift_right_arithmetic3A_2466 = arith.constant 7 : i32
      %shift_right_arithmetic3A_2467 = arith.shrsi %reduce_max3A_2461, %shift_right_arithmetic3A_2466 : i32
      %min3A_2468 = arith.constant 7811 : i32
      %min3A_2469 = arith.minsi %shift_right_arithmetic3A_2467, %min3A_2468 : i32
      %mul3A_2470 = arith.constant 128 : i32
      %mul3A_2471 = arith.muli %min3A_2465, %mul3A_2470 : i32
      %dma_start3A_2472 = arith.constant 7 : i32
      %dma_start3A_2473 = arith.constant 7 : i32
      %dma_start3A_2474 = arith.constant 0 : i32
      %dma_start3A_2475 = arith.constant 0 : i32
      %dma_start3A_2476 = tpu.memref_slice %arg11[%dma_start3A_2472, %dma_start3A_2474, %dma_start3A_2475] : memref<8x32x128xf32, #tpu.memory_space<vmem>> -> memref<1x32x128xf32, #tpu.memory_space<vmem>>
      %dma_start3A_2477 = tpu.memref_squeeze %dma_start3A_2476 : memref<1x32x128xf32, #tpu.memory_space<vmem>> -> memref<32x128xf32, #tpu.memory_space<vmem>>
      %dma_start3A_2478 = arith.constant 0 : i32
      %dma_start3A_2479 = tpu.memref_slice %arg4[%dma_start3A_2478, %mul3A_2471] : memref<32x1000000xf32, #tpu.memory_space<hbm>> -> memref<32x128xf32, #tpu.memory_space<hbm>>
      %dma_start3A_2480 = tpu.memref_slice %arg16[%dma_start3A_2473] : memref<8x!tpu.dma_semaphore, #tpu.memory_space<semaphore_mem>> -> memref<1x!tpu.dma_semaphore, #tpu.memory_space<semaphore_mem>>
      %dma_start3A_2481 = tpu.memref_squeeze %dma_start3A_2480 : memref<1x!tpu.dma_semaphore, #tpu.memory_space<semaphore_mem>> -> memref<!tpu.dma_semaphore, #tpu.memory_space<semaphore_mem>>
      %dma_start3A_2482 = arith.constant 0 : i32
      %dma_start3A_2483 = arith.constant 0 : i32
      %dma_start3A_2484 = tpu.memref_slice %arg11[%dma_start3A_2472, %dma_start3A_2482, %dma_start3A_2483] : memref<8x32x128xf32, #tpu.memory_space<vmem>> -> memref<1x32x128xf32, #tpu.memory_space<vmem>>
      %dma_start3A_2485 = tpu.memref_squeeze %dma_start3A_2484 : memref<1x32x128xf32, #tpu.memory_space<vmem>> -> memref<32x128xf32, #tpu.memory_space<vmem>>
      %dma_start3A_2486 = arith.constant 0 : i32
      %dma_start3A_2487 = tpu.memref_slice %arg4[%dma_start3A_2486, %mul3A_2471] : memref<32x1000000xf32, #tpu.memory_space<hbm>> -> memref<32x128xf32, #tpu.memory_space<hbm>>
      tpu.enqueue_dma source(%dma_start3A_2487 : memref<32x128xf32, #tpu.memory_space<hbm>>) target(%dma_start3A_2485 : memref<32x128xf32, #tpu.memory_space<vmem>>) target_semaphore(%dma_start3A_2481 : memref<!tpu.dma_semaphore, #tpu.memory_space<semaphore_mem>>)
      %mul3A_2488 = arith.constant 128 : i32
      %mul3A_2489 = arith.muli %min3A_2469, %mul3A_2488 : i32
      %dma_start3A_2490 = arith.constant 7 : i32
      %dma_start3A_2491 = arith.constant 7 : i32
      %dma_start3A_2492 = arith.constant 0 : i32
      %dma_start3A_2493 = arith.constant 0 : i32
      %dma_start3A_2494 = tpu.memref_slice %arg12[%dma_start3A_2490, %dma_start3A_2492, %dma_start3A_2493] : memref<8x32x128xf32, #tpu.memory_space<vmem>> -> memref<1x32x128xf32, #tpu.memory_space<vmem>>
      %dma_start3A_2495 = tpu.memref_squeeze %dma_start3A_2494 : memref<1x32x128xf32, #tpu.memory_space<vmem>> -> memref<32x128xf32, #tpu.memory_space<vmem>>
      %dma_start3A_2496 = arith.constant 0 : i32
      %dma_start3A_2497 = tpu.memref_slice %arg5[%dma_start3A_2496, %mul3A_2489] : memref<32x1000000xf32, #tpu.memory_space<hbm>> -> memref<32x128xf32, #tpu.memory_space<hbm>>
      %dma_start3A_2498 = tpu.memref_slice %arg17[%dma_start3A_2491] : memref<8x!tpu.dma_semaphore, #tpu.memory_space<semaphore_mem>> -> memref<1x!tpu.dma_semaphore, #tpu.memory_space<semaphore_mem>>
      %dma_start3A_2499 = tpu.memref_squeeze %dma_start3A_2498 : memref<1x!tpu.dma_semaphore, #tpu.memory_space<semaphore_mem>> -> memref<!tpu.dma_semaphore, #tpu.memory_space<semaphore_mem>>
      %dma_start3A_2500 = arith.constant 0 : i32
      %dma_start3A_2501 = arith.constant 0 : i32
      %dma_start3A_2502 = tpu.memref_slice %arg12[%dma_start3A_2490, %dma_start3A_2500, %dma_start3A_2501] : memref<8x32x128xf32, #tpu.memory_space<vmem>> -> memref<1x32x128xf32, #tpu.memory_space<vmem>>
      %dma_start3A_2503 = tpu.memref_squeeze %dma_start3A_2502 : memref<1x32x128xf32, #tpu.memory_space<vmem>> -> memref<32x128xf32, #tpu.memory_space<vmem>>
      %dma_start3A_2504 = arith.constant 0 : i32
      %dma_start3A_2505 = tpu.memref_slice %arg5[%dma_start3A_2504, %mul3A_2489] : memref<32x1000000xf32, #tpu.memory_space<hbm>> -> memref<32x128xf32, #tpu.memory_space<hbm>>
      tpu.enqueue_dma source(%dma_start3A_2505 : memref<32x128xf32, #tpu.memory_space<hbm>>) target(%dma_start3A_2503 : memref<32x128xf32, #tpu.memory_space<vmem>>) target_semaphore(%dma_start3A_2499 : memref<!tpu.dma_semaphore, #tpu.memory_space<semaphore_mem>>)
      scf.yield %reduce_max3A_1040, %reduce_max3A_1061, %reduce_max3A_1240, %reduce_max3A_1261, %reduce_max3A_1440, %reduce_max3A_1461, %reduce_max3A_1640, %reduce_max3A_1661, %reduce_max3A_1840, %reduce_max3A_1861, %reduce_max3A_2040, %reduce_max3A_2061, %reduce_max3A_2240, %reduce_max3A_2261, %reduce_max3A_2440, %reduce_max3A_2461 : i32, i32, i32, i32, i32, i32, i32, i32, i32, i32, i32, i32, i32, i32, i32, i32
    }
    %scan3A_606 = arith.constant 64 : i32
    %dma_wait3A = arith.constant 0 : i32
    %dma_wait3A_607 = arith.constant 0 : i32
    %dma_wait3A_608 = arith.constant 0 : i32
    %dma_wait3A_609 = arith.constant 0 : i32
    %dma_wait3A_610 = tpu.memref_slice %arg11[%dma_wait3A, %dma_wait3A_608, %dma_wait3A_609] : memref<8x32x128xf32, #tpu.memory_space<vmem>> -> memref<1x32x128xf32, #tpu.memory_space<vmem>>
    %dma_wait3A_611 = tpu.memref_squeeze %dma_wait3A_610 : memref<1x32x128xf32, #tpu.memory_space<vmem>> -> memref<32x128xf32, #tpu.memory_space<vmem>>
    %dma_wait3A_612 = arith.constant 0 : i32
    %dma_wait3A_613 = arith.constant 0 : i32
    %dma_wait3A_614 = tpu.memref_slice %arg4[%dma_wait3A_612, %dma_wait3A_613] : memref<32x1000000xf32, #tpu.memory_space<hbm>> -> memref<32x128xf32, #tpu.memory_space<hbm>>
    %dma_wait3A_615 = tpu.memref_slice %arg16[%dma_wait3A_607] : memref<8x!tpu.dma_semaphore, #tpu.memory_space<semaphore_mem>> -> memref<1x!tpu.dma_semaphore, #tpu.memory_space<semaphore_mem>>
    %dma_wait3A_616 = tpu.memref_squeeze %dma_wait3A_615 : memref<1x!tpu.dma_semaphore, #tpu.memory_space<semaphore_mem>> -> memref<!tpu.dma_semaphore, #tpu.memory_space<semaphore_mem>>
    %dma_wait3A_617 = arith.constant 0 : i32
    %dma_wait3A_618 = arith.constant 0 : i32
    %dma_wait3A_619 = tpu.memref_slice %arg11[%dma_wait3A, %dma_wait3A_617, %dma_wait3A_618] : memref<8x32x128xf32, #tpu.memory_space<vmem>> -> memref<1x32x128xf32, #tpu.memory_space<vmem>>
    %dma_wait3A_620 = tpu.memref_squeeze %dma_wait3A_619 : memref<1x32x128xf32, #tpu.memory_space<vmem>> -> memref<32x128xf32, #tpu.memory_space<vmem>>
    %dma_wait3A_621 = arith.constant 0 : i32
    %dma_wait3A_622 = arith.constant 0 : i32
    %dma_wait3A_623 = tpu.memref_slice %arg4[%dma_wait3A_621, %dma_wait3A_622] : memref<32x1000000xf32, #tpu.memory_space<hbm>> -> memref<32x128xf32, #tpu.memory_space<hbm>>
    tpu.wait_dma2 semaphore(%dma_wait3A_616 : memref<!tpu.dma_semaphore, #tpu.memory_space<semaphore_mem>>) src(%dma_wait3A_623 : memref<32x128xf32, #tpu.memory_space<hbm>>) dst(%dma_wait3A_620 : memref<32x128xf32, #tpu.memory_space<vmem>>)
    %dma_wait3A_624 = arith.constant 0 : i32
    %dma_wait3A_625 = arith.constant 0 : i32
    %dma_wait3A_626 = arith.constant 0 : i32
    %dma_wait3A_627 = arith.constant 0 : i32
    %dma_wait3A_628 = tpu.memref_slice %arg12[%dma_wait3A_624, %dma_wait3A_626, %dma_wait3A_627] : memref<8x32x128xf32, #tpu.memory_space<vmem>> -> memref<1x32x128xf32, #tpu.memory_space<vmem>>
    %dma_wait3A_629 = tpu.memref_squeeze %dma_wait3A_628 : memref<1x32x128xf32, #tpu.memory_space<vmem>> -> memref<32x128xf32, #tpu.memory_space<vmem>>
    %dma_wait3A_630 = arith.constant 0 : i32
    %dma_wait3A_631 = arith.constant 0 : i32
    %dma_wait3A_632 = tpu.memref_slice %arg4[%dma_wait3A_630, %dma_wait3A_631] : memref<32x1000000xf32, #tpu.memory_space<hbm>> -> memref<32x128xf32, #tpu.memory_space<hbm>>
    %dma_wait3A_633 = tpu.memref_slice %arg17[%dma_wait3A_625] : memref<8x!tpu.dma_semaphore, #tpu.memory_space<semaphore_mem>> -> memref<1x!tpu.dma_semaphore, #tpu.memory_space<semaphore_mem>>
    %dma_wait3A_634 = tpu.memref_squeeze %dma_wait3A_633 : memref<1x!tpu.dma_semaphore, #tpu.memory_space<semaphore_mem>> -> memref<!tpu.dma_semaphore, #tpu.memory_space<semaphore_mem>>
    %dma_wait3A_635 = arith.constant 0 : i32
    %dma_wait3A_636 = arith.constant 0 : i32
    %dma_wait3A_637 = tpu.memref_slice %arg12[%dma_wait3A_624, %dma_wait3A_635, %dma_wait3A_636] : memref<8x32x128xf32, #tpu.memory_space<vmem>> -> memref<1x32x128xf32, #tpu.memory_space<vmem>>
    %dma_wait3A_638 = tpu.memref_squeeze %dma_wait3A_637 : memref<1x32x128xf32, #tpu.memory_space<vmem>> -> memref<32x128xf32, #tpu.memory_space<vmem>>
    %dma_wait3A_639 = arith.constant 0 : i32
    %dma_wait3A_640 = arith.constant 0 : i32
    %dma_wait3A_641 = tpu.memref_slice %arg4[%dma_wait3A_639, %dma_wait3A_640] : memref<32x1000000xf32, #tpu.memory_space<hbm>> -> memref<32x128xf32, #tpu.memory_space<hbm>>
    tpu.wait_dma2 semaphore(%dma_wait3A_634 : memref<!tpu.dma_semaphore, #tpu.memory_space<semaphore_mem>>) src(%dma_wait3A_641 : memref<32x128xf32, #tpu.memory_space<hbm>>) dst(%dma_wait3A_638 : memref<32x128xf32, #tpu.memory_space<vmem>>)
    %dma_wait3A_642 = arith.constant 1 : i32
    %dma_wait3A_643 = arith.constant 1 : i32
    %dma_wait3A_644 = arith.constant 0 : i32
    %dma_wait3A_645 = arith.constant 0 : i32
    %dma_wait3A_646 = tpu.memref_slice %arg11[%dma_wait3A_642, %dma_wait3A_644, %dma_wait3A_645] : memref<8x32x128xf32, #tpu.memory_space<vmem>> -> memref<1x32x128xf32, #tpu.memory_space<vmem>>
    %dma_wait3A_647 = tpu.memref_squeeze %dma_wait3A_646 : memref<1x32x128xf32, #tpu.memory_space<vmem>> -> memref<32x128xf32, #tpu.memory_space<vmem>>
    %dma_wait3A_648 = arith.constant 0 : i32
    %dma_wait3A_649 = arith.constant 0 : i32
    %dma_wait3A_650 = tpu.memref_slice %arg4[%dma_wait3A_648, %dma_wait3A_649] : memref<32x1000000xf32, #tpu.memory_space<hbm>> -> memref<32x128xf32, #tpu.memory_space<hbm>>
    %dma_wait3A_651 = tpu.memref_slice %arg16[%dma_wait3A_643] : memref<8x!tpu.dma_semaphore, #tpu.memory_space<semaphore_mem>> -> memref<1x!tpu.dma_semaphore, #tpu.memory_space<semaphore_mem>>
    %dma_wait3A_652 = tpu.memref_squeeze %dma_wait3A_651 : memref<1x!tpu.dma_semaphore, #tpu.memory_space<semaphore_mem>> -> memref<!tpu.dma_semaphore, #tpu.memory_space<semaphore_mem>>
    %dma_wait3A_653 = arith.constant 0 : i32
    %dma_wait3A_654 = arith.constant 0 : i32
    %dma_wait3A_655 = tpu.memref_slice %arg11[%dma_wait3A_642, %dma_wait3A_653, %dma_wait3A_654] : memref<8x32x128xf32, #tpu.memory_space<vmem>> -> memref<1x32x128xf32, #tpu.memory_space<vmem>>
    %dma_wait3A_656 = tpu.memref_squeeze %dma_wait3A_655 : memref<1x32x128xf32, #tpu.memory_space<vmem>> -> memref<32x128xf32, #tpu.memory_space<vmem>>
    %dma_wait3A_657 = arith.constant 0 : i32
    %dma_wait3A_658 = arith.constant 0 : i32
    %dma_wait3A_659 = tpu.memref_slice %arg4[%dma_wait3A_657, %dma_wait3A_658] : memref<32x1000000xf32, #tpu.memory_space<hbm>> -> memref<32x128xf32, #tpu.memory_space<hbm>>
    tpu.wait_dma2 semaphore(%dma_wait3A_652 : memref<!tpu.dma_semaphore, #tpu.memory_space<semaphore_mem>>) src(%dma_wait3A_659 : memref<32x128xf32, #tpu.memory_space<hbm>>) dst(%dma_wait3A_656 : memref<32x128xf32, #tpu.memory_space<vmem>>)
    %dma_wait3A_660 = arith.constant 1 : i32
    %dma_wait3A_661 = arith.constant 1 : i32
    %dma_wait3A_662 = arith.constant 0 : i32
    %dma_wait3A_663 = arith.constant 0 : i32
    %dma_wait3A_664 = tpu.memref_slice %arg12[%dma_wait3A_660, %dma_wait3A_662, %dma_wait3A_663] : memref<8x32x128xf32, #tpu.memory_space<vmem>> -> memref<1x32x128xf32, #tpu.memory_space<vmem>>
    %dma_wait3A_665 = tpu.memref_squeeze %dma_wait3A_664 : memref<1x32x128xf32, #tpu.memory_space<vmem>> -> memref<32x128xf32, #tpu.memory_space<vmem>>
    %dma_wait3A_666 = arith.constant 0 : i32
    %dma_wait3A_667 = arith.constant 0 : i32
    %dma_wait3A_668 = tpu.memref_slice %arg4[%dma_wait3A_666, %dma_wait3A_667] : memref<32x1000000xf32, #tpu.memory_space<hbm>> -> memref<32x128xf32, #tpu.memory_space<hbm>>
    %dma_wait3A_669 = tpu.memref_slice %arg17[%dma_wait3A_661] : memref<8x!tpu.dma_semaphore, #tpu.memory_space<semaphore_mem>> -> memref<1x!tpu.dma_semaphore, #tpu.memory_space<semaphore_mem>>
    %dma_wait3A_670 = tpu.memref_squeeze %dma_wait3A_669 : memref<1x!tpu.dma_semaphore, #tpu.memory_space<semaphore_mem>> -> memref<!tpu.dma_semaphore, #tpu.memory_space<semaphore_mem>>
    %dma_wait3A_671 = arith.constant 0 : i32
    %dma_wait3A_672 = arith.constant 0 : i32
    %dma_wait3A_673 = tpu.memref_slice %arg12[%dma_wait3A_660, %dma_wait3A_671, %dma_wait3A_672] : memref<8x32x128xf32, #tpu.memory_space<vmem>> -> memref<1x32x128xf32, #tpu.memory_space<vmem>>
    %dma_wait3A_674 = tpu.memref_squeeze %dma_wait3A_673 : memref<1x32x128xf32, #tpu.memory_space<vmem>> -> memref<32x128xf32, #tpu.memory_space<vmem>>
    %dma_wait3A_675 = arith.constant 0 : i32
    %dma_wait3A_676 = arith.constant 0 : i32
    %dma_wait3A_677 = tpu.memref_slice %arg4[%dma_wait3A_675, %dma_wait3A_676] : memref<32x1000000xf32, #tpu.memory_space<hbm>> -> memref<32x128xf32, #tpu.memory_space<hbm>>
    tpu.wait_dma2 semaphore(%dma_wait3A_670 : memref<!tpu.dma_semaphore, #tpu.memory_space<semaphore_mem>>) src(%dma_wait3A_677 : memref<32x128xf32, #tpu.memory_space<hbm>>) dst(%dma_wait3A_674 : memref<32x128xf32, #tpu.memory_space<vmem>>)
    %dma_wait3A_678 = arith.constant 2 : i32
    %dma_wait3A_679 = arith.constant 2 : i32
    %dma_wait3A_680 = arith.constant 0 : i32
    %dma_wait3A_681 = arith.constant 0 : i32
    %dma_wait3A_682 = tpu.memref_slice %arg11[%dma_wait3A_678, %dma_wait3A_680, %dma_wait3A_681] : memref<8x32x128xf32, #tpu.memory_space<vmem>> -> memref<1x32x128xf32, #tpu.memory_space<vmem>>
    %dma_wait3A_683 = tpu.memref_squeeze %dma_wait3A_682 : memref<1x32x128xf32, #tpu.memory_space<vmem>> -> memref<32x128xf32, #tpu.memory_space<vmem>>
    %dma_wait3A_684 = arith.constant 0 : i32
    %dma_wait3A_685 = arith.constant 0 : i32
    %dma_wait3A_686 = tpu.memref_slice %arg4[%dma_wait3A_684, %dma_wait3A_685] : memref<32x1000000xf32, #tpu.memory_space<hbm>> -> memref<32x128xf32, #tpu.memory_space<hbm>>
    %dma_wait3A_687 = tpu.memref_slice %arg16[%dma_wait3A_679] : memref<8x!tpu.dma_semaphore, #tpu.memory_space<semaphore_mem>> -> memref<1x!tpu.dma_semaphore, #tpu.memory_space<semaphore_mem>>
    %dma_wait3A_688 = tpu.memref_squeeze %dma_wait3A_687 : memref<1x!tpu.dma_semaphore, #tpu.memory_space<semaphore_mem>> -> memref<!tpu.dma_semaphore, #tpu.memory_space<semaphore_mem>>
    %dma_wait3A_689 = arith.constant 0 : i32
    %dma_wait3A_690 = arith.constant 0 : i32
    %dma_wait3A_691 = tpu.memref_slice %arg11[%dma_wait3A_678, %dma_wait3A_689, %dma_wait3A_690] : memref<8x32x128xf32, #tpu.memory_space<vmem>> -> memref<1x32x128xf32, #tpu.memory_space<vmem>>
    %dma_wait3A_692 = tpu.memref_squeeze %dma_wait3A_691 : memref<1x32x128xf32, #tpu.memory_space<vmem>> -> memref<32x128xf32, #tpu.memory_space<vmem>>
    %dma_wait3A_693 = arith.constant 0 : i32
    %dma_wait3A_694 = arith.constant 0 : i32
    %dma_wait3A_695 = tpu.memref_slice %arg4[%dma_wait3A_693, %dma_wait3A_694] : memref<32x1000000xf32, #tpu.memory_space<hbm>> -> memref<32x128xf32, #tpu.memory_space<hbm>>
    tpu.wait_dma2 semaphore(%dma_wait3A_688 : memref<!tpu.dma_semaphore, #tpu.memory_space<semaphore_mem>>) src(%dma_wait3A_695 : memref<32x128xf32, #tpu.memory_space<hbm>>) dst(%dma_wait3A_692 : memref<32x128xf32, #tpu.memory_space<vmem>>)
    %dma_wait3A_696 = arith.constant 2 : i32
    %dma_wait3A_697 = arith.constant 2 : i32
    %dma_wait3A_698 = arith.constant 0 : i32
    %dma_wait3A_699 = arith.constant 0 : i32
    %dma_wait3A_700 = tpu.memref_slice %arg12[%dma_wait3A_696, %dma_wait3A_698, %dma_wait3A_699] : memref<8x32x128xf32, #tpu.memory_space<vmem>> -> memref<1x32x128xf32, #tpu.memory_space<vmem>>
    %dma_wait3A_701 = tpu.memref_squeeze %dma_wait3A_700 : memref<1x32x128xf32, #tpu.memory_space<vmem>> -> memref<32x128xf32, #tpu.memory_space<vmem>>
    %dma_wait3A_702 = arith.constant 0 : i32
    %dma_wait3A_703 = arith.constant 0 : i32
    %dma_wait3A_704 = tpu.memref_slice %arg4[%dma_wait3A_702, %dma_wait3A_703] : memref<32x1000000xf32, #tpu.memory_space<hbm>> -> memref<32x128xf32, #tpu.memory_space<hbm>>
    %dma_wait3A_705 = tpu.memref_slice %arg17[%dma_wait3A_697] : memref<8x!tpu.dma_semaphore, #tpu.memory_space<semaphore_mem>> -> memref<1x!tpu.dma_semaphore, #tpu.memory_space<semaphore_mem>>
    %dma_wait3A_706 = tpu.memref_squeeze %dma_wait3A_705 : memref<1x!tpu.dma_semaphore, #tpu.memory_space<semaphore_mem>> -> memref<!tpu.dma_semaphore, #tpu.memory_space<semaphore_mem>>
    %dma_wait3A_707 = arith.constant 0 : i32
    %dma_wait3A_708 = arith.constant 0 : i32
    %dma_wait3A_709 = tpu.memref_slice %arg12[%dma_wait3A_696, %dma_wait3A_707, %dma_wait3A_708] : memref<8x32x128xf32, #tpu.memory_space<vmem>> -> memref<1x32x128xf32, #tpu.memory_space<vmem>>
    %dma_wait3A_710 = tpu.memref_squeeze %dma_wait3A_709 : memref<1x32x128xf32, #tpu.memory_space<vmem>> -> memref<32x128xf32, #tpu.memory_space<vmem>>
    %dma_wait3A_711 = arith.constant 0 : i32
    %dma_wait3A_712 = arith.constant 0 : i32
    %dma_wait3A_713 = tpu.memref_slice %arg4[%dma_wait3A_711, %dma_wait3A_712] : memref<32x1000000xf32, #tpu.memory_space<hbm>> -> memref<32x128xf32, #tpu.memory_space<hbm>>
    tpu.wait_dma2 semaphore(%dma_wait3A_706 : memref<!tpu.dma_semaphore, #tpu.memory_space<semaphore_mem>>) src(%dma_wait3A_713 : memref<32x128xf32, #tpu.memory_space<hbm>>) dst(%dma_wait3A_710 : memref<32x128xf32, #tpu.memory_space<vmem>>)
    %dma_wait3A_714 = arith.constant 3 : i32
    %dma_wait3A_715 = arith.constant 3 : i32
    %dma_wait3A_716 = arith.constant 0 : i32
    %dma_wait3A_717 = arith.constant 0 : i32
    %dma_wait3A_718 = tpu.memref_slice %arg11[%dma_wait3A_714, %dma_wait3A_716, %dma_wait3A_717] : memref<8x32x128xf32, #tpu.memory_space<vmem>> -> memref<1x32x128xf32, #tpu.memory_space<vmem>>
    %dma_wait3A_719 = tpu.memref_squeeze %dma_wait3A_718 : memref<1x32x128xf32, #tpu.memory_space<vmem>> -> memref<32x128xf32, #tpu.memory_space<vmem>>
    %dma_wait3A_720 = arith.constant 0 : i32
    %dma_wait3A_721 = arith.constant 0 : i32
    %dma_wait3A_722 = tpu.memref_slice %arg4[%dma_wait3A_720, %dma_wait3A_721] : memref<32x1000000xf32, #tpu.memory_space<hbm>> -> memref<32x128xf32, #tpu.memory_space<hbm>>
    %dma_wait3A_723 = tpu.memref_slice %arg16[%dma_wait3A_715] : memref<8x!tpu.dma_semaphore, #tpu.memory_space<semaphore_mem>> -> memref<1x!tpu.dma_semaphore, #tpu.memory_space<semaphore_mem>>
    %dma_wait3A_724 = tpu.memref_squeeze %dma_wait3A_723 : memref<1x!tpu.dma_semaphore, #tpu.memory_space<semaphore_mem>> -> memref<!tpu.dma_semaphore, #tpu.memory_space<semaphore_mem>>
    %dma_wait3A_725 = arith.constant 0 : i32
    %dma_wait3A_726 = arith.constant 0 : i32
    %dma_wait3A_727 = tpu.memref_slice %arg11[%dma_wait3A_714, %dma_wait3A_725, %dma_wait3A_726] : memref<8x32x128xf32, #tpu.memory_space<vmem>> -> memref<1x32x128xf32, #tpu.memory_space<vmem>>
    %dma_wait3A_728 = tpu.memref_squeeze %dma_wait3A_727 : memref<1x32x128xf32, #tpu.memory_space<vmem>> -> memref<32x128xf32, #tpu.memory_space<vmem>>
    %dma_wait3A_729 = arith.constant 0 : i32
    %dma_wait3A_730 = arith.constant 0 : i32
    %dma_wait3A_731 = tpu.memref_slice %arg4[%dma_wait3A_729, %dma_wait3A_730] : memref<32x1000000xf32, #tpu.memory_space<hbm>> -> memref<32x128xf32, #tpu.memory_space<hbm>>
    tpu.wait_dma2 semaphore(%dma_wait3A_724 : memref<!tpu.dma_semaphore, #tpu.memory_space<semaphore_mem>>) src(%dma_wait3A_731 : memref<32x128xf32, #tpu.memory_space<hbm>>) dst(%dma_wait3A_728 : memref<32x128xf32, #tpu.memory_space<vmem>>)
    %dma_wait3A_732 = arith.constant 3 : i32
    %dma_wait3A_733 = arith.constant 3 : i32
    %dma_wait3A_734 = arith.constant 0 : i32
    %dma_wait3A_735 = arith.constant 0 : i32
    %dma_wait3A_736 = tpu.memref_slice %arg12[%dma_wait3A_732, %dma_wait3A_734, %dma_wait3A_735] : memref<8x32x128xf32, #tpu.memory_space<vmem>> -> memref<1x32x128xf32, #tpu.memory_space<vmem>>
    %dma_wait3A_737 = tpu.memref_squeeze %dma_wait3A_736 : memref<1x32x128xf32, #tpu.memory_space<vmem>> -> memref<32x128xf32, #tpu.memory_space<vmem>>
    %dma_wait3A_738 = arith.constant 0 : i32
    %dma_wait3A_739 = arith.constant 0 : i32
    %dma_wait3A_740 = tpu.memref_slice %arg4[%dma_wait3A_738, %dma_wait3A_739] : memref<32x1000000xf32, #tpu.memory_space<hbm>> -> memref<32x128xf32, #tpu.memory_space<hbm>>
    %dma_wait3A_741 = tpu.memref_slice %arg17[%dma_wait3A_733] : memref<8x!tpu.dma_semaphore, #tpu.memory_space<semaphore_mem>> -> memref<1x!tpu.dma_semaphore, #tpu.memory_space<semaphore_mem>>
    %dma_wait3A_742 = tpu.memref_squeeze %dma_wait3A_741 : memref<1x!tpu.dma_semaphore, #tpu.memory_space<semaphore_mem>> -> memref<!tpu.dma_semaphore, #tpu.memory_space<semaphore_mem>>
    %dma_wait3A_743 = arith.constant 0 : i32
    %dma_wait3A_744 = arith.constant 0 : i32
    %dma_wait3A_745 = tpu.memref_slice %arg12[%dma_wait3A_732, %dma_wait3A_743, %dma_wait3A_744] : memref<8x32x128xf32, #tpu.memory_space<vmem>> -> memref<1x32x128xf32, #tpu.memory_space<vmem>>
    %dma_wait3A_746 = tpu.memref_squeeze %dma_wait3A_745 : memref<1x32x128xf32, #tpu.memory_space<vmem>> -> memref<32x128xf32, #tpu.memory_space<vmem>>
    %dma_wait3A_747 = arith.constant 0 : i32
    %dma_wait3A_748 = arith.constant 0 : i32
    %dma_wait3A_749 = tpu.memref_slice %arg4[%dma_wait3A_747, %dma_wait3A_748] : memref<32x1000000xf32, #tpu.memory_space<hbm>> -> memref<32x128xf32, #tpu.memory_space<hbm>>
    tpu.wait_dma2 semaphore(%dma_wait3A_742 : memref<!tpu.dma_semaphore, #tpu.memory_space<semaphore_mem>>) src(%dma_wait3A_749 : memref<32x128xf32, #tpu.memory_space<hbm>>) dst(%dma_wait3A_746 : memref<32x128xf32, #tpu.memory_space<vmem>>)
    %dma_wait3A_750 = arith.constant 4 : i32
    %dma_wait3A_751 = arith.constant 4 : i32
    %dma_wait3A_752 = arith.constant 0 : i32
    %dma_wait3A_753 = arith.constant 0 : i32
    %dma_wait3A_754 = tpu.memref_slice %arg11[%dma_wait3A_750, %dma_wait3A_752, %dma_wait3A_753] : memref<8x32x128xf32, #tpu.memory_space<vmem>> -> memref<1x32x128xf32, #tpu.memory_space<vmem>>
    %dma_wait3A_755 = tpu.memref_squeeze %dma_wait3A_754 : memref<1x32x128xf32, #tpu.memory_space<vmem>> -> memref<32x128xf32, #tpu.memory_space<vmem>>
    %dma_wait3A_756 = arith.constant 0 : i32
    %dma_wait3A_757 = arith.constant 0 : i32
    %dma_wait3A_758 = tpu.memref_slice %arg4[%dma_wait3A_756, %dma_wait3A_757] : memref<32x1000000xf32, #tpu.memory_space<hbm>> -> memref<32x128xf32, #tpu.memory_space<hbm>>
    %dma_wait3A_759 = tpu.memref_slice %arg16[%dma_wait3A_751] : memref<8x!tpu.dma_semaphore, #tpu.memory_space<semaphore_mem>> -> memref<1x!tpu.dma_semaphore, #tpu.memory_space<semaphore_mem>>
    %dma_wait3A_760 = tpu.memref_squeeze %dma_wait3A_759 : memref<1x!tpu.dma_semaphore, #tpu.memory_space<semaphore_mem>> -> memref<!tpu.dma_semaphore, #tpu.memory_space<semaphore_mem>>
    %dma_wait3A_761 = arith.constant 0 : i32
    %dma_wait3A_762 = arith.constant 0 : i32
    %dma_wait3A_763 = tpu.memref_slice %arg11[%dma_wait3A_750, %dma_wait3A_761, %dma_wait3A_762] : memref<8x32x128xf32, #tpu.memory_space<vmem>> -> memref<1x32x128xf32, #tpu.memory_space<vmem>>
    %dma_wait3A_764 = tpu.memref_squeeze %dma_wait3A_763 : memref<1x32x128xf32, #tpu.memory_space<vmem>> -> memref<32x128xf32, #tpu.memory_space<vmem>>
    %dma_wait3A_765 = arith.constant 0 : i32
    %dma_wait3A_766 = arith.constant 0 : i32
    %dma_wait3A_767 = tpu.memref_slice %arg4[%dma_wait3A_765, %dma_wait3A_766] : memref<32x1000000xf32, #tpu.memory_space<hbm>> -> memref<32x128xf32, #tpu.memory_space<hbm>>
    tpu.wait_dma2 semaphore(%dma_wait3A_760 : memref<!tpu.dma_semaphore, #tpu.memory_space<semaphore_mem>>) src(%dma_wait3A_767 : memref<32x128xf32, #tpu.memory_space<hbm>>) dst(%dma_wait3A_764 : memref<32x128xf32, #tpu.memory_space<vmem>>)
    %dma_wait3A_768 = arith.constant 4 : i32
    %dma_wait3A_769 = arith.constant 4 : i32
    %dma_wait3A_770 = arith.constant 0 : i32
    %dma_wait3A_771 = arith.constant 0 : i32
    %dma_wait3A_772 = tpu.memref_slice %arg12[%dma_wait3A_768, %dma_wait3A_770, %dma_wait3A_771] : memref<8x32x128xf32, #tpu.memory_space<vmem>> -> memref<1x32x128xf32, #tpu.memory_space<vmem>>
    %dma_wait3A_773 = tpu.memref_squeeze %dma_wait3A_772 : memref<1x32x128xf32, #tpu.memory_space<vmem>> -> memref<32x128xf32, #tpu.memory_space<vmem>>
    %dma_wait3A_774 = arith.constant 0 : i32
    %dma_wait3A_775 = arith.constant 0 : i32
    %dma_wait3A_776 = tpu.memref_slice %arg4[%dma_wait3A_774, %dma_wait3A_775] : memref<32x1000000xf32, #tpu.memory_space<hbm>> -> memref<32x128xf32, #tpu.memory_space<hbm>>
    %dma_wait3A_777 = tpu.memref_slice %arg17[%dma_wait3A_769] : memref<8x!tpu.dma_semaphore, #tpu.memory_space<semaphore_mem>> -> memref<1x!tpu.dma_semaphore, #tpu.memory_space<semaphore_mem>>
    %dma_wait3A_778 = tpu.memref_squeeze %dma_wait3A_777 : memref<1x!tpu.dma_semaphore, #tpu.memory_space<semaphore_mem>> -> memref<!tpu.dma_semaphore, #tpu.memory_space<semaphore_mem>>
    %dma_wait3A_779 = arith.constant 0 : i32
    %dma_wait3A_780 = arith.constant 0 : i32
    %dma_wait3A_781 = tpu.memref_slice %arg12[%dma_wait3A_768, %dma_wait3A_779, %dma_wait3A_780] : memref<8x32x128xf32, #tpu.memory_space<vmem>> -> memref<1x32x128xf32, #tpu.memory_space<vmem>>
    %dma_wait3A_782 = tpu.memref_squeeze %dma_wait3A_781 : memref<1x32x128xf32, #tpu.memory_space<vmem>> -> memref<32x128xf32, #tpu.memory_space<vmem>>
    %dma_wait3A_783 = arith.constant 0 : i32
    %dma_wait3A_784 = arith.constant 0 : i32
    %dma_wait3A_785 = tpu.memref_slice %arg4[%dma_wait3A_783, %dma_wait3A_784] : memref<32x1000000xf32, #tpu.memory_space<hbm>> -> memref<32x128xf32, #tpu.memory_space<hbm>>
    tpu.wait_dma2 semaphore(%dma_wait3A_778 : memref<!tpu.dma_semaphore, #tpu.memory_space<semaphore_mem>>) src(%dma_wait3A_785 : memref<32x128xf32, #tpu.memory_space<hbm>>) dst(%dma_wait3A_782 : memref<32x128xf32, #tpu.memory_space<vmem>>)
    %dma_wait3A_786 = arith.constant 5 : i32
    %dma_wait3A_787 = arith.constant 5 : i32
    %dma_wait3A_788 = arith.constant 0 : i32
    %dma_wait3A_789 = arith.constant 0 : i32
    %dma_wait3A_790 = tpu.memref_slice %arg11[%dma_wait3A_786, %dma_wait3A_788, %dma_wait3A_789] : memref<8x32x128xf32, #tpu.memory_space<vmem>> -> memref<1x32x128xf32, #tpu.memory_space<vmem>>
    %dma_wait3A_791 = tpu.memref_squeeze %dma_wait3A_790 : memref<1x32x128xf32, #tpu.memory_space<vmem>> -> memref<32x128xf32, #tpu.memory_space<vmem>>
    %dma_wait3A_792 = arith.constant 0 : i32
    %dma_wait3A_793 = arith.constant 0 : i32
    %dma_wait3A_794 = tpu.memref_slice %arg4[%dma_wait3A_792, %dma_wait3A_793] : memref<32x1000000xf32, #tpu.memory_space<hbm>> -> memref<32x128xf32, #tpu.memory_space<hbm>>
    %dma_wait3A_795 = tpu.memref_slice %arg16[%dma_wait3A_787] : memref<8x!tpu.dma_semaphore, #tpu.memory_space<semaphore_mem>> -> memref<1x!tpu.dma_semaphore, #tpu.memory_space<semaphore_mem>>
    %dma_wait3A_796 = tpu.memref_squeeze %dma_wait3A_795 : memref<1x!tpu.dma_semaphore, #tpu.memory_space<semaphore_mem>> -> memref<!tpu.dma_semaphore, #tpu.memory_space<semaphore_mem>>
    %dma_wait3A_797 = arith.constant 0 : i32
    %dma_wait3A_798 = arith.constant 0 : i32
    %dma_wait3A_799 = tpu.memref_slice %arg11[%dma_wait3A_786, %dma_wait3A_797, %dma_wait3A_798] : memref<8x32x128xf32, #tpu.memory_space<vmem>> -> memref<1x32x128xf32, #tpu.memory_space<vmem>>
    %dma_wait3A_800 = tpu.memref_squeeze %dma_wait3A_799 : memref<1x32x128xf32, #tpu.memory_space<vmem>> -> memref<32x128xf32, #tpu.memory_space<vmem>>
    %dma_wait3A_801 = arith.constant 0 : i32
    %dma_wait3A_802 = arith.constant 0 : i32
    %dma_wait3A_803 = tpu.memref_slice %arg4[%dma_wait3A_801, %dma_wait3A_802] : memref<32x1000000xf32, #tpu.memory_space<hbm>> -> memref<32x128xf32, #tpu.memory_space<hbm>>
    tpu.wait_dma2 semaphore(%dma_wait3A_796 : memref<!tpu.dma_semaphore, #tpu.memory_space<semaphore_mem>>) src(%dma_wait3A_803 : memref<32x128xf32, #tpu.memory_space<hbm>>) dst(%dma_wait3A_800 : memref<32x128xf32, #tpu.memory_space<vmem>>)
    %dma_wait3A_804 = arith.constant 5 : i32
    %dma_wait3A_805 = arith.constant 5 : i32
    %dma_wait3A_806 = arith.constant 0 : i32
    %dma_wait3A_807 = arith.constant 0 : i32
    %dma_wait3A_808 = tpu.memref_slice %arg12[%dma_wait3A_804, %dma_wait3A_806, %dma_wait3A_807] : memref<8x32x128xf32, #tpu.memory_space<vmem>> -> memref<1x32x128xf32, #tpu.memory_space<vmem>>
    %dma_wait3A_809 = tpu.memref_squeeze %dma_wait3A_808 : memref<1x32x128xf32, #tpu.memory_space<vmem>> -> memref<32x128xf32, #tpu.memory_space<vmem>>
    %dma_wait3A_810 = arith.constant 0 : i32
    %dma_wait3A_811 = arith.constant 0 : i32
    %dma_wait3A_812 = tpu.memref_slice %arg4[%dma_wait3A_810, %dma_wait3A_811] : memref<32x1000000xf32, #tpu.memory_space<hbm>> -> memref<32x128xf32, #tpu.memory_space<hbm>>
    %dma_wait3A_813 = tpu.memref_slice %arg17[%dma_wait3A_805] : memref<8x!tpu.dma_semaphore, #tpu.memory_space<semaphore_mem>> -> memref<1x!tpu.dma_semaphore, #tpu.memory_space<semaphore_mem>>
    %dma_wait3A_814 = tpu.memref_squeeze %dma_wait3A_813 : memref<1x!tpu.dma_semaphore, #tpu.memory_space<semaphore_mem>> -> memref<!tpu.dma_semaphore, #tpu.memory_space<semaphore_mem>>
    %dma_wait3A_815 = arith.constant 0 : i32
    %dma_wait3A_816 = arith.constant 0 : i32
    %dma_wait3A_817 = tpu.memref_slice %arg12[%dma_wait3A_804, %dma_wait3A_815, %dma_wait3A_816] : memref<8x32x128xf32, #tpu.memory_space<vmem>> -> memref<1x32x128xf32, #tpu.memory_space<vmem>>
    %dma_wait3A_818 = tpu.memref_squeeze %dma_wait3A_817 : memref<1x32x128xf32, #tpu.memory_space<vmem>> -> memref<32x128xf32, #tpu.memory_space<vmem>>
    %dma_wait3A_819 = arith.constant 0 : i32
    %dma_wait3A_820 = arith.constant 0 : i32
    %dma_wait3A_821 = tpu.memref_slice %arg4[%dma_wait3A_819, %dma_wait3A_820] : memref<32x1000000xf32, #tpu.memory_space<hbm>> -> memref<32x128xf32, #tpu.memory_space<hbm>>
    tpu.wait_dma2 semaphore(%dma_wait3A_814 : memref<!tpu.dma_semaphore, #tpu.memory_space<semaphore_mem>>) src(%dma_wait3A_821 : memref<32x128xf32, #tpu.memory_space<hbm>>) dst(%dma_wait3A_818 : memref<32x128xf32, #tpu.memory_space<vmem>>)
    %dma_wait3A_822 = arith.constant 6 : i32
    %dma_wait3A_823 = arith.constant 6 : i32
    %dma_wait3A_824 = arith.constant 0 : i32
    %dma_wait3A_825 = arith.constant 0 : i32
    %dma_wait3A_826 = tpu.memref_slice %arg11[%dma_wait3A_822, %dma_wait3A_824, %dma_wait3A_825] : memref<8x32x128xf32, #tpu.memory_space<vmem>> -> memref<1x32x128xf32, #tpu.memory_space<vmem>>
    %dma_wait3A_827 = tpu.memref_squeeze %dma_wait3A_826 : memref<1x32x128xf32, #tpu.memory_space<vmem>> -> memref<32x128xf32, #tpu.memory_space<vmem>>
    %dma_wait3A_828 = arith.constant 0 : i32
    %dma_wait3A_829 = arith.constant 0 : i32
    %dma_wait3A_830 = tpu.memref_slice %arg4[%dma_wait3A_828, %dma_wait3A_829] : memref<32x1000000xf32, #tpu.memory_space<hbm>> -> memref<32x128xf32, #tpu.memory_space<hbm>>
    %dma_wait3A_831 = tpu.memref_slice %arg16[%dma_wait3A_823] : memref<8x!tpu.dma_semaphore, #tpu.memory_space<semaphore_mem>> -> memref<1x!tpu.dma_semaphore, #tpu.memory_space<semaphore_mem>>
    %dma_wait3A_832 = tpu.memref_squeeze %dma_wait3A_831 : memref<1x!tpu.dma_semaphore, #tpu.memory_space<semaphore_mem>> -> memref<!tpu.dma_semaphore, #tpu.memory_space<semaphore_mem>>
    %dma_wait3A_833 = arith.constant 0 : i32
    %dma_wait3A_834 = arith.constant 0 : i32
    %dma_wait3A_835 = tpu.memref_slice %arg11[%dma_wait3A_822, %dma_wait3A_833, %dma_wait3A_834] : memref<8x32x128xf32, #tpu.memory_space<vmem>> -> memref<1x32x128xf32, #tpu.memory_space<vmem>>
    %dma_wait3A_836 = tpu.memref_squeeze %dma_wait3A_835 : memref<1x32x128xf32, #tpu.memory_space<vmem>> -> memref<32x128xf32, #tpu.memory_space<vmem>>
    %dma_wait3A_837 = arith.constant 0 : i32
    %dma_wait3A_838 = arith.constant 0 : i32
    %dma_wait3A_839 = tpu.memref_slice %arg4[%dma_wait3A_837, %dma_wait3A_838] : memref<32x1000000xf32, #tpu.memory_space<hbm>> -> memref<32x128xf32, #tpu.memory_space<hbm>>
    tpu.wait_dma2 semaphore(%dma_wait3A_832 : memref<!tpu.dma_semaphore, #tpu.memory_space<semaphore_mem>>) src(%dma_wait3A_839 : memref<32x128xf32, #tpu.memory_space<hbm>>) dst(%dma_wait3A_836 : memref<32x128xf32, #tpu.memory_space<vmem>>)
    %dma_wait3A_840 = arith.constant 6 : i32
    %dma_wait3A_841 = arith.constant 6 : i32
    %dma_wait3A_842 = arith.constant 0 : i32
    %dma_wait3A_843 = arith.constant 0 : i32
    %dma_wait3A_844 = tpu.memref_slice %arg12[%dma_wait3A_840, %dma_wait3A_842, %dma_wait3A_843] : memref<8x32x128xf32, #tpu.memory_space<vmem>> -> memref<1x32x128xf32, #tpu.memory_space<vmem>>
    %dma_wait3A_845 = tpu.memref_squeeze %dma_wait3A_844 : memref<1x32x128xf32, #tpu.memory_space<vmem>> -> memref<32x128xf32, #tpu.memory_space<vmem>>
    %dma_wait3A_846 = arith.constant 0 : i32
    %dma_wait3A_847 = arith.constant 0 : i32
    %dma_wait3A_848 = tpu.memref_slice %arg4[%dma_wait3A_846, %dma_wait3A_847] : memref<32x1000000xf32, #tpu.memory_space<hbm>> -> memref<32x128xf32, #tpu.memory_space<hbm>>
    %dma_wait3A_849 = tpu.memref_slice %arg17[%dma_wait3A_841] : memref<8x!tpu.dma_semaphore, #tpu.memory_space<semaphore_mem>> -> memref<1x!tpu.dma_semaphore, #tpu.memory_space<semaphore_mem>>
    %dma_wait3A_850 = tpu.memref_squeeze %dma_wait3A_849 : memref<1x!tpu.dma_semaphore, #tpu.memory_space<semaphore_mem>> -> memref<!tpu.dma_semaphore, #tpu.memory_space<semaphore_mem>>
    %dma_wait3A_851 = arith.constant 0 : i32
    %dma_wait3A_852 = arith.constant 0 : i32
    %dma_wait3A_853 = tpu.memref_slice %arg12[%dma_wait3A_840, %dma_wait3A_851, %dma_wait3A_852] : memref<8x32x128xf32, #tpu.memory_space<vmem>> -> memref<1x32x128xf32, #tpu.memory_space<vmem>>
    %dma_wait3A_854 = tpu.memref_squeeze %dma_wait3A_853 : memref<1x32x128xf32, #tpu.memory_space<vmem>> -> memref<32x128xf32, #tpu.memory_space<vmem>>
    %dma_wait3A_855 = arith.constant 0 : i32
    %dma_wait3A_856 = arith.constant 0 : i32
    %dma_wait3A_857 = tpu.memref_slice %arg4[%dma_wait3A_855, %dma_wait3A_856] : memref<32x1000000xf32, #tpu.memory_space<hbm>> -> memref<32x128xf32, #tpu.memory_space<hbm>>
    tpu.wait_dma2 semaphore(%dma_wait3A_850 : memref<!tpu.dma_semaphore, #tpu.memory_space<semaphore_mem>>) src(%dma_wait3A_857 : memref<32x128xf32, #tpu.memory_space<hbm>>) dst(%dma_wait3A_854 : memref<32x128xf32, #tpu.memory_space<vmem>>)
    %dma_wait3A_858 = arith.constant 7 : i32
    %dma_wait3A_859 = arith.constant 7 : i32
    %dma_wait3A_860 = arith.constant 0 : i32
    %dma_wait3A_861 = arith.constant 0 : i32
    %dma_wait3A_862 = tpu.memref_slice %arg11[%dma_wait3A_858, %dma_wait3A_860, %dma_wait3A_861] : memref<8x32x128xf32, #tpu.memory_space<vmem>> -> memref<1x32x128xf32, #tpu.memory_space<vmem>>
    %dma_wait3A_863 = tpu.memref_squeeze %dma_wait3A_862 : memref<1x32x128xf32, #tpu.memory_space<vmem>> -> memref<32x128xf32, #tpu.memory_space<vmem>>
    %dma_wait3A_864 = arith.constant 0 : i32
    %dma_wait3A_865 = arith.constant 0 : i32
    %dma_wait3A_866 = tpu.memref_slice %arg4[%dma_wait3A_864, %dma_wait3A_865] : memref<32x1000000xf32, #tpu.memory_space<hbm>> -> memref<32x128xf32, #tpu.memory_space<hbm>>
    %dma_wait3A_867 = tpu.memref_slice %arg16[%dma_wait3A_859] : memref<8x!tpu.dma_semaphore, #tpu.memory_space<semaphore_mem>> -> memref<1x!tpu.dma_semaphore, #tpu.memory_space<semaphore_mem>>
    %dma_wait3A_868 = tpu.memref_squeeze %dma_wait3A_867 : memref<1x!tpu.dma_semaphore, #tpu.memory_space<semaphore_mem>> -> memref<!tpu.dma_semaphore, #tpu.memory_space<semaphore_mem>>
    %dma_wait3A_869 = arith.constant 0 : i32
    %dma_wait3A_870 = arith.constant 0 : i32
    %dma_wait3A_871 = tpu.memref_slice %arg11[%dma_wait3A_858, %dma_wait3A_869, %dma_wait3A_870] : memref<8x32x128xf32, #tpu.memory_space<vmem>> -> memref<1x32x128xf32, #tpu.memory_space<vmem>>
    %dma_wait3A_872 = tpu.memref_squeeze %dma_wait3A_871 : memref<1x32x128xf32, #tpu.memory_space<vmem>> -> memref<32x128xf32, #tpu.memory_space<vmem>>
    %dma_wait3A_873 = arith.constant 0 : i32
    %dma_wait3A_874 = arith.constant 0 : i32
    %dma_wait3A_875 = tpu.memref_slice %arg4[%dma_wait3A_873, %dma_wait3A_874] : memref<32x1000000xf32, #tpu.memory_space<hbm>> -> memref<32x128xf32, #tpu.memory_space<hbm>>
    tpu.wait_dma2 semaphore(%dma_wait3A_868 : memref<!tpu.dma_semaphore, #tpu.memory_space<semaphore_mem>>) src(%dma_wait3A_875 : memref<32x128xf32, #tpu.memory_space<hbm>>) dst(%dma_wait3A_872 : memref<32x128xf32, #tpu.memory_space<vmem>>)
    %dma_wait3A_876 = arith.constant 7 : i32
    %dma_wait3A_877 = arith.constant 7 : i32
    %dma_wait3A_878 = arith.constant 0 : i32
    %dma_wait3A_879 = arith.constant 0 : i32
    %dma_wait3A_880 = tpu.memref_slice %arg12[%dma_wait3A_876, %dma_wait3A_878, %dma_wait3A_879] : memref<8x32x128xf32, #tpu.memory_space<vmem>> -> memref<1x32x128xf32, #tpu.memory_space<vmem>>
    %dma_wait3A_881 = tpu.memref_squeeze %dma_wait3A_880 : memref<1x32x128xf32, #tpu.memory_space<vmem>> -> memref<32x128xf32, #tpu.memory_space<vmem>>
    %dma_wait3A_882 = arith.constant 0 : i32
    %dma_wait3A_883 = arith.constant 0 : i32
    %dma_wait3A_884 = tpu.memref_slice %arg4[%dma_wait3A_882, %dma_wait3A_883] : memref<32x1000000xf32, #tpu.memory_space<hbm>> -> memref<32x128xf32, #tpu.memory_space<hbm>>
    %dma_wait3A_885 = tpu.memref_slice %arg17[%dma_wait3A_877] : memref<8x!tpu.dma_semaphore, #tpu.memory_space<semaphore_mem>> -> memref<1x!tpu.dma_semaphore, #tpu.memory_space<semaphore_mem>>
    %dma_wait3A_886 = tpu.memref_squeeze %dma_wait3A_885 : memref<1x!tpu.dma_semaphore, #tpu.memory_space<semaphore_mem>> -> memref<!tpu.dma_semaphore, #tpu.memory_space<semaphore_mem>>
    %dma_wait3A_887 = arith.constant 0 : i32
    %dma_wait3A_888 = arith.constant 0 : i32
    %dma_wait3A_889 = tpu.memref_slice %arg12[%dma_wait3A_876, %dma_wait3A_887, %dma_wait3A_888] : memref<8x32x128xf32, #tpu.memory_space<vmem>> -> memref<1x32x128xf32, #tpu.memory_space<vmem>>
    %dma_wait3A_890 = tpu.memref_squeeze %dma_wait3A_889 : memref<1x32x128xf32, #tpu.memory_space<vmem>> -> memref<32x128xf32, #tpu.memory_space<vmem>>
    %dma_wait3A_891 = arith.constant 0 : i32
    %dma_wait3A_892 = arith.constant 0 : i32
    %dma_wait3A_893 = tpu.memref_slice %arg4[%dma_wait3A_891, %dma_wait3A_892] : memref<32x1000000xf32, #tpu.memory_space<hbm>> -> memref<32x128xf32, #tpu.memory_space<hbm>>
    tpu.wait_dma2 semaphore(%dma_wait3A_886 : memref<!tpu.dma_semaphore, #tpu.memory_space<semaphore_mem>>) src(%dma_wait3A_893 : memref<32x128xf32, #tpu.memory_space<hbm>>) dst(%dma_wait3A_890 : memref<32x128xf32, #tpu.memory_space<vmem>>)
    "tpu.region"() ({
      %run_scoped3A = tpu.sem_alloc : memref<!tpu.dma_semaphore, #tpu.memory_space<semaphore_mem>>
      %dma_start3A_894 = arith.constant 0 : i32
      %dma_start3A_895 = tpu.memref_slice %arg8[%dma_start3A_894, %mul3A_2] : memref<32x16384xf32, #tpu.memory_space<hbm>> -> memref<32x512xf32, #tpu.memory_space<hbm>>
      %dma_start3A_896 = arith.constant 0 : i32
      %dma_start3A_897 = tpu.memref_slice %arg8[%dma_start3A_896, %mul3A_2] : memref<32x16384xf32, #tpu.memory_space<hbm>> -> memref<32x512xf32, #tpu.memory_space<hbm>>
      tpu.enqueue_dma source(%arg15 : memref<32x512xf32, #tpu.memory_space<vmem>>) target(%dma_start3A_897 : memref<32x512xf32, #tpu.memory_space<hbm>>) target_semaphore(%run_scoped3A : memref<!tpu.dma_semaphore, #tpu.memory_space<semaphore_mem>>)
      %dma_wait3A_898 = arith.constant 0 : i32
      %dma_wait3A_899 = tpu.memref_slice %arg8[%dma_wait3A_898, %mul3A_2] : memref<32x16384xf32, #tpu.memory_space<hbm>> -> memref<32x512xf32, #tpu.memory_space<hbm>>
      %dma_wait3A_900 = arith.constant 0 : i32
      %dma_wait3A_901 = tpu.memref_slice %arg8[%dma_wait3A_900, %mul3A_2] : memref<32x16384xf32, #tpu.memory_space<hbm>> -> memref<32x512xf32, #tpu.memory_space<hbm>>
      tpu.wait_dma2 semaphore(%run_scoped3A : memref<!tpu.dma_semaphore, #tpu.memory_space<semaphore_mem>>) src(%arg15 : memref<32x512xf32, #tpu.memory_space<vmem>>) dst(%dma_wait3A_901 : memref<32x512xf32, #tpu.memory_space<hbm>>)
      tpu.yield
    }) : () -> ()
    return
  }
}

</mosaic_0001>

<sc_bundles>
// kernel: kernel.3.cloned.1.call-start
scs
__scs_entry_jumppad:
0x0: {  	(pc) =	sbr.rel $0x88, $3  }
0x1: {  	(tag) =	ssettag $0x0;
	lr =	simm.s32 $0x1  }
0x2: {  	[smem:$0x3F9D] =	sst lr;
	_ =	strace $0xD0000000  }
0x3: {  	_ = 	snop  }
0x4: {  	_ = 	snop  }
0x5: {  	_ = 	snop  }
0x6: {  	_ = 	snop  }
0x7: {  	_ = 	snop  }
__scs_overlays_trampoline_lowered:
0x8: {  	[smem:$0x3FAC] =	sst s0  }
0x9: {  	[smem:$0x3FAD] =	sst s1  }
0xa: {  	[smem:$0x3FAE] =	sst s2  }
0xb: {  	[smem:$0x3FAF] =	sst s3  }
0xc: {  	[smem:$0x3FB0] =	sst s4  }
0xd: {  	[smem:$0x3FB1] =	sst s5  }
0xe: {  	[smem:$0x3FB2] =	sst s6  }
0xf: {  	[smem:$0x3FB3] =	sst s7  }
0x10: {  	[smem:$0x3FB4] =	sst s8  }
0x11: {  	[smem:$0x3FB5] =	sst s9;
	s0 =	simm.s32 @!p0 $0x0  }
0x12: {  	s1 =	sld [smem:$0x3F9B];
	s0 =	simm.s32 @p0 $0x1  }
0x13: {  	[smem:$0x3FB6] =	sst s0;
	s0 =	simm.s32 @!p1 $0x0  }
0x14: {  	s2 =	sld [smem:$0x3F9A];
	s0 =	simm.s32 @p1 $0x1  }
0x15: {  	[smem:$0x3FB7] =	sst s0;
	s0 =	simm.s32 @!p2 $0x0  }
0x16: {  	s3 =	sld [smem:$0x3FDB];
	s0 =	simm.s32 @p2 $0x1  }
0x17: {  	s4 =	simm.s32 $0x1BF5;
	[smem:$0x3FB9] =	sst s0  }
0x18: {  	s0 =	sld [smem:$0x3F9C];
	_ =	swait.ge [sflag:s4], $0x0  }
0x19: {  	s7 =	sld [smem:$0x3F9D]  }
0x1a: {  	s8 =	sadd.s32 $0xFFFFE003, lr  }
0x1b: {  	s9 =	sadd.s32 $0xFFFFFEF7, lr;
	s5 =	simm.s32 $0xFFFFFFFF;
	p2 =	slt.u32 s8, $0xFFFFF086  }
0x1c: {  	p1 =	slt.u32 s9, $0xF7A;
	s5 =	simm.s32 @!p2 $0x0  }
0x1d: {  	s5 =	simm.s32 @p1 $0x1;
	p0 =	seq.s32 s7, s2  }
0x1e: {  	s7 =	smul.u32 @!p0 $0xF7A, s2;
	p2 =	seq.s32 @!p0 s5, $0x0  }
0x1f: {  	s9 =	smul.u32 $0xF7A, s1;
	s8 =	simm.s32 @!p0 $0x1BF5;
	p2 =	por !p2, p0  }
0x20: {  	[sflag:s8] =	ssyncset.s32 @!p0 $0xFFFFF086;
	s6 =	sadd.s32 @!p0 s3, s7;
	s7 =	simm.s32 @!p0 $0x108  }
0x21: {  	s3 =	sadd.s32 s3, s9;
	s6 =	sadd.s32 @!p0 $0x88, s6;
	s7 =	simm.s32 @p2 $0x1082  }
0x22: {  	[simem:s7], [sflag:s8] =	dma.local @!p0 [hbm:s6], $0xF7A  }
0x23: {  	s9 =	sor.u32 $0xD0000000, s2;
	s6 =	simm.s32 $0x108;
	_ =	swait.ge @!p0 [sflag:s8], $0x0  }
0x24: {  	s3 =	sadd.s32 $0x88, s3;
	s6 =	simm.s32 @!p1 $0x1082;
	[sflag:s4] =	ssyncset.s32 $0xFFFFF086  }
0x25: {  	[simem:s6], [sflag:s4] =	dma.local [hbm:s3], $0xF7A  }
0x26: {  	[smem:$0x3F9D] =	sst s1;
	(tag) =	ssettag s2;
	_ =	strace s9  }
0x27: {  	s1 =	sld [smem:$0x3FAD]  }
0x28: {  	s2 =	sld [smem:$0x3FAE]  }
0x29: {  	s4 =	sld [smem:$0x3FB0]  }
0x2a: {  	p0 =	seq.s32 s5, $0x0;
	s5 =	sld [smem:$0x3FB1]  }
0x2b: {  	s6 =	sld [smem:$0x3FB2]  }
0x2c: {  	s7 =	sld [smem:$0x3FB3]  }
0x2d: {  	s3 =	simm.s32 $0x108;
	s8 =	sld [smem:$0x3FB4]  }
0x2e: {  	s3 =	simm.s32 @!p0 $0x1082;
	s9 =	sld [smem:$0x3FB5]  }
0x2f: {  	lr =	sadd.s32 s0, s3;
	s0 =	sld [smem:$0x3FAC]  }
0x30: {  	s3 =	sld [smem:$0x3FAF]  }
0x31: {  	[smem:$0x3FB8] =	sst s10  }
0x32: {  	s10 =	sld [smem:$0x3FB6];
	_ =	sdelay $0x3  }
0x33: {  	p0 =	seq.s32 s10, $0x1;
	s10 =	sld [smem:$0x3FB8];
	_ =	sdelay $0x3  }
0x34: {  	[smem:$0x3FB8] =	sst s10  }
0x35: {  	s10 =	sld [smem:$0x3FB7];
	_ =	sdelay $0x3  }
0x36: {  	p1 =	seq.s32 s10, $0x1;
	s10 =	sld [smem:$0x3FB8];
	_ =	sdelay $0x3  }
0x37: {  	[smem:$0x3FB8] =	sst s10  }
0x38: {  	s10 =	sld [smem:$0x3FB9]  }
0x39: {  	_ = 	snop;
	(pc) =	sbr.ind lr, $3  }
0x3a: {  	_ = 	snop  }
0x3b: {  	_ = 	snop  }
0x3c: {  	p2 =	seq.s32 s10, $0x1;
	s10 =	sld [smem:$0x3FB8]  }
0x3d: {  	_ =	shalt  }
0x3e: {  	_ =	shalt  }
0x3f: {  	_ =	shalt  }
0x40: {  	_ =	shalt  }
0x41: {  	_ =	shalt  }
0x42: {  	_ =	shalt  }
0x43: {  	_ =	shalt  }
0x44: {  	_ =	shalt  }
0x45: {  	_ =	shalt  }
0x46: {  	_ =	shalt  }
0x47: {  	_ =	shalt  }
0x48: {  	_ =	shalt  }
0x49: {  	_ =	shalt  }
0x4a: {  	_ =	shalt  }
0x4b: {  	_ =	shalt  }
0x4c: {  	_ =	shalt  }
0x4d: {  	_ =	shalt  }
0x4e: {  	_ =	shalt  }
0x4f: {  	_ =	shalt  }
0x50: {  	_ =	shalt  }
0x51: {  	_ =	shalt  }
0x52: {  	_ =	shalt  }
0x53: {  	_ =	shalt  }
0x54: {  	_ =	shalt  }
0x55: {  	_ =	shalt  }
0x56: {  	_ =	shalt  }
0x57: {  	_ =	shalt  }
0x58: {  	_ =	shalt  }
0x59: {  	_ =	shalt  }
0x5a: {  	_ =	shalt  }
0x5b: {  	_ =	shalt  }
0x5c: {  	_ =	shalt  }
0x5d: {  	_ =	shalt  }
0x5e: {  	_ =	shalt  }
0x5f: {  	_ =	shalt  }
0x60: {  	_ =	shalt  }
0x61: {  	_ =	shalt  }
0x62: {  	_ =	shalt  }
0x63: {  	_ =	shalt  }
0x64: {  	_ =	shalt  }
0x65: {  	_ =	shalt  }
0x66: {  	_ =	shalt  }
0x67: {  	_ =	shalt  }
0x68: {  	_ =	shalt  }
0x69: {  	_ =	shalt  }
0x6a: {  	_ =	shalt  }
0x6b: {  	_ =	shalt  }
0x6c: {  	_ =	shalt  }
0x6d: {  	_ =	shalt  }
0x6e: {  	_ =	shalt  }
0x6f: {  	_ =	shalt  }
0x70: {  	_ =	shalt  }
0x71: {  	_ =	shalt  }
0x72: {  	_ =	shalt  }
0x73: {  	_ =	shalt  }
0x74: {  	_ =	shalt  }
0x75: {  	_ =	shalt  }
0x76: {  	_ =	shalt  }
0x77: {  	_ =	shalt  }
0x78: {  	_ =	shalt  }
0x79: {  	_ =	shalt  }
0x7a: {  	_ =	shalt  }
0x7b: {  	_ =	shalt  }
0x7c: {  	_ =	shalt  }
0x7d: {  	_ =	shalt  }
0x7e: {  	_ =	shalt  }
0x7f: {  	_ =	shalt  }
0x80: {  	_ =	shalt  }
0x81: {  	_ =	shalt  }
0x82: {  	_ =	shalt  }
0x83: {  	_ =	shalt  }
0x84: {  	_ =	shalt  }
0x85: {  	_ =	shalt  }
0x86: {  	_ =	shalt  }
0x87: {  	_ =	shalt  }
.Lfunc_end0:
.L_simem_size_0:
called_computation_lowered:
.L_overlay_start_0:
0x88: {  	s2 =	sld [smem:$0x3FD9]  }
0x89: {  	s3 =	sld [smem:$0x3FFE];
	_ =	sdelay $0x1  }
0x8a: {  	s1 =	srdreg.scid  }
0x8b: {  	s0 =	sand.u32 $0x1, s1  }
0x8c: {  	s17 =	sshll.u32 s0, $0xA;
	s2 =	sadd.s32 s3, s2  }
0x8d: {  	s2 =	sadd.s32 s2, s17  }
0x8e: {  	[smem:$0x3FC4] =	sst s2  }
0x8f: {  	_ = 	snop  }
0x90: {  	s2 =	sld [smem:$0x3FC9]  }
0x91: {  	s18 =	sld [smem:$0x3FC8]  }
0x92: {  	s4 =	sld [smem:$0x3FC7]  }
0x93: {  	s5 =	sld [smem:$0x3FC6]  }
0x94: {  	s6 =	sld [smem:$0x3FD0];
	(tm) =	ssettm $0x1  }
0x95: {  	s7 =	sld [smem:$0x3FFB];
	_ =	sdelay $0x3  }
0x96: {  	_ =	strace s7  }
0x97: {  	s7 =	sld [smem:$0x3FFC];
	_ =	sdelay $0x3  }
0x98: {  	_ =	strace s7  }
0x99: {  	s7 =	sld [smem:$0x3FFD];
	_ =	sdelay $0x3  }
0x9a: {  	_ =	strace s7  }
0x9b: {  	_ =	strace $0x8FFFFFFF  }
0x9c: {  	s19 =	sld [smem:$0x3FDB];
	_ =	sdelay $0x1  }
0x9d: {  	s8 =	simm.s32 $_scs_section_size  }
0x9e: {  	s9 =	simm.s32 $_size__tile_overlayer_lowered;
	s10 =	simm.s32 $_tile_overlayer_lowered  }
0x9f: {  	s22 =	simm.s32 $0x1BFF;
	s21 =	sshll.u32 s10, $0x1;
	s7 =	sadd.s32 s8, s19  }
0xa0: {  	s11 =	simm.s32 $0x0;
	s20 =	sshll.u32 s9, $0x1;
	s9 =	sadd.s32 s21, s7  }
0xa1: {  	[timem:s11], [sflag:s22] =	dma.local [hbm:s9], s20  }
0xa2: {  	_ =	swait.ge [sflag:s22], s20  }
0xa3: {  	s8 =	ssub.s32 $0x0, s20;
	[sflag:s22] =	ssyncset.done $0x0  }
0xa4: {  	[sflag:s22] =	ssyncadd.s32 s8;
	_ =	sdelay $0x1  }
0xa5: {  	s23 =	simm.s32 $0x1B8B  }
0xa6: {  	_ =	swait.ge [sflag:s23], $0x1  }
0xa7: {  	[sflag:s23] =	ssyncset.done $0x0  }
0xa8: {  	s25 =	simm.s32 $0x1B8E;
	s24 =	sld [smem:$0x3FFE];
	[sflag:s23] =	ssyncadd.s32 $0xFFFFFFFF  }
0xa9: {  	s26 =	simm.s32 $execute0_lowered;
	[smem:$0x3FD2] =	sst s25  }
0xaa: {  	s9 =	sshll.u32 s26, $0x1;
	_ =	strace $0x80000046;
	[dreg:$0x1] =	wrdreg $0xFFFFFFFF  }
0xab: {  	s28 =	simm.s32 $_size_execute0_lowered;
	s7 =	sadd.s32 s7, s9;
	[dreg:$0x0] =	wrdreg $0x0  }
0xac: {  	s9 =	sshll.u32 s28, $0x1;
	[dreg:$0x2] =	wrdreg s7  }
0xad: {  	[dreg:$0x3] =	wrdreg s9  }
0xae: {  	[dreg:$0x4] =	wrdreg $0xC0  }
0xaf: {  	_ =	task [dreg:s11], $0x5FFFF  }
0xb0: {  	[dreg:$0x1] =	wrdreg $0xFFFFFFFF  }
0xb1: {  	[dreg:$0x0] =	wrdreg $0x60  }
0xb2: {  	[dreg:$0x2] =	wrdreg s2  }
0xb3: {  	[dreg:$0x3] =	wrdreg s18  }
0xb4: {  	[dreg:$0x4] =	wrdreg s4  }
0xb5: {  	[dreg:$0x5] =	wrdreg s5  }
0xb6: {  	[dreg:$0x6] =	wrdreg s24  }
0xb7: {  	[dreg:$0x7] =	wrdreg s6  }
0xb8: {  	[dreg:$0x8] =	wrdreg $0x9  }
0xb9: {  	_ =	task.clear_ibuf [dreg:s11], $0x9FFFF;
	_ =	strace $0x90000046  }
0xba: {  	s29 =	simm.s32 $0x9;
	_ =	strace $0x80000048  }
0xbb: {  	_ =	swait.ge [sflag:s29], $0x1  }
0xbc: {  	[sflag:s29] =	ssyncadd.s32 $0xFFFFFFFF  }
0xbd: {  	_ =	strace $0x90000048  }
0xbe: {  	_ =	sfence  }
0xbf: {  	s30 =	sld [smem:$0x0];
	_ =	sdelay $0x2  }
0xc0: {  	s31 =	sshll.u32 s1, $0xD;
	s1 =	sshrl.u32 s1, $0x2  }
0xc1: {  	s3 =	sand.u32 $0x4000, s31;
	s1 =	sadd.s32 s1, s30  }
0xc2: {  	s0 =	sor.u32 s3, s0;
	s1 =	sshll.u32 s1, $0x11  }
0xc3: {  	s0 =	sor.u32 s1, s0  }
0xc4: {  	s0 =	sadd.s32 $0x8F2B, s0  }
0xc5: {  	[sflag:s0] =	ssyncadd.remote.s32 $0x1  }
0xc6: {  	_ =	sfence.sel $0xFFFF  }
0xc7: {  	[dreg:$0x0] =	wrdreg $0xFFFFFFFF;
	(pc) =	sbr.abs _section_cstart, $3  }
0xc8: {  	[dreg:$0x1] =	wrdreg $0xFFFFFFFF  }
0xc9: {  	_ =	task.clear_ibuf [dreg:s11], $0x2FFFF;
	_ =	strace $0x9FFFFFFF  }
0xca: {  	(tm) =	ssettm $0x7FFFFFFF  }
0xcb: {  	_ =	shalt  }
tec
execute0_lowered:
.L_overlay_start_1:
0x0: {  	(tag) =	ssettag $0x1  }
0x1: {  	s0 =	rddreg [dreg:$0x0]  }
0x2: {  	s3 =	rddreg [dreg:$0x1];
	vm0 =	vmmov $0x1;
	vm1 =	vcmask $0x308  }
0x3: {  	s1 =	rddreg [dreg:$0x2];
	vm2 =	vcmask $0x70C;
	vm3 =	vcmask $0xB10;
	v0 =	vlaneseq.u32  }
0x4: {  	s2 =	rddreg [dreg:$0x3];
	vm4 =	vcmask $0xF14;
	vm5 =	vcmask $0x1318;
	v2 =	vimm.s32 $0x1380  }
0x5: {  	s4 =	rddreg [dreg:$0x4];
	vm6 =	vcmask $0x300;
	v3 =	vimm.s32 $0x3380;
	vm7 =	vcmask $0x704  }
0x6: {  	s5 =	rddreg [dreg:$0x5];
	vm8 =	vcmask $0x3B38;
	v1 =	vmul.u32 $0x80, v0;
	v2 =	vsel vm6, $0x0, v2  }
0x7: {  	s6 =	simm.s32 $0x0;
	s24 =	srdreg.scid;
	s12 =	simm.s32 $0x10400;
	v3 =	vsel vm6, $0x2000, v3;
	vm6 =	vcmask $0xB08;
	v5 =	vor.u32 $0x10, v0  }
0x8: {  	s8 =	stileid.u32;
	s14 =	simm.s32 $0x12400;
	s15 =	simm.s32 $0x7A1400;
	v2 =	vsel vm7, $0x80, v2;
	v3 =	vsel vm7, $0x2080, v3;
	vm7 =	vcmask $0xF0C  }
0x9: {  	s16 =	simm.s32 $0x400;
	s10 =	simm.s32 $0x2400;
	s11 =	simm.s32 $0xA400;
	v2 =	vsel vm6, $0x100, v2;
	v3 =	vsel vm6, $0x2100, v3;
	vm6 =	vcmask $0x1310  }
0xa: {  	s13 =	simm.s32 $0x3400;
	s17 =	simm.s32 $0xB400;
	s18 =	simm.s32 $0x4400;
	v4 =	vor.u32 $0x800, v1;
	v2 =	vsel vm7, $0x180, v2;
	v3 =	vsel vm7, $0x2180, v3  }
0xb: {  	s19 =	simm.s32 $0xC400;
	s20 =	simm.s32 $0x5400;
	s21 =	simm.s32 $0xD400;
	vm7 =	vcmask $0x1714;
	v2 =	vsel vm6, $0x200, v2;
	v3 =	vsel vm6, $0x2200, v3  }
0xc: {  	s22 =	simm.s32 $0x6400;
	s23 =	simm.s32 $0xE400;
	[smem:$0x7FF] =	sst s6;
	vm6 =	vcmask $0x1B18;
	v2 =	vsel vm7, $0x280, v2;
	v3 =	vsel vm7, $0x2280, v3  }
0xd: {  	s6 =	sand.u32 $0x1, s24;
	s8 =	sshll.u32 s8, $0xA;
	s9 =	sadd.s32 $0x400, s4;
	vm7 =	vcmask $0x1F1C;
	v2 =	vsel vm6, $0x300, v2;
	v3 =	vsel vm6, $0x2300, v3  }
0xe: {  	s4 =	sadd.s32 $0x800, s4;
	_ =	strace $0x80000047;
	[dreg:$0x7] =	wrdreg s9;
	vm6 =	vcmask $0x2320;
	v2 =	vsel vm7, $0x380, v2;
	v3 =	vsel vm7, $0x2380, v3  }
0xf: {  	s7 =	ssub.s32 $0x2, s6;
	s6 =	sshll.u32 s6, $0x9;
	[dreg:$0x8] =	wrdreg s4;
	vm7 =	vcmask $0x2724;
	v2 =	vsel vm6, $0x1000, v2;
	v3 =	vsel vm6, $0x3000, v3  }
0x10: {  	s9 =	simm.s32 $0x9400;
	s25 =	sshrl.u32 s7, $0x1;
	s6 =	sor.u32 s6, s8;
	vm6 =	vcmask $0x2B28;
	v2 =	vsel vm7, $0x1080, v2;
	v3 =	vsel vm7, $0x3080, v3  }
0x11: {  	s8 =	simm.s32 $0x1400;
	s28 =	sshrl.u32 s6, $0x3;
	s30 =	sadd.s32 s5, s6;
	vm7 =	vcmask $0x2F2C;
	v2 =	vsel vm6, $0x1100, v2;
	v3 =	vsel vm6, $0x3100, v3  }
0x12: {  	s26 =	ssub.s32 s7, s25;
	s0 =	sadd.s32 s0, s28;
	[dreg:$0xb] =	wrdreg s30;
	vm6 =	vcmask $0x3330;
	v2 =	vsel vm7, $0x1180, v2;
	v3 =	vsel vm7, $0x3180, v3  }
0x13: {  	s6 =	simm.s32 $0x11;
	s29 =	sadd.s32 s3, s28;
	[dreg:$0x9] =	wrdreg s0;
	vm7 =	vcmask $0x3734;
	v2 =	vsel vm6, $0x1200, v2;
	v3 =	vsel vm6, $0x3200, v3  }
0x14: {  	s7 =	simm.s32 $0x8400;
	s31 =	smax.u32 s26, $0x1;
	[dreg:$0xa] =	wrdreg s29;
	vm6 =	vcmask $0x171C;
	v2 =	vsel vm7, $0x1280, v2;
	v3 =	vsel vm7, $0x3280, v3  }
0x15: {  	s5 =	simm.s32 $0x14400;
	s3 =	simm.s32 $0x0;
	[dreg:$0xc] =	wrdreg s31;
	vm7 =	vcmask $0x1B20;
	v2 =	vsel vm8, $0x1300, v2;
	v3 =	vsel vm8, $0x3300, v3  }
.LBB2_1:
0x16: {  	[dreg:$0xd] =	wrdreg s3  }
0x17: {  	s0 =	simm.s32 $0x0;
	s25 =	rddreg [dreg:$0x9]  }
0x18: {  	[tilespmem:s0], [sflag:$0x11] =	stream.linear.gather [hbm4b:s25+s0], $0x200, $0x38;
	[tilespmem:$0x18400] =	vst v63  }
0x19: {  	_ =	swait.ge [sflag:s6], $0x200  }
0x1a: {  	[sflag:s6] =	ssyncset.done $0x0  }
0x1b: {  	s4 =	simm.s32 $0x200;
	s26 =	rddreg [dreg:$0xa];
	[sflag:s6] =	ssyncadd.s32 $0xFFFFFE00  }
0x1c: {  	[tilespmem:s4], [sflag:$0x11] =	stream.linear.gather [hbm4b:s26+s0], $0x200, $0x38;
	[tilespmem:$0x18400] =	vst v63  }
0x1d: {  	_ =	swait.ge [sflag:s6], $0x200  }
0x1e: {  	[sflag:s6] =	ssyncset.done $0x0  }
0x1f: {  	s4 =	rddreg [dreg:$0x7];
	[sflag:s6] =	ssyncadd.s32 $0xFFFFFE00  }
0x20: {  	[tilespmem:s12], [sflag:$0x11] =	stream.linear.gather [hbm4b:s4+s0], $0x2000, $0x38;
	[tilespmem:$0x18400] =	vst v63  }
0x21: {  	_ =	swait.ge [sflag:s6], $0x2000  }
0x22: {  	[sflag:s6] =	ssyncset.done $0x0  }
0x23: {  	s24 =	rddreg [dreg:$0x8];
	[sflag:s6] =	ssyncadd.s32 $0xFFFFE000  }
0x24: {  	[tilespmem:s14], [sflag:$0x11] =	stream.linear.gather [hbm4b:s24+s0], $0x2000, $0x38;
	[tilespmem:$0x18400] =	vst v63  }
0x25: {  	_ =	swait.ge [sflag:s6], $0x2000  }
0x26: {  	[sflag:s6] =	ssyncset.done $0x0  }
0x27: {  	[sflag:s6] =	ssyncadd.s32 $0xFFFFE000  }
0x28: {  	v6 =	vld [tilespmem:$0x0];
	_ =	sdelay $0x1  }
0x29: {  	v7 =	vld [tilespmem:$0x200];
	_ =	sdelay $0x2  }
0x2a: {  	v6 =	vnsel vm0, $0x0, v6  }
0x2b: {  	v6 =	vxor.u32 $0x80000000, v6  }
0x2c: {  	(xrf0) =	vmax.scan.msk.u32 $0xffff, v6;
	v6 =	vnsel vm0, $0x0, v7  }
0x2d: {  	v6 =	vxor.u32 $0x80000000, v6  }
0x2e: {  	(xrf0) =	vmax.scan.msk.u32 $0xffff, v6;
	_ =	sdelay $0x3  }
0x2f: {  	v6, _, _ =	vpop (xrf0)  }
0x30: {  	(v2sf) =	vpush v6, $0xF  }
0x31: {  	v6, _, _ =	vpop (xrf0)  }
0x32: {  	(v2sf) =	vpush v6, $0xF;
	_ =	sdelay $0xc  }
0x33: {  	s25 =	spop (v2sf)  }
0x34: {  	s24 =	sxor.u32 $0x80000000, s25  }
0x35: {  	s0 =	sshra.s32 s24, $0x7;
	s26 =	spop (v2sf)  }
0x36: {  	p0 =	slt.s32 s0, $0x1E83;
	s25 =	sxor.u32 $0x80000000, s26  }
0x37: {  	s0 =	simm.s32 @!p0 $0x1E83;
	s3 =	sshra.s32 s25, $0x7  }
0x38: {  	s0 =	sshll.u32 s0, $0x7;
	p0 =	slt.s32 s3, $0x1E83  }
0x39: {  	s0 =	sand.u32 $0x1FFFFF80, s0;
	s3 =	simm.s32 @!p0 $0x1E83  }
0x3a: {  	s0 =	sadd.s32 s1, s0;
	s4 =	sshll.u32 s3, $0x7  }
0x3b: {  	[tilespmem:s16], [sflag:$0x1] =	stream.strided.gather [hbm4b:s0+s16], $0x1000, s15, s16, $0x38;
	[tilespmem:$0x18400] =	vst v63  }
0x3c: {  	s0 =	sand.u32 $0x1FFFFF80, s4  }
0x3d: {  	s0 =	sadd.s32 s2, s0  }
0x3e: {  	[tilespmem:s7], [sflag:$0x9] =	stream.strided.gather [hbm4b:s0+s16], $0x1000, s15, s16, $0x38;
	[tilespmem:$0x18400] =	vst v63  }
0x3f: {  	v6 =	vld [tilespmem:$0x0];
	_ =	sdelay $0x1  }
0x40: {  	v7 =	vld [tilespmem:$0x200];
	_ =	sdelay $0x2  }
0x41: {  	v6 =	vsel vm1, $0x0, v6  }
0x42: {  	v6 =	vxor.u32 $0x80000000, v6  }
0x43: {  	(xrf0) =	vmax.scan.msk.u32 $0xffff, v6;
	v6 =	vsel vm1, $0x0, v7  }
0x44: {  	v6 =	vxor.u32 $0x80000000, v6  }
0x45: {  	(xrf0) =	vmax.scan.msk.u32 $0xffff, v6;
	_ =	sdelay $0x3  }
0x46: {  	v6, _, _ =	vpop (xrf0)  }
0x47: {  	(v2sf) =	vpush v6, $0xF  }
0x48: {  	v6, _, _ =	vpop (xrf0)  }
0x49: {  	(v2sf) =	vpush v6, $0xF;
	_ =	sdelay $0xc  }
0x4a: {  	s6 =	spop (v2sf)  }
0x4b: {  	s26 =	sxor.u32 $0x80000000, s6  }
0x4c: {  	s0 =	sshra.s32 s26, $0x7;
	s7 =	spop (v2sf)  }
0x4d: {  	p0 =	slt.s32 s0, $0x1E83;
	s28 =	sxor.u32 $0x80000000, s7  }
0x4e: {  	s0 =	simm.s32 @!p0 $0x1E83;
	s3 =	sshra.s32 s28, $0x7  }
0x4f: {  	s0 =	sshll.u32 s0, $0x7;
	p0 =	slt.s32 s3, $0x1E83  }
0x50: {  	s0 =	sand.u32 $0x1FFFFF80, s0;
	s3 =	simm.s32 @!p0 $0x1E83  }
0x51: {  	s0 =	sadd.s32 s1, s0;
	s4 =	sshll.u32 s3, $0x7  }
0x52: {  	[tilespmem:s8], [sflag:$0x2] =	stream.strided.gather [hbm4b:s0+s16], $0x1000, s15, s16, $0x38;
	[tilespmem:$0x18400] =	vst v63  }
0x53: {  	s0 =	sand.u32 $0x1FFFFF80, s4  }
0x54: {  	s0 =	sadd.s32 s2, s0  }
0x55: {  	[tilespmem:s9], [sflag:$0xA] =	stream.strided.gather [hbm4b:s0+s16], $0x1000, s15, s16, $0x38;
	[tilespmem:$0x18400] =	vst v63  }
0x56: {  	v6 =	vld [tilespmem:$0x0];
	_ =	sdelay $0x1  }
0x57: {  	v7 =	vld [tilespmem:$0x200];
	_ =	sdelay $0x2  }
0x58: {  	v6 =	vsel vm2, $0x0, v6  }
0x59: {  	v6 =	vxor.u32 $0x80000000, v6  }
0x5a: {  	(xrf0) =	vmax.scan.msk.u32 $0xffff, v6;
	v6 =	vsel vm2, $0x0, v7  }
0x5b: {  	v6 =	vxor.u32 $0x80000000, v6  }
0x5c: {  	(xrf0) =	vmax.scan.msk.u32 $0xffff, v6;
	_ =	sdelay $0x3  }
0x5d: {  	v6, _, _ =	vpop (xrf0)  }
0x5e: {  	(v2sf) =	vpush v6, $0xF  }
0x5f: {  	v6, _, _ =	vpop (xrf0)  }
0x60: {  	(v2sf) =	vpush v6, $0xF;
	_ =	sdelay $0xc  }
0x61: {  	s6 =	spop (v2sf)  }
0x62: {  	s29 =	sxor.u32 $0x80000000, s6  }
0x63: {  	s0 =	sshra.s32 s29, $0x7;
	s7 =	spop (v2sf)  }
0x64: {  	p0 =	slt.s32 s0, $0x1E83;
	s30 =	sxor.u32 $0x80000000, s7  }
0x65: {  	s0 =	simm.s32 @!p0 $0x1E83;
	s3 =	sshra.s32 s30, $0x7  }
0x66: {  	s0 =	sshll.u32 s0, $0x7;
	p0 =	slt.s32 s3, $0x1E83  }
0x67: {  	s0 =	sand.u32 $0x1FFFFF80, s0;
	s3 =	simm.s32 @!p0 $0x1E83  }
0x68: {  	s0 =	sadd.s32 s1, s0;
	s8 =	sshll.u32 s3, $0x7  }
0x69: {  	[tilespmem:s10], [sflag:$0x3] =	stream.strided.gather [hbm4b:s0+s16], $0x1000, s15, s16, $0x38;
	[tilespmem:$0x18400] =	vst v63  }
0x6a: {  	s0 =	sand.u32 $0x1FFFFF80, s8  }
0x6b: {  	s0 =	sadd.s32 s2, s0  }
0x6c: {  	[tilespmem:s11], [sflag:$0xB] =	stream.strided.gather [hbm4b:s0+s16], $0x1000, s15, s16, $0x38;
	[tilespmem:$0x18400] =	vst v63  }
0x6d: {  	v6 =	vld [tilespmem:$0x0];
	_ =	sdelay $0x1  }
0x6e: {  	v7 =	vld [tilespmem:$0x200];
	_ =	sdelay $0x2  }
0x6f: {  	v6 =	vsel vm3, $0x0, v6  }
0x70: {  	v6 =	vxor.u32 $0x80000000, v6  }
0x71: {  	(xrf0) =	vmax.scan.msk.u32 $0xffff, v6;
	v6 =	vsel vm3, $0x0, v7  }
0x72: {  	v6 =	vxor.u32 $0x80000000, v6  }
0x73: {  	(xrf0) =	vmax.scan.msk.u32 $0xffff, v6;
	_ =	sdelay $0x3  }
0x74: {  	v6, _, _ =	vpop (xrf0)  }
0x75: {  	(v2sf) =	vpush v6, $0xF  }
0x76: {  	v6, _, _ =	vpop (xrf0)  }
0x77: {  	(v2sf) =	vpush v6, $0xF;
	_ =	sdelay $0xc  }
0x78: {  	s9 =	spop (v2sf)  }
0x79: {  	s31 =	sxor.u32 $0x80000000, s9  }
0x7a: {  	s3 =	sshra.s32 s31, $0x7;
	s10 =	spop (v2sf)  }
0x7b: {  	p0 =	slt.s32 s3, $0x1E83;
	s0 =	sxor.u32 $0x80000000, s10  }
0x7c: {  	s3 =	simm.s32 @!p0 $0x1E83;
	s4 =	sshra.s32 s0, $0x7  }
0x7d: {  	s3 =	sshll.u32 s3, $0x7;
	p0 =	slt.s32 s4, $0x1E83  }
0x7e: {  	s3 =	sand.u32 $0x1FFFFF80, s3;
	s4 =	simm.s32 @!p0 $0x1E83  }
0x7f: {  	s3 =	sadd.s32 s1, s3;
	s11 =	sshll.u32 s4, $0x7  }
0x80: {  	[tilespmem:s13], [sflag:$0x4] =	stream.strided.gather [hbm4b:s3+s16], $0x1000, s15, s16, $0x38;
	[tilespmem:$0x18400] =	vst v63  }
0x81: {  	s3 =	sand.u32 $0x1FFFFF80, s11  }
0x82: {  	s3 =	sadd.s32 s2, s3  }
0x83: {  	[tilespmem:s17], [sflag:$0xC] =	stream.strided.gather [hbm4b:s3+s16], $0x1000, s15, s16, $0x38;
	[tilespmem:$0x18400] =	vst v63  }
0x84: {  	v6 =	vld [tilespmem:$0x0];
	_ =	sdelay $0x1  }
0x85: {  	v7 =	vld [tilespmem:$0x200];
	_ =	sdelay $0x2  }
0x86: {  	v6 =	vsel vm4, $0x0, v6  }
0x87: {  	v6 =	vxor.u32 $0x80000000, v6  }
0x88: {  	(xrf0) =	vmax.scan.msk.u32 $0xffff, v6;
	v6 =	vsel vm4, $0x0, v7  }
0x89: {  	v6 =	vxor.u32 $0x80000000, v6  }
0x8a: {  	(xrf0) =	vmax.scan.msk.u32 $0xffff, v6;
	_ =	sdelay $0x3  }
0x8b: {  	v6, _, _ =	vpop (xrf0)  }
0x8c: {  	(v2sf) =	vpush v6, $0xF  }
0x8d: {  	v6, _, _ =	vpop (xrf0)  }
0x8e: {  	(v2sf) =	vpush v6, $0xF;
	_ =	sdelay $0xc  }
0x8f: {  	s13 =	spop (v2sf)  }
0x90: {  	s4 =	sxor.u32 $0x80000000, s13  }
0x91: {  	s3 =	sshra.s32 s4, $0x7;
	s17 =	spop (v2sf)  }
0x92: {  	p0 =	slt.s32 s3, $0x1E83;
	s11 =	sxor.u32 $0x80000000, s17  }
0x93: {  	s3 =	simm.s32 @!p0 $0x1E83;
	s6 =	sshra.s32 s11, $0x7  }
0x94: {  	s3 =	sshll.u32 s3, $0x7;
	p0 =	slt.s32 s6, $0x1E83  }
0x95: {  	s3 =	sand.u32 $0x1FFFFF80, s3;
	s6 =	simm.s32 @!p0 $0x1E83  }
0x96: {  	s3 =	sadd.s32 s1, s3;
	s7 =	sshll.u32 s6, $0x7  }
0x97: {  	[tilespmem:s18], [sflag:$0x5] =	stream.strided.gather [hbm4b:s3+s16], $0x1000, s15, s16, $0x38;
	[tilespmem:$0x18400] =	vst v63  }
0x98: {  	s3 =	sand.u32 $0x1FFFFF80, s7  }
0x99: {  	s3 =	sadd.s32 s2, s3  }
0x9a: {  	[tilespmem:s19], [sflag:$0xD] =	stream.strided.gather [hbm4b:s3+s16], $0x1000, s15, s16, $0x38;
	[tilespmem:$0x18400] =	vst v63  }
0x9b: {  	v6 =	vld [tilespmem:$0x0];
	_ =	sdelay $0x1  }
0x9c: {  	v7 =	vld [tilespmem:$0x200];
	_ =	sdelay $0x2  }
0x9d: {  	v6 =	vsel vm5, $0x0, v6  }
0x9e: {  	v6 =	vxor.u32 $0x80000000, v6  }
0x9f: {  	(xrf0) =	vmax.scan.msk.u32 $0xffff, v6;
	v6 =	vsel vm5, $0x0, v7  }
0xa0: {  	v6 =	vxor.u32 $0x80000000, v6  }
0xa1: {  	(xrf0) =	vmax.scan.msk.u32 $0xffff, v6;
	_ =	sdelay $0x3  }
0xa2: {  	v6, _, _ =	vpop (xrf0)  }
0xa3: {  	(v2sf) =	vpush v6, $0xF  }
0xa4: {  	v6, _, _ =	vpop (xrf0)  }
0xa5: {  	(v2sf) =	vpush v6, $0xF;
	_ =	sdelay $0xc  }
0xa6: {  	s8 =	spop (v2sf)  }
0xa7: {  	s6 =	sxor.u32 $0x80000000, s8  }
0xa8: {  	s3 =	sshra.s32 s6, $0x7;
	s9 =	spop (v2sf)  }
0xa9: {  	p0 =	slt.s32 s3, $0x1E83;
	s7 =	sxor.u32 $0x80000000, s9  }
0xaa: {  	s3 =	simm.s32 @!p0 $0x1E83;
	s8 =	sshra.s32 s7, $0x7  }
0xab: {  	s3 =	sshll.u32 s3, $0x7;
	p0 =	slt.s32 s8, $0x1E83  }
0xac: {  	s3 =	sand.u32 $0x1FFFFF80, s3;
	s8 =	simm.s32 @!p0 $0x1E83  }
0xad: {  	s3 =	sadd.s32 s1, s3;
	s10 =	sshll.u32 s8, $0x7  }
0xae: {  	[tilespmem:s20], [sflag:$0x6] =	stream.strided.gather [hbm4b:s3+s16], $0x1000, s15, s16, $0x38;
	[tilespmem:$0x18400] =	vst v63  }
0xaf: {  	s3 =	sand.u32 $0x1FFFFF80, s10  }
0xb0: {  	s3 =	sadd.s32 s2, s3  }
0xb1: {  	[tilespmem:s21], [sflag:$0xE] =	stream.strided.gather [hbm4b:s3+s16], $0x1000, s15, s16, $0x38;
	[tilespmem:$0x18400] =	vst v63  }
0xb2: {  	v6 =	vld [tilespmem:$0x0];
	_ =	sdelay $0x1  }
0xb3: {  	v7 =	vld [tilespmem:$0x200];
	_ =	sdelay $0x2  }
0xb4: {  	v6 =	vsel vm6, $0x0, v6  }
0xb5: {  	v6 =	vxor.u32 $0x80000000, v6  }
0xb6: {  	(xrf0) =	vmax.scan.msk.u32 $0xffff, v6;
	v6 =	vsel vm6, $0x0, v7  }
0xb7: {  	v6 =	vxor.u32 $0x80000000, v6  }
0xb8: {  	(xrf0) =	vmax.scan.msk.u32 $0xffff, v6;
	_ =	sdelay $0x3  }
0xb9: {  	v6, _, _ =	vpop (xrf0)  }
0xba: {  	(v2sf) =	vpush v6, $0xF  }
0xbb: {  	v6, _, _ =	vpop (xrf0)  }
0xbc: {  	(v2sf) =	vpush v6, $0xF;
	_ =	sdelay $0xc  }
0xbd: {  	s13 =	spop (v2sf)  }
0xbe: {  	s8 =	sxor.u32 $0x80000000, s13  }
0xbf: {  	s3 =	sshra.s32 s8, $0x7;
	s17 =	spop (v2sf)  }
0xc0: {  	p0 =	slt.s32 s3, $0x1E83;
	s9 =	sxor.u32 $0x80000000, s17  }
0xc1: {  	s3 =	simm.s32 @!p0 $0x1E83;
	s10 =	sshra.s32 s9, $0x7  }
0xc2: {  	s3 =	sshll.u32 s3, $0x7;
	p0 =	slt.s32 s10, $0x1E83  }
0xc3: {  	s3 =	sand.u32 $0x1FFFFF80, s3;
	s10 =	simm.s32 @!p0 $0x1E83  }
0xc4: {  	s3 =	sadd.s32 s1, s3;
	s18 =	sshll.u32 s10, $0x7  }
0xc5: {  	[tilespmem:s22], [sflag:$0x7] =	stream.strided.gather [hbm4b:s3+s16], $0x1000, s15, s16, $0x38;
	[tilespmem:$0x18400] =	vst v63  }
0xc6: {  	s3 =	sand.u32 $0x1FFFFF80, s18  }
0xc7: {  	s3 =	sadd.s32 s2, s3  }
0xc8: {  	[tilespmem:s23], [sflag:$0xF] =	stream.strided.gather [hbm4b:s3+s16], $0x1000, s15, s16, $0x38;
	[tilespmem:$0x18400] =	vst v63  }
0xc9: {  	v6 =	vld [tilespmem:$0x0];
	_ =	sdelay $0x4  }
0xca: {  	v6 =	vsel vm7, $0x0, v6  }
0xcb: {  	v7 =	vld [tilespmem:$0x200];
	v6 =	vxor.u32 $0x80000000, v6  }
0xcc: {  	(xrf0) =	vmax.scan.msk.u32 $0xffff, v6;
	_ =	sdelay $0x3  }
0xcd: {  	v6 =	vsel vm7, $0x0, v7  }
0xce: {  	v6 =	vxor.u32 $0x80000000, v6  }
0xcf: {  	v7, _, _ =	vpop (xrf0);
	(xrf0) =	vmax.scan.msk.u32 $0xffff, v6  }
0xd0: {  	(v2sf) =	vpush v7, $0xF;
	_ =	sdelay $0x4  }
0xd1: {  	v6, _, _ =	vpop (xrf0)  }
0xd2: {  	(v2sf) =	vpush v6, $0xF;
	_ =	sdelay $0x8  }
0xd3: {  	s19 =	spop (v2sf)  }
0xd4: {  	s3 =	sxor.u32 $0x80000000, s19  }
0xd5: {  	s10 =	sshra.s32 s3, $0x7  }
0xd6: {  	p0 =	slt.s32 s10, $0x1E83  }
0xd7: {  	s10 =	simm.s32 @!p0 $0x1E83  }
0xd8: {  	s10 =	sshll.u32 s10, $0x7  }
0xd9: {  	s20 =	spop (v2sf);
	s21 =	sand.u32 $0x1FFFFF80, s10  }
0xda: {  	s23 =	simm.s32 $0x7400;
	s10 =	sxor.u32 $0x80000000, s20;
	s22 =	sadd.s32 s1, s21  }
0xdb: {  	[tilespmem:s23], [sflag:$0x8] =	stream.strided.gather [hbm4b:s22+s16], $0x1000, s15, s16, $0x38;
	[tilespmem:$0x18400] =	vst v63  }
0xdc: {  	s13 =	sshra.s32 s10, $0x7  }
0xdd: {  	p0 =	slt.s32 s13, $0x1E83  }
0xde: {  	s13 =	simm.s32 @!p0 $0x1E83  }
0xdf: {  	s13 =	sshll.u32 s13, $0x7  }
0xe0: {  	s13 =	sand.u32 $0x1FFFFF80, s13  }
0xe1: {  	s23 =	simm.s32 $0xF400;
	s13 =	sadd.s32 s2, s13  }
0xe2: {  	[tilespmem:s23], [sflag:$0x10] =	stream.strided.gather [hbm4b:s13+s16], $0x1000, s15, s16, $0x38;
	[tilespmem:$0x18400] =	vst v63  }
0xe3: {  	s21 =	simm.s32 $0x6400;
	s20 =	simm.s32 $0x4400;
	s13 =	simm.s32 $0x0  }
.LBB2_2:
0xe4: {  	s19 =	simm.s32 $0x1  }
0xe5: {  	s18 =	sand.u32 $0x7F, s24;
	_ =	swait.ge [sflag:s19], $0x1000  }
0xe6: {  	s17 =	sadd.s32 $0xFFF0BE00, s24;
	s22 =	sand.u32 $0x7F, s25;
	v6 =	vor.u32 s18, v1;
	[sflag:s19] =	ssyncset.done $0x0  }
0xe7: {  	p0 =	sgt.s32 s17, $0x0;
	v7 =	vor.u32 s18, v4;
	[sflag:s19] =	ssyncadd.s32 $0xFFFFF000;
	s19 =	simm.s32 $0x9  }
0xe8: {  	s18 =	sadd.s32 $0xFFF0BE00, s25;
	v10 =	vor.u32 s22, v1;
	s17 =	simm.s32 @!p0 $0x0;
	_ =	swait.ge [sflag:s19], $0x1000  }
0xe9: {  	v11 =	vor.u32 s22, v4;
	p0 =	sgt.s32 s18, $0x0;
	s17 =	sshll.u32 s17, $0x7;
	[sflag:s19] =	ssyncset.done $0x0  }
0xea: {  	s18 =	simm.s32 @!p0 $0x0;
	v8 =	vor.u32 s17, v0;
	[sflag:s19] =	ssyncadd.s32 $0xFFFFF000  }
0xeb: {  	v9 =	vor.u32 s17, v5;
	s22 =	sshll.u32 s18, $0x7;
	v6 =	vld.idx.msk [tilespmem:v6+s16+$0x0], $0xffff  }
0xec: {  	v12 =	vor.u32 s22, v0;
	s19 =	simm.s32 $0x8400;
	v7 =	vld.idx.msk [tilespmem:v7+s16+$0x0], $0xffff  }
0xed: {  	v13 =	vor.u32 s22, v5;
	v10 =	vld.idx.msk [tilespmem:v10+s19+$0x0], $0xffff  }
0xee: {  	v11 =	vld.idx.msk [tilespmem:v11+s19+$0x0], $0xffff  }
0xef: {  	v8 =	vld.idx.msk [tilespmem:v8+s12+$0x0], $0xffff  }
0xf0: {  	v14 =	vmov s13;
	v9 =	vld.idx.msk [tilespmem:v9+s12+$0x0], $0xffff  }
0xf1: {  	v15 =	vshll.u32 v14, $0x3;
	v12 =	vld.idx.msk [tilespmem:v12+s14+$0x0], $0xffff  }
0xf2: {  	v14 =	vand.u32 $0x78, v14;
	v15 =	vand.u32 $0xC00, v15;
	v13 =	vld.idx.msk [tilespmem:v13+s14+$0x0], $0xffff  }
0xf3: {  	v14 =	vor.u32 v14, v15  }
0xf4: {  	v15 =	vor.u32 v2, v14  }
0xf5: {  	p4 =	sgt.s32 s24, $0xF41FF;
	p1 =	sgt.s32 s25, $0xF41FF;
	v14 =	vor.u32 v3, v14  }
0xf6: {  	v6 =	vpsel p4, v8, v6;
	v31 =	vpsel p1, v12, v10  }
0xf7: {  	v7 =	vpsel p4, v9, v7;
	v32 =	vpsel p1, v13, v11;
	v6 =	vmul.f32 v31, v6  }
0xf8: {  	s18 =	smin.u32 s13, $0x1F7;
	v7 =	vmul.f32 v32, v7  }
0xf9: {  	s17 =	sadd.s32 $0x8, s18;
	[tilespmem:v15+s5+$0x0] =	vst.idx.msk $0xffff, v6  }
0xfa: {  	s22 =	sand.u32 $0x3F0, s17;
	[tilespmem:v14+s5+$0x0] =	vst.idx.msk $0xffff, v7  }
0xfb: {  	v6 =	vld [tilespmem:s22+$0x0];
	_ =	sdelay $0x1  }
0xfc: {  	v7 =	vld [tilespmem:s22+$0x200]  }
0xfd: {  	s17 =	sand.u32 $0xF, s17  }
0xfe: {  	v33 =	vmov s17  }
0xff: {  	vm8 =	veq.s32 v33, v0;
	v6 =	vxor.u32 $0x80000000, v6  }
0x100: {  	v6 =	vnsel vm8, $0x80000000, v6  }
0x101: {  	(xrf0) =	vmax.scan.msk.u32 $0xffff, v6;
	v6 =	vxor.u32 $0x80000000, v7  }
0x102: {  	v6 =	vnsel vm8, $0x80000000, v6  }
0x103: {  	(xrf0) =	vmax.scan.msk.u32 $0xffff, v6;
	_ =	sdelay $0x3  }
0x104: {  	v6, _, _ =	vpop (xrf0)  }
0x105: {  	(v2sf) =	vpush v6, $0xF  }
0x106: {  	v6, _, _ =	vpop (xrf0)  }
0x107: {  	(v2sf) =	vpush v6, $0xF;
	_ =	sdelay $0xc  }
0x108: {  	s24 =	spop (v2sf)  }
0x109: {  	s24 =	sxor.u32 $0x80000000, s24  }
0x10a: {  	s17 =	sshra.s32 s24, $0x7;
	s25 =	spop (v2sf)  }
0x10b: {  	p0 =	slt.s32 s17, $0x1E83;
	s25 =	sxor.u32 $0x80000000, s25  }
0x10c: {  	s17 =	simm.s32 @!p0 $0x1E83;
	s18 =	sshra.s32 s25, $0x7  }
0x10d: {  	s17 =	sshll.u32 s17, $0x7;
	p0 =	slt.s32 s18, $0x1E83  }
0x10e: {  	s17 =	sand.u32 $0x1FFFFF80, s17;
	s18 =	simm.s32 @!p0 $0x1E83  }
0x10f: {  	s17 =	sadd.s32 s1, s17;
	s22 =	sshll.u32 s18, $0x7  }
0x110: {  	[tilespmem:s16], [sflag:$0x1] =	stream.strided.gather [hbm4b:s17+s16], $0x1000, s15, s16, $0x38;
	[tilespmem:$0x18400] =	vst v63  }
0x111: {  	s17 =	sand.u32 $0x1FFFFF80, s22  }
0x112: {  	s18 =	simm.s32 $0x2;
	s17 =	sadd.s32 s2, s17  }
0x113: {  	[tilespmem:s19], [sflag:$0x9] =	stream.strided.gather [hbm4b:s17+s16], $0x1000, s15, s16, $0x38;
	[tilespmem:$0x18400] =	vst v63  }
0x114: {  	s22 =	sand.u32 $0x7F, s26;
	_ =	swait.ge [sflag:s18], $0x1000  }
0x115: {  	v6 =	vor.u32 s22, v1;
	v7 =	vor.u32 s22, v4;
	s22 =	sand.u32 $0x7F, s28;
	s17 =	sadd.s32 $0xFFF0BE00, s26;
	[sflag:s18] =	ssyncset.done $0x0  }
0x116: {  	s19 =	simm.s32 $0xA;
	p0 =	sgt.s32 s17, $0x0;
	[sflag:s18] =	ssyncadd.s32 $0xFFFFF000  }
0x117: {  	v36 =	vor.u32 s22, v1;
	s17 =	simm.s32 @!p0 $0x0;
	s18 =	sadd.s32 $0xFFF0BE00, s28;
	_ =	swait.ge [sflag:s19], $0x1000  }
0x118: {  	v37 =	vor.u32 s22, v4;
	s17 =	sshll.u32 s17, $0x7;
	p0 =	sgt.s32 s18, $0x0;
	[sflag:s19] =	ssyncset.done $0x0  }
0x119: {  	v34 =	vor.u32 s17, v0;
	s18 =	simm.s32 @!p0 $0x0;
	[sflag:s19] =	ssyncadd.s32 $0xFFFFF000;
	s19 =	simm.s32 $0x1400  }
0x11a: {  	v35 =	vor.u32 s17, v5;
	s22 =	sshll.u32 s18, $0x7;
	v6 =	vld.idx.msk [tilespmem:v6+s19+$0x0], $0xffff  }
0x11b: {  	v7 =	vld.idx.msk [tilespmem:v7+s19+$0x0], $0xffff;
	v38 =	vor.u32 s22, v0;
	v39 =	vor.u32 s22, v5;
	s22 =	simm.s32 $0x9400  }
0x11c: {  	v10 =	vld.idx.msk [tilespmem:v36+s22+$0x0], $0xffff  }
0x11d: {  	v11 =	vld.idx.msk [tilespmem:v37+s22+$0x0], $0xffff  }
0x11e: {  	s18 =	sadd.s32 $0x1, s13;
	v8 =	vld.idx.msk [tilespmem:v34+s12+$0x0], $0xffff  }
0x11f: {  	v40 =	vmov s18;
	v9 =	vld.idx.msk [tilespmem:v35+s12+$0x0], $0xffff  }
0x120: {  	v41 =	vshll.u32 v40, $0x3;
	v12 =	vld.idx.msk [tilespmem:v38+s14+$0x0], $0xffff  }
0x121: {  	v14 =	vand.u32 $0x79, v40;
	v15 =	vand.u32 $0xC00, v41;
	v13 =	vld.idx.msk [tilespmem:v39+s14+$0x0], $0xffff  }
0x122: {  	v14 =	vor.u32 v14, v15  }
0x123: {  	v15 =	vor.u32 v2, v14  }
0x124: {  	p5 =	sgt.s32 s26, $0xF41FF;
	p6 =	sgt.s32 s28, $0xF41FF;
	v14 =	vor.u32 v3, v14  }
0x125: {  	v6 =	vpsel p5, v8, v6;
	v42 =	vpsel p6, v12, v10  }
0x126: {  	v7 =	vpsel p5, v9, v7;
	v43 =	vpsel p6, v13, v11;
	v6 =	vmul.f32 v42, v6  }
0x127: {  	s18 =	smin.u32 s13, $0x1F6;
	v7 =	vmul.f32 v43, v7  }
0x128: {  	s17 =	sadd.s32 $0x9, s18;
	[tilespmem:v15+s5+$0x0] =	vst.idx.msk $0xffff, v6  }
0x129: {  	s26 =	sand.u32 $0x3F0, s17;
	[tilespmem:v14+s5+$0x0] =	vst.idx.msk $0xffff, v7  }
0x12a: {  	v6 =	vld [tilespmem:s26+$0x0];
	_ =	sdelay $0x2  }
0x12b: {  	s17 =	sand.u32 $0xF, s17;
	v7 =	vld [tilespmem:s26+$0x200]  }
0x12c: {  	v44 =	vmov s17  }
0x12d: {  	vm8 =	veq.s32 v44, v0;
	v6 =	vxor.u32 $0x80000000, v6  }
0x12e: {  	v6 =	vnsel vm8, $0x80000000, v6  }
0x12f: {  	(xrf0) =	vmax.scan.msk.u32 $0xffff, v6  }
0x130: {  	v6 =	vxor.u32 $0x80000000, v7  }
0x131: {  	v6 =	vnsel vm8, $0x80000000, v6  }
0x132: {  	(xrf0) =	vmax.scan.msk.u32 $0xffff, v6;
	_ =	sdelay $0x2  }
0x133: {  	v6, _, _ =	vpop (xrf0)  }
0x134: {  	(v2sf) =	vpush v6, $0xF;
	_ =	sdelay $0x1  }
0x135: {  	v6, _, _ =	vpop (xrf0)  }
0x136: {  	(v2sf) =	vpush v6, $0xF;
	_ =	sdelay $0xb  }
0x137: {  	s18 =	spop (v2sf)  }
0x138: {  	s26 =	sxor.u32 $0x80000000, s18  }
0x139: {  	s17 =	sshra.s32 s26, $0x7  }
0x13a: {  	s18 =	spop (v2sf);
	p0 =	slt.s32 s17, $0x1E83  }
0x13b: {  	s28 =	sxor.u32 $0x80000000, s18;
	s17 =	simm.s32 @!p0 $0x1E83  }
0x13c: {  	s18 =	sshra.s32 s28, $0x7;
	s17 =	sshll.u32 s17, $0x7  }
0x13d: {  	p0 =	slt.s32 s18, $0x1E83;
	s17 =	sand.u32 $0x1FFFFF80, s17  }
0x13e: {  	s18 =	simm.s32 @!p0 $0x1E83;
	s17 =	sadd.s32 s1, s17  }
0x13f: {  	[tilespmem:s19], [sflag:$0x2] =	stream.strided.gather [hbm4b:s17+s16], $0x1000, s15, s16, $0x38;
	[tilespmem:$0x18400] =	vst v63  }
0x140: {  	s19 =	sshll.u32 s18, $0x7  }
0x141: {  	s17 =	sand.u32 $0x1FFFFF80, s19  }
0x142: {  	s17 =	sadd.s32 s2, s17  }
0x143: {  	[tilespmem:s22], [sflag:$0xA] =	stream.strided.gather [hbm4b:s17+s16], $0x1000, s15, s16, $0x38;
	[tilespmem:$0x18400] =	vst v63  }
0x144: {  	s18 =	simm.s32 $0x3;
	s17 =	sadd.s32 $0xFFF0BE00, s29  }
0x145: {  	s22 =	sand.u32 $0x7F, s29;
	_ =	swait.ge [sflag:s18], $0x1000;
	p0 =	sgt.s32 s17, $0x0  }
0x146: {  	v6 =	vor.u32 s22, v1;
	[sflag:s18] =	ssyncset.done $0x0;
	s17 =	simm.s32 @!p0 $0x0  }
0x147: {  	v7 =	vor.u32 s22, v4;
	s22 =	simm.s32 $0xB;
	[sflag:s18] =	ssyncadd.s32 $0xFFFFF000;
	s17 =	sshll.u32 s17, $0x7  }
0x148: {  	s18 =	sadd.s32 $0xFFF0BE00, s30;
	_ =	swait.ge [sflag:s22], $0x1000;
	v45 =	vor.u32 s17, v0  }
0x149: {  	v46 =	vor.u32 s17, v5;
	s17 =	sand.u32 $0x7F, s30;
	p0 =	sgt.s32 s18, $0x0;
	[sflag:s22] =	ssyncset.done $0x0  }
0x14a: {  	v47 =	vor.u32 s17, v1;
	s18 =	simm.s32 @!p0 $0x0;
	[sflag:s22] =	ssyncadd.s32 $0xFFFFF000;
	s22 =	simm.s32 $0x2400  }
0x14b: {  	v48 =	vor.u32 s17, v4;
	s19 =	sshll.u32 s18, $0x7;
	v6 =	vld.idx.msk [tilespmem:v6+s22+$0x0], $0xffff  }
0x14c: {  	v7 =	vld.idx.msk [tilespmem:v7+s22+$0x0], $0xffff;
	v49 =	vor.u32 s19, v0  }
0x14d: {  	v50 =	vor.u32 s19, v5;
	v8 =	vld.idx.msk [tilespmem:v45+s12+$0x0], $0xffff  }
0x14e: {  	s19 =	simm.s32 $0xA400;
	v9 =	vld.idx.msk [tilespmem:v46+s12+$0x0], $0xffff  }
0x14f: {  	s18 =	sadd.s32 $0x2, s13;
	v10 =	vld.idx.msk [tilespmem:v47+s19+$0x0], $0xffff  }
0x150: {  	v51 =	vmov s18;
	v11 =	vld.idx.msk [tilespmem:v48+s19+$0x0], $0xffff  }
0x151: {  	v52 =	vshll.u32 v51, $0x3;
	v12 =	vld.idx.msk [tilespmem:v49+s14+$0x0], $0xffff  }
0x152: {  	v14 =	vand.u32 $0x7A, v51;
	v15 =	vand.u32 $0xC00, v52;
	v13 =	vld.idx.msk [tilespmem:v50+s14+$0x0], $0xffff  }
0x153: {  	v14 =	vor.u32 v14, v15  }
0x154: {  	v15 =	vor.u32 v2, v14  }
0x155: {  	p2 =	sgt.s32 s30, $0xF41FF;
	p1 =	sgt.s32 s29, $0xF41FF;
	v14 =	vor.u32 v3, v14  }
0x156: {  	v6 =	vpsel p1, v8, v6;
	v53 =	vpsel p2, v12, v10  }
0x157: {  	v7 =	vpsel p1, v9, v7;
	v54 =	vpsel p2, v13, v11;
	v6 =	vmul.f32 v53, v6  }
0x158: {  	s18 =	smin.u32 s13, $0x1F5;
	v7 =	vmul.f32 v54, v7  }
0x159: {  	s17 =	sadd.s32 $0xA, s18;
	[tilespmem:v15+s5+$0x0] =	vst.idx.msk $0xffff, v6  }
0x15a: {  	s18 =	sand.u32 $0x3F0, s17;
	[tilespmem:v14+s5+$0x0] =	vst.idx.msk $0xffff, v7  }
0x15b: {  	v6 =	vld [tilespmem:s18+$0x0];
	_ =	sdelay $0x2  }
0x15c: {  	s17 =	sand.u32 $0xF, s17;
	v7 =	vld [tilespmem:s18+$0x200]  }
0x15d: {  	v55 =	vmov s17  }
0x15e: {  	vm8 =	veq.s32 v55, v0;
	v6 =	vxor.u32 $0x80000000, v6  }
0x15f: {  	v6 =	vnsel vm8, $0x80000000, v6  }
0x160: {  	(xrf0) =	vmax.scan.msk.u32 $0xffff, v6  }
0x161: {  	v6 =	vxor.u32 $0x80000000, v7  }
0x162: {  	v6 =	vnsel vm8, $0x80000000, v6  }
0x163: {  	(xrf0) =	vmax.scan.msk.u32 $0xffff, v6;
	_ =	sdelay $0x2  }
0x164: {  	v6, _, _ =	vpop (xrf0)  }
0x165: {  	(v2sf) =	vpush v6, $0xF;
	_ =	sdelay $0x1  }
0x166: {  	v6, _, _ =	vpop (xrf0)  }
0x167: {  	(v2sf) =	vpush v6, $0xF;
	_ =	sdelay $0xb  }
0x168: {  	s18 =	spop (v2sf)  }
0x169: {  	s29 =	sxor.u32 $0x80000000, s18  }
0x16a: {  	s17 =	sshra.s32 s29, $0x7  }
0x16b: {  	s18 =	spop (v2sf);
	p0 =	slt.s32 s17, $0x1E83  }
0x16c: {  	s30 =	sxor.u32 $0x80000000, s18;
	s17 =	simm.s32 @!p0 $0x1E83  }
0x16d: {  	s18 =	sshra.s32 s30, $0x7;
	s17 =	sshll.u32 s17, $0x7  }
0x16e: {  	p0 =	slt.s32 s18, $0x1E83;
	s17 =	sand.u32 $0x1FFFFF80, s17  }
0x16f: {  	s18 =	simm.s32 @!p0 $0x1E83;
	s17 =	sadd.s32 s1, s17  }
0x170: {  	[tilespmem:s22], [sflag:$0x3] =	stream.strided.gather [hbm4b:s17+s16], $0x1000, s15, s16, $0x38;
	[tilespmem:$0x18400] =	vst v63  }
0x171: {  	s22 =	sshll.u32 s18, $0x7  }
0x172: {  	s17 =	sand.u32 $0x1FFFFF80, s22  }
0x173: {  	s18 =	simm.s32 $0x4;
	s17 =	sadd.s32 s2, s17  }
0x174: {  	[tilespmem:s19], [sflag:$0xB] =	stream.strided.gather [hbm4b:s17+s16], $0x1000, s15, s16, $0x38;
	[tilespmem:$0x18400] =	vst v63  }
0x175: {  	s22 =	sand.u32 $0x7F, s31;
	_ =	swait.ge [sflag:s18], $0x1000  }
0x176: {  	v6 =	vor.u32 s22, v1;
	v7 =	vor.u32 s22, v4;
	s22 =	sand.u32 $0x7F, s0;
	s17 =	sadd.s32 $0xFFF0BE00, s31;
	[sflag:s18] =	ssyncset.done $0x0  }
0x177: {  	s19 =	simm.s32 $0xC;
	p0 =	sgt.s32 s17, $0x0;
	[sflag:s18] =	ssyncadd.s32 $0xFFFFF000  }
0x178: {  	v58 =	vor.u32 s22, v1;
	s17 =	simm.s32 @!p0 $0x0;
	s18 =	sadd.s32 $0xFFF0BE00, s0;
	_ =	swait.ge [sflag:s19], $0x1000  }
0x179: {  	v59 =	vor.u32 s22, v4;
	s17 =	sshll.u32 s17, $0x7;
	p0 =	sgt.s32 s18, $0x0;
	[sflag:s19] =	ssyncset.done $0x0  }
0x17a: {  	v56 =	vor.u32 s17, v0;
	s18 =	simm.s32 @!p0 $0x0;
	[sflag:s19] =	ssyncadd.s32 $0xFFFFF000;
	s19 =	simm.s32 $0x3400  }
0x17b: {  	v57 =	vor.u32 s17, v5;
	s22 =	sshll.u32 s18, $0x7;
	v6 =	vld.idx.msk [tilespmem:v6+s19+$0x0], $0xffff  }
0x17c: {  	v7 =	vld.idx.msk [tilespmem:v7+s19+$0x0], $0xffff;
	v60 =	vor.u32 s22, v0;
	v61 =	vor.u32 s22, v5;
	s22 =	simm.s32 $0xB400  }
0x17d: {  	v10 =	vld.idx.msk [tilespmem:v58+s22+$0x0], $0xffff  }
0x17e: {  	v11 =	vld.idx.msk [tilespmem:v59+s22+$0x0], $0xffff  }
0x17f: {  	s18 =	sadd.s32 $0x3, s13;
	v8 =	vld.idx.msk [tilespmem:v56+s12+$0x0], $0xffff  }
0x180: {  	v62 =	vmov s18;
	v9 =	vld.idx.msk [tilespmem:v57+s12+$0x0], $0xffff  }
0x181: {  	v63 =	vshll.u32 v62, $0x3;
	v12 =	vld.idx.msk [tilespmem:v60+s14+$0x0], $0xffff  }
0x182: {  	v14 =	vand.u32 $0x7B, v62;
	v15 =	vand.u32 $0xC00, v63;
	v13 =	vld.idx.msk [tilespmem:v61+s14+$0x0], $0xffff  }
0x183: {  	v14 =	vor.u32 v14, v15  }
0x184: {  	v15 =	vor.u32 v2, v14  }
0x185: {  	p3 =	sgt.s32 s31, $0xF41FF;
	p4 =	sgt.s32 s0, $0xF41FF;
	v14 =	vor.u32 v3, v14  }
0x186: {  	v6 =	vpsel p3, v8, v6;
	v18 =	vpsel p4, v12, v10  }
0x187: {  	v7 =	vpsel p3, v9, v7;
	v19 =	vpsel p4, v13, v11;
	v6 =	vmul.f32 v18, v6  }
0x188: {  	s17 =	smin.u32 s13, $0x1F4;
	v7 =	vmul.f32 v19, v7  }
0x189: {  	s0 =	sadd.s32 $0xB, s17;
	[tilespmem:v15+s5+$0x0] =	vst.idx.msk $0xffff, v6  }
0x18a: {  	s18 =	sand.u32 $0x3F0, s0;
	[tilespmem:v14+s5+$0x0] =	vst.idx.msk $0xffff, v7  }
0x18b: {  	v6 =	vld [tilespmem:s18+$0x0];
	_ =	sdelay $0x2  }
0x18c: {  	s0 =	sand.u32 $0xF, s0;
	v7 =	vld [tilespmem:s18+$0x200]  }
0x18d: {  	v20 =	vmov s0  }
0x18e: {  	vm8 =	veq.s32 v20, v0;
	v6 =	vxor.u32 $0x80000000, v6  }
0x18f: {  	v6 =	vnsel vm8, $0x80000000, v6  }
0x190: {  	(xrf0) =	vmax.scan.msk.u32 $0xffff, v6  }
0x191: {  	v6 =	vxor.u32 $0x80000000, v7  }
0x192: {  	v6 =	vnsel vm8, $0x80000000, v6  }
0x193: {  	(xrf0) =	vmax.scan.msk.u32 $0xffff, v6;
	_ =	sdelay $0x2  }
0x194: {  	v6, _, _ =	vpop (xrf0)  }
0x195: {  	(v2sf) =	vpush v6, $0xF;
	_ =	sdelay $0x1  }
0x196: {  	v6, _, _ =	vpop (xrf0)  }
0x197: {  	(v2sf) =	vpush v6, $0xF;
	_ =	sdelay $0xb  }
0x198: {  	s17 =	spop (v2sf)  }
0x199: {  	s31 =	sxor.u32 $0x80000000, s17  }
0x19a: {  	s17 =	sshra.s32 s31, $0x7  }
0x19b: {  	s18 =	spop (v2sf);
	p0 =	slt.s32 s17, $0x1E83  }
0x19c: {  	s0 =	sxor.u32 $0x80000000, s18;
	s17 =	simm.s32 @!p0 $0x1E83  }
0x19d: {  	s18 =	sshra.s32 s0, $0x7;
	s17 =	sshll.u32 s17, $0x7  }
0x19e: {  	p0 =	slt.s32 s18, $0x1E83;
	s17 =	sand.u32 $0x1FFFFF80, s17  }
0x19f: {  	s18 =	simm.s32 @!p0 $0x1E83;
	s17 =	sadd.s32 s1, s17  }
0x1a0: {  	[tilespmem:s19], [sflag:$0x4] =	stream.strided.gather [hbm4b:s17+s16], $0x1000, s15, s16, $0x38;
	[tilespmem:$0x18400] =	vst v63  }
0x1a1: {  	s19 =	sshll.u32 s18, $0x7  }
0x1a2: {  	s17 =	sand.u32 $0x1FFFFF80, s19  }
0x1a3: {  	s18 =	simm.s32 $0x5;
	s17 =	sadd.s32 s2, s17  }
0x1a4: {  	[tilespmem:s22], [sflag:$0xC] =	stream.strided.gather [hbm4b:s17+s16], $0x1000, s15, s16, $0x38;
	[tilespmem:$0x18400] =	vst v63  }
0x1a5: {  	s22 =	sand.u32 $0x7F, s4;
	_ =	swait.ge [sflag:s18], $0x1000  }
0x1a6: {  	s19 =	simm.s32 $0xD;
	s17 =	sadd.s32 $0xFFF0BE00, s4;
	v6 =	vor.u32 s22, v1;
	[sflag:s18] =	ssyncset.done $0x0  }
0x1a7: {  	p0 =	sgt.s32 s17, $0x0;
	v7 =	vor.u32 s22, v4;
	s22 =	sand.u32 $0x7F, s11;
	[sflag:s18] =	ssyncadd.s32 $0xFFFFF000  }
0x1a8: {  	s17 =	simm.s32 @!p0 $0x0;
	v23 =	vor.u32 s22, v1;
	s18 =	sadd.s32 $0xFFF0BE00, s11;
	_ =	swait.ge [sflag:s19], $0x1000  }
0x1a9: {  	v24 =	vor.u32 s22, v4;
	s17 =	sshll.u32 s17, $0x7;
	p0 =	sgt.s32 s18, $0x0;
	[sflag:s19] =	ssyncset.done $0x0  }
0x1aa: {  	v21 =	vor.u32 s17, v0;
	s18 =	simm.s32 @!p0 $0x0;
	[sflag:s19] =	ssyncadd.s32 $0xFFFFF000  }
0x1ab: {  	v22 =	vor.u32 s17, v5;
	s19 =	sshll.u32 s18, $0x7;
	v6 =	vld.idx.msk [tilespmem:v6+s20+$0x0], $0xffff  }
0x1ac: {  	v7 =	vld.idx.msk [tilespmem:v7+s20+$0x0], $0xffff;
	v25 =	vor.u32 s19, v0;
	v26 =	vor.u32 s19, v5;
	s19 =	simm.s32 $0xC400  }
0x1ad: {  	v10 =	vld.idx.msk [tilespmem:v23+s19+$0x0], $0xffff  }
0x1ae: {  	v11 =	vld.idx.msk [tilespmem:v24+s19+$0x0], $0xffff  }
0x1af: {  	s22 =	sadd.s32 $0x4, s13;
	v8 =	vld.idx.msk [tilespmem:v21+s12+$0x0], $0xffff  }
0x1b0: {  	v27 =	vmov s22;
	v9 =	vld.idx.msk [tilespmem:v22+s12+$0x0], $0xffff  }
0x1b1: {  	v28 =	vshll.u32 v27, $0x3;
	v12 =	vld.idx.msk [tilespmem:v25+s14+$0x0], $0xffff  }
0x1b2: {  	v14 =	vand.u32 $0x7C, v27;
	v15 =	vand.u32 $0xC00, v28;
	v13 =	vld.idx.msk [tilespmem:v26+s14+$0x0], $0xffff  }
0x1b3: {  	v14 =	vor.u32 v14, v15  }
0x1b4: {  	v15 =	vor.u32 v2, v14  }
0x1b5: {  	p5 =	sgt.s32 s4, $0xF41FF;
	p6 =	sgt.s32 s11, $0xF41FF;
	v14 =	vor.u32 v3, v14  }
0x1b6: {  	v6 =	vpsel p5, v8, v6;
	v29 =	vpsel p6, v12, v10  }
0x1b7: {  	v7 =	vpsel p5, v9, v7;
	v30 =	vpsel p6, v13, v11;
	v6 =	vmul.f32 v29, v6  }
0x1b8: {  	s18 =	smin.u32 s13, $0x1F3;
	v7 =	vmul.f32 v30, v7  }
0x1b9: {  	s4 =	sadd.s32 $0xC, s18;
	[tilespmem:v15+s5+$0x0] =	vst.idx.msk $0xffff, v6  }
0x1ba: {  	s22 =	sand.u32 $0x3F0, s4;
	[tilespmem:v14+s5+$0x0] =	vst.idx.msk $0xffff, v7  }
0x1bb: {  	v6 =	vld [tilespmem:s22+$0x0];
	_ =	sdelay $0x1  }
0x1bc: {  	v7 =	vld [tilespmem:s22+$0x200]  }
0x1bd: {  	s4 =	sand.u32 $0xF, s4  }
0x1be: {  	v31 =	vmov s4  }
0x1bf: {  	vm8 =	veq.s32 v31, v0;
	v6 =	vxor.u32 $0x80000000, v6  }
0x1c0: {  	v6 =	vnsel vm8, $0x80000000, v6  }
0x1c1: {  	(xrf0) =	vmax.scan.msk.u32 $0xffff, v6;
	v6 =	vxor.u32 $0x80000000, v7  }
0x1c2: {  	v6 =	vnsel vm8, $0x80000000, v6  }
0x1c3: {  	(xrf0) =	vmax.scan.msk.u32 $0xffff, v6;
	_ =	sdelay $0x3  }
0x1c4: {  	v6, _, _ =	vpop (xrf0)  }
0x1c5: {  	(v2sf) =	vpush v6, $0xF  }
0x1c6: {  	v6, _, _ =	vpop (xrf0)  }
0x1c7: {  	(v2sf) =	vpush v6, $0xF;
	_ =	sdelay $0xc  }
0x1c8: {  	s17 =	spop (v2sf)  }
0x1c9: {  	s4 =	sxor.u32 $0x80000000, s17  }
0x1ca: {  	s17 =	sshra.s32 s4, $0x7;
	s18 =	spop (v2sf)  }
0x1cb: {  	p0 =	slt.s32 s17, $0x1E83;
	s11 =	sxor.u32 $0x80000000, s18  }
0x1cc: {  	s17 =	simm.s32 @!p0 $0x1E83;
	s18 =	sshra.s32 s11, $0x7  }
0x1cd: {  	s17 =	sshll.u32 s17, $0x7;
	p0 =	slt.s32 s18, $0x1E83  }
0x1ce: {  	s17 =	sand.u32 $0x1FFFFF80, s17;
	s18 =	simm.s32 @!p0 $0x1E83  }
0x1cf: {  	s17 =	sadd.s32 s1, s17;
	s22 =	sshll.u32 s18, $0x7  }
0x1d0: {  	[tilespmem:s20], [sflag:$0x5] =	stream.strided.gather [hbm4b:s17+s16], $0x1000, s15, s16, $0x38;
	[tilespmem:$0x18400] =	vst v63  }
0x1d1: {  	s17 =	sand.u32 $0x1FFFFF80, s22  }
0x1d2: {  	s17 =	sadd.s32 s2, s17  }
0x1d3: {  	[tilespmem:s19], [sflag:$0xD] =	stream.strided.gather [hbm4b:s17+s16], $0x1000, s15, s16, $0x38;
	[tilespmem:$0x18400] =	vst v63  }
0x1d4: {  	s18 =	simm.s32 $0x6;
	s17 =	sadd.s32 $0xFFF0BE00, s6  }
0x1d5: {  	s22 =	sand.u32 $0x7F, s6;
	_ =	swait.ge [sflag:s18], $0x1000;
	p0 =	sgt.s32 s17, $0x0  }
0x1d6: {  	v6 =	vor.u32 s22, v1;
	[sflag:s18] =	ssyncset.done $0x0;
	s17 =	simm.s32 @!p0 $0x0  }
0x1d7: {  	v7 =	vor.u32 s22, v4;
	s22 =	simm.s32 $0xE;
	[sflag:s18] =	ssyncadd.s32 $0xFFFFF000;
	s17 =	sshll.u32 s17, $0x7  }
0x1d8: {  	s18 =	sadd.s32 $0xFFF0BE00, s7;
	_ =	swait.ge [sflag:s22], $0x1000;
	v32 =	vor.u32 s17, v0  }
0x1d9: {  	v33 =	vor.u32 s17, v5;
	s17 =	sand.u32 $0x7F, s7;
	p0 =	sgt.s32 s18, $0x0;
	[sflag:s22] =	ssyncset.done $0x0  }
0x1da: {  	v34 =	vor.u32 s17, v1;
	s18 =	simm.s32 @!p0 $0x0;
	[sflag:s22] =	ssyncadd.s32 $0xFFFFF000;
	s22 =	simm.s32 $0x5400  }
0x1db: {  	v35 =	vor.u32 s17, v4;
	s19 =	sshll.u32 s18, $0x7;
	v6 =	vld.idx.msk [tilespmem:v6+s22+$0x0], $0xffff  }
0x1dc: {  	v7 =	vld.idx.msk [tilespmem:v7+s22+$0x0], $0xffff;
	v36 =	vor.u32 s19, v0  }
0x1dd: {  	v37 =	vor.u32 s19, v5;
	v8 =	vld.idx.msk [tilespmem:v32+s12+$0x0], $0xffff  }
0x1de: {  	s19 =	simm.s32 $0xD400;
	v9 =	vld.idx.msk [tilespmem:v33+s12+$0x0], $0xffff  }
0x1df: {  	s18 =	sadd.s32 $0x5, s13;
	v10 =	vld.idx.msk [tilespmem:v34+s19+$0x0], $0xffff  }
0x1e0: {  	v38 =	vmov s18;
	v11 =	vld.idx.msk [tilespmem:v35+s19+$0x0], $0xffff  }
0x1e1: {  	v39 =	vshll.u32 v38, $0x3;
	v12 =	vld.idx.msk [tilespmem:v36+s14+$0x0], $0xffff  }
0x1e2: {  	v14 =	vand.u32 $0x7D, v38;
	v15 =	vand.u32 $0xC00, v39;
	v13 =	vld.idx.msk [tilespmem:v37+s14+$0x0], $0xffff  }
0x1e3: {  	v14 =	vor.u32 v14, v15  }
0x1e4: {  	v15 =	vor.u32 v2, v14  }
0x1e5: {  	p1 =	sgt.s32 s6, $0xF41FF;
	p2 =	sgt.s32 s7, $0xF41FF;
	v14 =	vor.u32 v3, v14  }
0x1e6: {  	v6 =	vpsel p1, v8, v6;
	v40 =	vpsel p2, v12, v10  }
0x1e7: {  	v7 =	vpsel p1, v9, v7;
	v41 =	vpsel p2, v13, v11;
	v6 =	vmul.f32 v40, v6  }
0x1e8: {  	s17 =	smin.u32 s13, $0x1F2;
	v7 =	vmul.f32 v41, v7  }
0x1e9: {  	s6 =	sadd.s32 $0xD, s17;
	[tilespmem:v15+s5+$0x0] =	vst.idx.msk $0xffff, v6  }
0x1ea: {  	s18 =	sand.u32 $0x3F0, s6;
	[tilespmem:v14+s5+$0x0] =	vst.idx.msk $0xffff, v7  }
0x1eb: {  	v6 =	vld [tilespmem:s18+$0x0];
	_ =	sdelay $0x2  }
0x1ec: {  	s6 =	sand.u32 $0xF, s6;
	v7 =	vld [tilespmem:s18+$0x200]  }
0x1ed: {  	v42 =	vmov s6  }
0x1ee: {  	vm8 =	veq.s32 v42, v0;
	v6 =	vxor.u32 $0x80000000, v6  }
0x1ef: {  	v6 =	vnsel vm8, $0x80000000, v6  }
0x1f0: {  	(xrf0) =	vmax.scan.msk.u32 $0xffff, v6  }
0x1f1: {  	v6 =	vxor.u32 $0x80000000, v7  }
0x1f2: {  	v6 =	vnsel vm8, $0x80000000, v6  }
0x1f3: {  	(xrf0) =	vmax.scan.msk.u32 $0xffff, v6;
	_ =	sdelay $0x2  }
0x1f4: {  	v6, _, _ =	vpop (xrf0)  }
0x1f5: {  	(v2sf) =	vpush v6, $0xF;
	_ =	sdelay $0x1  }
0x1f6: {  	v6, _, _ =	vpop (xrf0)  }
0x1f7: {  	(v2sf) =	vpush v6, $0xF;
	_ =	sdelay $0xb  }
0x1f8: {  	s17 =	spop (v2sf)  }
0x1f9: {  	s6 =	sxor.u32 $0x80000000, s17  }
0x1fa: {  	s17 =	sshra.s32 s6, $0x7  }
0x1fb: {  	s18 =	spop (v2sf);
	p0 =	slt.s32 s17, $0x1E83  }
0x1fc: {  	s7 =	sxor.u32 $0x80000000, s18;
	s17 =	simm.s32 @!p0 $0x1E83  }
0x1fd: {  	s18 =	sshra.s32 s7, $0x7;
	s17 =	sshll.u32 s17, $0x7  }
0x1fe: {  	p0 =	slt.s32 s18, $0x1E83;
	s17 =	sand.u32 $0x1FFFFF80, s17  }
0x1ff: {  	s18 =	simm.s32 @!p0 $0x1E83;
	s17 =	sadd.s32 s1, s17  }
0x200: {  	[tilespmem:s22], [sflag:$0x6] =	stream.strided.gather [hbm4b:s17+s16], $0x1000, s15, s16, $0x38;
	[tilespmem:$0x18400] =	vst v63  }
0x201: {  	s22 =	sshll.u32 s18, $0x7  }
0x202: {  	s17 =	sand.u32 $0x1FFFFF80, s22  }
0x203: {  	s18 =	simm.s32 $0x7;
	s17 =	sadd.s32 s2, s17  }
0x204: {  	[tilespmem:s19], [sflag:$0xE] =	stream.strided.gather [hbm4b:s17+s16], $0x1000, s15, s16, $0x38;
	[tilespmem:$0x18400] =	vst v63  }
0x205: {  	s22 =	sand.u32 $0x7F, s8;
	_ =	swait.ge [sflag:s18], $0x1000  }
0x206: {  	v6 =	vor.u32 s22, v1;
	v7 =	vor.u32 s22, v4;
	s22 =	sand.u32 $0x7F, s9;
	s17 =	sadd.s32 $0xFFF0BE00, s8;
	[sflag:s18] =	ssyncset.done $0x0  }
0x207: {  	s19 =	simm.s32 $0xF;
	p0 =	sgt.s32 s17, $0x0;
	[sflag:s18] =	ssyncadd.s32 $0xFFFFF000  }
0x208: {  	v45 =	vor.u32 s22, v1;
	s17 =	simm.s32 @!p0 $0x0;
	s18 =	sadd.s32 $0xFFF0BE00, s9;
	_ =	swait.ge [sflag:s19], $0x1000  }
0x209: {  	v46 =	vor.u32 s22, v4;
	s17 =	sshll.u32 s17, $0x7;
	p0 =	sgt.s32 s18, $0x0;
	[sflag:s19] =	ssyncset.done $0x0  }
0x20a: {  	v43 =	vor.u32 s17, v0;
	s18 =	simm.s32 @!p0 $0x0;
	[sflag:s19] =	ssyncadd.s32 $0xFFFFF000  }
0x20b: {  	v44 =	vor.u32 s17, v5;
	s19 =	sshll.u32 s18, $0x7;
	v6 =	vld.idx.msk [tilespmem:v6+s21+$0x0], $0xffff  }
0x20c: {  	v7 =	vld.idx.msk [tilespmem:v7+s21+$0x0], $0xffff;
	v47 =	vor.u32 s19, v0;
	v48 =	vor.u32 s19, v5;
	s19 =	simm.s32 $0xE400  }
0x20d: {  	v10 =	vld.idx.msk [tilespmem:v45+s19+$0x0], $0xffff  }
0x20e: {  	v11 =	vld.idx.msk [tilespmem:v46+s19+$0x0], $0xffff  }
0x20f: {  	s22 =	sadd.s32 $0x6, s13;
	v8 =	vld.idx.msk [tilespmem:v43+s12+$0x0], $0xffff  }
0x210: {  	v49 =	vmov s22;
	v9 =	vld.idx.msk [tilespmem:v44+s12+$0x0], $0xffff  }
0x211: {  	v50 =	vshll.u32 v49, $0x3;
	v12 =	vld.idx.msk [tilespmem:v47+s14+$0x0], $0xffff  }
0x212: {  	v14 =	vand.u32 $0x7E, v49;
	v15 =	vand.u32 $0xC00, v50;
	v13 =	vld.idx.msk [tilespmem:v48+s14+$0x0], $0xffff  }
0x213: {  	v14 =	vor.u32 v14, v15  }
0x214: {  	v15 =	vor.u32 v2, v14  }
0x215: {  	p3 =	sgt.s32 s8, $0xF41FF;
	p4 =	sgt.s32 s9, $0xF41FF;
	v14 =	vor.u32 v3, v14  }
0x216: {  	v6 =	vpsel p3, v8, v6;
	v51 =	vpsel p4, v12, v10  }
0x217: {  	v7 =	vpsel p3, v9, v7;
	v52 =	vpsel p4, v13, v11;
	v6 =	vmul.f32 v51, v6  }
0x218: {  	s18 =	smin.u32 s13, $0x1F1;
	v7 =	vmul.f32 v52, v7  }
0x219: {  	s8 =	sadd.s32 $0xE, s18;
	[tilespmem:v15+s5+$0x0] =	vst.idx.msk $0xffff, v6  }
0x21a: {  	s22 =	sand.u32 $0x3F0, s8;
	[tilespmem:v14+s5+$0x0] =	vst.idx.msk $0xffff, v7  }
0x21b: {  	v6 =	vld [tilespmem:s22+$0x0];
	_ =	sdelay $0x1  }
0x21c: {  	v7 =	vld [tilespmem:s22+$0x200]  }
0x21d: {  	s8 =	sand.u32 $0xF, s8  }
0x21e: {  	v53 =	vmov s8  }
0x21f: {  	vm8 =	veq.s32 v53, v0;
	v6 =	vxor.u32 $0x80000000, v6  }
0x220: {  	v6 =	vnsel vm8, $0x80000000, v6  }
0x221: {  	(xrf0) =	vmax.scan.msk.u32 $0xffff, v6;
	v6 =	vxor.u32 $0x80000000, v7  }
0x222: {  	v6 =	vnsel vm8, $0x80000000, v6  }
0x223: {  	(xrf0) =	vmax.scan.msk.u32 $0xffff, v6;
	_ =	sdelay $0x3  }
0x224: {  	v6, _, _ =	vpop (xrf0)  }
0x225: {  	(v2sf) =	vpush v6, $0xF  }
0x226: {  	v6, _, _ =	vpop (xrf0)  }
0x227: {  	(v2sf) =	vpush v6, $0xF;
	_ =	sdelay $0xc  }
0x228: {  	s17 =	spop (v2sf)  }
0x229: {  	s8 =	sxor.u32 $0x80000000, s17  }
0x22a: {  	s17 =	sshra.s32 s8, $0x7;
	s18 =	spop (v2sf)  }
0x22b: {  	p0 =	slt.s32 s17, $0x1E83;
	s9 =	sxor.u32 $0x80000000, s18  }
0x22c: {  	s17 =	simm.s32 @!p0 $0x1E83;
	s18 =	sshra.s32 s9, $0x7  }
0x22d: {  	s17 =	sshll.u32 s17, $0x7;
	p0 =	slt.s32 s18, $0x1E83  }
0x22e: {  	s17 =	sand.u32 $0x1FFFFF80, s17;
	s18 =	simm.s32 @!p0 $0x1E83  }
0x22f: {  	s17 =	sadd.s32 s1, s17;
	s22 =	sshll.u32 s18, $0x7  }
0x230: {  	[tilespmem:s21], [sflag:$0x7] =	stream.strided.gather [hbm4b:s17+s16], $0x1000, s15, s16, $0x38;
	[tilespmem:$0x18400] =	vst v63  }
0x231: {  	s17 =	sand.u32 $0x1FFFFF80, s22  }
0x232: {  	s18 =	simm.s32 $0x8;
	s17 =	sadd.s32 s2, s17  }
0x233: {  	[tilespmem:s19], [sflag:$0xF] =	stream.strided.gather [hbm4b:s17+s16], $0x1000, s15, s16, $0x38;
	[tilespmem:$0x18400] =	vst v63  }
0x234: {  	s22 =	sand.u32 $0x7F, s3;
	_ =	swait.ge [sflag:s18], $0x1000  }
0x235: {  	v6 =	vor.u32 s22, v1;
	v7 =	vor.u32 s22, v4;
	s22 =	sand.u32 $0x7F, s10;
	s17 =	sadd.s32 $0xFFF0BE00, s3;
	[sflag:s18] =	ssyncset.done $0x0  }
0x236: {  	s19 =	simm.s32 $0x10;
	p0 =	sgt.s32 s17, $0x0;
	[sflag:s18] =	ssyncadd.s32 $0xFFFFF000  }
0x237: {  	v56 =	vor.u32 s22, v1;
	s17 =	simm.s32 @!p0 $0x0;
	s18 =	sadd.s32 $0xFFF0BE00, s10;
	_ =	swait.ge [sflag:s19], $0x1000  }
0x238: {  	v57 =	vor.u32 s22, v4;
	s17 =	sshll.u32 s17, $0x7;
	p0 =	sgt.s32 s18, $0x0;
	[sflag:s19] =	ssyncset.done $0x0  }
0x239: {  	v54 =	vor.u32 s17, v0;
	s18 =	simm.s32 @!p0 $0x0;
	[sflag:s19] =	ssyncadd.s32 $0xFFFFF000;
	s19 =	simm.s32 $0x7400  }
0x23a: {  	v55 =	vor.u32 s17, v5;
	s18 =	sshll.u32 s18, $0x7;
	v6 =	vld.idx.msk [tilespmem:v6+s19+$0x0], $0xffff  }
0x23b: {  	v7 =	vld.idx.msk [tilespmem:v7+s19+$0x0], $0xffff;
	v58 =	vor.u32 s18, v0  }
0x23c: {  	v59 =	vor.u32 s18, v5;
	v10 =	vld.idx.msk [tilespmem:v56+s23+$0x0], $0xffff  }
0x23d: {  	v11 =	vld.idx.msk [tilespmem:v57+s23+$0x0], $0xffff  }
0x23e: {  	s22 =	sadd.s32 $0x7, s13;
	v8 =	vld.idx.msk [tilespmem:v54+s12+$0x0], $0xffff  }
0x23f: {  	v60 =	vmov s22;
	v9 =	vld.idx.msk [tilespmem:v55+s12+$0x0], $0xffff  }
0x240: {  	v61 =	vshll.u32 v60, $0x3;
	v12 =	vld.idx.msk [tilespmem:v58+s14+$0x0], $0xffff  }
0x241: {  	v14 =	vand.u32 $0x7F, v60;
	v15 =	vand.u32 $0xC00, v61;
	v13 =	vld.idx.msk [tilespmem:v59+s14+$0x0], $0xffff  }
0x242: {  	v14 =	vor.u32 v14, v15  }
0x243: {  	v15 =	vor.u32 v2, v14  }
0x244: {  	p5 =	sgt.s32 s3, $0xF41FF;
	p6 =	sgt.s32 s10, $0xF41FF;
	v14 =	vor.u32 v3, v14  }
0x245: {  	v6 =	vpsel p5, v8, v6;
	v62 =	vpsel p6, v12, v10  }
0x246: {  	v7 =	vpsel p5, v9, v7;
	v63 =	vpsel p6, v13, v11;
	v6 =	vmul.f32 v62, v6  }
0x247: {  	s18 =	smin.u32 s13, $0x1F0;
	v7 =	vmul.f32 v63, v7  }
0x248: {  	s3 =	sadd.s32 $0xF, s18;
	[tilespmem:v15+s5+$0x0] =	vst.idx.msk $0xffff, v6  }
0x249: {  	s22 =	sand.u32 $0x3F0, s3;
	[tilespmem:v14+s5+$0x0] =	vst.idx.msk $0xffff, v7  }
0x24a: {  	v6 =	vld [tilespmem:s22+$0x0];
	_ =	sdelay $0x2  }
0x24b: {  	s3 =	sand.u32 $0xF, s3  }
0x24c: {  	v7 =	vmov s3  }
0x24d: {  	vm8 =	veq.s32 v7, v0;
	v6 =	vxor.u32 $0x80000000, v6  }
0x24e: {  	v7 =	vld [tilespmem:s22+$0x200];
	v6 =	vnsel vm8, $0x80000000, v6  }
0x24f: {  	(xrf0) =	vmax.scan.msk.u32 $0xffff, v6;
	_ =	sdelay $0x3  }
0x250: {  	v6 =	vxor.u32 $0x80000000, v7  }
0x251: {  	v6 =	vnsel vm8, $0x80000000, v6  }
0x252: {  	v7, _, _ =	vpop (xrf0);
	(xrf0) =	vmax.scan.msk.u32 $0xffff, v6  }
0x253: {  	(v2sf) =	vpush v7, $0xF;
	_ =	sdelay $0x4  }
0x254: {  	v6, _, _ =	vpop (xrf0)  }
0x255: {  	(v2sf) =	vpush v6, $0xF;
	_ =	sdelay $0x8  }
0x256: {  	s17 =	spop (v2sf)  }
0x257: {  	s3 =	sxor.u32 $0x80000000, s17  }
0x258: {  	s10 =	sshra.s32 s3, $0x7  }
0x259: {  	p0 =	slt.s32 s10, $0x1E83  }
0x25a: {  	s10 =	simm.s32 @!p0 $0x1E83  }
0x25b: {  	s10 =	sshll.u32 s10, $0x7  }
0x25c: {  	s18 =	spop (v2sf);
	s22 =	sand.u32 $0x1FFFFF80, s10  }
0x25d: {  	s10 =	sxor.u32 $0x80000000, s18;
	s22 =	sadd.s32 s1, s22  }
0x25e: {  	[tilespmem:s19], [sflag:$0x8] =	stream.strided.gather [hbm4b:s22+s16], $0x1000, s15, s16, $0x38;
	[tilespmem:$0x18400] =	vst v63  }
0x25f: {  	s17 =	sshra.s32 s10, $0x7  }
0x260: {  	p0 =	slt.s32 s17, $0x1E83  }
0x261: {  	s17 =	simm.s32 @!p0 $0x1E83;
	p0 =	sne.s32 s13, $0x1F8  }
.Ltmp0:
0x262: {  	_ = 	snop;
	(pc) =	sbr.rel @p0 .LBB2_2-.Ltmp0, $4  }
0x263: {  	s17 =	sshll.u32 s17, $0x7  }
0x264: {  	s17 =	sand.u32 $0x1FFFFF80, s17  }
0x265: {  	s13 =	sadd.s32 $0x8, s13;
	s17 =	sadd.s32 s2, s17  }
0x266: {  	[tilespmem:s23], [sflag:$0x10] =	stream.strided.gather [hbm4b:s17+s16], $0x1000, s15, s16, $0x38;
	[tilespmem:$0x18400] =	vst v63  }
0x267: {  	s0 =	simm.s32 $0x1  }
0x268: {  	_ =	swait.ge [sflag:s0], $0x1000  }
0x269: {  	[sflag:s0] =	ssyncset.done $0x0  }
0x26a: {  	s9 =	simm.s32 $0x9;
	[sflag:s0] =	ssyncadd.s32 $0xFFFFF000  }
0x26b: {  	_ =	swait.ge [sflag:s9], $0x1000  }
0x26c: {  	[sflag:s9] =	ssyncset.done $0x0  }
0x26d: {  	s10 =	simm.s32 $0x2;
	[sflag:s9] =	ssyncadd.s32 $0xFFFFF000  }
0x26e: {  	_ =	swait.ge [sflag:s10], $0x1000  }
0x26f: {  	[sflag:s10] =	ssyncset.done $0x0  }
0x270: {  	s11 =	simm.s32 $0xA;
	[sflag:s10] =	ssyncadd.s32 $0xFFFFF000  }
0x271: {  	_ =	swait.ge [sflag:s11], $0x1000  }
0x272: {  	[sflag:s11] =	ssyncset.done $0x0  }
0x273: {  	s13 =	simm.s32 $0x3;
	[sflag:s11] =	ssyncadd.s32 $0xFFFFF000  }
0x274: {  	_ =	swait.ge [sflag:s13], $0x1000  }
0x275: {  	[sflag:s13] =	ssyncset.done $0x0  }
0x276: {  	s17 =	simm.s32 $0xB;
	[sflag:s13] =	ssyncadd.s32 $0xFFFFF000  }
0x277: {  	_ =	swait.ge [sflag:s17], $0x1000  }
0x278: {  	[sflag:s17] =	ssyncset.done $0x0  }
0x279: {  	s18 =	simm.s32 $0x4;
	[sflag:s17] =	ssyncadd.s32 $0xFFFFF000  }
0x27a: {  	_ =	swait.ge [sflag:s18], $0x1000  }
0x27b: {  	[sflag:s18] =	ssyncset.done $0x0  }
0x27c: {  	s19 =	simm.s32 $0xC;
	[sflag:s18] =	ssyncadd.s32 $0xFFFFF000  }
0x27d: {  	_ =	swait.ge [sflag:s19], $0x1000  }
0x27e: {  	[sflag:s19] =	ssyncset.done $0x0  }
0x27f: {  	s20 =	simm.s32 $0x5;
	[sflag:s19] =	ssyncadd.s32 $0xFFFFF000  }
0x280: {  	_ =	swait.ge [sflag:s20], $0x1000  }
0x281: {  	[sflag:s20] =	ssyncset.done $0x0  }
0x282: {  	s21 =	simm.s32 $0xD;
	[sflag:s20] =	ssyncadd.s32 $0xFFFFF000  }
0x283: {  	_ =	swait.ge [sflag:s21], $0x1000  }
0x284: {  	[sflag:s21] =	ssyncset.done $0x0  }
0x285: {  	s22 =	simm.s32 $0x6;
	[sflag:s21] =	ssyncadd.s32 $0xFFFFF000  }
0x286: {  	_ =	swait.ge [sflag:s22], $0x1000  }
0x287: {  	[sflag:s22] =	ssyncset.done $0x0  }
0x288: {  	s23 =	simm.s32 $0xE;
	[sflag:s22] =	ssyncadd.s32 $0xFFFFF000  }
0x289: {  	_ =	swait.ge [sflag:s23], $0x1000  }
0x28a: {  	[sflag:s23] =	ssyncset.done $0x0  }
0x28b: {  	s24 =	simm.s32 $0x7;
	[sflag:s23] =	ssyncadd.s32 $0xFFFFF000  }
0x28c: {  	_ =	swait.ge [sflag:s24], $0x1000  }
0x28d: {  	[sflag:s24] =	ssyncset.done $0x0  }
0x28e: {  	s25 =	simm.s32 $0xF;
	[sflag:s24] =	ssyncadd.s32 $0xFFFFF000  }
0x28f: {  	_ =	swait.ge [sflag:s25], $0x1000  }
0x290: {  	[sflag:s25] =	ssyncset.done $0x0  }
0x291: {  	s26 =	simm.s32 $0x8;
	[sflag:s25] =	ssyncadd.s32 $0xFFFFF000  }
0x292: {  	_ =	swait.ge [sflag:s26], $0x1000  }
0x293: {  	[sflag:s26] =	ssyncset.done $0x0  }
0x294: {  	s28 =	simm.s32 $0x10;
	[sflag:s26] =	ssyncadd.s32 $0xFFFFF000  }
0x295: {  	_ =	swait.ge [sflag:s28], $0x1000  }
0x296: {  	s3 =	simm.s32 $0x1000;
	s4 =	simm.s32 $0x20000;
	[sflag:s28] =	ssyncset.done $0x0  }
0x297: {  	s6 =	simm.s32 $0x11;
	s29 =	rddreg [dreg:$0xb];
	[sflag:s28] =	ssyncadd.s32 $0xFFFFF000  }
0x298: {  	[hbm4b:s29+s3] =	stream.strided.scatter [tilespmem:s5], [sflag:$0x11], $0x4000, s4, s3, $0x38;
	[tilespmem:$0x18400] =	vst v63  }
0x299: {  	_ =	swait.ge [sflag:s6], $0x4000  }
0x29a: {  	s30 =	rddreg [dreg:$0xd]  }
0x29b: {  	s31 =	rddreg [dreg:$0xc];
	s3 =	sadd.s32 $0x1, s30  }
0x29c: {  	s7 =	simm.s32 $0x8400;
	p0 =	sne.s32 s3, s31  }
.Ltmp1:
0x29d: {  	s8 =	simm.s32 $0x1400;
	s9 =	simm.s32 $0x9400;
	(pc) =	sbr.rel @p0 .LBB2_1-.Ltmp1, $4  }
0x29e: {  	s10 =	simm.s32 $0x2400;
	s11 =	simm.s32 $0xA400;
	s13 =	simm.s32 $0x3400  }
0x29f: {  	s17 =	simm.s32 $0xB400;
	s18 =	simm.s32 $0x4400;
	s19 =	simm.s32 $0xC400  }
0x2a0: {  	s20 =	simm.s32 $0x5400;
	s21 =	simm.s32 $0xD400;
	[sflag:s6] =	ssyncset.done $0x0  }
0x2a1: {  	s22 =	simm.s32 $0x6400;
	s23 =	simm.s32 $0xE400;
	[sflag:s6] =	ssyncadd.s32 $0xFFFFC000  }
0x2a2: {  	_ =	sfence.sel $0x180000  }
0x2a3: {  	[bflag:$0x0] =	sbarrier.arrive $0xFFFF  }
0x2a4: {  	_ =	strace $0x90000047  }
0x2a5: {  	s0 =	stileid.u32;
	[bflag:$0x2] =	sbarrier.arrive $0xFFFF  }
0x2a6: {  	p0 =	sne.s32 s0, $0x0;
	s0 =	rddreg [dreg:$0x6]  }
0x2a7: {  	s0 =	sadd.s32 @!p0 $0x100000, s0  }
0x2a8: {  	[sflag:s0] =	ssyncadd.tile.s32 @!p0 $0x1;
	_ =	shalt  }
.Lfunc_end2:
_tile_overlayer_lowered:
.L_overlay_start_2:
0x2a9: {  	(tag) =	ssettag $0x2  }
0x2aa: {  	s0 =	rddreg [dreg:$0x0];
	s2 =	stileid.u32  }
0x2ab: {  	s1 =	rddreg [dreg:$0x1];
	p0 =	sne.s32 s2, $0x0  }
0x2ac: {  	s3 =	rddreg [dreg:$0x2];
	[bflag:$0x3] =	sbarrier.arrive $0xFFFF;
	s2 =	simm.s32 @!p0 $0x1C11  }
0x2ad: {  	[timem:s3], [sflag:s2] =	dma.local @!p0 [hbm:s0], s1  }
0x2ae: {  	s0 =	simm.s32 @!p0 $0x11  }
0x2af: {  	_ =	swait.ge @!p0 [sflag:s0], s1  }
0x2b0: {  	s1 =	ssub.s32 @!p0 $0x0, s1;
	[sflag:s0] =	ssyncset.done @!p0 $0x0  }
0x2b1: {  	[sflag:s0] =	ssyncadd.s32 @!p0 s1  }
0x2b2: {  	[bflag:$0x3] =	sbarrier.arrive $0xFFFF  }
0x2b3: {  	_ =	shalt  }

</sc_bundles>
